<compile_context>
chip_gen: v7x
topology: tpu7x:2x2x1
jax: 0.10.2.dev20260603
libtpu: 0.0.44.dev20260713+nightly
codegen_flags: <defaults>
</compile_context>

<pallas_src>
import jax
import jax.numpy as jnp
from jax import lax
from jax.experimental import pallas as pl
from jax.experimental.pallas import tpu as pltpu
from jax.experimental.pallas import tpu_sc as plsc

NUM_BLOCKS = 2048
BLOCK_SIZE = 16
NUM_HEADS = 8
HEAD_SIZE = 128
NUM_TOKENS = 16384

S = NUM_BLOCKS * BLOCK_SIZE
D = NUM_HEADS * HEAD_SIZE
NC = 2
NS = 16
L = 16
NW = NC * NS
SPW = S // NW
C = 16
TOK_BITS = 14
TOK_MASK = (1 << TOK_BITS) - 1
SENT = (1 << 31) - 1


NB = 6


def _pipelined_flow(nchunks, src_hbm, out_ref, list_g, list_s, gidx, sidx,
                    rows, gsems, ssems):

    @pl.loop(0, (nchunks + NB - 1) // NB)
    def _outer(jj):
        for b in range(NB):
            j = NB * jj + b

            @pl.when(j < nchunks)
            def _issue_gather():
                @pl.when(jj > 0)
                def _drain_prev_scatter():
                    pltpu.make_async_copy(
                        rows.at[b], out_ref.at[sidx.at[b]], ssems[b]).wait()
                for k in range(C // L):
                    gidx[b, pl.ds(k * L, L)] = list_g[pl.ds(j * C + k * L, L)]
                    sidx[b, pl.ds(k * L, L)] = list_s[pl.ds(j * C + k * L, L)]
                pltpu.async_copy(src_hbm.at[gidx.at[b]], rows.at[b], gsems[b])

        for b in range(NB):
            j = NB * jj + b

            @pl.when(j < nchunks)
            def _issue_scatter():
                pltpu.make_async_copy(
                    src_hbm.at[gidx.at[b]], rows.at[b], gsems[b]).wait()
                pltpu.async_copy(rows.at[b], out_ref.at[sidx.at[b]], ssems[b])

    for b in range(NB):
        @pl.when(b < nchunks)
        def _drain_final():
            pltpu.make_async_copy(
                rows.at[b], out_ref.at[sidx.at[b]], ssems[b]).wait()


def _body(tc_hbm, sm_hbm, kv_hbm, out_ref, sm_v, w_v, sortbuf, slots_v,
          toks_v, pres_v, gidx_v, sidx_v, rows_v,
          gsem0, gsem1, gsem2, gsem3, gsem4, gsem5, ssem0, ssem1, ssem2, ssem3, ssem4, ssem5):
    wid = lax.axis_index("c") * NS + lax.axis_index("s")
    base = wid * SPW
    iota = lax.iota(jnp.int32, L)

    pltpu.sync_copy(sm_hbm, sm_v)

    neg1 = jnp.full((L,), -1, jnp.int32)
    for i in range(SPW // L):
        w_v[pl.ds(i * L, L)] = neg1

    U = 4

    @pl.loop(0, NUM_TOKENS // L // U)
    def _scan(i4):
        for u in range(U):
            i = i4 * U + u
            s = sm_v[pl.ds(i * L, L)]
            local = s - base
            valid = (local >= 0) & (local < SPW)
            tok = i * L + iota
            key = jnp.where(valid, (local << TOK_BITS) | tok, SENT)
            sorted_k, _ = plsc.sort_key_val(key, key)
            sortbuf[u, :] = sorted_k
        for u in range(U):
            sk = sortbuf[u, :]
            nxt = plsc.load_gather(
                sortbuf, [jnp.full((L,), u, jnp.int32),
                          jnp.minimum(iota + 1, L - 1)])
            keep = (sk != SENT) & (
                ((sk >> TOK_BITS) != (nxt >> TOK_BITS)) | (iota == L - 1))
            plsc.store_scatter(w_v, [sk >> TOK_BITS], sk & TOK_MASK,
                               mask=keep)

    def _compact(i, carry):
        cnt, pcnt = carry
        w = w_v[pl.ds(i * L, L)]
        m = w >= 0
        mi = m.astype(jnp.int32)
        slotg = base + i * L + iota
        dest = cnt + plsc.cumsum(mi) - 1
        plsc.store_scatter(slots_v, [dest], slotg, mask=m)
        plsc.store_scatter(toks_v, [dest], w, mask=m)
        pi = 1 - mi
        pdest = pcnt + plsc.cumsum(pi) - 1
        plsc.store_scatter(pres_v, [pdest], slotg, mask=~m)
        return cnt + jnp.sum(mi, axis=0), pcnt + jnp.sum(pi, axis=0)

    cnt, pcnt = lax.fori_loop(
        0, SPW // L, _compact, (jnp.int32(0), jnp.int32(0)))

    lastv = jnp.full((L,), jnp.maximum(cnt - 1, 0), jnp.int32)
    pad_slot = plsc.load_gather(slots_v, [lastv])
    pad_tok = plsc.load_gather(toks_v, [lastv])
    plastv = jnp.full((L,), jnp.maximum(pcnt - 1, 0), jnp.int32)
    pad_pres = plsc.load_gather(pres_v, [plastv])
    for k in range(C // L):
        plsc.store_scatter(slots_v, [cnt + k * L + iota], pad_slot)
        plsc.store_scatter(toks_v, [cnt + k * L + iota], pad_tok)
        plsc.store_scatter(pres_v, [pcnt + k * L + iota], pad_pres)

    _pipelined_flow((cnt + C - 1) // C, tc_hbm, out_ref, toks_v, slots_v,
                    gidx_v, sidx_v, rows_v, (gsem0, gsem1, gsem2, gsem3, gsem4, gsem5),
                    (ssem0, ssem1, ssem2, ssem3, ssem4, ssem5))

    _pipelined_flow((pcnt + C - 1) // C, kv_hbm, out_ref, pres_v, pres_v,
                    gidx_v, sidx_v, rows_v, (gsem0, gsem1, gsem2, gsem3, gsem4, gsem5),
                    (ssem0, ssem1, ssem2, ssem3, ssem4, ssem5))


def kernel(to_cache, kv_cache, slot_mapping):
    kvf = kv_cache.reshape(S, NUM_HEADS, HEAD_SIZE)
    scatter = pl.kernel(
        _body,
        out_type=jax.ShapeDtypeStruct((S, NUM_HEADS, HEAD_SIZE), jnp.float32),
        mesh=plsc.VectorSubcoreMesh(
            core_axis_name="c", subcore_axis_name="s",
            num_cores=NC, num_subcores=NS),
        compiler_params=pltpu.CompilerParams(needs_layout_passes=False),
        scratch_types=[
            pltpu.VMEM((NUM_TOKENS,), jnp.int32),
            pltpu.VMEM((SPW,), jnp.int32),
            pltpu.VMEM((4, L), jnp.int32),
            pltpu.VMEM((SPW + C,), jnp.int32),
            pltpu.VMEM((SPW + C,), jnp.int32),
            pltpu.VMEM((SPW + C,), jnp.int32),
            pltpu.VMEM((NB, C), jnp.int32),
            pltpu.VMEM((NB, C), jnp.int32),
            pltpu.VMEM((NB, C, NUM_HEADS, HEAD_SIZE), jnp.float32),
            pltpu.SemaphoreType.DMA,
            pltpu.SemaphoreType.DMA,
            pltpu.SemaphoreType.DMA,
            pltpu.SemaphoreType.DMA,
            pltpu.SemaphoreType.DMA,
            pltpu.SemaphoreType.DMA,
            pltpu.SemaphoreType.DMA,
            pltpu.SemaphoreType.DMA,
            pltpu.SemaphoreType.DMA,
            pltpu.SemaphoreType.DMA,
            pltpu.SemaphoreType.DMA,
            pltpu.SemaphoreType.DMA,
        ],
    )
    out = scatter(to_cache, slot_mapping, kvf)
    return out.reshape(NUM_BLOCKS, BLOCK_SIZE, NUM_HEADS, HEAD_SIZE)

# --- scband reference (transcript-rebuilt; emitter-appended) ---
"""Pipeline reference for scband-cache-only-attention-layer-65360812310567 (READ-ONLY COPY).

The authoritative reference and input builder live on the scoring server;
editing this copy changes nothing except your own understanding.
"""

import jax, jax.numpy as jnp
import numpy as np

NUM_BLOCKS = 2048
BLOCK_SIZE = 16
NUM_HEADS = 8
HEAD_SIZE = 128
NUM_TOKENS = 16384


def setup_inputs(seed: int = 0) -> dict:
    key = jax.random.key(seed)
    k1, k2, k3 = jax.random.split(key, 3)
    to_cache = jax.random.normal(k1, (NUM_TOKENS, NUM_HEADS, HEAD_SIZE), dtype=jnp.float32)
    kv_cache = jax.random.normal(k2, (NUM_BLOCKS, BLOCK_SIZE, NUM_HEADS, HEAD_SIZE), dtype=jnp.float32)
    slot_mapping = jax.random.randint(k3, (NUM_TOKENS,), 0, NUM_BLOCKS * BLOCK_SIZE, dtype=jnp.int32)
    return {"to_cache": to_cache, "kv_cache": kv_cache, "slot_mapping": slot_mapping}


def reference(to_cache, kv_cache, slot_mapping):
    # basic_cache: view kv_cache as [num_blocks*block_size, num_heads, head_size]
    # and scatter-overwrite rows at slot_mapping with to_cache.
    num_blocks, block_size, num_heads, head_size = kv_cache.shape
    token_kv_cache = kv_cache.reshape(num_blocks * block_size, num_heads, head_size)
    token_kv_cache = token_kv_cache.at[slot_mapping].set(to_cache)
    new_kv_cache = token_kv_cache.reshape(num_blocks, block_size, num_heads, head_size)
    # The torch forward returns a dummy empty tensor; the meaningful effect is the
    # in-place cache update, which we return functionally here.
    return new_kv_cache

if __name__ == "__main__":
    import jax
    _d = setup_inputs()
    print(jax.jit(kernel)(*tuple(_d.values())))

</pallas_src>

<mosaic_0001>
#map = affine_map<(d0, d1) -> (0, 0, 0)>
#map1 = affine_map<(d0, d1) -> (0)>
module attributes {stable_mosaic.version = 14 : i64} {
  func.func @_body(%arg0: i32, %arg1: i32, %arg2: memref<16384x8x128xf32, #tpu.memory_space<hbm>>, %arg3: memref<16384xi32, #tpu.memory_space<hbm>>, %arg4: memref<32768x8x128xf32, #tpu.memory_space<hbm>>, %arg5: memref<32768x8x128xf32, #tpu.memory_space<hbm>>, %arg6: memref<16384xi32, #tpu.memory_space<vmem>>, %arg7: memref<1024xi32, #tpu.memory_space<vmem>>, %arg8: memref<4x16xi32, #tpu.memory_space<vmem>>, %arg9: memref<1040xi32, #tpu.memory_space<vmem>>, %arg10: memref<1040xi32, #tpu.memory_space<vmem>>, %arg11: memref<1040xi32, #tpu.memory_space<vmem>>, %arg12: memref<6x16xi32, #tpu.memory_space<vmem>>, %arg13: memref<6x16xi32, #tpu.memory_space<vmem>>, %arg14: memref<6x16x8x128xf32, #tpu.memory_space<vmem>>, %arg15: memref<!tpu.dma_semaphore, #tpu.memory_space<semaphore_mem>>, %arg16: memref<!tpu.dma_semaphore, #tpu.memory_space<semaphore_mem>>, %arg17: memref<!tpu.dma_semaphore, #tpu.memory_space<semaphore_mem>>, %arg18: memref<!tpu.dma_semaphore, #tpu.memory_space<semaphore_mem>>, %arg19: memref<!tpu.dma_semaphore, #tpu.memory_space<semaphore_mem>>, %arg20: memref<!tpu.dma_semaphore, #tpu.memory_space<semaphore_mem>>, %arg21: memref<!tpu.dma_semaphore, #tpu.memory_space<semaphore_mem>>, %arg22: memref<!tpu.dma_semaphore, #tpu.memory_space<semaphore_mem>>, %arg23: memref<!tpu.dma_semaphore, #tpu.memory_space<semaphore_mem>>, %arg24: memref<!tpu.dma_semaphore, #tpu.memory_space<semaphore_mem>>, %arg25: memref<!tpu.dma_semaphore, #tpu.memory_space<semaphore_mem>>, %arg26: memref<!tpu.dma_semaphore, #tpu.memory_space<semaphore_mem>>) attributes {dimension_semantics = [#tpu.dimension_semantics<core_parallel>, #tpu.dimension_semantics<subcore_parallel>], iteration_bounds = array<i64: 2, 16>, scalar_prefetch = 0 : i64, scratch_operands = 21 : i64, tpu.core_type = #tpu.core_type<sc_vector_subcore>, window_params = [{transform_indices = #map}, {transform_indices = #map1}, {transform_indices = #map}, {transform_indices = #map}]} {
    %mul3A = arith.constant 16 : i32
    %mul3A_0 = arith.muli %arg0, %mul3A : i32
    %add3A = arith.addi %mul3A_0, %arg1 : i32
    %mul3A_1 = arith.constant 1024 : i32
    %mul3A_2 = arith.muli %add3A, %mul3A_1 : i32
    %iota3A = tpu.iota {dimensions = array<i32: 0>} : vector<16xi32>
    "tpu.region"() ({
      %run_scoped3A = tpu.sem_alloc : memref<!tpu.dma_semaphore, #tpu.memory_space<semaphore_mem>>
      tpu.enqueue_dma source(%arg3 : memref<16384xi32, #tpu.memory_space<hbm>>) target(%arg6 : memref<16384xi32, #tpu.memory_space<vmem>>) target_semaphore(%run_scoped3A : memref<!tpu.dma_semaphore, #tpu.memory_space<semaphore_mem>>)
      tpu.wait_dma2 semaphore(%run_scoped3A : memref<!tpu.dma_semaphore, #tpu.memory_space<semaphore_mem>>) src(%arg3 : memref<16384xi32, #tpu.memory_space<hbm>>) dst(%arg6 : memref<16384xi32, #tpu.memory_space<vmem>>)
      tpu.yield
    }) : () -> ()
    %broadcast_in_dim3A = arith.constant -1 : i32
    %broadcast_in_dim3A_3 = vector.broadcast %broadcast_in_dim3A : i32 to vector<16xi32>
    %swap3A = arith.constant 0 : index
    %swap3A_4 = tpu.vector_load %arg7[%swap3A] {strides = array<i32>} : memref<1024xi32, #tpu.memory_space<vmem>>, vector<16xi32>,
    tpu.vector_store %arg7[%swap3A], %broadcast_in_dim3A_3 {strides = array<i32>} : memref<1024xi32, #tpu.memory_space<vmem>>, vector<16xi32>,
    %swap3A_5 = arith.constant 16 : index
    %swap3A_6 = tpu.vector_load %arg7[%swap3A_5] {strides = array<i32>} : memref<1024xi32, #tpu.memory_space<vmem>>, vector<16xi32>,
    tpu.vector_store %arg7[%swap3A_5], %broadcast_in_dim3A_3 {strides = array<i32>} : memref<1024xi32, #tpu.memory_space<vmem>>, vector<16xi32>,
    %swap3A_7 = arith.constant 32 : index
    %swap3A_8 = tpu.vector_load %arg7[%swap3A_7] {strides = array<i32>} : memref<1024xi32, #tpu.memory_space<vmem>>, vector<16xi32>,
    tpu.vector_store %arg7[%swap3A_7], %broadcast_in_dim3A_3 {strides = array<i32>} : memref<1024xi32, #tpu.memory_space<vmem>>, vector<16xi32>,
    %swap3A_9 = arith.constant 48 : index
    %swap3A_10 = tpu.vector_load %arg7[%swap3A_9] {strides = array<i32>} : memref<1024xi32, #tpu.memory_space<vmem>>, vector<16xi32>,
    tpu.vector_store %arg7[%swap3A_9], %broadcast_in_dim3A_3 {strides = array<i32>} : memref<1024xi32, #tpu.memory_space<vmem>>, vector<16xi32>,
    %swap3A_11 = arith.constant 64 : index
    %swap3A_12 = tpu.vector_load %arg7[%swap3A_11] {strides = array<i32>} : memref<1024xi32, #tpu.memory_space<vmem>>, vector<16xi32>,
    tpu.vector_store %arg7[%swap3A_11], %broadcast_in_dim3A_3 {strides = array<i32>} : memref<1024xi32, #tpu.memory_space<vmem>>, vector<16xi32>,
    %swap3A_13 = arith.constant 80 : index
    %swap3A_14 = tpu.vector_load %arg7[%swap3A_13] {strides = array<i32>} : memref<1024xi32, #tpu.memory_space<vmem>>, vector<16xi32>,
    tpu.vector_store %arg7[%swap3A_13], %broadcast_in_dim3A_3 {strides = array<i32>} : memref<1024xi32, #tpu.memory_space<vmem>>, vector<16xi32>,
    %swap3A_15 = arith.constant 96 : index
    %swap3A_16 = tpu.vector_load %arg7[%swap3A_15] {strides = array<i32>} : memref<1024xi32, #tpu.memory_space<vmem>>, vector<16xi32>,
    tpu.vector_store %arg7[%swap3A_15], %broadcast_in_dim3A_3 {strides = array<i32>} : memref<1024xi32, #tpu.memory_space<vmem>>, vector<16xi32>,
    %swap3A_17 = arith.constant 112 : index
    %swap3A_18 = tpu.vector_load %arg7[%swap3A_17] {strides = array<i32>} : memref<1024xi32, #tpu.memory_space<vmem>>, vector<16xi32>,
    tpu.vector_store %arg7[%swap3A_17], %broadcast_in_dim3A_3 {strides = array<i32>} : memref<1024xi32, #tpu.memory_space<vmem>>, vector<16xi32>,
    %swap3A_19 = arith.constant 128 : index
    %swap3A_20 = tpu.vector_load %arg7[%swap3A_19] {strides = array<i32>} : memref<1024xi32, #tpu.memory_space<vmem>>, vector<16xi32>,
    tpu.vector_store %arg7[%swap3A_19], %broadcast_in_dim3A_3 {strides = array<i32>} : memref<1024xi32, #tpu.memory_space<vmem>>, vector<16xi32>,
    %swap3A_21 = arith.constant 144 : index
    %swap3A_22 = tpu.vector_load %arg7[%swap3A_21] {strides = array<i32>} : memref<1024xi32, #tpu.memory_space<vmem>>, vector<16xi32>,
    tpu.vector_store %arg7[%swap3A_21], %broadcast_in_dim3A_3 {strides = array<i32>} : memref<1024xi32, #tpu.memory_space<vmem>>, vector<16xi32>,
    %swap3A_23 = arith.constant 160 : index
    %swap3A_24 = tpu.vector_load %arg7[%swap3A_23] {strides = array<i32>} : memref<1024xi32, #tpu.memory_space<vmem>>, vector<16xi32>,
    tpu.vector_store %arg7[%swap3A_23], %broadcast_in_dim3A_3 {strides = array<i32>} : memref<1024xi32, #tpu.memory_space<vmem>>, vector<16xi32>,
    %swap3A_25 = arith.constant 176 : index
    %swap3A_26 = tpu.vector_load %arg7[%swap3A_25] {strides = array<i32>} : memref<1024xi32, #tpu.memory_space<vmem>>, vector<16xi32>,
    tpu.vector_store %arg7[%swap3A_25], %broadcast_in_dim3A_3 {strides = array<i32>} : memref<1024xi32, #tpu.memory_space<vmem>>, vector<16xi32>,
    %swap3A_27 = arith.constant 192 : index
    %swap3A_28 = tpu.vector_load %arg7[%swap3A_27] {strides = array<i32>} : memref<1024xi32, #tpu.memory_space<vmem>>, vector<16xi32>,
    tpu.vector_store %arg7[%swap3A_27], %broadcast_in_dim3A_3 {strides = array<i32>} : memref<1024xi32, #tpu.memory_space<vmem>>, vector<16xi32>,
    %swap3A_29 = arith.constant 208 : index
    %swap3A_30 = tpu.vector_load %arg7[%swap3A_29] {strides = array<i32>} : memref<1024xi32, #tpu.memory_space<vmem>>, vector<16xi32>,
    tpu.vector_store %arg7[%swap3A_29], %broadcast_in_dim3A_3 {strides = array<i32>} : memref<1024xi32, #tpu.memory_space<vmem>>, vector<16xi32>,
    %swap3A_31 = arith.constant 224 : index
    %swap3A_32 = tpu.vector_load %arg7[%swap3A_31] {strides = array<i32>} : memref<1024xi32, #tpu.memory_space<vmem>>, vector<16xi32>,
    tpu.vector_store %arg7[%swap3A_31], %broadcast_in_dim3A_3 {strides = array<i32>} : memref<1024xi32, #tpu.memory_space<vmem>>, vector<16xi32>,
    %swap3A_33 = arith.constant 240 : index
    %swap3A_34 = tpu.vector_load %arg7[%swap3A_33] {strides = array<i32>} : memref<1024xi32, #tpu.memory_space<vmem>>, vector<16xi32>,
    tpu.vector_store %arg7[%swap3A_33], %broadcast_in_dim3A_3 {strides = array<i32>} : memref<1024xi32, #tpu.memory_space<vmem>>, vector<16xi32>,
    %swap3A_35 = arith.constant 256 : index
    %swap3A_36 = tpu.vector_load %arg7[%swap3A_35] {strides = array<i32>} : memref<1024xi32, #tpu.memory_space<vmem>>, vector<16xi32>,
    tpu.vector_store %arg7[%swap3A_35], %broadcast_in_dim3A_3 {strides = array<i32>} : memref<1024xi32, #tpu.memory_space<vmem>>, vector<16xi32>,
    %swap3A_37 = arith.constant 272 : index
    %swap3A_38 = tpu.vector_load %arg7[%swap3A_37] {strides = array<i32>} : memref<1024xi32, #tpu.memory_space<vmem>>, vector<16xi32>,
    tpu.vector_store %arg7[%swap3A_37], %broadcast_in_dim3A_3 {strides = array<i32>} : memref<1024xi32, #tpu.memory_space<vmem>>, vector<16xi32>,
    %swap3A_39 = arith.constant 288 : index
    %swap3A_40 = tpu.vector_load %arg7[%swap3A_39] {strides = array<i32>} : memref<1024xi32, #tpu.memory_space<vmem>>, vector<16xi32>,
    tpu.vector_store %arg7[%swap3A_39], %broadcast_in_dim3A_3 {strides = array<i32>} : memref<1024xi32, #tpu.memory_space<vmem>>, vector<16xi32>,
    %swap3A_41 = arith.constant 304 : index
    %swap3A_42 = tpu.vector_load %arg7[%swap3A_41] {strides = array<i32>} : memref<1024xi32, #tpu.memory_space<vmem>>, vector<16xi32>,
    tpu.vector_store %arg7[%swap3A_41], %broadcast_in_dim3A_3 {strides = array<i32>} : memref<1024xi32, #tpu.memory_space<vmem>>, vector<16xi32>,
    %swap3A_43 = arith.constant 320 : index
    %swap3A_44 = tpu.vector_load %arg7[%swap3A_43] {strides = array<i32>} : memref<1024xi32, #tpu.memory_space<vmem>>, vector<16xi32>,
    tpu.vector_store %arg7[%swap3A_43], %broadcast_in_dim3A_3 {strides = array<i32>} : memref<1024xi32, #tpu.memory_space<vmem>>, vector<16xi32>,
    %swap3A_45 = arith.constant 336 : index
    %swap3A_46 = tpu.vector_load %arg7[%swap3A_45] {strides = array<i32>} : memref<1024xi32, #tpu.memory_space<vmem>>, vector<16xi32>,
    tpu.vector_store %arg7[%swap3A_45], %broadcast_in_dim3A_3 {strides = array<i32>} : memref<1024xi32, #tpu.memory_space<vmem>>, vector<16xi32>,
    %swap3A_47 = arith.constant 352 : index
    %swap3A_48 = tpu.vector_load %arg7[%swap3A_47] {strides = array<i32>} : memref<1024xi32, #tpu.memory_space<vmem>>, vector<16xi32>,
    tpu.vector_store %arg7[%swap3A_47], %broadcast_in_dim3A_3 {strides = array<i32>} : memref<1024xi32, #tpu.memory_space<vmem>>, vector<16xi32>,
    %swap3A_49 = arith.constant 368 : index
    %swap3A_50 = tpu.vector_load %arg7[%swap3A_49] {strides = array<i32>} : memref<1024xi32, #tpu.memory_space<vmem>>, vector<16xi32>,
    tpu.vector_store %arg7[%swap3A_49], %broadcast_in_dim3A_3 {strides = array<i32>} : memref<1024xi32, #tpu.memory_space<vmem>>, vector<16xi32>,
    %swap3A_51 = arith.constant 384 : index
    %swap3A_52 = tpu.vector_load %arg7[%swap3A_51] {strides = array<i32>} : memref<1024xi32, #tpu.memory_space<vmem>>, vector<16xi32>,
    tpu.vector_store %arg7[%swap3A_51], %broadcast_in_dim3A_3 {strides = array<i32>} : memref<1024xi32, #tpu.memory_space<vmem>>, vector<16xi32>,
    %swap3A_53 = arith.constant 400 : index
    %swap3A_54 = tpu.vector_load %arg7[%swap3A_53] {strides = array<i32>} : memref<1024xi32, #tpu.memory_space<vmem>>, vector<16xi32>,
    tpu.vector_store %arg7[%swap3A_53], %broadcast_in_dim3A_3 {strides = array<i32>} : memref<1024xi32, #tpu.memory_space<vmem>>, vector<16xi32>,
    %swap3A_55 = arith.constant 416 : index
    %swap3A_56 = tpu.vector_load %arg7[%swap3A_55] {strides = array<i32>} : memref<1024xi32, #tpu.memory_space<vmem>>, vector<16xi32>,
    tpu.vector_store %arg7[%swap3A_55], %broadcast_in_dim3A_3 {strides = array<i32>} : memref<1024xi32, #tpu.memory_space<vmem>>, vector<16xi32>,
    %swap3A_57 = arith.constant 432 : index
    %swap3A_58 = tpu.vector_load %arg7[%swap3A_57] {strides = array<i32>} : memref<1024xi32, #tpu.memory_space<vmem>>, vector<16xi32>,
    tpu.vector_store %arg7[%swap3A_57], %broadcast_in_dim3A_3 {strides = array<i32>} : memref<1024xi32, #tpu.memory_space<vmem>>, vector<16xi32>,
    %swap3A_59 = arith.constant 448 : index
    %swap3A_60 = tpu.vector_load %arg7[%swap3A_59] {strides = array<i32>} : memref<1024xi32, #tpu.memory_space<vmem>>, vector<16xi32>,
    tpu.vector_store %arg7[%swap3A_59], %broadcast_in_dim3A_3 {strides = array<i32>} : memref<1024xi32, #tpu.memory_space<vmem>>, vector<16xi32>,
    %swap3A_61 = arith.constant 464 : index
    %swap3A_62 = tpu.vector_load %arg7[%swap3A_61] {strides = array<i32>} : memref<1024xi32, #tpu.memory_space<vmem>>, vector<16xi32>,
    tpu.vector_store %arg7[%swap3A_61], %broadcast_in_dim3A_3 {strides = array<i32>} : memref<1024xi32, #tpu.memory_space<vmem>>, vector<16xi32>,
    %swap3A_63 = arith.constant 480 : index
    %swap3A_64 = tpu.vector_load %arg7[%swap3A_63] {strides = array<i32>} : memref<1024xi32, #tpu.memory_space<vmem>>, vector<16xi32>,
    tpu.vector_store %arg7[%swap3A_63], %broadcast_in_dim3A_3 {strides = array<i32>} : memref<1024xi32, #tpu.memory_space<vmem>>, vector<16xi32>,
    %swap3A_65 = arith.constant 496 : index
    %swap3A_66 = tpu.vector_load %arg7[%swap3A_65] {strides = array<i32>} : memref<1024xi32, #tpu.memory_space<vmem>>, vector<16xi32>,
    tpu.vector_store %arg7[%swap3A_65], %broadcast_in_dim3A_3 {strides = array<i32>} : memref<1024xi32, #tpu.memory_space<vmem>>, vector<16xi32>,
    %swap3A_67 = arith.constant 512 : index
    %swap3A_68 = tpu.vector_load %arg7[%swap3A_67] {strides = array<i32>} : memref<1024xi32, #tpu.memory_space<vmem>>, vector<16xi32>,
    tpu.vector_store %arg7[%swap3A_67], %broadcast_in_dim3A_3 {strides = array<i32>} : memref<1024xi32, #tpu.memory_space<vmem>>, vector<16xi32>,
    %swap3A_69 = arith.constant 528 : index
    %swap3A_70 = tpu.vector_load %arg7[%swap3A_69] {strides = array<i32>} : memref<1024xi32, #tpu.memory_space<vmem>>, vector<16xi32>,
    tpu.vector_store %arg7[%swap3A_69], %broadcast_in_dim3A_3 {strides = array<i32>} : memref<1024xi32, #tpu.memory_space<vmem>>, vector<16xi32>,
    %swap3A_71 = arith.constant 544 : index
    %swap3A_72 = tpu.vector_load %arg7[%swap3A_71] {strides = array<i32>} : memref<1024xi32, #tpu.memory_space<vmem>>, vector<16xi32>,
    tpu.vector_store %arg7[%swap3A_71], %broadcast_in_dim3A_3 {strides = array<i32>} : memref<1024xi32, #tpu.memory_space<vmem>>, vector<16xi32>,
    %swap3A_73 = arith.constant 560 : index
    %swap3A_74 = tpu.vector_load %arg7[%swap3A_73] {strides = array<i32>} : memref<1024xi32, #tpu.memory_space<vmem>>, vector<16xi32>,
    tpu.vector_store %arg7[%swap3A_73], %broadcast_in_dim3A_3 {strides = array<i32>} : memref<1024xi32, #tpu.memory_space<vmem>>, vector<16xi32>,
    %swap3A_75 = arith.constant 576 : index
    %swap3A_76 = tpu.vector_load %arg7[%swap3A_75] {strides = array<i32>} : memref<1024xi32, #tpu.memory_space<vmem>>, vector<16xi32>,
    tpu.vector_store %arg7[%swap3A_75], %broadcast_in_dim3A_3 {strides = array<i32>} : memref<1024xi32, #tpu.memory_space<vmem>>, vector<16xi32>,
    %swap3A_77 = arith.constant 592 : index
    %swap3A_78 = tpu.vector_load %arg7[%swap3A_77] {strides = array<i32>} : memref<1024xi32, #tpu.memory_space<vmem>>, vector<16xi32>,
    tpu.vector_store %arg7[%swap3A_77], %broadcast_in_dim3A_3 {strides = array<i32>} : memref<1024xi32, #tpu.memory_space<vmem>>, vector<16xi32>,
    %swap3A_79 = arith.constant 608 : index
    %swap3A_80 = tpu.vector_load %arg7[%swap3A_79] {strides = array<i32>} : memref<1024xi32, #tpu.memory_space<vmem>>, vector<16xi32>,
    tpu.vector_store %arg7[%swap3A_79], %broadcast_in_dim3A_3 {strides = array<i32>} : memref<1024xi32, #tpu.memory_space<vmem>>, vector<16xi32>,
    %swap3A_81 = arith.constant 624 : index
    %swap3A_82 = tpu.vector_load %arg7[%swap3A_81] {strides = array<i32>} : memref<1024xi32, #tpu.memory_space<vmem>>, vector<16xi32>,
    tpu.vector_store %arg7[%swap3A_81], %broadcast_in_dim3A_3 {strides = array<i32>} : memref<1024xi32, #tpu.memory_space<vmem>>, vector<16xi32>,
    %swap3A_83 = arith.constant 640 : index
    %swap3A_84 = tpu.vector_load %arg7[%swap3A_83] {strides = array<i32>} : memref<1024xi32, #tpu.memory_space<vmem>>, vector<16xi32>,
    tpu.vector_store %arg7[%swap3A_83], %broadcast_in_dim3A_3 {strides = array<i32>} : memref<1024xi32, #tpu.memory_space<vmem>>, vector<16xi32>,
    %swap3A_85 = arith.constant 656 : index
    %swap3A_86 = tpu.vector_load %arg7[%swap3A_85] {strides = array<i32>} : memref<1024xi32, #tpu.memory_space<vmem>>, vector<16xi32>,
    tpu.vector_store %arg7[%swap3A_85], %broadcast_in_dim3A_3 {strides = array<i32>} : memref<1024xi32, #tpu.memory_space<vmem>>, vector<16xi32>,
    %swap3A_87 = arith.constant 672 : index
    %swap3A_88 = tpu.vector_load %arg7[%swap3A_87] {strides = array<i32>} : memref<1024xi32, #tpu.memory_space<vmem>>, vector<16xi32>,
    tpu.vector_store %arg7[%swap3A_87], %broadcast_in_dim3A_3 {strides = array<i32>} : memref<1024xi32, #tpu.memory_space<vmem>>, vector<16xi32>,
    %swap3A_89 = arith.constant 688 : index
    %swap3A_90 = tpu.vector_load %arg7[%swap3A_89] {strides = array<i32>} : memref<1024xi32, #tpu.memory_space<vmem>>, vector<16xi32>,
    tpu.vector_store %arg7[%swap3A_89], %broadcast_in_dim3A_3 {strides = array<i32>} : memref<1024xi32, #tpu.memory_space<vmem>>, vector<16xi32>,
    %swap3A_91 = arith.constant 704 : index
    %swap3A_92 = tpu.vector_load %arg7[%swap3A_91] {strides = array<i32>} : memref<1024xi32, #tpu.memory_space<vmem>>, vector<16xi32>,
    tpu.vector_store %arg7[%swap3A_91], %broadcast_in_dim3A_3 {strides = array<i32>} : memref<1024xi32, #tpu.memory_space<vmem>>, vector<16xi32>,
    %swap3A_93 = arith.constant 720 : index
    %swap3A_94 = tpu.vector_load %arg7[%swap3A_93] {strides = array<i32>} : memref<1024xi32, #tpu.memory_space<vmem>>, vector<16xi32>,
    tpu.vector_store %arg7[%swap3A_93], %broadcast_in_dim3A_3 {strides = array<i32>} : memref<1024xi32, #tpu.memory_space<vmem>>, vector<16xi32>,
    %swap3A_95 = arith.constant 736 : index
    %swap3A_96 = tpu.vector_load %arg7[%swap3A_95] {strides = array<i32>} : memref<1024xi32, #tpu.memory_space<vmem>>, vector<16xi32>,
    tpu.vector_store %arg7[%swap3A_95], %broadcast_in_dim3A_3 {strides = array<i32>} : memref<1024xi32, #tpu.memory_space<vmem>>, vector<16xi32>,
    %swap3A_97 = arith.constant 752 : index
    %swap3A_98 = tpu.vector_load %arg7[%swap3A_97] {strides = array<i32>} : memref<1024xi32, #tpu.memory_space<vmem>>, vector<16xi32>,
    tpu.vector_store %arg7[%swap3A_97], %broadcast_in_dim3A_3 {strides = array<i32>} : memref<1024xi32, #tpu.memory_space<vmem>>, vector<16xi32>,
    %swap3A_99 = arith.constant 768 : index
    %swap3A_100 = tpu.vector_load %arg7[%swap3A_99] {strides = array<i32>} : memref<1024xi32, #tpu.memory_space<vmem>>, vector<16xi32>,
    tpu.vector_store %arg7[%swap3A_99], %broadcast_in_dim3A_3 {strides = array<i32>} : memref<1024xi32, #tpu.memory_space<vmem>>, vector<16xi32>,
    %swap3A_101 = arith.constant 784 : index
    %swap3A_102 = tpu.vector_load %arg7[%swap3A_101] {strides = array<i32>} : memref<1024xi32, #tpu.memory_space<vmem>>, vector<16xi32>,
    tpu.vector_store %arg7[%swap3A_101], %broadcast_in_dim3A_3 {strides = array<i32>} : memref<1024xi32, #tpu.memory_space<vmem>>, vector<16xi32>,
    %swap3A_103 = arith.constant 800 : index
    %swap3A_104 = tpu.vector_load %arg7[%swap3A_103] {strides = array<i32>} : memref<1024xi32, #tpu.memory_space<vmem>>, vector<16xi32>,
    tpu.vector_store %arg7[%swap3A_103], %broadcast_in_dim3A_3 {strides = array<i32>} : memref<1024xi32, #tpu.memory_space<vmem>>, vector<16xi32>,
    %swap3A_105 = arith.constant 816 : index
    %swap3A_106 = tpu.vector_load %arg7[%swap3A_105] {strides = array<i32>} : memref<1024xi32, #tpu.memory_space<vmem>>, vector<16xi32>,
    tpu.vector_store %arg7[%swap3A_105], %broadcast_in_dim3A_3 {strides = array<i32>} : memref<1024xi32, #tpu.memory_space<vmem>>, vector<16xi32>,
    %swap3A_107 = arith.constant 832 : index
    %swap3A_108 = tpu.vector_load %arg7[%swap3A_107] {strides = array<i32>} : memref<1024xi32, #tpu.memory_space<vmem>>, vector<16xi32>,
    tpu.vector_store %arg7[%swap3A_107], %broadcast_in_dim3A_3 {strides = array<i32>} : memref<1024xi32, #tpu.memory_space<vmem>>, vector<16xi32>,
    %swap3A_109 = arith.constant 848 : index
    %swap3A_110 = tpu.vector_load %arg7[%swap3A_109] {strides = array<i32>} : memref<1024xi32, #tpu.memory_space<vmem>>, vector<16xi32>,
    tpu.vector_store %arg7[%swap3A_109], %broadcast_in_dim3A_3 {strides = array<i32>} : memref<1024xi32, #tpu.memory_space<vmem>>, vector<16xi32>,
    %swap3A_111 = arith.constant 864 : index
    %swap3A_112 = tpu.vector_load %arg7[%swap3A_111] {strides = array<i32>} : memref<1024xi32, #tpu.memory_space<vmem>>, vector<16xi32>,
    tpu.vector_store %arg7[%swap3A_111], %broadcast_in_dim3A_3 {strides = array<i32>} : memref<1024xi32, #tpu.memory_space<vmem>>, vector<16xi32>,
    %swap3A_113 = arith.constant 880 : index
    %swap3A_114 = tpu.vector_load %arg7[%swap3A_113] {strides = array<i32>} : memref<1024xi32, #tpu.memory_space<vmem>>, vector<16xi32>,
    tpu.vector_store %arg7[%swap3A_113], %broadcast_in_dim3A_3 {strides = array<i32>} : memref<1024xi32, #tpu.memory_space<vmem>>, vector<16xi32>,
    %swap3A_115 = arith.constant 896 : index
    %swap3A_116 = tpu.vector_load %arg7[%swap3A_115] {strides = array<i32>} : memref<1024xi32, #tpu.memory_space<vmem>>, vector<16xi32>,
    tpu.vector_store %arg7[%swap3A_115], %broadcast_in_dim3A_3 {strides = array<i32>} : memref<1024xi32, #tpu.memory_space<vmem>>, vector<16xi32>,
    %swap3A_117 = arith.constant 912 : index
    %swap3A_118 = tpu.vector_load %arg7[%swap3A_117] {strides = array<i32>} : memref<1024xi32, #tpu.memory_space<vmem>>, vector<16xi32>,
    tpu.vector_store %arg7[%swap3A_117], %broadcast_in_dim3A_3 {strides = array<i32>} : memref<1024xi32, #tpu.memory_space<vmem>>, vector<16xi32>,
    %swap3A_119 = arith.constant 928 : index
    %swap3A_120 = tpu.vector_load %arg7[%swap3A_119] {strides = array<i32>} : memref<1024xi32, #tpu.memory_space<vmem>>, vector<16xi32>,
    tpu.vector_store %arg7[%swap3A_119], %broadcast_in_dim3A_3 {strides = array<i32>} : memref<1024xi32, #tpu.memory_space<vmem>>, vector<16xi32>,
    %swap3A_121 = arith.constant 944 : index
    %swap3A_122 = tpu.vector_load %arg7[%swap3A_121] {strides = array<i32>} : memref<1024xi32, #tpu.memory_space<vmem>>, vector<16xi32>,
    tpu.vector_store %arg7[%swap3A_121], %broadcast_in_dim3A_3 {strides = array<i32>} : memref<1024xi32, #tpu.memory_space<vmem>>, vector<16xi32>,
    %swap3A_123 = arith.constant 960 : index
    %swap3A_124 = tpu.vector_load %arg7[%swap3A_123] {strides = array<i32>} : memref<1024xi32, #tpu.memory_space<vmem>>, vector<16xi32>,
    tpu.vector_store %arg7[%swap3A_123], %broadcast_in_dim3A_3 {strides = array<i32>} : memref<1024xi32, #tpu.memory_space<vmem>>, vector<16xi32>,
    %swap3A_125 = arith.constant 976 : index
    %swap3A_126 = tpu.vector_load %arg7[%swap3A_125] {strides = array<i32>} : memref<1024xi32, #tpu.memory_space<vmem>>, vector<16xi32>,
    tpu.vector_store %arg7[%swap3A_125], %broadcast_in_dim3A_3 {strides = array<i32>} : memref<1024xi32, #tpu.memory_space<vmem>>, vector<16xi32>,
    %swap3A_127 = arith.constant 992 : index
    %swap3A_128 = tpu.vector_load %arg7[%swap3A_127] {strides = array<i32>} : memref<1024xi32, #tpu.memory_space<vmem>>, vector<16xi32>,
    tpu.vector_store %arg7[%swap3A_127], %broadcast_in_dim3A_3 {strides = array<i32>} : memref<1024xi32, #tpu.memory_space<vmem>>, vector<16xi32>,
    %swap3A_129 = arith.constant 1008 : index
    %swap3A_130 = tpu.vector_load %arg7[%swap3A_129] {strides = array<i32>} : memref<1024xi32, #tpu.memory_space<vmem>>, vector<16xi32>,
    tpu.vector_store %arg7[%swap3A_129], %broadcast_in_dim3A_3 {strides = array<i32>} : memref<1024xi32, #tpu.memory_space<vmem>>, vector<16xi32>,
    %scan3A = arith.constant 0 : i32
    %scan3A_131 = arith.constant 256 : i32
    %scan3A_132 = arith.addi %scan3A, %scan3A_131 : i32
    %scan3A_133 = arith.constant 1 : i32
    scf.for %scan3A_364 = %scan3A to %scan3A_132 step %scan3A_133  : i32 {
      %mul3A_365 = arith.constant 1 : i32
      %mul3A_366 = arith.muli %scan3A_364, %mul3A_365 : i32
      %add3A_367 = arith.constant 0 : i32
      %add3A_368 = arith.addi %add3A_367, %mul3A_366 : i32
      %mul3A_369 = arith.constant 4 : i32
      %mul3A_370 = arith.muli %add3A_368, %mul3A_369 : i32
      %add3A_371 = arith.constant 0 : i32
      %add3A_372 = arith.addi %mul3A_370, %add3A_371 : i32
      %mul3A_373 = arith.constant 16 : i32
      %mul3A_374 = arith.muli %add3A_372, %mul3A_373 : i32
      %get3A = arith.index_cast %mul3A_374 : i32 to index
      %get3A_375 = tpu.vector_load %arg6[%get3A] {strides = array<i32>} : memref<16384xi32, #tpu.memory_space<vmem>>, vector<16xi32>,
      %sub3A_376 = vector.broadcast %mul3A_2 : i32 to vector<16xi32>
      %sub3A_377 = arith.subi %get3A_375, %sub3A_376 : vector<16xi32>
      %ge3A = arith.constant 0 : i32
      %ge3A_378 = vector.broadcast %ge3A : i32 to vector<16xi32>
      %ge3A_379 = arith.cmpi sge, %sub3A_377, %ge3A_378 : vector<16xi32>
      %lt3A = arith.constant 1024 : i32
      %lt3A_380 = vector.broadcast %lt3A : i32 to vector<16xi32>
      %lt3A_381 = arith.cmpi slt, %sub3A_377, %lt3A_380 : vector<16xi32>
      %and3A_382 = arith.andi %ge3A_379, %lt3A_381 : vector<16xi1>
      %mul3A_383 = arith.constant 16 : i32
      %mul3A_384 = arith.muli %add3A_372, %mul3A_383 : i32
      %add3A_385 = vector.broadcast %mul3A_384 : i32 to vector<16xi32>
      %add3A_386 = arith.addi %add3A_385, %iota3A : vector<16xi32>
      %shift_left3A = arith.constant 14 : i32
      %shift_left3A_387 = vector.broadcast %shift_left3A : i32 to vector<16xi32>
      %shift_left3A_388 = arith.shli %sub3A_377, %shift_left3A_387 : vector<16xi32>
      %or3A = arith.ori %shift_left3A_388, %add3A_386 : vector<16xi32>
      %jit3A_389 = arith.constant 2147483647 : i32
      %broadcast_in_dim3A_390 = vector.broadcast %jit3A_389 : i32 to vector<16xi32>
      %select_n3A_391 = arith.select %and3A_382, %or3A, %broadcast_in_dim3A_390 : vector<16xi1>, vector<16xi32>
      %masked_sort3A = arith.constant dense<true> : vector<16xi1>
      %masked_sort3A_392 = arith.constant -2147483648 : i32
      %masked_sort3A_393 = vector.broadcast %masked_sort3A_392 : i32 to vector<16xi32>
      %masked_sort3A_394 = arith.xori %select_n3A_391, %masked_sort3A_393 : vector<16xi32>
      %masked_sort3A_395, %masked_sort3A_396, %masked_sort3A_397 = tpu.sort %masked_sort3A_394, %select_n3A_391 masked %masked_sort3A : (vector<16xi32>, vector<16xi32>, vector<16xi1>) -> (vector<16xi1>, vector<16xi32>, vector<16xi32>)
      %masked_sort3A_398 = arith.xori %masked_sort3A_396, %masked_sort3A_393 : vector<16xi32>
      %swap3A_399 = arith.constant 0 : i32
      %swap3A_400 = arith.index_cast %swap3A_399 : i32 to index
      %swap3A_401 = arith.constant 0 : index
      %swap3A_402 = tpu.vector_load %arg8[%swap3A_400, %swap3A_401] {strides = array<i32>} : memref<4x16xi32, #tpu.memory_space<vmem>>, vector<16xi32>,
      tpu.vector_store %arg8[%swap3A_400, %swap3A_401], %masked_sort3A_398 {strides = array<i32>} : memref<4x16xi32, #tpu.memory_space<vmem>>, vector<16xi32>,
      %mul3A_403 = arith.constant 4 : i32
      %mul3A_404 = arith.muli %add3A_368, %mul3A_403 : i32
      %add3A_405 = arith.constant 1 : i32
      %add3A_406 = arith.addi %mul3A_404, %add3A_405 : i32
      %mul3A_407 = arith.constant 16 : i32
      %mul3A_408 = arith.muli %add3A_406, %mul3A_407 : i32
      %get3A_409 = arith.index_cast %mul3A_408 : i32 to index
      %get3A_410 = tpu.vector_load %arg6[%get3A_409] {strides = array<i32>} : memref<16384xi32, #tpu.memory_space<vmem>>, vector<16xi32>,
      %sub3A_411 = vector.broadcast %mul3A_2 : i32 to vector<16xi32>
      %sub3A_412 = arith.subi %get3A_410, %sub3A_411 : vector<16xi32>
      %ge3A_413 = arith.constant 0 : i32
      %ge3A_414 = vector.broadcast %ge3A_413 : i32 to vector<16xi32>
      %ge3A_415 = arith.cmpi sge, %sub3A_412, %ge3A_414 : vector<16xi32>
      %lt3A_416 = arith.constant 1024 : i32
      %lt3A_417 = vector.broadcast %lt3A_416 : i32 to vector<16xi32>
      %lt3A_418 = arith.cmpi slt, %sub3A_412, %lt3A_417 : vector<16xi32>
      %and3A_419 = arith.andi %ge3A_415, %lt3A_418 : vector<16xi1>
      %mul3A_420 = arith.constant 16 : i32
      %mul3A_421 = arith.muli %add3A_406, %mul3A_420 : i32
      %add3A_422 = vector.broadcast %mul3A_421 : i32 to vector<16xi32>
      %add3A_423 = arith.addi %add3A_422, %iota3A : vector<16xi32>
      %shift_left3A_424 = arith.constant 14 : i32
      %shift_left3A_425 = vector.broadcast %shift_left3A_424 : i32 to vector<16xi32>
      %shift_left3A_426 = arith.shli %sub3A_412, %shift_left3A_425 : vector<16xi32>
      %or3A_427 = arith.ori %shift_left3A_426, %add3A_423 : vector<16xi32>
      %jit3A_428 = arith.constant 2147483647 : i32
      %broadcast_in_dim3A_429 = vector.broadcast %jit3A_428 : i32 to vector<16xi32>
      %select_n3A_430 = arith.select %and3A_419, %or3A_427, %broadcast_in_dim3A_429 : vector<16xi1>, vector<16xi32>
      %masked_sort3A_431 = arith.constant dense<true> : vector<16xi1>
      %masked_sort3A_432 = arith.constant -2147483648 : i32
      %masked_sort3A_433 = vector.broadcast %masked_sort3A_432 : i32 to vector<16xi32>
      %masked_sort3A_434 = arith.xori %select_n3A_430, %masked_sort3A_433 : vector<16xi32>
      %masked_sort3A_435, %masked_sort3A_436, %masked_sort3A_437 = tpu.sort %masked_sort3A_434, %select_n3A_430 masked %masked_sort3A_431 : (vector<16xi32>, vector<16xi32>, vector<16xi1>) -> (vector<16xi1>, vector<16xi32>, vector<16xi32>)
      %masked_sort3A_438 = arith.xori %masked_sort3A_436, %masked_sort3A_433 : vector<16xi32>
      %swap3A_439 = arith.constant 1 : i32
      %swap3A_440 = arith.index_cast %swap3A_439 : i32 to index
      %swap3A_441 = arith.constant 0 : index
      %swap3A_442 = tpu.vector_load %arg8[%swap3A_440, %swap3A_441] {strides = array<i32>} : memref<4x16xi32, #tpu.memory_space<vmem>>, vector<16xi32>,
      tpu.vector_store %arg8[%swap3A_440, %swap3A_441], %masked_sort3A_438 {strides = array<i32>} : memref<4x16xi32, #tpu.memory_space<vmem>>, vector<16xi32>,
      %mul3A_443 = arith.constant 4 : i32
      %mul3A_444 = arith.muli %add3A_368, %mul3A_443 : i32
      %add3A_445 = arith.constant 2 : i32
      %add3A_446 = arith.addi %mul3A_444, %add3A_445 : i32
      %mul3A_447 = arith.constant 16 : i32
      %mul3A_448 = arith.muli %add3A_446, %mul3A_447 : i32
      %get3A_449 = arith.index_cast %mul3A_448 : i32 to index
      %get3A_450 = tpu.vector_load %arg6[%get3A_449] {strides = array<i32>} : memref<16384xi32, #tpu.memory_space<vmem>>, vector<16xi32>,
      %sub3A_451 = vector.broadcast %mul3A_2 : i32 to vector<16xi32>
      %sub3A_452 = arith.subi %get3A_450, %sub3A_451 : vector<16xi32>
      %ge3A_453 = arith.constant 0 : i32
      %ge3A_454 = vector.broadcast %ge3A_453 : i32 to vector<16xi32>
      %ge3A_455 = arith.cmpi sge, %sub3A_452, %ge3A_454 : vector<16xi32>
      %lt3A_456 = arith.constant 1024 : i32
      %lt3A_457 = vector.broadcast %lt3A_456 : i32 to vector<16xi32>
      %lt3A_458 = arith.cmpi slt, %sub3A_452, %lt3A_457 : vector<16xi32>
      %and3A_459 = arith.andi %ge3A_455, %lt3A_458 : vector<16xi1>
      %mul3A_460 = arith.constant 16 : i32
      %mul3A_461 = arith.muli %add3A_446, %mul3A_460 : i32
      %add3A_462 = vector.broadcast %mul3A_461 : i32 to vector<16xi32>
      %add3A_463 = arith.addi %add3A_462, %iota3A : vector<16xi32>
      %shift_left3A_464 = arith.constant 14 : i32
      %shift_left3A_465 = vector.broadcast %shift_left3A_464 : i32 to vector<16xi32>
      %shift_left3A_466 = arith.shli %sub3A_452, %shift_left3A_465 : vector<16xi32>
      %or3A_467 = arith.ori %shift_left3A_466, %add3A_463 : vector<16xi32>
      %jit3A_468 = arith.constant 2147483647 : i32
      %broadcast_in_dim3A_469 = vector.broadcast %jit3A_468 : i32 to vector<16xi32>
      %select_n3A_470 = arith.select %and3A_459, %or3A_467, %broadcast_in_dim3A_469 : vector<16xi1>, vector<16xi32>
      %masked_sort3A_471 = arith.constant dense<true> : vector<16xi1>
      %masked_sort3A_472 = arith.constant -2147483648 : i32
      %masked_sort3A_473 = vector.broadcast %masked_sort3A_472 : i32 to vector<16xi32>
      %masked_sort3A_474 = arith.xori %select_n3A_470, %masked_sort3A_473 : vector<16xi32>
      %masked_sort3A_475, %masked_sort3A_476, %masked_sort3A_477 = tpu.sort %masked_sort3A_474, %select_n3A_470 masked %masked_sort3A_471 : (vector<16xi32>, vector<16xi32>, vector<16xi1>) -> (vector<16xi1>, vector<16xi32>, vector<16xi32>)
      %masked_sort3A_478 = arith.xori %masked_sort3A_476, %masked_sort3A_473 : vector<16xi32>
      %swap3A_479 = arith.constant 2 : i32
      %swap3A_480 = arith.index_cast %swap3A_479 : i32 to index
      %swap3A_481 = arith.constant 0 : index
      %swap3A_482 = tpu.vector_load %arg8[%swap3A_480, %swap3A_481] {strides = array<i32>} : memref<4x16xi32, #tpu.memory_space<vmem>>, vector<16xi32>,
      tpu.vector_store %arg8[%swap3A_480, %swap3A_481], %masked_sort3A_478 {strides = array<i32>} : memref<4x16xi32, #tpu.memory_space<vmem>>, vector<16xi32>,
      %mul3A_483 = arith.constant 4 : i32
      %mul3A_484 = arith.muli %add3A_368, %mul3A_483 : i32
      %add3A_485 = arith.constant 3 : i32
      %add3A_486 = arith.addi %mul3A_484, %add3A_485 : i32
      %mul3A_487 = arith.constant 16 : i32
      %mul3A_488 = arith.muli %add3A_486, %mul3A_487 : i32
      %get3A_489 = arith.index_cast %mul3A_488 : i32 to index
      %get3A_490 = tpu.vector_load %arg6[%get3A_489] {strides = array<i32>} : memref<16384xi32, #tpu.memory_space<vmem>>, vector<16xi32>,
      %sub3A_491 = vector.broadcast %mul3A_2 : i32 to vector<16xi32>
      %sub3A_492 = arith.subi %get3A_490, %sub3A_491 : vector<16xi32>
      %ge3A_493 = arith.constant 0 : i32
      %ge3A_494 = vector.broadcast %ge3A_493 : i32 to vector<16xi32>
      %ge3A_495 = arith.cmpi sge, %sub3A_492, %ge3A_494 : vector<16xi32>
      %lt3A_496 = arith.constant 1024 : i32
      %lt3A_497 = vector.broadcast %lt3A_496 : i32 to vector<16xi32>
      %lt3A_498 = arith.cmpi slt, %sub3A_492, %lt3A_497 : vector<16xi32>
      %and3A_499 = arith.andi %ge3A_495, %lt3A_498 : vector<16xi1>
      %mul3A_500 = arith.constant 16 : i32
      %mul3A_501 = arith.muli %add3A_486, %mul3A_500 : i32
      %add3A_502 = vector.broadcast %mul3A_501 : i32 to vector<16xi32>
      %add3A_503 = arith.addi %add3A_502, %iota3A : vector<16xi32>
      %shift_left3A_504 = arith.constant 14 : i32
      %shift_left3A_505 = vector.broadcast %shift_left3A_504 : i32 to vector<16xi32>
      %shift_left3A_506 = arith.shli %sub3A_492, %shift_left3A_505 : vector<16xi32>
      %or3A_507 = arith.ori %shift_left3A_506, %add3A_503 : vector<16xi32>
      %jit3A_508 = arith.constant 2147483647 : i32
      %broadcast_in_dim3A_509 = vector.broadcast %jit3A_508 : i32 to vector<16xi32>
      %select_n3A_510 = arith.select %and3A_499, %or3A_507, %broadcast_in_dim3A_509 : vector<16xi1>, vector<16xi32>
      %masked_sort3A_511 = arith.constant dense<true> : vector<16xi1>
      %masked_sort3A_512 = arith.constant -2147483648 : i32
      %masked_sort3A_513 = vector.broadcast %masked_sort3A_512 : i32 to vector<16xi32>
      %masked_sort3A_514 = arith.xori %select_n3A_510, %masked_sort3A_513 : vector<16xi32>
      %masked_sort3A_515, %masked_sort3A_516, %masked_sort3A_517 = tpu.sort %masked_sort3A_514, %select_n3A_510 masked %masked_sort3A_511 : (vector<16xi32>, vector<16xi32>, vector<16xi1>) -> (vector<16xi1>, vector<16xi32>, vector<16xi32>)
      %masked_sort3A_518 = arith.xori %masked_sort3A_516, %masked_sort3A_513 : vector<16xi32>
      %swap3A_519 = arith.constant 3 : i32
      %swap3A_520 = arith.index_cast %swap3A_519 : i32 to index
      %swap3A_521 = arith.constant 0 : index
      %swap3A_522 = tpu.vector_load %arg8[%swap3A_520, %swap3A_521] {strides = array<i32>} : memref<4x16xi32, #tpu.memory_space<vmem>>, vector<16xi32>,
      tpu.vector_store %arg8[%swap3A_520, %swap3A_521], %masked_sort3A_518 {strides = array<i32>} : memref<4x16xi32, #tpu.memory_space<vmem>>, vector<16xi32>,
      %get3A_523 = arith.constant 0 : i32
      %get3A_524 = arith.index_cast %get3A_523 : i32 to index
      %get3A_525 = arith.constant 0 : index
      %get3A_526 = tpu.vector_load %arg8[%get3A_524, %get3A_525] {strides = array<i32>} : memref<4x16xi32, #tpu.memory_space<vmem>>, vector<16xi32>,
      %broadcast_in_dim3A_527 = arith.constant 0 : i32
      %broadcast_in_dim3A_528 = vector.broadcast %broadcast_in_dim3A_527 : i32 to vector<16xi32>
      %add3A_529 = arith.constant 1 : i32
      %add3A_530 = vector.broadcast %add3A_529 : i32 to vector<16xi32>
      %add3A_531 = arith.addi %iota3A, %add3A_530 : vector<16xi32>
      %min3A = arith.constant 15 : i32
      %min3A_532 = vector.broadcast %min3A : i32 to vector<16xi32>
      %min3A_533 = arith.minsi %add3A_531, %min3A_532 : vector<16xi32>
      %gather3A_534 = tpu.vector_load_idx %arg8[%broadcast_in_dim3A_528, %min3A_533] : memref<4x16xi32, #tpu.memory_space<vmem>>[vector<16xi32>, vector<16xi32>], vector<16xi32>,
      %ne3A_535 = arith.constant 2147483647 : i32
      %ne3A_536 = vector.broadcast %ne3A_535 : i32 to vector<16xi32>
      %ne3A_537 = arith.cmpi ne, %get3A_526, %ne3A_536 : vector<16xi32>
      %shift_right_arithmetic3A = arith.constant 14 : i32
      %shift_right_arithmetic3A_538 = vector.broadcast %shift_right_arithmetic3A : i32 to vector<16xi32>
      %shift_right_arithmetic3A_539 = arith.shrsi %get3A_526, %shift_right_arithmetic3A_538 : vector<16xi32>
      %shift_right_arithmetic3A_540 = arith.constant 14 : i32
      %shift_right_arithmetic3A_541 = vector.broadcast %shift_right_arithmetic3A_540 : i32 to vector<16xi32>
      %shift_right_arithmetic3A_542 = arith.shrsi %gather3A_534, %shift_right_arithmetic3A_541 : vector<16xi32>
      %ne3A_543 = arith.cmpi ne, %shift_right_arithmetic3A_539, %shift_right_arithmetic3A_542 : vector<16xi32>
      %eq3A = arith.constant 15 : i32
      %eq3A_544 = vector.broadcast %eq3A : i32 to vector<16xi32>
      %eq3A_545 = arith.cmpi eq, %iota3A, %eq3A_544 : vector<16xi32>
      %or3A_546 = arith.ori %ne3A_543, %eq3A_545 : vector<16xi1>
      %and3A_547 = arith.andi %ne3A_537, %or3A_546 : vector<16xi1>
      %shift_right_arithmetic3A_548 = arith.constant 14 : i32
      %shift_right_arithmetic3A_549 = vector.broadcast %shift_right_arithmetic3A_548 : i32 to vector<16xi32>
      %shift_right_arithmetic3A_550 = arith.shrsi %get3A_526, %shift_right_arithmetic3A_549 : vector<16xi32>
      %and3A_551 = arith.constant 16383 : i32
      %and3A_552 = vector.broadcast %and3A_551 : i32 to vector<16xi32>
      %and3A_553 = arith.andi %get3A_526, %and3A_552 : vector<16xi32>
      tpu.vector_store_idx %arg7[%shift_right_arithmetic3A_550], %and3A_553 masked %and3A_547 : memref<1024xi32, #tpu.memory_space<vmem>>[vector<16xi32>], vector<16xi32>, vector<16xi1>
      %get3A_554 = arith.constant 1 : i32
      %get3A_555 = arith.index_cast %get3A_554 : i32 to index
      %get3A_556 = arith.constant 0 : index
      %get3A_557 = tpu.vector_load %arg8[%get3A_555, %get3A_556] {strides = array<i32>} : memref<4x16xi32, #tpu.memory_space<vmem>>, vector<16xi32>,
      %broadcast_in_dim3A_558 = arith.constant 1 : i32
      %broadcast_in_dim3A_559 = vector.broadcast %broadcast_in_dim3A_558 : i32 to vector<16xi32>
      %add3A_560 = arith.constant 1 : i32
      %add3A_561 = vector.broadcast %add3A_560 : i32 to vector<16xi32>
      %add3A_562 = arith.addi %iota3A, %add3A_561 : vector<16xi32>
      %min3A_563 = arith.constant 15 : i32
      %min3A_564 = vector.broadcast %min3A_563 : i32 to vector<16xi32>
      %min3A_565 = arith.minsi %add3A_562, %min3A_564 : vector<16xi32>
      %gather3A_566 = tpu.vector_load_idx %arg8[%broadcast_in_dim3A_559, %min3A_565] : memref<4x16xi32, #tpu.memory_space<vmem>>[vector<16xi32>, vector<16xi32>], vector<16xi32>,
      %ne3A_567 = arith.constant 2147483647 : i32
      %ne3A_568 = vector.broadcast %ne3A_567 : i32 to vector<16xi32>
      %ne3A_569 = arith.cmpi ne, %get3A_557, %ne3A_568 : vector<16xi32>
      %shift_right_arithmetic3A_570 = arith.constant 14 : i32
      %shift_right_arithmetic3A_571 = vector.broadcast %shift_right_arithmetic3A_570 : i32 to vector<16xi32>
      %shift_right_arithmetic3A_572 = arith.shrsi %get3A_557, %shift_right_arithmetic3A_571 : vector<16xi32>
      %shift_right_arithmetic3A_573 = arith.constant 14 : i32
      %shift_right_arithmetic3A_574 = vector.broadcast %shift_right_arithmetic3A_573 : i32 to vector<16xi32>
      %shift_right_arithmetic3A_575 = arith.shrsi %gather3A_566, %shift_right_arithmetic3A_574 : vector<16xi32>
      %ne3A_576 = arith.cmpi ne, %shift_right_arithmetic3A_572, %shift_right_arithmetic3A_575 : vector<16xi32>
      %eq3A_577 = arith.constant 15 : i32
      %eq3A_578 = vector.broadcast %eq3A_577 : i32 to vector<16xi32>
      %eq3A_579 = arith.cmpi eq, %iota3A, %eq3A_578 : vector<16xi32>
      %or3A_580 = arith.ori %ne3A_576, %eq3A_579 : vector<16xi1>
      %and3A_581 = arith.andi %ne3A_569, %or3A_580 : vector<16xi1>
      %shift_right_arithmetic3A_582 = arith.constant 14 : i32
      %shift_right_arithmetic3A_583 = vector.broadcast %shift_right_arithmetic3A_582 : i32 to vector<16xi32>
      %shift_right_arithmetic3A_584 = arith.shrsi %get3A_557, %shift_right_arithmetic3A_583 : vector<16xi32>
      %and3A_585 = arith.constant 16383 : i32
      %and3A_586 = vector.broadcast %and3A_585 : i32 to vector<16xi32>
      %and3A_587 = arith.andi %get3A_557, %and3A_586 : vector<16xi32>
      tpu.vector_store_idx %arg7[%shift_right_arithmetic3A_584], %and3A_587 masked %and3A_581 : memref<1024xi32, #tpu.memory_space<vmem>>[vector<16xi32>], vector<16xi32>, vector<16xi1>
      %get3A_588 = arith.constant 2 : i32
      %get3A_589 = arith.index_cast %get3A_588 : i32 to index
      %get3A_590 = arith.constant 0 : index
      %get3A_591 = tpu.vector_load %arg8[%get3A_589, %get3A_590] {strides = array<i32>} : memref<4x16xi32, #tpu.memory_space<vmem>>, vector<16xi32>,
      %broadcast_in_dim3A_592 = arith.constant 2 : i32
      %broadcast_in_dim3A_593 = vector.broadcast %broadcast_in_dim3A_592 : i32 to vector<16xi32>
      %add3A_594 = arith.constant 1 : i32
      %add3A_595 = vector.broadcast %add3A_594 : i32 to vector<16xi32>
      %add3A_596 = arith.addi %iota3A, %add3A_595 : vector<16xi32>
      %min3A_597 = arith.constant 15 : i32
      %min3A_598 = vector.broadcast %min3A_597 : i32 to vector<16xi32>
      %min3A_599 = arith.minsi %add3A_596, %min3A_598 : vector<16xi32>
      %gather3A_600 = tpu.vector_load_idx %arg8[%broadcast_in_dim3A_593, %min3A_599] : memref<4x16xi32, #tpu.memory_space<vmem>>[vector<16xi32>, vector<16xi32>], vector<16xi32>,
      %ne3A_601 = arith.constant 2147483647 : i32
      %ne3A_602 = vector.broadcast %ne3A_601 : i32 to vector<16xi32>
      %ne3A_603 = arith.cmpi ne, %get3A_591, %ne3A_602 : vector<16xi32>
      %shift_right_arithmetic3A_604 = arith.constant 14 : i32
      %shift_right_arithmetic3A_605 = vector.broadcast %shift_right_arithmetic3A_604 : i32 to vector<16xi32>
      %shift_right_arithmetic3A_606 = arith.shrsi %get3A_591, %shift_right_arithmetic3A_605 : vector<16xi32>
      %shift_right_arithmetic3A_607 = arith.constant 14 : i32
      %shift_right_arithmetic3A_608 = vector.broadcast %shift_right_arithmetic3A_607 : i32 to vector<16xi32>
      %shift_right_arithmetic3A_609 = arith.shrsi %gather3A_600, %shift_right_arithmetic3A_608 : vector<16xi32>
      %ne3A_610 = arith.cmpi ne, %shift_right_arithmetic3A_606, %shift_right_arithmetic3A_609 : vector<16xi32>
      %eq3A_611 = arith.constant 15 : i32
      %eq3A_612 = vector.broadcast %eq3A_611 : i32 to vector<16xi32>
      %eq3A_613 = arith.cmpi eq, %iota3A, %eq3A_612 : vector<16xi32>
      %or3A_614 = arith.ori %ne3A_610, %eq3A_613 : vector<16xi1>
      %and3A_615 = arith.andi %ne3A_603, %or3A_614 : vector<16xi1>
      %shift_right_arithmetic3A_616 = arith.constant 14 : i32
      %shift_right_arithmetic3A_617 = vector.broadcast %shift_right_arithmetic3A_616 : i32 to vector<16xi32>
      %shift_right_arithmetic3A_618 = arith.shrsi %get3A_591, %shift_right_arithmetic3A_617 : vector<16xi32>
      %and3A_619 = arith.constant 16383 : i32
      %and3A_620 = vector.broadcast %and3A_619 : i32 to vector<16xi32>
      %and3A_621 = arith.andi %get3A_591, %and3A_620 : vector<16xi32>
      tpu.vector_store_idx %arg7[%shift_right_arithmetic3A_618], %and3A_621 masked %and3A_615 : memref<1024xi32, #tpu.memory_space<vmem>>[vector<16xi32>], vector<16xi32>, vector<16xi1>
      %get3A_622 = arith.constant 3 : i32
      %get3A_623 = arith.index_cast %get3A_622 : i32 to index
      %get3A_624 = arith.constant 0 : index
      %get3A_625 = tpu.vector_load %arg8[%get3A_623, %get3A_624] {strides = array<i32>} : memref<4x16xi32, #tpu.memory_space<vmem>>, vector<16xi32>,
      %broadcast_in_dim3A_626 = arith.constant 3 : i32
      %broadcast_in_dim3A_627 = vector.broadcast %broadcast_in_dim3A_626 : i32 to vector<16xi32>
      %add3A_628 = arith.constant 1 : i32
      %add3A_629 = vector.broadcast %add3A_628 : i32 to vector<16xi32>
      %add3A_630 = arith.addi %iota3A, %add3A_629 : vector<16xi32>
      %min3A_631 = arith.constant 15 : i32
      %min3A_632 = vector.broadcast %min3A_631 : i32 to vector<16xi32>
      %min3A_633 = arith.minsi %add3A_630, %min3A_632 : vector<16xi32>
      %gather3A_634 = tpu.vector_load_idx %arg8[%broadcast_in_dim3A_627, %min3A_633] : memref<4x16xi32, #tpu.memory_space<vmem>>[vector<16xi32>, vector<16xi32>], vector<16xi32>,
      %ne3A_635 = arith.constant 2147483647 : i32
      %ne3A_636 = vector.broadcast %ne3A_635 : i32 to vector<16xi32>
      %ne3A_637 = arith.cmpi ne, %get3A_625, %ne3A_636 : vector<16xi32>
      %shift_right_arithmetic3A_638 = arith.constant 14 : i32
      %shift_right_arithmetic3A_639 = vector.broadcast %shift_right_arithmetic3A_638 : i32 to vector<16xi32>
      %shift_right_arithmetic3A_640 = arith.shrsi %get3A_625, %shift_right_arithmetic3A_639 : vector<16xi32>
      %shift_right_arithmetic3A_641 = arith.constant 14 : i32
      %shift_right_arithmetic3A_642 = vector.broadcast %shift_right_arithmetic3A_641 : i32 to vector<16xi32>
      %shift_right_arithmetic3A_643 = arith.shrsi %gather3A_634, %shift_right_arithmetic3A_642 : vector<16xi32>
      %ne3A_644 = arith.cmpi ne, %shift_right_arithmetic3A_640, %shift_right_arithmetic3A_643 : vector<16xi32>
      %eq3A_645 = arith.constant 15 : i32
      %eq3A_646 = vector.broadcast %eq3A_645 : i32 to vector<16xi32>
      %eq3A_647 = arith.cmpi eq, %iota3A, %eq3A_646 : vector<16xi32>
      %or3A_648 = arith.ori %ne3A_644, %eq3A_647 : vector<16xi1>
      %and3A_649 = arith.andi %ne3A_637, %or3A_648 : vector<16xi1>
      %shift_right_arithmetic3A_650 = arith.constant 14 : i32
      %shift_right_arithmetic3A_651 = vector.broadcast %shift_right_arithmetic3A_650 : i32 to vector<16xi32>
      %shift_right_arithmetic3A_652 = arith.shrsi %get3A_625, %shift_right_arithmetic3A_651 : vector<16xi32>
      %and3A_653 = arith.constant 16383 : i32
      %and3A_654 = vector.broadcast %and3A_653 : i32 to vector<16xi32>
      %and3A_655 = arith.andi %get3A_625, %and3A_654 : vector<16xi32>
      tpu.vector_store_idx %arg7[%shift_right_arithmetic3A_652], %and3A_655 masked %and3A_649 : memref<1024xi32, #tpu.memory_space<vmem>>[vector<16xi32>], vector<16xi32>, vector<16xi1>
    }
    %scan3A_134 = arith.constant 256 : i32
    %scan3A_135 = arith.constant 0 : i32
    %scan3A_136 = arith.constant 0 : i32
    %scan3A_137 = arith.constant 0 : i32
    %scan3A_138 = arith.constant 64 : i32
    %scan3A_139 = arith.addi %scan3A_137, %scan3A_138 : i32
    %scan3A_140 = arith.constant 1 : i32
    %scan3A_141:2 = scf.for %scan3A_364 = %scan3A_137 to %scan3A_139 step %scan3A_140 iter_args(%scan3A_365 = %scan3A_135, %scan3A_366 = %scan3A_136) -> (i32, i32)  : i32 {
      %mul3A_367 = arith.constant 16 : i32
      %mul3A_368 = arith.muli %scan3A_364, %mul3A_367 : i32
      %get3A = arith.index_cast %mul3A_368 : i32 to index
      %get3A_369 = tpu.vector_load %arg7[%get3A] {strides = array<i32>} : memref<1024xi32, #tpu.memory_space<vmem>>, vector<16xi32>,
      %ge3A = arith.constant 0 : i32
      %ge3A_370 = vector.broadcast %ge3A : i32 to vector<16xi32>
      %ge3A_371 = arith.cmpi sge, %get3A_369, %ge3A_370 : vector<16xi32>
      %convert_element_type3A_372 = arith.extui %ge3A_371 : vector<16xi1> to vector<16xi32>
      %mul3A_373 = arith.constant 16 : i32
      %mul3A_374 = arith.muli %scan3A_364, %mul3A_373 : i32
      %add3A_375 = arith.addi %mul3A_2, %mul3A_374 : i32
      %add3A_376 = vector.broadcast %add3A_375 : i32 to vector<16xi32>
      %add3A_377 = arith.addi %add3A_376, %iota3A : vector<16xi32>
      %broadcast_in_dim3A_378 = arith.constant true
      %broadcast_in_dim3A_379 = vector.broadcast %broadcast_in_dim3A_378 : i1 to vector<16xi1>
      %masked_cumsum3A = tpu.scan <sum>, %convert_element_type3A_372 masked %broadcast_in_dim3A_379 : vector<16xi32>, vector<16xi1> -> vector<16xi32>
      %add3A_380 = vector.broadcast %scan3A_365 : i32 to vector<16xi32>
      %add3A_381 = arith.addi %add3A_380, %masked_cumsum3A : vector<16xi32>
      %sub3A_382 = arith.constant 1 : i32
      %sub3A_383 = vector.broadcast %sub3A_382 : i32 to vector<16xi32>
      %sub3A_384 = arith.subi %add3A_381, %sub3A_383 : vector<16xi32>
      tpu.vector_store_idx %arg9[%sub3A_384], %add3A_377 masked %ge3A_371 : memref<1040xi32, #tpu.memory_space<vmem>>[vector<16xi32>], vector<16xi32>, vector<16xi1>
      tpu.vector_store_idx %arg10[%sub3A_384], %get3A_369 masked %ge3A_371 : memref<1040xi32, #tpu.memory_space<vmem>>[vector<16xi32>], vector<16xi32>, vector<16xi1>
      %sub3A_385 = arith.constant 1 : i32
      %sub3A_386 = vector.broadcast %sub3A_385 : i32 to vector<16xi32>
      %sub3A_387 = arith.subi %sub3A_386, %convert_element_type3A_372 : vector<16xi32>
      %broadcast_in_dim3A_388 = arith.constant true
      %broadcast_in_dim3A_389 = vector.broadcast %broadcast_in_dim3A_388 : i1 to vector<16xi1>
      %masked_cumsum3A_390 = tpu.scan <sum>, %sub3A_387 masked %broadcast_in_dim3A_389 : vector<16xi32>, vector<16xi1> -> vector<16xi32>
      %add3A_391 = vector.broadcast %scan3A_366 : i32 to vector<16xi32>
      %add3A_392 = arith.addi %add3A_391, %masked_cumsum3A_390 : vector<16xi32>
      %sub3A_393 = arith.constant 1 : i32
      %sub3A_394 = vector.broadcast %sub3A_393 : i32 to vector<16xi32>
      %sub3A_395 = arith.subi %add3A_392, %sub3A_394 : vector<16xi32>
      %not3A = arith.constant dense<true> : vector<16xi1>
      %not3A_396 = arith.xori %ge3A_371, %not3A : vector<16xi1>
      tpu.vector_store_idx %arg11[%sub3A_395], %add3A_377 masked %not3A_396 : memref<1040xi32, #tpu.memory_space<vmem>>[vector<16xi32>], vector<16xi32>, vector<16xi1>
      %reduce_sum3A = arith.constant true
      %reduce_sum3A_397 = vector.broadcast %reduce_sum3A : i1 to vector<16xi1>
      %reduce_sum3A_398 = tpu.scan <sum>, %convert_element_type3A_372 masked %reduce_sum3A_397 : vector<16xi32>, vector<16xi1> -> vector<16xi32>
      %reduce_sum3A_399 = vector.extract %reduce_sum3A_398[15] : i32 from vector<16xi32>
      %add3A_400 = arith.addi %scan3A_365, %reduce_sum3A_399 : i32
      %reduce_sum3A_401 = arith.constant true
      %reduce_sum3A_402 = vector.broadcast %reduce_sum3A_401 : i1 to vector<16xi1>
      %reduce_sum3A_403 = tpu.scan <sum>, %sub3A_387 masked %reduce_sum3A_402 : vector<16xi32>, vector<16xi1> -> vector<16xi32>
      %reduce_sum3A_404 = vector.extract %reduce_sum3A_403[15] : i32 from vector<16xi32>
      %add3A_405 = arith.addi %scan3A_366, %reduce_sum3A_404 : i32
      scf.yield %add3A_400, %add3A_405 : i32, i32
    }
    %scan3A_142 = arith.constant 64 : i32
    %sub3A = arith.constant 1 : i32
    %sub3A_143 = arith.subi %scan3A_141#0, %sub3A : i32
    %max3A = arith.constant 0 : i32
    %max3A_144 = arith.maxsi %sub3A_143, %max3A : i32
    %broadcast_in_dim3A_145 = vector.broadcast %max3A_144 : i32 to vector<16xi32>
    %gather3A = tpu.vector_load_idx %arg9[%broadcast_in_dim3A_145] : memref<1040xi32, #tpu.memory_space<vmem>>[vector<16xi32>], vector<16xi32>,
    %gather3A_146 = tpu.vector_load_idx %arg10[%broadcast_in_dim3A_145] : memref<1040xi32, #tpu.memory_space<vmem>>[vector<16xi32>], vector<16xi32>,
    %sub3A_147 = arith.constant 1 : i32
    %sub3A_148 = arith.subi %scan3A_141#1, %sub3A_147 : i32
    %max3A_149 = arith.constant 0 : i32
    %max3A_150 = arith.maxsi %sub3A_148, %max3A_149 : i32
    %broadcast_in_dim3A_151 = vector.broadcast %max3A_150 : i32 to vector<16xi32>
    %gather3A_152 = tpu.vector_load_idx %arg11[%broadcast_in_dim3A_151] : memref<1040xi32, #tpu.memory_space<vmem>>[vector<16xi32>], vector<16xi32>,
    %add3A_153 = arith.constant 0 : i32
    %add3A_154 = arith.addi %scan3A_141#0, %add3A_153 : i32
    %add3A_155 = vector.broadcast %add3A_154 : i32 to vector<16xi32>
    %add3A_156 = arith.addi %add3A_155, %iota3A : vector<16xi32>
    tpu.vector_store_idx %arg9[%add3A_156], %gather3A : memref<1040xi32, #tpu.memory_space<vmem>>[vector<16xi32>], vector<16xi32>,
    %add3A_157 = arith.constant 0 : i32
    %add3A_158 = arith.addi %scan3A_141#0, %add3A_157 : i32
    %add3A_159 = vector.broadcast %add3A_158 : i32 to vector<16xi32>
    %add3A_160 = arith.addi %add3A_159, %iota3A : vector<16xi32>
    tpu.vector_store_idx %arg10[%add3A_160], %gather3A_146 : memref<1040xi32, #tpu.memory_space<vmem>>[vector<16xi32>], vector<16xi32>,
    %add3A_161 = arith.constant 0 : i32
    %add3A_162 = arith.addi %scan3A_141#1, %add3A_161 : i32
    %add3A_163 = vector.broadcast %add3A_162 : i32 to vector<16xi32>
    %add3A_164 = arith.addi %add3A_163, %iota3A : vector<16xi32>
    tpu.vector_store_idx %arg11[%add3A_164], %gather3A_152 : memref<1040xi32, #tpu.memory_space<vmem>>[vector<16xi32>], vector<16xi32>,
    %add3A_165 = arith.constant 16 : i32
    %add3A_166 = arith.addi %scan3A_141#0, %add3A_165 : i32
    %sub3A_167 = arith.constant 1 : i32
    %sub3A_168 = arith.subi %add3A_166, %sub3A_167 : i32
    %jit3A = arith.constant 16 : i32
    %div3A = arith.divsi %sub3A_168, %jit3A : i32
    %sign3A = arith.constant 0 : i32
    %sign3A_169 = arith.cmpi sgt, %sub3A_168, %sign3A : i32
    %sign3A_170 = arith.extui %sign3A_169 : i1 to i32
    %sign3A_171 = arith.constant 0 : i32
    %sign3A_172 = arith.cmpi slt, %sub3A_168, %sign3A_171 : i32
    %sign3A_173 = arith.extui %sign3A_172 : i1 to i32
    %sign3A_174 = arith.subi %sign3A_170, %sign3A_173 : i32
    %sign3A_175 = arith.constant 0 : i32
    %sign3A_176 = arith.cmpi sgt, %jit3A, %sign3A_175 : i32
    %sign3A_177 = arith.extui %sign3A_176 : i1 to i32
    %sign3A_178 = arith.constant 0 : i32
    %sign3A_179 = arith.cmpi slt, %jit3A, %sign3A_178 : i32
    %sign3A_180 = arith.extui %sign3A_179 : i1 to i32
    %sign3A_181 = arith.subi %sign3A_177, %sign3A_180 : i32
    %ne3A = arith.cmpi ne, %sign3A_174, %sign3A_181 : i32
    %rem3A = arith.remsi %sub3A_168, %jit3A : i32
    %ne3A_182 = arith.constant 0 : i32
    %ne3A_183 = arith.cmpi ne, %rem3A, %ne3A_182 : i32
    %and3A = arith.andi %ne3A, %ne3A_183 : i1
    %sub3A_184 = arith.constant 1 : i32
    %sub3A_185 = arith.subi %div3A, %sub3A_184 : i32
    %select_n3A = arith.select %and3A, %sub3A_185, %div3A : i32
    %add3A_186 = arith.constant 6 : i32
    %add3A_187 = arith.addi %select_n3A, %add3A_186 : i32
    %sub3A_188 = arith.constant 1 : i32
    %sub3A_189 = arith.subi %add3A_187, %sub3A_188 : i32
    %jit3A_190 = arith.constant 6 : i32
    %div3A_191 = arith.divsi %sub3A_189, %jit3A_190 : i32
    %sign3A_192 = arith.constant 0 : i32
    %sign3A_193 = arith.cmpi sgt, %sub3A_189, %sign3A_192 : i32
    %sign3A_194 = arith.extui %sign3A_193 : i1 to i32
    %sign3A_195 = arith.constant 0 : i32
    %sign3A_196 = arith.cmpi slt, %sub3A_189, %sign3A_195 : i32
    %sign3A_197 = arith.extui %sign3A_196 : i1 to i32
    %sign3A_198 = arith.subi %sign3A_194, %sign3A_197 : i32
    %sign3A_199 = arith.constant 0 : i32
    %sign3A_200 = arith.cmpi sgt, %jit3A_190, %sign3A_199 : i32
    %sign3A_201 = arith.extui %sign3A_200 : i1 to i32
    %sign3A_202 = arith.constant 0 : i32
    %sign3A_203 = arith.cmpi slt, %jit3A_190, %sign3A_202 : i32
    %sign3A_204 = arith.extui %sign3A_203 : i1 to i32
    %sign3A_205 = arith.subi %sign3A_201, %sign3A_204 : i32
    %ne3A_206 = arith.cmpi ne, %sign3A_198, %sign3A_205 : i32
    %rem3A_207 = arith.remsi %sub3A_189, %jit3A_190 : i32
    %ne3A_208 = arith.constant 0 : i32
    %ne3A_209 = arith.cmpi ne, %rem3A_207, %ne3A_208 : i32
    %and3A_210 = arith.andi %ne3A_206, %ne3A_209 : i1
    %sub3A_211 = arith.constant 1 : i32
    %sub3A_212 = arith.subi %div3A_191, %sub3A_211 : i32
    %select_n3A_213 = arith.select %and3A_210, %sub3A_212, %div3A_191 : i32
    %sub3A_214 = arith.constant 0 : i32
    %sub3A_215 = arith.subi %select_n3A_213, %sub3A_214 : i32
    %sub3A_216 = arith.constant 1 : i32
    %sub3A_217 = arith.constant 1 : i32
    %sub3A_218 = arith.subi %sub3A_216, %sub3A_217 : i32
    %add3A_219 = arith.addi %sub3A_215, %sub3A_218 : i32
    %div3A_220 = arith.constant 1 : i32
    %div3A_221 = arith.divsi %add3A_219, %div3A_220 : i32
    %while3A = arith.constant 1 : i32
    %while3A_222 = arith.constant 0 : i32
    %while3A_223 = arith.constant 0 : i32
    %while3A_224 = arith.subi %div3A_221, %while3A_223 : i32
    %while3A_225 = arith.addi %while3A_223, %while3A_224 : i32
    %while3A_226 = arith.constant 1 : i32
    %while3A_227 = arith.divsi %while3A_224, %while3A_226 : i32
    %while3A_228 = arith.muli %while3A_227, %while3A_226 : i32
    %while3A_229 = arith.addi %while3A_223, %while3A_228 : i32
    %while3A_230 = arith.constant 1 : i32
    scf.for %while3A_364 = %while3A_223 to %while3A_229 step %while3A_230  : i32 {
      %mul3A_365 = arith.muli %while3A_364, %while3A : i32
      %add3A_366 = arith.addi %while3A_222, %mul3A_365 : i32
      %mul3A_367 = arith.constant 6 : i32
      %mul3A_368 = arith.muli %mul3A_367, %add3A_366 : i32
      %add3A_369 = arith.constant 0 : i32
      %add3A_370 = arith.addi %mul3A_368, %add3A_369 : i32
      %lt3A = arith.cmpi slt, %add3A_370, %select_n3A : i32
      %convert_element_type3A_371 = arith.extui %lt3A : i1 to i32
      %cond3A_372 = arith.constant 0 : i32
      %cond3A_373 = arith.cmpi ne, %convert_element_type3A_371, %cond3A_372 : i32
      scf.if %cond3A_373 {
        %gt3A_462 = arith.constant 0 : i32
        %gt3A_463 = arith.cmpi sgt, %add3A_366, %gt3A_462 : i32
        %convert_element_type3A_464 = arith.extui %gt3A_463 : i1 to i32
        %cond3A_465 = arith.constant 0 : i32
        %cond3A_466 = arith.cmpi ne, %convert_element_type3A_464, %cond3A_465 : i32
        scf.if %cond3A_466 {
          %dma_wait3A = arith.constant 0 : i32
          %dma_wait3A_499 = arith.constant 0 : i32
          %dma_wait3A_500 = arith.constant 0 : i32
          %dma_wait3A_501 = arith.constant 0 : i32
          %dma_wait3A_502 = arith.constant 0 : i32
          %dma_wait3A_503 = tpu.memref_slice %arg14[%dma_wait3A, %dma_wait3A_500, %dma_wait3A_501, %dma_wait3A_502] : memref<6x16x8x128xf32, #tpu.memory_space<vmem>> -> memref<1x16x8x128xf32, #tpu.memory_space<vmem>>
          %dma_wait3A_504 = tpu.memref_squeeze %dma_wait3A_503 : memref<1x16x8x128xf32, #tpu.memory_space<vmem>> -> memref<16x8x128xf32, #tpu.memory_space<vmem>>
          %dma_wait3A_505 = arith.constant 0 : i32
          %dma_wait3A_506 = tpu.memref_slice %arg13[%dma_wait3A_499, %dma_wait3A_505] : memref<6x16xi32, #tpu.memory_space<vmem>> -> memref<1x16xi32, #tpu.memory_space<vmem>>
          %dma_wait3A_507 = tpu.memref_squeeze %dma_wait3A_506 : memref<1x16xi32, #tpu.memory_space<vmem>> -> memref<16xi32, #tpu.memory_space<vmem>>
          %dma_wait3A_508 = arith.constant 0 : i32
          %dma_wait3A_509 = arith.constant 0 : i32
          %dma_wait3A_510 = arith.constant 0 : i32
          %dma_wait3A_511 = tpu.memref_slice %arg5[%dma_wait3A_508, %dma_wait3A_509, %dma_wait3A_510] : memref<32768x8x128xf32, #tpu.memory_space<hbm>> -> memref<32768x8x128xf32, #tpu.memory_space<hbm>>
          tpu.wait_indirect_dma semaphore(%arg21 : memref<!tpu.dma_semaphore, #tpu.memory_space<semaphore_mem>>) src(%dma_wait3A_504 : memref<16x8x128xf32, #tpu.memory_space<vmem>>) dst(%dma_wait3A_511 : memref<32768x8x128xf32, #tpu.memory_space<hbm>>)
        } else {
        }
        %mul3A_467 = arith.constant 16 : i32
        %mul3A_468 = arith.muli %add3A_370, %mul3A_467 : i32
        %add3A_469 = arith.constant 0 : i32
        %add3A_470 = arith.addi %mul3A_468, %add3A_469 : i32
        %get3A = arith.index_cast %add3A_470 : i32 to index
        %get3A_471 = tpu.vector_load %arg10[%get3A] {strides = array<i32>} : memref<1040xi32, #tpu.memory_space<vmem>>, vector<16xi32>,
        %swap3A_472 = arith.constant 0 : i32
        %swap3A_473 = arith.index_cast %swap3A_472 : i32 to index
        %swap3A_474 = arith.constant 0 : index
        %swap3A_475 = tpu.vector_load %arg12[%swap3A_473, %swap3A_474] {strides = array<i32>} : memref<6x16xi32, #tpu.memory_space<vmem>>, vector<16xi32>,
        tpu.vector_store %arg12[%swap3A_473, %swap3A_474], %get3A_471 {strides = array<i32>} : memref<6x16xi32, #tpu.memory_space<vmem>>, vector<16xi32>,
        %mul3A_476 = arith.constant 16 : i32
        %mul3A_477 = arith.muli %add3A_370, %mul3A_476 : i32
        %add3A_478 = arith.constant 0 : i32
        %add3A_479 = arith.addi %mul3A_477, %add3A_478 : i32
        %get3A_480 = arith.index_cast %add3A_479 : i32 to index
        %get3A_481 = tpu.vector_load %arg9[%get3A_480] {strides = array<i32>} : memref<1040xi32, #tpu.memory_space<vmem>>, vector<16xi32>,
        %swap3A_482 = arith.constant 0 : i32
        %swap3A_483 = arith.index_cast %swap3A_482 : i32 to index
        %swap3A_484 = arith.constant 0 : index
        %swap3A_485 = tpu.vector_load %arg13[%swap3A_483, %swap3A_484] {strides = array<i32>} : memref<6x16xi32, #tpu.memory_space<vmem>>, vector<16xi32>,
        tpu.vector_store %arg13[%swap3A_483, %swap3A_484], %get3A_481 {strides = array<i32>} : memref<6x16xi32, #tpu.memory_space<vmem>>, vector<16xi32>,
        %dma_start3A = arith.constant 0 : i32
        %dma_start3A_486 = arith.constant 0 : i32
        %dma_start3A_487 = arith.constant 0 : i32
        %dma_start3A_488 = arith.constant 0 : i32
        %dma_start3A_489 = arith.constant 0 : i32
        %dma_start3A_490 = tpu.memref_slice %arg14[%dma_start3A_486, %dma_start3A_487, %dma_start3A_488, %dma_start3A_489] : memref<6x16x8x128xf32, #tpu.memory_space<vmem>> -> memref<1x16x8x128xf32, #tpu.memory_space<vmem>>
        %dma_start3A_491 = tpu.memref_squeeze %dma_start3A_490 : memref<1x16x8x128xf32, #tpu.memory_space<vmem>> -> memref<16x8x128xf32, #tpu.memory_space<vmem>>
        %dma_start3A_492 = arith.constant 0 : i32
        %dma_start3A_493 = tpu.memref_slice %arg12[%dma_start3A, %dma_start3A_492] : memref<6x16xi32, #tpu.memory_space<vmem>> -> memref<1x16xi32, #tpu.memory_space<vmem>>
        %dma_start3A_494 = tpu.memref_squeeze %dma_start3A_493 : memref<1x16xi32, #tpu.memory_space<vmem>> -> memref<16xi32, #tpu.memory_space<vmem>>
        %dma_start3A_495 = arith.constant 0 : i32
        %dma_start3A_496 = arith.constant 0 : i32
        %dma_start3A_497 = arith.constant 0 : i32
        %dma_start3A_498 = tpu.memref_slice %arg2[%dma_start3A_495, %dma_start3A_496, %dma_start3A_497] : memref<16384x8x128xf32, #tpu.memory_space<hbm>> -> memref<16384x8x128xf32, #tpu.memory_space<hbm>>
        tpu.enqueue_indirect_dma source(%dma_start3A_498 : memref<16384x8x128xf32, #tpu.memory_space<hbm>>) target(%dma_start3A_491 : memref<16x8x128xf32, #tpu.memory_space<vmem>>) offsets(%dma_start3A_494 : memref<16xi32, #tpu.memory_space<vmem>>) semaphore(%arg15 : memref<!tpu.dma_semaphore, #tpu.memory_space<semaphore_mem>>)
      } else {
      }
      %mul3A_374 = arith.constant 6 : i32
      %mul3A_375 = arith.muli %mul3A_374, %add3A_366 : i32
      %add3A_376 = arith.constant 1 : i32
      %add3A_377 = arith.addi %mul3A_375, %add3A_376 : i32
      %lt3A_378 = arith.cmpi slt, %add3A_377, %select_n3A : i32
      %convert_element_type3A_379 = arith.extui %lt3A_378 : i1 to i32
      %cond3A_380 = arith.constant 0 : i32
      %cond3A_381 = arith.cmpi ne, %convert_element_type3A_379, %cond3A_380 : i32
      scf.if %cond3A_381 {
        %gt3A_462 = arith.constant 0 : i32
        %gt3A_463 = arith.cmpi sgt, %add3A_366, %gt3A_462 : i32
        %convert_element_type3A_464 = arith.extui %gt3A_463 : i1 to i32
        %cond3A_465 = arith.constant 0 : i32
        %cond3A_466 = arith.cmpi ne, %convert_element_type3A_464, %cond3A_465 : i32
        scf.if %cond3A_466 {
          %dma_wait3A = arith.constant 1 : i32
          %dma_wait3A_499 = arith.constant 1 : i32
          %dma_wait3A_500 = arith.constant 0 : i32
          %dma_wait3A_501 = arith.constant 0 : i32
          %dma_wait3A_502 = arith.constant 0 : i32
          %dma_wait3A_503 = tpu.memref_slice %arg14[%dma_wait3A, %dma_wait3A_500, %dma_wait3A_501, %dma_wait3A_502] : memref<6x16x8x128xf32, #tpu.memory_space<vmem>> -> memref<1x16x8x128xf32, #tpu.memory_space<vmem>>
          %dma_wait3A_504 = tpu.memref_squeeze %dma_wait3A_503 : memref<1x16x8x128xf32, #tpu.memory_space<vmem>> -> memref<16x8x128xf32, #tpu.memory_space<vmem>>
          %dma_wait3A_505 = arith.constant 0 : i32
          %dma_wait3A_506 = tpu.memref_slice %arg13[%dma_wait3A_499, %dma_wait3A_505] : memref<6x16xi32, #tpu.memory_space<vmem>> -> memref<1x16xi32, #tpu.memory_space<vmem>>
          %dma_wait3A_507 = tpu.memref_squeeze %dma_wait3A_506 : memref<1x16xi32, #tpu.memory_space<vmem>> -> memref<16xi32, #tpu.memory_space<vmem>>
          %dma_wait3A_508 = arith.constant 0 : i32
          %dma_wait3A_509 = arith.constant 0 : i32
          %dma_wait3A_510 = arith.constant 0 : i32
          %dma_wait3A_511 = tpu.memref_slice %arg5[%dma_wait3A_508, %dma_wait3A_509, %dma_wait3A_510] : memref<32768x8x128xf32, #tpu.memory_space<hbm>> -> memref<32768x8x128xf32, #tpu.memory_space<hbm>>
          tpu.wait_indirect_dma semaphore(%arg22 : memref<!tpu.dma_semaphore, #tpu.memory_space<semaphore_mem>>) src(%dma_wait3A_504 : memref<16x8x128xf32, #tpu.memory_space<vmem>>) dst(%dma_wait3A_511 : memref<32768x8x128xf32, #tpu.memory_space<hbm>>)
        } else {
        }
        %mul3A_467 = arith.constant 16 : i32
        %mul3A_468 = arith.muli %add3A_377, %mul3A_467 : i32
        %add3A_469 = arith.constant 0 : i32
        %add3A_470 = arith.addi %mul3A_468, %add3A_469 : i32
        %get3A = arith.index_cast %add3A_470 : i32 to index
        %get3A_471 = tpu.vector_load %arg10[%get3A] {strides = array<i32>} : memref<1040xi32, #tpu.memory_space<vmem>>, vector<16xi32>,
        %swap3A_472 = arith.constant 1 : i32
        %swap3A_473 = arith.index_cast %swap3A_472 : i32 to index
        %swap3A_474 = arith.constant 0 : index
        %swap3A_475 = tpu.vector_load %arg12[%swap3A_473, %swap3A_474] {strides = array<i32>} : memref<6x16xi32, #tpu.memory_space<vmem>>, vector<16xi32>,
        tpu.vector_store %arg12[%swap3A_473, %swap3A_474], %get3A_471 {strides = array<i32>} : memref<6x16xi32, #tpu.memory_space<vmem>>, vector<16xi32>,
        %mul3A_476 = arith.constant 16 : i32
        %mul3A_477 = arith.muli %add3A_377, %mul3A_476 : i32
        %add3A_478 = arith.constant 0 : i32
        %add3A_479 = arith.addi %mul3A_477, %add3A_478 : i32
        %get3A_480 = arith.index_cast %add3A_479 : i32 to index
        %get3A_481 = tpu.vector_load %arg9[%get3A_480] {strides = array<i32>} : memref<1040xi32, #tpu.memory_space<vmem>>, vector<16xi32>,
        %swap3A_482 = arith.constant 1 : i32
        %swap3A_483 = arith.index_cast %swap3A_482 : i32 to index
        %swap3A_484 = arith.constant 0 : index
        %swap3A_485 = tpu.vector_load %arg13[%swap3A_483, %swap3A_484] {strides = array<i32>} : memref<6x16xi32, #tpu.memory_space<vmem>>, vector<16xi32>,
        tpu.vector_store %arg13[%swap3A_483, %swap3A_484], %get3A_481 {strides = array<i32>} : memref<6x16xi32, #tpu.memory_space<vmem>>, vector<16xi32>,
        %dma_start3A = arith.constant 1 : i32
        %dma_start3A_486 = arith.constant 1 : i32
        %dma_start3A_487 = arith.constant 0 : i32
        %dma_start3A_488 = arith.constant 0 : i32
        %dma_start3A_489 = arith.constant 0 : i32
        %dma_start3A_490 = tpu.memref_slice %arg14[%dma_start3A_486, %dma_start3A_487, %dma_start3A_488, %dma_start3A_489] : memref<6x16x8x128xf32, #tpu.memory_space<vmem>> -> memref<1x16x8x128xf32, #tpu.memory_space<vmem>>
        %dma_start3A_491 = tpu.memref_squeeze %dma_start3A_490 : memref<1x16x8x128xf32, #tpu.memory_space<vmem>> -> memref<16x8x128xf32, #tpu.memory_space<vmem>>
        %dma_start3A_492 = arith.constant 0 : i32
        %dma_start3A_493 = tpu.memref_slice %arg12[%dma_start3A, %dma_start3A_492] : memref<6x16xi32, #tpu.memory_space<vmem>> -> memref<1x16xi32, #tpu.memory_space<vmem>>
        %dma_start3A_494 = tpu.memref_squeeze %dma_start3A_493 : memref<1x16xi32, #tpu.memory_space<vmem>> -> memref<16xi32, #tpu.memory_space<vmem>>
        %dma_start3A_495 = arith.constant 0 : i32
        %dma_start3A_496 = arith.constant 0 : i32
        %dma_start3A_497 = arith.constant 0 : i32
        %dma_start3A_498 = tpu.memref_slice %arg2[%dma_start3A_495, %dma_start3A_496, %dma_start3A_497] : memref<16384x8x128xf32, #tpu.memory_space<hbm>> -> memref<16384x8x128xf32, #tpu.memory_space<hbm>>
        tpu.enqueue_indirect_dma source(%dma_start3A_498 : memref<16384x8x128xf32, #tpu.memory_space<hbm>>) target(%dma_start3A_491 : memref<16x8x128xf32, #tpu.memory_space<vmem>>) offsets(%dma_start3A_494 : memref<16xi32, #tpu.memory_space<vmem>>) semaphore(%arg16 : memref<!tpu.dma_semaphore, #tpu.memory_space<semaphore_mem>>)
      } else {
      }
      %mul3A_382 = arith.constant 6 : i32
      %mul3A_383 = arith.muli %mul3A_382, %add3A_366 : i32
      %add3A_384 = arith.constant 2 : i32
      %add3A_385 = arith.addi %mul3A_383, %add3A_384 : i32
      %lt3A_386 = arith.cmpi slt, %add3A_385, %select_n3A : i32
      %convert_element_type3A_387 = arith.extui %lt3A_386 : i1 to i32
      %cond3A_388 = arith.constant 0 : i32
      %cond3A_389 = arith.cmpi ne, %convert_element_type3A_387, %cond3A_388 : i32
      scf.if %cond3A_389 {
        %gt3A_462 = arith.constant 0 : i32
        %gt3A_463 = arith.cmpi sgt, %add3A_366, %gt3A_462 : i32
        %convert_element_type3A_464 = arith.extui %gt3A_463 : i1 to i32
        %cond3A_465 = arith.constant 0 : i32
        %cond3A_466 = arith.cmpi ne, %convert_element_type3A_464, %cond3A_465 : i32
        scf.if %cond3A_466 {
          %dma_wait3A = arith.constant 2 : i32
          %dma_wait3A_499 = arith.constant 2 : i32
          %dma_wait3A_500 = arith.constant 0 : i32
          %dma_wait3A_501 = arith.constant 0 : i32
          %dma_wait3A_502 = arith.constant 0 : i32
          %dma_wait3A_503 = tpu.memref_slice %arg14[%dma_wait3A, %dma_wait3A_500, %dma_wait3A_501, %dma_wait3A_502] : memref<6x16x8x128xf32, #tpu.memory_space<vmem>> -> memref<1x16x8x128xf32, #tpu.memory_space<vmem>>
          %dma_wait3A_504 = tpu.memref_squeeze %dma_wait3A_503 : memref<1x16x8x128xf32, #tpu.memory_space<vmem>> -> memref<16x8x128xf32, #tpu.memory_space<vmem>>
          %dma_wait3A_505 = arith.constant 0 : i32
          %dma_wait3A_506 = tpu.memref_slice %arg13[%dma_wait3A_499, %dma_wait3A_505] : memref<6x16xi32, #tpu.memory_space<vmem>> -> memref<1x16xi32, #tpu.memory_space<vmem>>
          %dma_wait3A_507 = tpu.memref_squeeze %dma_wait3A_506 : memref<1x16xi32, #tpu.memory_space<vmem>> -> memref<16xi32, #tpu.memory_space<vmem>>
          %dma_wait3A_508 = arith.constant 0 : i32
          %dma_wait3A_509 = arith.constant 0 : i32
          %dma_wait3A_510 = arith.constant 0 : i32
          %dma_wait3A_511 = tpu.memref_slice %arg5[%dma_wait3A_508, %dma_wait3A_509, %dma_wait3A_510] : memref<32768x8x128xf32, #tpu.memory_space<hbm>> -> memref<32768x8x128xf32, #tpu.memory_space<hbm>>
          tpu.wait_indirect_dma semaphore(%arg23 : memref<!tpu.dma_semaphore, #tpu.memory_space<semaphore_mem>>) src(%dma_wait3A_504 : memref<16x8x128xf32, #tpu.memory_space<vmem>>) dst(%dma_wait3A_511 : memref<32768x8x128xf32, #tpu.memory_space<hbm>>)
        } else {
        }
        %mul3A_467 = arith.constant 16 : i32
        %mul3A_468 = arith.muli %add3A_385, %mul3A_467 : i32
        %add3A_469 = arith.constant 0 : i32
        %add3A_470 = arith.addi %mul3A_468, %add3A_469 : i32
        %get3A = arith.index_cast %add3A_470 : i32 to index
        %get3A_471 = tpu.vector_load %arg10[%get3A] {strides = array<i32>} : memref<1040xi32, #tpu.memory_space<vmem>>, vector<16xi32>,
        %swap3A_472 = arith.constant 2 : i32
        %swap3A_473 = arith.index_cast %swap3A_472 : i32 to index
        %swap3A_474 = arith.constant 0 : index
        %swap3A_475 = tpu.vector_load %arg12[%swap3A_473, %swap3A_474] {strides = array<i32>} : memref<6x16xi32, #tpu.memory_space<vmem>>, vector<16xi32>,
        tpu.vector_store %arg12[%swap3A_473, %swap3A_474], %get3A_471 {strides = array<i32>} : memref<6x16xi32, #tpu.memory_space<vmem>>, vector<16xi32>,
        %mul3A_476 = arith.constant 16 : i32
        %mul3A_477 = arith.muli %add3A_385, %mul3A_476 : i32
        %add3A_478 = arith.constant 0 : i32
        %add3A_479 = arith.addi %mul3A_477, %add3A_478 : i32
        %get3A_480 = arith.index_cast %add3A_479 : i32 to index
        %get3A_481 = tpu.vector_load %arg9[%get3A_480] {strides = array<i32>} : memref<1040xi32, #tpu.memory_space<vmem>>, vector<16xi32>,
        %swap3A_482 = arith.constant 2 : i32
        %swap3A_483 = arith.index_cast %swap3A_482 : i32 to index
        %swap3A_484 = arith.constant 0 : index
        %swap3A_485 = tpu.vector_load %arg13[%swap3A_483, %swap3A_484] {strides = array<i32>} : memref<6x16xi32, #tpu.memory_space<vmem>>, vector<16xi32>,
        tpu.vector_store %arg13[%swap3A_483, %swap3A_484], %get3A_481 {strides = array<i32>} : memref<6x16xi32, #tpu.memory_space<vmem>>, vector<16xi32>,
        %dma_start3A = arith.constant 2 : i32
        %dma_start3A_486 = arith.constant 2 : i32
        %dma_start3A_487 = arith.constant 0 : i32
        %dma_start3A_488 = arith.constant 0 : i32
        %dma_start3A_489 = arith.constant 0 : i32
        %dma_start3A_490 = tpu.memref_slice %arg14[%dma_start3A_486, %dma_start3A_487, %dma_start3A_488, %dma_start3A_489] : memref<6x16x8x128xf32, #tpu.memory_space<vmem>> -> memref<1x16x8x128xf32, #tpu.memory_space<vmem>>
        %dma_start3A_491 = tpu.memref_squeeze %dma_start3A_490 : memref<1x16x8x128xf32, #tpu.memory_space<vmem>> -> memref<16x8x128xf32, #tpu.memory_space<vmem>>
        %dma_start3A_492 = arith.constant 0 : i32
        %dma_start3A_493 = tpu.memref_slice %arg12[%dma_start3A, %dma_start3A_492] : memref<6x16xi32, #tpu.memory_space<vmem>> -> memref<1x16xi32, #tpu.memory_space<vmem>>
        %dma_start3A_494 = tpu.memref_squeeze %dma_start3A_493 : memref<1x16xi32, #tpu.memory_space<vmem>> -> memref<16xi32, #tpu.memory_space<vmem>>
        %dma_start3A_495 = arith.constant 0 : i32
        %dma_start3A_496 = arith.constant 0 : i32
        %dma_start3A_497 = arith.constant 0 : i32
        %dma_start3A_498 = tpu.memref_slice %arg2[%dma_start3A_495, %dma_start3A_496, %dma_start3A_497] : memref<16384x8x128xf32, #tpu.memory_space<hbm>> -> memref<16384x8x128xf32, #tpu.memory_space<hbm>>
        tpu.enqueue_indirect_dma source(%dma_start3A_498 : memref<16384x8x128xf32, #tpu.memory_space<hbm>>) target(%dma_start3A_491 : memref<16x8x128xf32, #tpu.memory_space<vmem>>) offsets(%dma_start3A_494 : memref<16xi32, #tpu.memory_space<vmem>>) semaphore(%arg17 : memref<!tpu.dma_semaphore, #tpu.memory_space<semaphore_mem>>)
      } else {
      }
      %mul3A_390 = arith.constant 6 : i32
      %mul3A_391 = arith.muli %mul3A_390, %add3A_366 : i32
      %add3A_392 = arith.constant 3 : i32
      %add3A_393 = arith.addi %mul3A_391, %add3A_392 : i32
      %lt3A_394 = arith.cmpi slt, %add3A_393, %select_n3A : i32
      %convert_element_type3A_395 = arith.extui %lt3A_394 : i1 to i32
      %cond3A_396 = arith.constant 0 : i32
      %cond3A_397 = arith.cmpi ne, %convert_element_type3A_395, %cond3A_396 : i32
      scf.if %cond3A_397 {
        %gt3A_462 = arith.constant 0 : i32
        %gt3A_463 = arith.cmpi sgt, %add3A_366, %gt3A_462 : i32
        %convert_element_type3A_464 = arith.extui %gt3A_463 : i1 to i32
        %cond3A_465 = arith.constant 0 : i32
        %cond3A_466 = arith.cmpi ne, %convert_element_type3A_464, %cond3A_465 : i32
        scf.if %cond3A_466 {
          %dma_wait3A = arith.constant 3 : i32
          %dma_wait3A_499 = arith.constant 3 : i32
          %dma_wait3A_500 = arith.constant 0 : i32
          %dma_wait3A_501 = arith.constant 0 : i32
          %dma_wait3A_502 = arith.constant 0 : i32
          %dma_wait3A_503 = tpu.memref_slice %arg14[%dma_wait3A, %dma_wait3A_500, %dma_wait3A_501, %dma_wait3A_502] : memref<6x16x8x128xf32, #tpu.memory_space<vmem>> -> memref<1x16x8x128xf32, #tpu.memory_space<vmem>>
          %dma_wait3A_504 = tpu.memref_squeeze %dma_wait3A_503 : memref<1x16x8x128xf32, #tpu.memory_space<vmem>> -> memref<16x8x128xf32, #tpu.memory_space<vmem>>
          %dma_wait3A_505 = arith.constant 0 : i32
          %dma_wait3A_506 = tpu.memref_slice %arg13[%dma_wait3A_499, %dma_wait3A_505] : memref<6x16xi32, #tpu.memory_space<vmem>> -> memref<1x16xi32, #tpu.memory_space<vmem>>
          %dma_wait3A_507 = tpu.memref_squeeze %dma_wait3A_506 : memref<1x16xi32, #tpu.memory_space<vmem>> -> memref<16xi32, #tpu.memory_space<vmem>>
          %dma_wait3A_508 = arith.constant 0 : i32
          %dma_wait3A_509 = arith.constant 0 : i32
          %dma_wait3A_510 = arith.constant 0 : i32
          %dma_wait3A_511 = tpu.memref_slice %arg5[%dma_wait3A_508, %dma_wait3A_509, %dma_wait3A_510] : memref<32768x8x128xf32, #tpu.memory_space<hbm>> -> memref<32768x8x128xf32, #tpu.memory_space<hbm>>
          tpu.wait_indirect_dma semaphore(%arg24 : memref<!tpu.dma_semaphore, #tpu.memory_space<semaphore_mem>>) src(%dma_wait3A_504 : memref<16x8x128xf32, #tpu.memory_space<vmem>>) dst(%dma_wait3A_511 : memref<32768x8x128xf32, #tpu.memory_space<hbm>>)
        } else {
        }
        %mul3A_467 = arith.constant 16 : i32
        %mul3A_468 = arith.muli %add3A_393, %mul3A_467 : i32
        %add3A_469 = arith.constant 0 : i32
        %add3A_470 = arith.addi %mul3A_468, %add3A_469 : i32
        %get3A = arith.index_cast %add3A_470 : i32 to index
        %get3A_471 = tpu.vector_load %arg10[%get3A] {strides = array<i32>} : memref<1040xi32, #tpu.memory_space<vmem>>, vector<16xi32>,
        %swap3A_472 = arith.constant 3 : i32
        %swap3A_473 = arith.index_cast %swap3A_472 : i32 to index
        %swap3A_474 = arith.constant 0 : index
        %swap3A_475 = tpu.vector_load %arg12[%swap3A_473, %swap3A_474] {strides = array<i32>} : memref<6x16xi32, #tpu.memory_space<vmem>>, vector<16xi32>,
        tpu.vector_store %arg12[%swap3A_473, %swap3A_474], %get3A_471 {strides = array<i32>} : memref<6x16xi32, #tpu.memory_space<vmem>>, vector<16xi32>,
        %mul3A_476 = arith.constant 16 : i32
        %mul3A_477 = arith.muli %add3A_393, %mul3A_476 : i32
        %add3A_478 = arith.constant 0 : i32
        %add3A_479 = arith.addi %mul3A_477, %add3A_478 : i32
        %get3A_480 = arith.index_cast %add3A_479 : i32 to index
        %get3A_481 = tpu.vector_load %arg9[%get3A_480] {strides = array<i32>} : memref<1040xi32, #tpu.memory_space<vmem>>, vector<16xi32>,
        %swap3A_482 = arith.constant 3 : i32
        %swap3A_483 = arith.index_cast %swap3A_482 : i32 to index
        %swap3A_484 = arith.constant 0 : index
        %swap3A_485 = tpu.vector_load %arg13[%swap3A_483, %swap3A_484] {strides = array<i32>} : memref<6x16xi32, #tpu.memory_space<vmem>>, vector<16xi32>,
        tpu.vector_store %arg13[%swap3A_483, %swap3A_484], %get3A_481 {strides = array<i32>} : memref<6x16xi32, #tpu.memory_space<vmem>>, vector<16xi32>,
        %dma_start3A = arith.constant 3 : i32
        %dma_start3A_486 = arith.constant 3 : i32
        %dma_start3A_487 = arith.constant 0 : i32
        %dma_start3A_488 = arith.constant 0 : i32
        %dma_start3A_489 = arith.constant 0 : i32
        %dma_start3A_490 = tpu.memref_slice %arg14[%dma_start3A_486, %dma_start3A_487, %dma_start3A_488, %dma_start3A_489] : memref<6x16x8x128xf32, #tpu.memory_space<vmem>> -> memref<1x16x8x128xf32, #tpu.memory_space<vmem>>
        %dma_start3A_491 = tpu.memref_squeeze %dma_start3A_490 : memref<1x16x8x128xf32, #tpu.memory_space<vmem>> -> memref<16x8x128xf32, #tpu.memory_space<vmem>>
        %dma_start3A_492 = arith.constant 0 : i32
        %dma_start3A_493 = tpu.memref_slice %arg12[%dma_start3A, %dma_start3A_492] : memref<6x16xi32, #tpu.memory_space<vmem>> -> memref<1x16xi32, #tpu.memory_space<vmem>>
        %dma_start3A_494 = tpu.memref_squeeze %dma_start3A_493 : memref<1x16xi32, #tpu.memory_space<vmem>> -> memref<16xi32, #tpu.memory_space<vmem>>
        %dma_start3A_495 = arith.constant 0 : i32
        %dma_start3A_496 = arith.constant 0 : i32
        %dma_start3A_497 = arith.constant 0 : i32
        %dma_start3A_498 = tpu.memref_slice %arg2[%dma_start3A_495, %dma_start3A_496, %dma_start3A_497] : memref<16384x8x128xf32, #tpu.memory_space<hbm>> -> memref<16384x8x128xf32, #tpu.memory_space<hbm>>
        tpu.enqueue_indirect_dma source(%dma_start3A_498 : memref<16384x8x128xf32, #tpu.memory_space<hbm>>) target(%dma_start3A_491 : memref<16x8x128xf32, #tpu.memory_space<vmem>>) offsets(%dma_start3A_494 : memref<16xi32, #tpu.memory_space<vmem>>) semaphore(%arg18 : memref<!tpu.dma_semaphore, #tpu.memory_space<semaphore_mem>>)
      } else {
      }
      %mul3A_398 = arith.constant 6 : i32
      %mul3A_399 = arith.muli %mul3A_398, %add3A_366 : i32
      %add3A_400 = arith.constant 4 : i32
      %add3A_401 = arith.addi %mul3A_399, %add3A_400 : i32
      %lt3A_402 = arith.cmpi slt, %add3A_401, %select_n3A : i32
      %convert_element_type3A_403 = arith.extui %lt3A_402 : i1 to i32
      %cond3A_404 = arith.constant 0 : i32
      %cond3A_405 = arith.cmpi ne, %convert_element_type3A_403, %cond3A_404 : i32
      scf.if %cond3A_405 {
        %gt3A_462 = arith.constant 0 : i32
        %gt3A_463 = arith.cmpi sgt, %add3A_366, %gt3A_462 : i32
        %convert_element_type3A_464 = arith.extui %gt3A_463 : i1 to i32
        %cond3A_465 = arith.constant 0 : i32
        %cond3A_466 = arith.cmpi ne, %convert_element_type3A_464, %cond3A_465 : i32
        scf.if %cond3A_466 {
          %dma_wait3A = arith.constant 4 : i32
          %dma_wait3A_499 = arith.constant 4 : i32
          %dma_wait3A_500 = arith.constant 0 : i32
          %dma_wait3A_501 = arith.constant 0 : i32
          %dma_wait3A_502 = arith.constant 0 : i32
          %dma_wait3A_503 = tpu.memref_slice %arg14[%dma_wait3A, %dma_wait3A_500, %dma_wait3A_501, %dma_wait3A_502] : memref<6x16x8x128xf32, #tpu.memory_space<vmem>> -> memref<1x16x8x128xf32, #tpu.memory_space<vmem>>
          %dma_wait3A_504 = tpu.memref_squeeze %dma_wait3A_503 : memref<1x16x8x128xf32, #tpu.memory_space<vmem>> -> memref<16x8x128xf32, #tpu.memory_space<vmem>>
          %dma_wait3A_505 = arith.constant 0 : i32
          %dma_wait3A_506 = tpu.memref_slice %arg13[%dma_wait3A_499, %dma_wait3A_505] : memref<6x16xi32, #tpu.memory_space<vmem>> -> memref<1x16xi32, #tpu.memory_space<vmem>>
          %dma_wait3A_507 = tpu.memref_squeeze %dma_wait3A_506 : memref<1x16xi32, #tpu.memory_space<vmem>> -> memref<16xi32, #tpu.memory_space<vmem>>
          %dma_wait3A_508 = arith.constant 0 : i32
          %dma_wait3A_509 = arith.constant 0 : i32
          %dma_wait3A_510 = arith.constant 0 : i32
          %dma_wait3A_511 = tpu.memref_slice %arg5[%dma_wait3A_508, %dma_wait3A_509, %dma_wait3A_510] : memref<32768x8x128xf32, #tpu.memory_space<hbm>> -> memref<32768x8x128xf32, #tpu.memory_space<hbm>>
          tpu.wait_indirect_dma semaphore(%arg25 : memref<!tpu.dma_semaphore, #tpu.memory_space<semaphore_mem>>) src(%dma_wait3A_504 : memref<16x8x128xf32, #tpu.memory_space<vmem>>) dst(%dma_wait3A_511 : memref<32768x8x128xf32, #tpu.memory_space<hbm>>)
        } else {
        }
        %mul3A_467 = arith.constant 16 : i32
        %mul3A_468 = arith.muli %add3A_401, %mul3A_467 : i32
        %add3A_469 = arith.constant 0 : i32
        %add3A_470 = arith.addi %mul3A_468, %add3A_469 : i32
        %get3A = arith.index_cast %add3A_470 : i32 to index
        %get3A_471 = tpu.vector_load %arg10[%get3A] {strides = array<i32>} : memref<1040xi32, #tpu.memory_space<vmem>>, vector<16xi32>,
        %swap3A_472 = arith.constant 4 : i32
        %swap3A_473 = arith.index_cast %swap3A_472 : i32 to index
        %swap3A_474 = arith.constant 0 : index
        %swap3A_475 = tpu.vector_load %arg12[%swap3A_473, %swap3A_474] {strides = array<i32>} : memref<6x16xi32, #tpu.memory_space<vmem>>, vector<16xi32>,
        tpu.vector_store %arg12[%swap3A_473, %swap3A_474], %get3A_471 {strides = array<i32>} : memref<6x16xi32, #tpu.memory_space<vmem>>, vector<16xi32>,
        %mul3A_476 = arith.constant 16 : i32
        %mul3A_477 = arith.muli %add3A_401, %mul3A_476 : i32
        %add3A_478 = arith.constant 0 : i32
        %add3A_479 = arith.addi %mul3A_477, %add3A_478 : i32
        %get3A_480 = arith.index_cast %add3A_479 : i32 to index
        %get3A_481 = tpu.vector_load %arg9[%get3A_480] {strides = array<i32>} : memref<1040xi32, #tpu.memory_space<vmem>>, vector<16xi32>,
        %swap3A_482 = arith.constant 4 : i32
        %swap3A_483 = arith.index_cast %swap3A_482 : i32 to index
        %swap3A_484 = arith.constant 0 : index
        %swap3A_485 = tpu.vector_load %arg13[%swap3A_483, %swap3A_484] {strides = array<i32>} : memref<6x16xi32, #tpu.memory_space<vmem>>, vector<16xi32>,
        tpu.vector_store %arg13[%swap3A_483, %swap3A_484], %get3A_481 {strides = array<i32>} : memref<6x16xi32, #tpu.memory_space<vmem>>, vector<16xi32>,
        %dma_start3A = arith.constant 4 : i32
        %dma_start3A_486 = arith.constant 4 : i32
        %dma_start3A_487 = arith.constant 0 : i32
        %dma_start3A_488 = arith.constant 0 : i32
        %dma_start3A_489 = arith.constant 0 : i32
        %dma_start3A_490 = tpu.memref_slice %arg14[%dma_start3A_486, %dma_start3A_487, %dma_start3A_488, %dma_start3A_489] : memref<6x16x8x128xf32, #tpu.memory_space<vmem>> -> memref<1x16x8x128xf32, #tpu.memory_space<vmem>>
        %dma_start3A_491 = tpu.memref_squeeze %dma_start3A_490 : memref<1x16x8x128xf32, #tpu.memory_space<vmem>> -> memref<16x8x128xf32, #tpu.memory_space<vmem>>
        %dma_start3A_492 = arith.constant 0 : i32
        %dma_start3A_493 = tpu.memref_slice %arg12[%dma_start3A, %dma_start3A_492] : memref<6x16xi32, #tpu.memory_space<vmem>> -> memref<1x16xi32, #tpu.memory_space<vmem>>
        %dma_start3A_494 = tpu.memref_squeeze %dma_start3A_493 : memref<1x16xi32, #tpu.memory_space<vmem>> -> memref<16xi32, #tpu.memory_space<vmem>>
        %dma_start3A_495 = arith.constant 0 : i32
        %dma_start3A_496 = arith.constant 0 : i32
        %dma_start3A_497 = arith.constant 0 : i32
        %dma_start3A_498 = tpu.memref_slice %arg2[%dma_start3A_495, %dma_start3A_496, %dma_start3A_497] : memref<16384x8x128xf32, #tpu.memory_space<hbm>> -> memref<16384x8x128xf32, #tpu.memory_space<hbm>>
        tpu.enqueue_indirect_dma source(%dma_start3A_498 : memref<16384x8x128xf32, #tpu.memory_space<hbm>>) target(%dma_start3A_491 : memref<16x8x128xf32, #tpu.memory_space<vmem>>) offsets(%dma_start3A_494 : memref<16xi32, #tpu.memory_space<vmem>>) semaphore(%arg19 : memref<!tpu.dma_semaphore, #tpu.memory_space<semaphore_mem>>)
      } else {
      }
      %mul3A_406 = arith.constant 6 : i32
      %mul3A_407 = arith.muli %mul3A_406, %add3A_366 : i32
      %add3A_408 = arith.constant 5 : i32
      %add3A_409 = arith.addi %mul3A_407, %add3A_408 : i32
      %lt3A_410 = arith.cmpi slt, %add3A_409, %select_n3A : i32
      %convert_element_type3A_411 = arith.extui %lt3A_410 : i1 to i32
      %cond3A_412 = arith.constant 0 : i32
      %cond3A_413 = arith.cmpi ne, %convert_element_type3A_411, %cond3A_412 : i32
      scf.if %cond3A_413 {
        %gt3A_462 = arith.constant 0 : i32
        %gt3A_463 = arith.cmpi sgt, %add3A_366, %gt3A_462 : i32
        %convert_element_type3A_464 = arith.extui %gt3A_463 : i1 to i32
        %cond3A_465 = arith.constant 0 : i32
        %cond3A_466 = arith.cmpi ne, %convert_element_type3A_464, %cond3A_465 : i32
        scf.if %cond3A_466 {
          %dma_wait3A = arith.constant 5 : i32
          %dma_wait3A_499 = arith.constant 5 : i32
          %dma_wait3A_500 = arith.constant 0 : i32
          %dma_wait3A_501 = arith.constant 0 : i32
          %dma_wait3A_502 = arith.constant 0 : i32
          %dma_wait3A_503 = tpu.memref_slice %arg14[%dma_wait3A, %dma_wait3A_500, %dma_wait3A_501, %dma_wait3A_502] : memref<6x16x8x128xf32, #tpu.memory_space<vmem>> -> memref<1x16x8x128xf32, #tpu.memory_space<vmem>>
          %dma_wait3A_504 = tpu.memref_squeeze %dma_wait3A_503 : memref<1x16x8x128xf32, #tpu.memory_space<vmem>> -> memref<16x8x128xf32, #tpu.memory_space<vmem>>
          %dma_wait3A_505 = arith.constant 0 : i32
          %dma_wait3A_506 = tpu.memref_slice %arg13[%dma_wait3A_499, %dma_wait3A_505] : memref<6x16xi32, #tpu.memory_space<vmem>> -> memref<1x16xi32, #tpu.memory_space<vmem>>
          %dma_wait3A_507 = tpu.memref_squeeze %dma_wait3A_506 : memref<1x16xi32, #tpu.memory_space<vmem>> -> memref<16xi32, #tpu.memory_space<vmem>>
          %dma_wait3A_508 = arith.constant 0 : i32
          %dma_wait3A_509 = arith.constant 0 : i32
          %dma_wait3A_510 = arith.constant 0 : i32
          %dma_wait3A_511 = tpu.memref_slice %arg5[%dma_wait3A_508, %dma_wait3A_509, %dma_wait3A_510] : memref<32768x8x128xf32, #tpu.memory_space<hbm>> -> memref<32768x8x128xf32, #tpu.memory_space<hbm>>
          tpu.wait_indirect_dma semaphore(%arg26 : memref<!tpu.dma_semaphore, #tpu.memory_space<semaphore_mem>>) src(%dma_wait3A_504 : memref<16x8x128xf32, #tpu.memory_space<vmem>>) dst(%dma_wait3A_511 : memref<32768x8x128xf32, #tpu.memory_space<hbm>>)
        } else {
        }
        %mul3A_467 = arith.constant 16 : i32
        %mul3A_468 = arith.muli %add3A_409, %mul3A_467 : i32
        %add3A_469 = arith.constant 0 : i32
        %add3A_470 = arith.addi %mul3A_468, %add3A_469 : i32
        %get3A = arith.index_cast %add3A_470 : i32 to index
        %get3A_471 = tpu.vector_load %arg10[%get3A] {strides = array<i32>} : memref<1040xi32, #tpu.memory_space<vmem>>, vector<16xi32>,
        %swap3A_472 = arith.constant 5 : i32
        %swap3A_473 = arith.index_cast %swap3A_472 : i32 to index
        %swap3A_474 = arith.constant 0 : index
        %swap3A_475 = tpu.vector_load %arg12[%swap3A_473, %swap3A_474] {strides = array<i32>} : memref<6x16xi32, #tpu.memory_space<vmem>>, vector<16xi32>,
        tpu.vector_store %arg12[%swap3A_473, %swap3A_474], %get3A_471 {strides = array<i32>} : memref<6x16xi32, #tpu.memory_space<vmem>>, vector<16xi32>,
        %mul3A_476 = arith.constant 16 : i32
        %mul3A_477 = arith.muli %add3A_409, %mul3A_476 : i32
        %add3A_478 = arith.constant 0 : i32
        %add3A_479 = arith.addi %mul3A_477, %add3A_478 : i32
        %get3A_480 = arith.index_cast %add3A_479 : i32 to index
        %get3A_481 = tpu.vector_load %arg9[%get3A_480] {strides = array<i32>} : memref<1040xi32, #tpu.memory_space<vmem>>, vector<16xi32>,
        %swap3A_482 = arith.constant 5 : i32
        %swap3A_483 = arith.index_cast %swap3A_482 : i32 to index
        %swap3A_484 = arith.constant 0 : index
        %swap3A_485 = tpu.vector_load %arg13[%swap3A_483, %swap3A_484] {strides = array<i32>} : memref<6x16xi32, #tpu.memory_space<vmem>>, vector<16xi32>,
        tpu.vector_store %arg13[%swap3A_483, %swap3A_484], %get3A_481 {strides = array<i32>} : memref<6x16xi32, #tpu.memory_space<vmem>>, vector<16xi32>,
        %dma_start3A = arith.constant 5 : i32
        %dma_start3A_486 = arith.constant 5 : i32
        %dma_start3A_487 = arith.constant 0 : i32
        %dma_start3A_488 = arith.constant 0 : i32
        %dma_start3A_489 = arith.constant 0 : i32
        %dma_start3A_490 = tpu.memref_slice %arg14[%dma_start3A_486, %dma_start3A_487, %dma_start3A_488, %dma_start3A_489] : memref<6x16x8x128xf32, #tpu.memory_space<vmem>> -> memref<1x16x8x128xf32, #tpu.memory_space<vmem>>
        %dma_start3A_491 = tpu.memref_squeeze %dma_start3A_490 : memref<1x16x8x128xf32, #tpu.memory_space<vmem>> -> memref<16x8x128xf32, #tpu.memory_space<vmem>>
        %dma_start3A_492 = arith.constant 0 : i32
        %dma_start3A_493 = tpu.memref_slice %arg12[%dma_start3A, %dma_start3A_492] : memref<6x16xi32, #tpu.memory_space<vmem>> -> memref<1x16xi32, #tpu.memory_space<vmem>>
        %dma_start3A_494 = tpu.memref_squeeze %dma_start3A_493 : memref<1x16xi32, #tpu.memory_space<vmem>> -> memref<16xi32, #tpu.memory_space<vmem>>
        %dma_start3A_495 = arith.constant 0 : i32
        %dma_start3A_496 = arith.constant 0 : i32
        %dma_start3A_497 = arith.constant 0 : i32
        %dma_start3A_498 = tpu.memref_slice %arg2[%dma_start3A_495, %dma_start3A_496, %dma_start3A_497] : memref<16384x8x128xf32, #tpu.memory_space<hbm>> -> memref<16384x8x128xf32, #tpu.memory_space<hbm>>
        tpu.enqueue_indirect_dma source(%dma_start3A_498 : memref<16384x8x128xf32, #tpu.memory_space<hbm>>) target(%dma_start3A_491 : memref<16x8x128xf32, #tpu.memory_space<vmem>>) offsets(%dma_start3A_494 : memref<16xi32, #tpu.memory_space<vmem>>) semaphore(%arg20 : memref<!tpu.dma_semaphore, #tpu.memory_space<semaphore_mem>>)
      } else {
      }
      %mul3A_414 = arith.constant 6 : i32
      %mul3A_415 = arith.muli %mul3A_414, %add3A_366 : i32
      %add3A_416 = arith.constant 0 : i32
      %add3A_417 = arith.addi %mul3A_415, %add3A_416 : i32
      %lt3A_418 = arith.cmpi slt, %add3A_417, %select_n3A : i32
      %convert_element_type3A_419 = arith.extui %lt3A_418 : i1 to i32
      %cond3A_420 = arith.constant 0 : i32
      %cond3A_421 = arith.cmpi ne, %convert_element_type3A_419, %cond3A_420 : i32
      scf.if %cond3A_421 {
        %dma_wait3A = arith.constant 0 : i32
        %dma_wait3A_462 = arith.constant 0 : i32
        %dma_wait3A_463 = arith.constant 0 : i32
        %dma_wait3A_464 = arith.constant 0 : i32
        %dma_wait3A_465 = arith.constant 0 : i32
        %dma_wait3A_466 = tpu.memref_slice %arg14[%dma_wait3A_462, %dma_wait3A_463, %dma_wait3A_464, %dma_wait3A_465] : memref<6x16x8x128xf32, #tpu.memory_space<vmem>> -> memref<1x16x8x128xf32, #tpu.memory_space<vmem>>
        %dma_wait3A_467 = tpu.memref_squeeze %dma_wait3A_466 : memref<1x16x8x128xf32, #tpu.memory_space<vmem>> -> memref<16x8x128xf32, #tpu.memory_space<vmem>>
        %dma_wait3A_468 = arith.constant 0 : i32
        %dma_wait3A_469 = tpu.memref_slice %arg12[%dma_wait3A, %dma_wait3A_468] : memref<6x16xi32, #tpu.memory_space<vmem>> -> memref<1x16xi32, #tpu.memory_space<vmem>>
        %dma_wait3A_470 = tpu.memref_squeeze %dma_wait3A_469 : memref<1x16xi32, #tpu.memory_space<vmem>> -> memref<16xi32, #tpu.memory_space<vmem>>
        %dma_wait3A_471 = arith.constant 0 : i32
        %dma_wait3A_472 = arith.constant 0 : i32
        %dma_wait3A_473 = arith.constant 0 : i32
        %dma_wait3A_474 = tpu.memref_slice %arg2[%dma_wait3A_471, %dma_wait3A_472, %dma_wait3A_473] : memref<16384x8x128xf32, #tpu.memory_space<hbm>> -> memref<16384x8x128xf32, #tpu.memory_space<hbm>>
        tpu.wait_indirect_dma semaphore(%arg15 : memref<!tpu.dma_semaphore, #tpu.memory_space<semaphore_mem>>) src(%dma_wait3A_474 : memref<16384x8x128xf32, #tpu.memory_space<hbm>>) dst(%dma_wait3A_467 : memref<16x8x128xf32, #tpu.memory_space<vmem>>)
        %dma_start3A = arith.constant 0 : i32
        %dma_start3A_475 = arith.constant 0 : i32
        %dma_start3A_476 = arith.constant 0 : i32
        %dma_start3A_477 = arith.constant 0 : i32
        %dma_start3A_478 = arith.constant 0 : i32
        %dma_start3A_479 = tpu.memref_slice %arg14[%dma_start3A, %dma_start3A_476, %dma_start3A_477, %dma_start3A_478] : memref<6x16x8x128xf32, #tpu.memory_space<vmem>> -> memref<1x16x8x128xf32, #tpu.memory_space<vmem>>
        %dma_start3A_480 = tpu.memref_squeeze %dma_start3A_479 : memref<1x16x8x128xf32, #tpu.memory_space<vmem>> -> memref<16x8x128xf32, #tpu.memory_space<vmem>>
        %dma_start3A_481 = arith.constant 0 : i32
        %dma_start3A_482 = tpu.memref_slice %arg13[%dma_start3A_475, %dma_start3A_481] : memref<6x16xi32, #tpu.memory_space<vmem>> -> memref<1x16xi32, #tpu.memory_space<vmem>>
        %dma_start3A_483 = tpu.memref_squeeze %dma_start3A_482 : memref<1x16xi32, #tpu.memory_space<vmem>> -> memref<16xi32, #tpu.memory_space<vmem>>
        %dma_start3A_484 = arith.constant 0 : i32
        %dma_start3A_485 = arith.constant 0 : i32
        %dma_start3A_486 = arith.constant 0 : i32
        %dma_start3A_487 = tpu.memref_slice %arg5[%dma_start3A_484, %dma_start3A_485, %dma_start3A_486] : memref<32768x8x128xf32, #tpu.memory_space<hbm>> -> memref<32768x8x128xf32, #tpu.memory_space<hbm>>
        tpu.enqueue_indirect_dma source(%dma_start3A_480 : memref<16x8x128xf32, #tpu.memory_space<vmem>>) target(%dma_start3A_487 : memref<32768x8x128xf32, #tpu.memory_space<hbm>>) offsets(%dma_start3A_483 : memref<16xi32, #tpu.memory_space<vmem>>) semaphore(%arg21 : memref<!tpu.dma_semaphore, #tpu.memory_space<semaphore_mem>>)
      } else {
      }
      %mul3A_422 = arith.constant 6 : i32
      %mul3A_423 = arith.muli %mul3A_422, %add3A_366 : i32
      %add3A_424 = arith.constant 1 : i32
      %add3A_425 = arith.addi %mul3A_423, %add3A_424 : i32
      %lt3A_426 = arith.cmpi slt, %add3A_425, %select_n3A : i32
      %convert_element_type3A_427 = arith.extui %lt3A_426 : i1 to i32
      %cond3A_428 = arith.constant 0 : i32
      %cond3A_429 = arith.cmpi ne, %convert_element_type3A_427, %cond3A_428 : i32
      scf.if %cond3A_429 {
        %dma_wait3A = arith.constant 1 : i32
        %dma_wait3A_462 = arith.constant 1 : i32
        %dma_wait3A_463 = arith.constant 0 : i32
        %dma_wait3A_464 = arith.constant 0 : i32
        %dma_wait3A_465 = arith.constant 0 : i32
        %dma_wait3A_466 = tpu.memref_slice %arg14[%dma_wait3A_462, %dma_wait3A_463, %dma_wait3A_464, %dma_wait3A_465] : memref<6x16x8x128xf32, #tpu.memory_space<vmem>> -> memref<1x16x8x128xf32, #tpu.memory_space<vmem>>
        %dma_wait3A_467 = tpu.memref_squeeze %dma_wait3A_466 : memref<1x16x8x128xf32, #tpu.memory_space<vmem>> -> memref<16x8x128xf32, #tpu.memory_space<vmem>>
        %dma_wait3A_468 = arith.constant 0 : i32
        %dma_wait3A_469 = tpu.memref_slice %arg12[%dma_wait3A, %dma_wait3A_468] : memref<6x16xi32, #tpu.memory_space<vmem>> -> memref<1x16xi32, #tpu.memory_space<vmem>>
        %dma_wait3A_470 = tpu.memref_squeeze %dma_wait3A_469 : memref<1x16xi32, #tpu.memory_space<vmem>> -> memref<16xi32, #tpu.memory_space<vmem>>
        %dma_wait3A_471 = arith.constant 0 : i32
        %dma_wait3A_472 = arith.constant 0 : i32
        %dma_wait3A_473 = arith.constant 0 : i32
        %dma_wait3A_474 = tpu.memref_slice %arg2[%dma_wait3A_471, %dma_wait3A_472, %dma_wait3A_473] : memref<16384x8x128xf32, #tpu.memory_space<hbm>> -> memref<16384x8x128xf32, #tpu.memory_space<hbm>>
        tpu.wait_indirect_dma semaphore(%arg16 : memref<!tpu.dma_semaphore, #tpu.memory_space<semaphore_mem>>) src(%dma_wait3A_474 : memref<16384x8x128xf32, #tpu.memory_space<hbm>>) dst(%dma_wait3A_467 : memref<16x8x128xf32, #tpu.memory_space<vmem>>)
        %dma_start3A = arith.constant 1 : i32
        %dma_start3A_475 = arith.constant 1 : i32
        %dma_start3A_476 = arith.constant 0 : i32
        %dma_start3A_477 = arith.constant 0 : i32
        %dma_start3A_478 = arith.constant 0 : i32
        %dma_start3A_479 = tpu.memref_slice %arg14[%dma_start3A, %dma_start3A_476, %dma_start3A_477, %dma_start3A_478] : memref<6x16x8x128xf32, #tpu.memory_space<vmem>> -> memref<1x16x8x128xf32, #tpu.memory_space<vmem>>
        %dma_start3A_480 = tpu.memref_squeeze %dma_start3A_479 : memref<1x16x8x128xf32, #tpu.memory_space<vmem>> -> memref<16x8x128xf32, #tpu.memory_space<vmem>>
        %dma_start3A_481 = arith.constant 0 : i32
        %dma_start3A_482 = tpu.memref_slice %arg13[%dma_start3A_475, %dma_start3A_481] : memref<6x16xi32, #tpu.memory_space<vmem>> -> memref<1x16xi32, #tpu.memory_space<vmem>>
        %dma_start3A_483 = tpu.memref_squeeze %dma_start3A_482 : memref<1x16xi32, #tpu.memory_space<vmem>> -> memref<16xi32, #tpu.memory_space<vmem>>
        %dma_start3A_484 = arith.constant 0 : i32
        %dma_start3A_485 = arith.constant 0 : i32
        %dma_start3A_486 = arith.constant 0 : i32
        %dma_start3A_487 = tpu.memref_slice %arg5[%dma_start3A_484, %dma_start3A_485, %dma_start3A_486] : memref<32768x8x128xf32, #tpu.memory_space<hbm>> -> memref<32768x8x128xf32, #tpu.memory_space<hbm>>
        tpu.enqueue_indirect_dma source(%dma_start3A_480 : memref<16x8x128xf32, #tpu.memory_space<vmem>>) target(%dma_start3A_487 : memref<32768x8x128xf32, #tpu.memory_space<hbm>>) offsets(%dma_start3A_483 : memref<16xi32, #tpu.memory_space<vmem>>) semaphore(%arg22 : memref<!tpu.dma_semaphore, #tpu.memory_space<semaphore_mem>>)
      } else {
      }
      %mul3A_430 = arith.constant 6 : i32
      %mul3A_431 = arith.muli %mul3A_430, %add3A_366 : i32
      %add3A_432 = arith.constant 2 : i32
      %add3A_433 = arith.addi %mul3A_431, %add3A_432 : i32
      %lt3A_434 = arith.cmpi slt, %add3A_433, %select_n3A : i32
      %convert_element_type3A_435 = arith.extui %lt3A_434 : i1 to i32
      %cond3A_436 = arith.constant 0 : i32
      %cond3A_437 = arith.cmpi ne, %convert_element_type3A_435, %cond3A_436 : i32
      scf.if %cond3A_437 {
        %dma_wait3A = arith.constant 2 : i32
        %dma_wait3A_462 = arith.constant 2 : i32
        %dma_wait3A_463 = arith.constant 0 : i32
        %dma_wait3A_464 = arith.constant 0 : i32
        %dma_wait3A_465 = arith.constant 0 : i32
        %dma_wait3A_466 = tpu.memref_slice %arg14[%dma_wait3A_462, %dma_wait3A_463, %dma_wait3A_464, %dma_wait3A_465] : memref<6x16x8x128xf32, #tpu.memory_space<vmem>> -> memref<1x16x8x128xf32, #tpu.memory_space<vmem>>
        %dma_wait3A_467 = tpu.memref_squeeze %dma_wait3A_466 : memref<1x16x8x128xf32, #tpu.memory_space<vmem>> -> memref<16x8x128xf32, #tpu.memory_space<vmem>>
        %dma_wait3A_468 = arith.constant 0 : i32
        %dma_wait3A_469 = tpu.memref_slice %arg12[%dma_wait3A, %dma_wait3A_468] : memref<6x16xi32, #tpu.memory_space<vmem>> -> memref<1x16xi32, #tpu.memory_space<vmem>>
        %dma_wait3A_470 = tpu.memref_squeeze %dma_wait3A_469 : memref<1x16xi32, #tpu.memory_space<vmem>> -> memref<16xi32, #tpu.memory_space<vmem>>
        %dma_wait3A_471 = arith.constant 0 : i32
        %dma_wait3A_472 = arith.constant 0 : i32
        %dma_wait3A_473 = arith.constant 0 : i32
        %dma_wait3A_474 = tpu.memref_slice %arg2[%dma_wait3A_471, %dma_wait3A_472, %dma_wait3A_473] : memref<16384x8x128xf32, #tpu.memory_space<hbm>> -> memref<16384x8x128xf32, #tpu.memory_space<hbm>>
        tpu.wait_indirect_dma semaphore(%arg17 : memref<!tpu.dma_semaphore, #tpu.memory_space<semaphore_mem>>) src(%dma_wait3A_474 : memref<16384x8x128xf32, #tpu.memory_space<hbm>>) dst(%dma_wait3A_467 : memref<16x8x128xf32, #tpu.memory_space<vmem>>)
        %dma_start3A = arith.constant 2 : i32
        %dma_start3A_475 = arith.constant 2 : i32
        %dma_start3A_476 = arith.constant 0 : i32
        %dma_start3A_477 = arith.constant 0 : i32
        %dma_start3A_478 = arith.constant 0 : i32
        %dma_start3A_479 = tpu.memref_slice %arg14[%dma_start3A, %dma_start3A_476, %dma_start3A_477, %dma_start3A_478] : memref<6x16x8x128xf32, #tpu.memory_space<vmem>> -> memref<1x16x8x128xf32, #tpu.memory_space<vmem>>
        %dma_start3A_480 = tpu.memref_squeeze %dma_start3A_479 : memref<1x16x8x128xf32, #tpu.memory_space<vmem>> -> memref<16x8x128xf32, #tpu.memory_space<vmem>>
        %dma_start3A_481 = arith.constant 0 : i32
        %dma_start3A_482 = tpu.memref_slice %arg13[%dma_start3A_475, %dma_start3A_481] : memref<6x16xi32, #tpu.memory_space<vmem>> -> memref<1x16xi32, #tpu.memory_space<vmem>>
        %dma_start3A_483 = tpu.memref_squeeze %dma_start3A_482 : memref<1x16xi32, #tpu.memory_space<vmem>> -> memref<16xi32, #tpu.memory_space<vmem>>
        %dma_start3A_484 = arith.constant 0 : i32
        %dma_start3A_485 = arith.constant 0 : i32
        %dma_start3A_486 = arith.constant 0 : i32
        %dma_start3A_487 = tpu.memref_slice %arg5[%dma_start3A_484, %dma_start3A_485, %dma_start3A_486] : memref<32768x8x128xf32, #tpu.memory_space<hbm>> -> memref<32768x8x128xf32, #tpu.memory_space<hbm>>
        tpu.enqueue_indirect_dma source(%dma_start3A_480 : memref<16x8x128xf32, #tpu.memory_space<vmem>>) target(%dma_start3A_487 : memref<32768x8x128xf32, #tpu.memory_space<hbm>>) offsets(%dma_start3A_483 : memref<16xi32, #tpu.memory_space<vmem>>) semaphore(%arg23 : memref<!tpu.dma_semaphore, #tpu.memory_space<semaphore_mem>>)
      } else {
      }
      %mul3A_438 = arith.constant 6 : i32
      %mul3A_439 = arith.muli %mul3A_438, %add3A_366 : i32
      %add3A_440 = arith.constant 3 : i32
      %add3A_441 = arith.addi %mul3A_439, %add3A_440 : i32
      %lt3A_442 = arith.cmpi slt, %add3A_441, %select_n3A : i32
      %convert_element_type3A_443 = arith.extui %lt3A_442 : i1 to i32
      %cond3A_444 = arith.constant 0 : i32
      %cond3A_445 = arith.cmpi ne, %convert_element_type3A_443, %cond3A_444 : i32
      scf.if %cond3A_445 {
        %dma_wait3A = arith.constant 3 : i32
        %dma_wait3A_462 = arith.constant 3 : i32
        %dma_wait3A_463 = arith.constant 0 : i32
        %dma_wait3A_464 = arith.constant 0 : i32
        %dma_wait3A_465 = arith.constant 0 : i32
        %dma_wait3A_466 = tpu.memref_slice %arg14[%dma_wait3A_462, %dma_wait3A_463, %dma_wait3A_464, %dma_wait3A_465] : memref<6x16x8x128xf32, #tpu.memory_space<vmem>> -> memref<1x16x8x128xf32, #tpu.memory_space<vmem>>
        %dma_wait3A_467 = tpu.memref_squeeze %dma_wait3A_466 : memref<1x16x8x128xf32, #tpu.memory_space<vmem>> -> memref<16x8x128xf32, #tpu.memory_space<vmem>>
        %dma_wait3A_468 = arith.constant 0 : i32
        %dma_wait3A_469 = tpu.memref_slice %arg12[%dma_wait3A, %dma_wait3A_468] : memref<6x16xi32, #tpu.memory_space<vmem>> -> memref<1x16xi32, #tpu.memory_space<vmem>>
        %dma_wait3A_470 = tpu.memref_squeeze %dma_wait3A_469 : memref<1x16xi32, #tpu.memory_space<vmem>> -> memref<16xi32, #tpu.memory_space<vmem>>
        %dma_wait3A_471 = arith.constant 0 : i32
        %dma_wait3A_472 = arith.constant 0 : i32
        %dma_wait3A_473 = arith.constant 0 : i32
        %dma_wait3A_474 = tpu.memref_slice %arg2[%dma_wait3A_471, %dma_wait3A_472, %dma_wait3A_473] : memref<16384x8x128xf32, #tpu.memory_space<hbm>> -> memref<16384x8x128xf32, #tpu.memory_space<hbm>>
        tpu.wait_indirect_dma semaphore(%arg18 : memref<!tpu.dma_semaphore, #tpu.memory_space<semaphore_mem>>) src(%dma_wait3A_474 : memref<16384x8x128xf32, #tpu.memory_space<hbm>>) dst(%dma_wait3A_467 : memref<16x8x128xf32, #tpu.memory_space<vmem>>)
        %dma_start3A = arith.constant 3 : i32
        %dma_start3A_475 = arith.constant 3 : i32
        %dma_start3A_476 = arith.constant 0 : i32
        %dma_start3A_477 = arith.constant 0 : i32
        %dma_start3A_478 = arith.constant 0 : i32
        %dma_start3A_479 = tpu.memref_slice %arg14[%dma_start3A, %dma_start3A_476, %dma_start3A_477, %dma_start3A_478] : memref<6x16x8x128xf32, #tpu.memory_space<vmem>> -> memref<1x16x8x128xf32, #tpu.memory_space<vmem>>
        %dma_start3A_480 = tpu.memref_squeeze %dma_start3A_479 : memref<1x16x8x128xf32, #tpu.memory_space<vmem>> -> memref<16x8x128xf32, #tpu.memory_space<vmem>>
        %dma_start3A_481 = arith.constant 0 : i32
        %dma_start3A_482 = tpu.memref_slice %arg13[%dma_start3A_475, %dma_start3A_481] : memref<6x16xi32, #tpu.memory_space<vmem>> -> memref<1x16xi32, #tpu.memory_space<vmem>>
        %dma_start3A_483 = tpu.memref_squeeze %dma_start3A_482 : memref<1x16xi32, #tpu.memory_space<vmem>> -> memref<16xi32, #tpu.memory_space<vmem>>
        %dma_start3A_484 = arith.constant 0 : i32
        %dma_start3A_485 = arith.constant 0 : i32
        %dma_start3A_486 = arith.constant 0 : i32
        %dma_start3A_487 = tpu.memref_slice %arg5[%dma_start3A_484, %dma_start3A_485, %dma_start3A_486] : memref<32768x8x128xf32, #tpu.memory_space<hbm>> -> memref<32768x8x128xf32, #tpu.memory_space<hbm>>
        tpu.enqueue_indirect_dma source(%dma_start3A_480 : memref<16x8x128xf32, #tpu.memory_space<vmem>>) target(%dma_start3A_487 : memref<32768x8x128xf32, #tpu.memory_space<hbm>>) offsets(%dma_start3A_483 : memref<16xi32, #tpu.memory_space<vmem>>) semaphore(%arg24 : memref<!tpu.dma_semaphore, #tpu.memory_space<semaphore_mem>>)
      } else {
      }
      %mul3A_446 = arith.constant 6 : i32
      %mul3A_447 = arith.muli %mul3A_446, %add3A_366 : i32
      %add3A_448 = arith.constant 4 : i32
      %add3A_449 = arith.addi %mul3A_447, %add3A_448 : i32
      %lt3A_450 = arith.cmpi slt, %add3A_449, %select_n3A : i32
      %convert_element_type3A_451 = arith.extui %lt3A_450 : i1 to i32
      %cond3A_452 = arith.constant 0 : i32
      %cond3A_453 = arith.cmpi ne, %convert_element_type3A_451, %cond3A_452 : i32
      scf.if %cond3A_453 {
        %dma_wait3A = arith.constant 4 : i32
        %dma_wait3A_462 = arith.constant 4 : i32
        %dma_wait3A_463 = arith.constant 0 : i32
        %dma_wait3A_464 = arith.constant 0 : i32
        %dma_wait3A_465 = arith.constant 0 : i32
        %dma_wait3A_466 = tpu.memref_slice %arg14[%dma_wait3A_462, %dma_wait3A_463, %dma_wait3A_464, %dma_wait3A_465] : memref<6x16x8x128xf32, #tpu.memory_space<vmem>> -> memref<1x16x8x128xf32, #tpu.memory_space<vmem>>
        %dma_wait3A_467 = tpu.memref_squeeze %dma_wait3A_466 : memref<1x16x8x128xf32, #tpu.memory_space<vmem>> -> memref<16x8x128xf32, #tpu.memory_space<vmem>>
        %dma_wait3A_468 = arith.constant 0 : i32
        %dma_wait3A_469 = tpu.memref_slice %arg12[%dma_wait3A, %dma_wait3A_468] : memref<6x16xi32, #tpu.memory_space<vmem>> -> memref<1x16xi32, #tpu.memory_space<vmem>>
        %dma_wait3A_470 = tpu.memref_squeeze %dma_wait3A_469 : memref<1x16xi32, #tpu.memory_space<vmem>> -> memref<16xi32, #tpu.memory_space<vmem>>
        %dma_wait3A_471 = arith.constant 0 : i32
        %dma_wait3A_472 = arith.constant 0 : i32
        %dma_wait3A_473 = arith.constant 0 : i32
        %dma_wait3A_474 = tpu.memref_slice %arg2[%dma_wait3A_471, %dma_wait3A_472, %dma_wait3A_473] : memref<16384x8x128xf32, #tpu.memory_space<hbm>> -> memref<16384x8x128xf32, #tpu.memory_space<hbm>>
        tpu.wait_indirect_dma semaphore(%arg19 : memref<!tpu.dma_semaphore, #tpu.memory_space<semaphore_mem>>) src(%dma_wait3A_474 : memref<16384x8x128xf32, #tpu.memory_space<hbm>>) dst(%dma_wait3A_467 : memref<16x8x128xf32, #tpu.memory_space<vmem>>)
        %dma_start3A = arith.constant 4 : i32
        %dma_start3A_475 = arith.constant 4 : i32
        %dma_start3A_476 = arith.constant 0 : i32
        %dma_start3A_477 = arith.constant 0 : i32
        %dma_start3A_478 = arith.constant 0 : i32
        %dma_start3A_479 = tpu.memref_slice %arg14[%dma_start3A, %dma_start3A_476, %dma_start3A_477, %dma_start3A_478] : memref<6x16x8x128xf32, #tpu.memory_space<vmem>> -> memref<1x16x8x128xf32, #tpu.memory_space<vmem>>
        %dma_start3A_480 = tpu.memref_squeeze %dma_start3A_479 : memref<1x16x8x128xf32, #tpu.memory_space<vmem>> -> memref<16x8x128xf32, #tpu.memory_space<vmem>>
        %dma_start3A_481 = arith.constant 0 : i32
        %dma_start3A_482 = tpu.memref_slice %arg13[%dma_start3A_475, %dma_start3A_481] : memref<6x16xi32, #tpu.memory_space<vmem>> -> memref<1x16xi32, #tpu.memory_space<vmem>>
        %dma_start3A_483 = tpu.memref_squeeze %dma_start3A_482 : memref<1x16xi32, #tpu.memory_space<vmem>> -> memref<16xi32, #tpu.memory_space<vmem>>
        %dma_start3A_484 = arith.constant 0 : i32
        %dma_start3A_485 = arith.constant 0 : i32
        %dma_start3A_486 = arith.constant 0 : i32
        %dma_start3A_487 = tpu.memref_slice %arg5[%dma_start3A_484, %dma_start3A_485, %dma_start3A_486] : memref<32768x8x128xf32, #tpu.memory_space<hbm>> -> memref<32768x8x128xf32, #tpu.memory_space<hbm>>
        tpu.enqueue_indirect_dma source(%dma_start3A_480 : memref<16x8x128xf32, #tpu.memory_space<vmem>>) target(%dma_start3A_487 : memref<32768x8x128xf32, #tpu.memory_space<hbm>>) offsets(%dma_start3A_483 : memref<16xi32, #tpu.memory_space<vmem>>) semaphore(%arg25 : memref<!tpu.dma_semaphore, #tpu.memory_space<semaphore_mem>>)
      } else {
      }
      %mul3A_454 = arith.constant 6 : i32
      %mul3A_455 = arith.muli %mul3A_454, %add3A_366 : i32
      %add3A_456 = arith.constant 5 : i32
      %add3A_457 = arith.addi %mul3A_455, %add3A_456 : i32
      %lt3A_458 = arith.cmpi slt, %add3A_457, %select_n3A : i32
      %convert_element_type3A_459 = arith.extui %lt3A_458 : i1 to i32
      %cond3A_460 = arith.constant 0 : i32
      %cond3A_461 = arith.cmpi ne, %convert_element_type3A_459, %cond3A_460 : i32
      scf.if %cond3A_461 {
        %dma_wait3A = arith.constant 5 : i32
        %dma_wait3A_462 = arith.constant 5 : i32
        %dma_wait3A_463 = arith.constant 0 : i32
        %dma_wait3A_464 = arith.constant 0 : i32
        %dma_wait3A_465 = arith.constant 0 : i32
        %dma_wait3A_466 = tpu.memref_slice %arg14[%dma_wait3A_462, %dma_wait3A_463, %dma_wait3A_464, %dma_wait3A_465] : memref<6x16x8x128xf32, #tpu.memory_space<vmem>> -> memref<1x16x8x128xf32, #tpu.memory_space<vmem>>
        %dma_wait3A_467 = tpu.memref_squeeze %dma_wait3A_466 : memref<1x16x8x128xf32, #tpu.memory_space<vmem>> -> memref<16x8x128xf32, #tpu.memory_space<vmem>>
        %dma_wait3A_468 = arith.constant 0 : i32
        %dma_wait3A_469 = tpu.memref_slice %arg12[%dma_wait3A, %dma_wait3A_468] : memref<6x16xi32, #tpu.memory_space<vmem>> -> memref<1x16xi32, #tpu.memory_space<vmem>>
        %dma_wait3A_470 = tpu.memref_squeeze %dma_wait3A_469 : memref<1x16xi32, #tpu.memory_space<vmem>> -> memref<16xi32, #tpu.memory_space<vmem>>
        %dma_wait3A_471 = arith.constant 0 : i32
        %dma_wait3A_472 = arith.constant 0 : i32
        %dma_wait3A_473 = arith.constant 0 : i32
        %dma_wait3A_474 = tpu.memref_slice %arg2[%dma_wait3A_471, %dma_wait3A_472, %dma_wait3A_473] : memref<16384x8x128xf32, #tpu.memory_space<hbm>> -> memref<16384x8x128xf32, #tpu.memory_space<hbm>>
        tpu.wait_indirect_dma semaphore(%arg20 : memref<!tpu.dma_semaphore, #tpu.memory_space<semaphore_mem>>) src(%dma_wait3A_474 : memref<16384x8x128xf32, #tpu.memory_space<hbm>>) dst(%dma_wait3A_467 : memref<16x8x128xf32, #tpu.memory_space<vmem>>)
        %dma_start3A = arith.constant 5 : i32
        %dma_start3A_475 = arith.constant 5 : i32
        %dma_start3A_476 = arith.constant 0 : i32
        %dma_start3A_477 = arith.constant 0 : i32
        %dma_start3A_478 = arith.constant 0 : i32
        %dma_start3A_479 = tpu.memref_slice %arg14[%dma_start3A, %dma_start3A_476, %dma_start3A_477, %dma_start3A_478] : memref<6x16x8x128xf32, #tpu.memory_space<vmem>> -> memref<1x16x8x128xf32, #tpu.memory_space<vmem>>
        %dma_start3A_480 = tpu.memref_squeeze %dma_start3A_479 : memref<1x16x8x128xf32, #tpu.memory_space<vmem>> -> memref<16x8x128xf32, #tpu.memory_space<vmem>>
        %dma_start3A_481 = arith.constant 0 : i32
        %dma_start3A_482 = tpu.memref_slice %arg13[%dma_start3A_475, %dma_start3A_481] : memref<6x16xi32, #tpu.memory_space<vmem>> -> memref<1x16xi32, #tpu.memory_space<vmem>>
        %dma_start3A_483 = tpu.memref_squeeze %dma_start3A_482 : memref<1x16xi32, #tpu.memory_space<vmem>> -> memref<16xi32, #tpu.memory_space<vmem>>
        %dma_start3A_484 = arith.constant 0 : i32
        %dma_start3A_485 = arith.constant 0 : i32
        %dma_start3A_486 = arith.constant 0 : i32
        %dma_start3A_487 = tpu.memref_slice %arg5[%dma_start3A_484, %dma_start3A_485, %dma_start3A_486] : memref<32768x8x128xf32, #tpu.memory_space<hbm>> -> memref<32768x8x128xf32, #tpu.memory_space<hbm>>
        tpu.enqueue_indirect_dma source(%dma_start3A_480 : memref<16x8x128xf32, #tpu.memory_space<vmem>>) target(%dma_start3A_487 : memref<32768x8x128xf32, #tpu.memory_space<hbm>>) offsets(%dma_start3A_483 : memref<16xi32, #tpu.memory_space<vmem>>) semaphore(%arg26 : memref<!tpu.dma_semaphore, #tpu.memory_space<semaphore_mem>>)
      } else {
      }
    }
    %while3A_231 = arith.constant 1 : i32
    scf.for %while3A_364 = %while3A_229 to %while3A_225 step %while3A_231  : i32 {
      %mul3A_365 = arith.muli %while3A_364, %while3A : i32
      %add3A_366 = arith.addi %while3A_222, %mul3A_365 : i32
      %mul3A_367 = arith.constant 6 : i32
      %mul3A_368 = arith.muli %mul3A_367, %add3A_366 : i32
      %add3A_369 = arith.constant 0 : i32
      %add3A_370 = arith.addi %mul3A_368, %add3A_369 : i32
      %lt3A = arith.cmpi slt, %add3A_370, %select_n3A : i32
      %convert_element_type3A_371 = arith.extui %lt3A : i1 to i32
      %cond3A_372 = arith.constant 0 : i32
      %cond3A_373 = arith.cmpi ne, %convert_element_type3A_371, %cond3A_372 : i32
      scf.if %cond3A_373 {
        %gt3A_462 = arith.constant 0 : i32
        %gt3A_463 = arith.cmpi sgt, %add3A_366, %gt3A_462 : i32
        %convert_element_type3A_464 = arith.extui %gt3A_463 : i1 to i32
        %cond3A_465 = arith.constant 0 : i32
        %cond3A_466 = arith.cmpi ne, %convert_element_type3A_464, %cond3A_465 : i32
        scf.if %cond3A_466 {
          %dma_wait3A = arith.constant 0 : i32
          %dma_wait3A_499 = arith.constant 0 : i32
          %dma_wait3A_500 = arith.constant 0 : i32
          %dma_wait3A_501 = arith.constant 0 : i32
          %dma_wait3A_502 = arith.constant 0 : i32
          %dma_wait3A_503 = tpu.memref_slice %arg14[%dma_wait3A, %dma_wait3A_500, %dma_wait3A_501, %dma_wait3A_502] : memref<6x16x8x128xf32, #tpu.memory_space<vmem>> -> memref<1x16x8x128xf32, #tpu.memory_space<vmem>>
          %dma_wait3A_504 = tpu.memref_squeeze %dma_wait3A_503 : memref<1x16x8x128xf32, #tpu.memory_space<vmem>> -> memref<16x8x128xf32, #tpu.memory_space<vmem>>
          %dma_wait3A_505 = arith.constant 0 : i32
          %dma_wait3A_506 = tpu.memref_slice %arg13[%dma_wait3A_499, %dma_wait3A_505] : memref<6x16xi32, #tpu.memory_space<vmem>> -> memref<1x16xi32, #tpu.memory_space<vmem>>
          %dma_wait3A_507 = tpu.memref_squeeze %dma_wait3A_506 : memref<1x16xi32, #tpu.memory_space<vmem>> -> memref<16xi32, #tpu.memory_space<vmem>>
          %dma_wait3A_508 = arith.constant 0 : i32
          %dma_wait3A_509 = arith.constant 0 : i32
          %dma_wait3A_510 = arith.constant 0 : i32
          %dma_wait3A_511 = tpu.memref_slice %arg5[%dma_wait3A_508, %dma_wait3A_509, %dma_wait3A_510] : memref<32768x8x128xf32, #tpu.memory_space<hbm>> -> memref<32768x8x128xf32, #tpu.memory_space<hbm>>
          tpu.wait_indirect_dma semaphore(%arg21 : memref<!tpu.dma_semaphore, #tpu.memory_space<semaphore_mem>>) src(%dma_wait3A_504 : memref<16x8x128xf32, #tpu.memory_space<vmem>>) dst(%dma_wait3A_511 : memref<32768x8x128xf32, #tpu.memory_space<hbm>>)
        } else {
        }
        %mul3A_467 = arith.constant 16 : i32
        %mul3A_468 = arith.muli %add3A_370, %mul3A_467 : i32
        %add3A_469 = arith.constant 0 : i32
        %add3A_470 = arith.addi %mul3A_468, %add3A_469 : i32
        %get3A = arith.index_cast %add3A_470 : i32 to index
        %get3A_471 = tpu.vector_load %arg10[%get3A] {strides = array<i32>} : memref<1040xi32, #tpu.memory_space<vmem>>, vector<16xi32>,
        %swap3A_472 = arith.constant 0 : i32
        %swap3A_473 = arith.index_cast %swap3A_472 : i32 to index
        %swap3A_474 = arith.constant 0 : index
        %swap3A_475 = tpu.vector_load %arg12[%swap3A_473, %swap3A_474] {strides = array<i32>} : memref<6x16xi32, #tpu.memory_space<vmem>>, vector<16xi32>,
        tpu.vector_store %arg12[%swap3A_473, %swap3A_474], %get3A_471 {strides = array<i32>} : memref<6x16xi32, #tpu.memory_space<vmem>>, vector<16xi32>,
        %mul3A_476 = arith.constant 16 : i32
        %mul3A_477 = arith.muli %add3A_370, %mul3A_476 : i32
        %add3A_478 = arith.constant 0 : i32
        %add3A_479 = arith.addi %mul3A_477, %add3A_478 : i32
        %get3A_480 = arith.index_cast %add3A_479 : i32 to index
        %get3A_481 = tpu.vector_load %arg9[%get3A_480] {strides = array<i32>} : memref<1040xi32, #tpu.memory_space<vmem>>, vector<16xi32>,
        %swap3A_482 = arith.constant 0 : i32
        %swap3A_483 = arith.index_cast %swap3A_482 : i32 to index
        %swap3A_484 = arith.constant 0 : index
        %swap3A_485 = tpu.vector_load %arg13[%swap3A_483, %swap3A_484] {strides = array<i32>} : memref<6x16xi32, #tpu.memory_space<vmem>>, vector<16xi32>,
        tpu.vector_store %arg13[%swap3A_483, %swap3A_484], %get3A_481 {strides = array<i32>} : memref<6x16xi32, #tpu.memory_space<vmem>>, vector<16xi32>,
        %dma_start3A = arith.constant 0 : i32
        %dma_start3A_486 = arith.constant 0 : i32
        %dma_start3A_487 = arith.constant 0 : i32
        %dma_start3A_488 = arith.constant 0 : i32
        %dma_start3A_489 = arith.constant 0 : i32
        %dma_start3A_490 = tpu.memref_slice %arg14[%dma_start3A_486, %dma_start3A_487, %dma_start3A_488, %dma_start3A_489] : memref<6x16x8x128xf32, #tpu.memory_space<vmem>> -> memref<1x16x8x128xf32, #tpu.memory_space<vmem>>
        %dma_start3A_491 = tpu.memref_squeeze %dma_start3A_490 : memref<1x16x8x128xf32, #tpu.memory_space<vmem>> -> memref<16x8x128xf32, #tpu.memory_space<vmem>>
        %dma_start3A_492 = arith.constant 0 : i32
        %dma_start3A_493 = tpu.memref_slice %arg12[%dma_start3A, %dma_start3A_492] : memref<6x16xi32, #tpu.memory_space<vmem>> -> memref<1x16xi32, #tpu.memory_space<vmem>>
        %dma_start3A_494 = tpu.memref_squeeze %dma_start3A_493 : memref<1x16xi32, #tpu.memory_space<vmem>> -> memref<16xi32, #tpu.memory_space<vmem>>
        %dma_start3A_495 = arith.constant 0 : i32
        %dma_start3A_496 = arith.constant 0 : i32
        %dma_start3A_497 = arith.constant 0 : i32
        %dma_start3A_498 = tpu.memref_slice %arg2[%dma_start3A_495, %dma_start3A_496, %dma_start3A_497] : memref<16384x8x128xf32, #tpu.memory_space<hbm>> -> memref<16384x8x128xf32, #tpu.memory_space<hbm>>
        tpu.enqueue_indirect_dma source(%dma_start3A_498 : memref<16384x8x128xf32, #tpu.memory_space<hbm>>) target(%dma_start3A_491 : memref<16x8x128xf32, #tpu.memory_space<vmem>>) offsets(%dma_start3A_494 : memref<16xi32, #tpu.memory_space<vmem>>) semaphore(%arg15 : memref<!tpu.dma_semaphore, #tpu.memory_space<semaphore_mem>>)
      } else {
      }
      %mul3A_374 = arith.constant 6 : i32
      %mul3A_375 = arith.muli %mul3A_374, %add3A_366 : i32
      %add3A_376 = arith.constant 1 : i32
      %add3A_377 = arith.addi %mul3A_375, %add3A_376 : i32
      %lt3A_378 = arith.cmpi slt, %add3A_377, %select_n3A : i32
      %convert_element_type3A_379 = arith.extui %lt3A_378 : i1 to i32
      %cond3A_380 = arith.constant 0 : i32
      %cond3A_381 = arith.cmpi ne, %convert_element_type3A_379, %cond3A_380 : i32
      scf.if %cond3A_381 {
        %gt3A_462 = arith.constant 0 : i32
        %gt3A_463 = arith.cmpi sgt, %add3A_366, %gt3A_462 : i32
        %convert_element_type3A_464 = arith.extui %gt3A_463 : i1 to i32
        %cond3A_465 = arith.constant 0 : i32
        %cond3A_466 = arith.cmpi ne, %convert_element_type3A_464, %cond3A_465 : i32
        scf.if %cond3A_466 {
          %dma_wait3A = arith.constant 1 : i32
          %dma_wait3A_499 = arith.constant 1 : i32
          %dma_wait3A_500 = arith.constant 0 : i32
          %dma_wait3A_501 = arith.constant 0 : i32
          %dma_wait3A_502 = arith.constant 0 : i32
          %dma_wait3A_503 = tpu.memref_slice %arg14[%dma_wait3A, %dma_wait3A_500, %dma_wait3A_501, %dma_wait3A_502] : memref<6x16x8x128xf32, #tpu.memory_space<vmem>> -> memref<1x16x8x128xf32, #tpu.memory_space<vmem>>
          %dma_wait3A_504 = tpu.memref_squeeze %dma_wait3A_503 : memref<1x16x8x128xf32, #tpu.memory_space<vmem>> -> memref<16x8x128xf32, #tpu.memory_space<vmem>>
          %dma_wait3A_505 = arith.constant 0 : i32
          %dma_wait3A_506 = tpu.memref_slice %arg13[%dma_wait3A_499, %dma_wait3A_505] : memref<6x16xi32, #tpu.memory_space<vmem>> -> memref<1x16xi32, #tpu.memory_space<vmem>>
          %dma_wait3A_507 = tpu.memref_squeeze %dma_wait3A_506 : memref<1x16xi32, #tpu.memory_space<vmem>> -> memref<16xi32, #tpu.memory_space<vmem>>
          %dma_wait3A_508 = arith.constant 0 : i32
          %dma_wait3A_509 = arith.constant 0 : i32
          %dma_wait3A_510 = arith.constant 0 : i32
          %dma_wait3A_511 = tpu.memref_slice %arg5[%dma_wait3A_508, %dma_wait3A_509, %dma_wait3A_510] : memref<32768x8x128xf32, #tpu.memory_space<hbm>> -> memref<32768x8x128xf32, #tpu.memory_space<hbm>>
          tpu.wait_indirect_dma semaphore(%arg22 : memref<!tpu.dma_semaphore, #tpu.memory_space<semaphore_mem>>) src(%dma_wait3A_504 : memref<16x8x128xf32, #tpu.memory_space<vmem>>) dst(%dma_wait3A_511 : memref<32768x8x128xf32, #tpu.memory_space<hbm>>)
        } else {
        }
        %mul3A_467 = arith.constant 16 : i32
        %mul3A_468 = arith.muli %add3A_377, %mul3A_467 : i32
        %add3A_469 = arith.constant 0 : i32
        %add3A_470 = arith.addi %mul3A_468, %add3A_469 : i32
        %get3A = arith.index_cast %add3A_470 : i32 to index
        %get3A_471 = tpu.vector_load %arg10[%get3A] {strides = array<i32>} : memref<1040xi32, #tpu.memory_space<vmem>>, vector<16xi32>,
        %swap3A_472 = arith.constant 1 : i32
        %swap3A_473 = arith.index_cast %swap3A_472 : i32 to index
        %swap3A_474 = arith.constant 0 : index
        %swap3A_475 = tpu.vector_load %arg12[%swap3A_473, %swap3A_474] {strides = array<i32>} : memref<6x16xi32, #tpu.memory_space<vmem>>, vector<16xi32>,
        tpu.vector_store %arg12[%swap3A_473, %swap3A_474], %get3A_471 {strides = array<i32>} : memref<6x16xi32, #tpu.memory_space<vmem>>, vector<16xi32>,
        %mul3A_476 = arith.constant 16 : i32
        %mul3A_477 = arith.muli %add3A_377, %mul3A_476 : i32
        %add3A_478 = arith.constant 0 : i32
        %add3A_479 = arith.addi %mul3A_477, %add3A_478 : i32
        %get3A_480 = arith.index_cast %add3A_479 : i32 to index
        %get3A_481 = tpu.vector_load %arg9[%get3A_480] {strides = array<i32>} : memref<1040xi32, #tpu.memory_space<vmem>>, vector<16xi32>,
        %swap3A_482 = arith.constant 1 : i32
        %swap3A_483 = arith.index_cast %swap3A_482 : i32 to index
        %swap3A_484 = arith.constant 0 : index
        %swap3A_485 = tpu.vector_load %arg13[%swap3A_483, %swap3A_484] {strides = array<i32>} : memref<6x16xi32, #tpu.memory_space<vmem>>, vector<16xi32>,
        tpu.vector_store %arg13[%swap3A_483, %swap3A_484], %get3A_481 {strides = array<i32>} : memref<6x16xi32, #tpu.memory_space<vmem>>, vector<16xi32>,
        %dma_start3A = arith.constant 1 : i32
        %dma_start3A_486 = arith.constant 1 : i32
        %dma_start3A_487 = arith.constant 0 : i32
        %dma_start3A_488 = arith.constant 0 : i32
        %dma_start3A_489 = arith.constant 0 : i32
        %dma_start3A_490 = tpu.memref_slice %arg14[%dma_start3A_486, %dma_start3A_487, %dma_start3A_488, %dma_start3A_489] : memref<6x16x8x128xf32, #tpu.memory_space<vmem>> -> memref<1x16x8x128xf32, #tpu.memory_space<vmem>>
        %dma_start3A_491 = tpu.memref_squeeze %dma_start3A_490 : memref<1x16x8x128xf32, #tpu.memory_space<vmem>> -> memref<16x8x128xf32, #tpu.memory_space<vmem>>
        %dma_start3A_492 = arith.constant 0 : i32
        %dma_start3A_493 = tpu.memref_slice %arg12[%dma_start3A, %dma_start3A_492] : memref<6x16xi32, #tpu.memory_space<vmem>> -> memref<1x16xi32, #tpu.memory_space<vmem>>
        %dma_start3A_494 = tpu.memref_squeeze %dma_start3A_493 : memref<1x16xi32, #tpu.memory_space<vmem>> -> memref<16xi32, #tpu.memory_space<vmem>>
        %dma_start3A_495 = arith.constant 0 : i32
        %dma_start3A_496 = arith.constant 0 : i32
        %dma_start3A_497 = arith.constant 0 : i32
        %dma_start3A_498 = tpu.memref_slice %arg2[%dma_start3A_495, %dma_start3A_496, %dma_start3A_497] : memref<16384x8x128xf32, #tpu.memory_space<hbm>> -> memref<16384x8x128xf32, #tpu.memory_space<hbm>>
        tpu.enqueue_indirect_dma source(%dma_start3A_498 : memref<16384x8x128xf32, #tpu.memory_space<hbm>>) target(%dma_start3A_491 : memref<16x8x128xf32, #tpu.memory_space<vmem>>) offsets(%dma_start3A_494 : memref<16xi32, #tpu.memory_space<vmem>>) semaphore(%arg16 : memref<!tpu.dma_semaphore, #tpu.memory_space<semaphore_mem>>)
      } else {
      }
      %mul3A_382 = arith.constant 6 : i32
      %mul3A_383 = arith.muli %mul3A_382, %add3A_366 : i32
      %add3A_384 = arith.constant 2 : i32
      %add3A_385 = arith.addi %mul3A_383, %add3A_384 : i32
      %lt3A_386 = arith.cmpi slt, %add3A_385, %select_n3A : i32
      %convert_element_type3A_387 = arith.extui %lt3A_386 : i1 to i32
      %cond3A_388 = arith.constant 0 : i32
      %cond3A_389 = arith.cmpi ne, %convert_element_type3A_387, %cond3A_388 : i32
      scf.if %cond3A_389 {
        %gt3A_462 = arith.constant 0 : i32
        %gt3A_463 = arith.cmpi sgt, %add3A_366, %gt3A_462 : i32
        %convert_element_type3A_464 = arith.extui %gt3A_463 : i1 to i32
        %cond3A_465 = arith.constant 0 : i32
        %cond3A_466 = arith.cmpi ne, %convert_element_type3A_464, %cond3A_465 : i32
        scf.if %cond3A_466 {
          %dma_wait3A = arith.constant 2 : i32
          %dma_wait3A_499 = arith.constant 2 : i32
          %dma_wait3A_500 = arith.constant 0 : i32
          %dma_wait3A_501 = arith.constant 0 : i32
          %dma_wait3A_502 = arith.constant 0 : i32
          %dma_wait3A_503 = tpu.memref_slice %arg14[%dma_wait3A, %dma_wait3A_500, %dma_wait3A_501, %dma_wait3A_502] : memref<6x16x8x128xf32, #tpu.memory_space<vmem>> -> memref<1x16x8x128xf32, #tpu.memory_space<vmem>>
          %dma_wait3A_504 = tpu.memref_squeeze %dma_wait3A_503 : memref<1x16x8x128xf32, #tpu.memory_space<vmem>> -> memref<16x8x128xf32, #tpu.memory_space<vmem>>
          %dma_wait3A_505 = arith.constant 0 : i32
          %dma_wait3A_506 = tpu.memref_slice %arg13[%dma_wait3A_499, %dma_wait3A_505] : memref<6x16xi32, #tpu.memory_space<vmem>> -> memref<1x16xi32, #tpu.memory_space<vmem>>
          %dma_wait3A_507 = tpu.memref_squeeze %dma_wait3A_506 : memref<1x16xi32, #tpu.memory_space<vmem>> -> memref<16xi32, #tpu.memory_space<vmem>>
          %dma_wait3A_508 = arith.constant 0 : i32
          %dma_wait3A_509 = arith.constant 0 : i32
          %dma_wait3A_510 = arith.constant 0 : i32
          %dma_wait3A_511 = tpu.memref_slice %arg5[%dma_wait3A_508, %dma_wait3A_509, %dma_wait3A_510] : memref<32768x8x128xf32, #tpu.memory_space<hbm>> -> memref<32768x8x128xf32, #tpu.memory_space<hbm>>
          tpu.wait_indirect_dma semaphore(%arg23 : memref<!tpu.dma_semaphore, #tpu.memory_space<semaphore_mem>>) src(%dma_wait3A_504 : memref<16x8x128xf32, #tpu.memory_space<vmem>>) dst(%dma_wait3A_511 : memref<32768x8x128xf32, #tpu.memory_space<hbm>>)
        } else {
        }
        %mul3A_467 = arith.constant 16 : i32
        %mul3A_468 = arith.muli %add3A_385, %mul3A_467 : i32
        %add3A_469 = arith.constant 0 : i32
        %add3A_470 = arith.addi %mul3A_468, %add3A_469 : i32
        %get3A = arith.index_cast %add3A_470 : i32 to index
        %get3A_471 = tpu.vector_load %arg10[%get3A] {strides = array<i32>} : memref<1040xi32, #tpu.memory_space<vmem>>, vector<16xi32>,
        %swap3A_472 = arith.constant 2 : i32
        %swap3A_473 = arith.index_cast %swap3A_472 : i32 to index
        %swap3A_474 = arith.constant 0 : index
        %swap3A_475 = tpu.vector_load %arg12[%swap3A_473, %swap3A_474] {strides = array<i32>} : memref<6x16xi32, #tpu.memory_space<vmem>>, vector<16xi32>,
        tpu.vector_store %arg12[%swap3A_473, %swap3A_474], %get3A_471 {strides = array<i32>} : memref<6x16xi32, #tpu.memory_space<vmem>>, vector<16xi32>,
        %mul3A_476 = arith.constant 16 : i32
        %mul3A_477 = arith.muli %add3A_385, %mul3A_476 : i32
        %add3A_478 = arith.constant 0 : i32
        %add3A_479 = arith.addi %mul3A_477, %add3A_478 : i32
        %get3A_480 = arith.index_cast %add3A_479 : i32 to index
        %get3A_481 = tpu.vector_load %arg9[%get3A_480] {strides = array<i32>} : memref<1040xi32, #tpu.memory_space<vmem>>, vector<16xi32>,
        %swap3A_482 = arith.constant 2 : i32
        %swap3A_483 = arith.index_cast %swap3A_482 : i32 to index
        %swap3A_484 = arith.constant 0 : index
        %swap3A_485 = tpu.vector_load %arg13[%swap3A_483, %swap3A_484] {strides = array<i32>} : memref<6x16xi32, #tpu.memory_space<vmem>>, vector<16xi32>,
        tpu.vector_store %arg13[%swap3A_483, %swap3A_484], %get3A_481 {strides = array<i32>} : memref<6x16xi32, #tpu.memory_space<vmem>>, vector<16xi32>,
        %dma_start3A = arith.constant 2 : i32
        %dma_start3A_486 = arith.constant 2 : i32
        %dma_start3A_487 = arith.constant 0 : i32
        %dma_start3A_488 = arith.constant 0 : i32
        %dma_start3A_489 = arith.constant 0 : i32
        %dma_start3A_490 = tpu.memref_slice %arg14[%dma_start3A_486, %dma_start3A_487, %dma_start3A_488, %dma_start3A_489] : memref<6x16x8x128xf32, #tpu.memory_space<vmem>> -> memref<1x16x8x128xf32, #tpu.memory_space<vmem>>
        %dma_start3A_491 = tpu.memref_squeeze %dma_start3A_490 : memref<1x16x8x128xf32, #tpu.memory_space<vmem>> -> memref<16x8x128xf32, #tpu.memory_space<vmem>>
        %dma_start3A_492 = arith.constant 0 : i32
        %dma_start3A_493 = tpu.memref_slice %arg12[%dma_start3A, %dma_start3A_492] : memref<6x16xi32, #tpu.memory_space<vmem>> -> memref<1x16xi32, #tpu.memory_space<vmem>>
        %dma_start3A_494 = tpu.memref_squeeze %dma_start3A_493 : memref<1x16xi32, #tpu.memory_space<vmem>> -> memref<16xi32, #tpu.memory_space<vmem>>
        %dma_start3A_495 = arith.constant 0 : i32
        %dma_start3A_496 = arith.constant 0 : i32
        %dma_start3A_497 = arith.constant 0 : i32
        %dma_start3A_498 = tpu.memref_slice %arg2[%dma_start3A_495, %dma_start3A_496, %dma_start3A_497] : memref<16384x8x128xf32, #tpu.memory_space<hbm>> -> memref<16384x8x128xf32, #tpu.memory_space<hbm>>
        tpu.enqueue_indirect_dma source(%dma_start3A_498 : memref<16384x8x128xf32, #tpu.memory_space<hbm>>) target(%dma_start3A_491 : memref<16x8x128xf32, #tpu.memory_space<vmem>>) offsets(%dma_start3A_494 : memref<16xi32, #tpu.memory_space<vmem>>) semaphore(%arg17 : memref<!tpu.dma_semaphore, #tpu.memory_space<semaphore_mem>>)
      } else {
      }
      %mul3A_390 = arith.constant 6 : i32
      %mul3A_391 = arith.muli %mul3A_390, %add3A_366 : i32
      %add3A_392 = arith.constant 3 : i32
      %add3A_393 = arith.addi %mul3A_391, %add3A_392 : i32
      %lt3A_394 = arith.cmpi slt, %add3A_393, %select_n3A : i32
      %convert_element_type3A_395 = arith.extui %lt3A_394 : i1 to i32
      %cond3A_396 = arith.constant 0 : i32
      %cond3A_397 = arith.cmpi ne, %convert_element_type3A_395, %cond3A_396 : i32
      scf.if %cond3A_397 {
        %gt3A_462 = arith.constant 0 : i32
        %gt3A_463 = arith.cmpi sgt, %add3A_366, %gt3A_462 : i32
        %convert_element_type3A_464 = arith.extui %gt3A_463 : i1 to i32
        %cond3A_465 = arith.constant 0 : i32
        %cond3A_466 = arith.cmpi ne, %convert_element_type3A_464, %cond3A_465 : i32
        scf.if %cond3A_466 {
          %dma_wait3A = arith.constant 3 : i32
          %dma_wait3A_499 = arith.constant 3 : i32
          %dma_wait3A_500 = arith.constant 0 : i32
          %dma_wait3A_501 = arith.constant 0 : i32
          %dma_wait3A_502 = arith.constant 0 : i32
          %dma_wait3A_503 = tpu.memref_slice %arg14[%dma_wait3A, %dma_wait3A_500, %dma_wait3A_501, %dma_wait3A_502] : memref<6x16x8x128xf32, #tpu.memory_space<vmem>> -> memref<1x16x8x128xf32, #tpu.memory_space<vmem>>
          %dma_wait3A_504 = tpu.memref_squeeze %dma_wait3A_503 : memref<1x16x8x128xf32, #tpu.memory_space<vmem>> -> memref<16x8x128xf32, #tpu.memory_space<vmem>>
          %dma_wait3A_505 = arith.constant 0 : i32
          %dma_wait3A_506 = tpu.memref_slice %arg13[%dma_wait3A_499, %dma_wait3A_505] : memref<6x16xi32, #tpu.memory_space<vmem>> -> memref<1x16xi32, #tpu.memory_space<vmem>>
          %dma_wait3A_507 = tpu.memref_squeeze %dma_wait3A_506 : memref<1x16xi32, #tpu.memory_space<vmem>> -> memref<16xi32, #tpu.memory_space<vmem>>
          %dma_wait3A_508 = arith.constant 0 : i32
          %dma_wait3A_509 = arith.constant 0 : i32
          %dma_wait3A_510 = arith.constant 0 : i32
          %dma_wait3A_511 = tpu.memref_slice %arg5[%dma_wait3A_508, %dma_wait3A_509, %dma_wait3A_510] : memref<32768x8x128xf32, #tpu.memory_space<hbm>> -> memref<32768x8x128xf32, #tpu.memory_space<hbm>>
          tpu.wait_indirect_dma semaphore(%arg24 : memref<!tpu.dma_semaphore, #tpu.memory_space<semaphore_mem>>) src(%dma_wait3A_504 : memref<16x8x128xf32, #tpu.memory_space<vmem>>) dst(%dma_wait3A_511 : memref<32768x8x128xf32, #tpu.memory_space<hbm>>)
        } else {
        }
        %mul3A_467 = arith.constant 16 : i32
        %mul3A_468 = arith.muli %add3A_393, %mul3A_467 : i32
        %add3A_469 = arith.constant 0 : i32
        %add3A_470 = arith.addi %mul3A_468, %add3A_469 : i32
        %get3A = arith.index_cast %add3A_470 : i32 to index
        %get3A_471 = tpu.vector_load %arg10[%get3A] {strides = array<i32>} : memref<1040xi32, #tpu.memory_space<vmem>>, vector<16xi32>,
        %swap3A_472 = arith.constant 3 : i32
        %swap3A_473 = arith.index_cast %swap3A_472 : i32 to index
        %swap3A_474 = arith.constant 0 : index
        %swap3A_475 = tpu.vector_load %arg12[%swap3A_473, %swap3A_474] {strides = array<i32>} : memref<6x16xi32, #tpu.memory_space<vmem>>, vector<16xi32>,
        tpu.vector_store %arg12[%swap3A_473, %swap3A_474], %get3A_471 {strides = array<i32>} : memref<6x16xi32, #tpu.memory_space<vmem>>, vector<16xi32>,
        %mul3A_476 = arith.constant 16 : i32
        %mul3A_477 = arith.muli %add3A_393, %mul3A_476 : i32
        %add3A_478 = arith.constant 0 : i32
        %add3A_479 = arith.addi %mul3A_477, %add3A_478 : i32
        %get3A_480 = arith.index_cast %add3A_479 : i32 to index
        %get3A_481 = tpu.vector_load %arg9[%get3A_480] {strides = array<i32>} : memref<1040xi32, #tpu.memory_space<vmem>>, vector<16xi32>,
        %swap3A_482 = arith.constant 3 : i32
        %swap3A_483 = arith.index_cast %swap3A_482 : i32 to index
        %swap3A_484 = arith.constant 0 : index
        %swap3A_485 = tpu.vector_load %arg13[%swap3A_483, %swap3A_484] {strides = array<i32>} : memref<6x16xi32, #tpu.memory_space<vmem>>, vector<16xi32>,
        tpu.vector_store %arg13[%swap3A_483, %swap3A_484], %get3A_481 {strides = array<i32>} : memref<6x16xi32, #tpu.memory_space<vmem>>, vector<16xi32>,
        %dma_start3A = arith.constant 3 : i32
        %dma_start3A_486 = arith.constant 3 : i32
        %dma_start3A_487 = arith.constant 0 : i32
        %dma_start3A_488 = arith.constant 0 : i32
        %dma_start3A_489 = arith.constant 0 : i32
        %dma_start3A_490 = tpu.memref_slice %arg14[%dma_start3A_486, %dma_start3A_487, %dma_start3A_488, %dma_start3A_489] : memref<6x16x8x128xf32, #tpu.memory_space<vmem>> -> memref<1x16x8x128xf32, #tpu.memory_space<vmem>>
        %dma_start3A_491 = tpu.memref_squeeze %dma_start3A_490 : memref<1x16x8x128xf32, #tpu.memory_space<vmem>> -> memref<16x8x128xf32, #tpu.memory_space<vmem>>
        %dma_start3A_492 = arith.constant 0 : i32
        %dma_start3A_493 = tpu.memref_slice %arg12[%dma_start3A, %dma_start3A_492] : memref<6x16xi32, #tpu.memory_space<vmem>> -> memref<1x16xi32, #tpu.memory_space<vmem>>
        %dma_start3A_494 = tpu.memref_squeeze %dma_start3A_493 : memref<1x16xi32, #tpu.memory_space<vmem>> -> memref<16xi32, #tpu.memory_space<vmem>>
        %dma_start3A_495 = arith.constant 0 : i32
        %dma_start3A_496 = arith.constant 0 : i32
        %dma_start3A_497 = arith.constant 0 : i32
        %dma_start3A_498 = tpu.memref_slice %arg2[%dma_start3A_495, %dma_start3A_496, %dma_start3A_497] : memref<16384x8x128xf32, #tpu.memory_space<hbm>> -> memref<16384x8x128xf32, #tpu.memory_space<hbm>>
        tpu.enqueue_indirect_dma source(%dma_start3A_498 : memref<16384x8x128xf32, #tpu.memory_space<hbm>>) target(%dma_start3A_491 : memref<16x8x128xf32, #tpu.memory_space<vmem>>) offsets(%dma_start3A_494 : memref<16xi32, #tpu.memory_space<vmem>>) semaphore(%arg18 : memref<!tpu.dma_semaphore, #tpu.memory_space<semaphore_mem>>)
      } else {
      }
      %mul3A_398 = arith.constant 6 : i32
      %mul3A_399 = arith.muli %mul3A_398, %add3A_366 : i32
      %add3A_400 = arith.constant 4 : i32
      %add3A_401 = arith.addi %mul3A_399, %add3A_400 : i32
      %lt3A_402 = arith.cmpi slt, %add3A_401, %select_n3A : i32
      %convert_element_type3A_403 = arith.extui %lt3A_402 : i1 to i32
      %cond3A_404 = arith.constant 0 : i32
      %cond3A_405 = arith.cmpi ne, %convert_element_type3A_403, %cond3A_404 : i32
      scf.if %cond3A_405 {
        %gt3A_462 = arith.constant 0 : i32
        %gt3A_463 = arith.cmpi sgt, %add3A_366, %gt3A_462 : i32
        %convert_element_type3A_464 = arith.extui %gt3A_463 : i1 to i32
        %cond3A_465 = arith.constant 0 : i32
        %cond3A_466 = arith.cmpi ne, %convert_element_type3A_464, %cond3A_465 : i32
        scf.if %cond3A_466 {
          %dma_wait3A = arith.constant 4 : i32
          %dma_wait3A_499 = arith.constant 4 : i32
          %dma_wait3A_500 = arith.constant 0 : i32
          %dma_wait3A_501 = arith.constant 0 : i32
          %dma_wait3A_502 = arith.constant 0 : i32
          %dma_wait3A_503 = tpu.memref_slice %arg14[%dma_wait3A, %dma_wait3A_500, %dma_wait3A_501, %dma_wait3A_502] : memref<6x16x8x128xf32, #tpu.memory_space<vmem>> -> memref<1x16x8x128xf32, #tpu.memory_space<vmem>>
          %dma_wait3A_504 = tpu.memref_squeeze %dma_wait3A_503 : memref<1x16x8x128xf32, #tpu.memory_space<vmem>> -> memref<16x8x128xf32, #tpu.memory_space<vmem>>
          %dma_wait3A_505 = arith.constant 0 : i32
          %dma_wait3A_506 = tpu.memref_slice %arg13[%dma_wait3A_499, %dma_wait3A_505] : memref<6x16xi32, #tpu.memory_space<vmem>> -> memref<1x16xi32, #tpu.memory_space<vmem>>
          %dma_wait3A_507 = tpu.memref_squeeze %dma_wait3A_506 : memref<1x16xi32, #tpu.memory_space<vmem>> -> memref<16xi32, #tpu.memory_space<vmem>>
          %dma_wait3A_508 = arith.constant 0 : i32
          %dma_wait3A_509 = arith.constant 0 : i32
          %dma_wait3A_510 = arith.constant 0 : i32
          %dma_wait3A_511 = tpu.memref_slice %arg5[%dma_wait3A_508, %dma_wait3A_509, %dma_wait3A_510] : memref<32768x8x128xf32, #tpu.memory_space<hbm>> -> memref<32768x8x128xf32, #tpu.memory_space<hbm>>
          tpu.wait_indirect_dma semaphore(%arg25 : memref<!tpu.dma_semaphore, #tpu.memory_space<semaphore_mem>>) src(%dma_wait3A_504 : memref<16x8x128xf32, #tpu.memory_space<vmem>>) dst(%dma_wait3A_511 : memref<32768x8x128xf32, #tpu.memory_space<hbm>>)
        } else {
        }
        %mul3A_467 = arith.constant 16 : i32
        %mul3A_468 = arith.muli %add3A_401, %mul3A_467 : i32
        %add3A_469 = arith.constant 0 : i32
        %add3A_470 = arith.addi %mul3A_468, %add3A_469 : i32
        %get3A = arith.index_cast %add3A_470 : i32 to index
        %get3A_471 = tpu.vector_load %arg10[%get3A] {strides = array<i32>} : memref<1040xi32, #tpu.memory_space<vmem>>, vector<16xi32>,
        %swap3A_472 = arith.constant 4 : i32
        %swap3A_473 = arith.index_cast %swap3A_472 : i32 to index
        %swap3A_474 = arith.constant 0 : index
        %swap3A_475 = tpu.vector_load %arg12[%swap3A_473, %swap3A_474] {strides = array<i32>} : memref<6x16xi32, #tpu.memory_space<vmem>>, vector<16xi32>,
        tpu.vector_store %arg12[%swap3A_473, %swap3A_474], %get3A_471 {strides = array<i32>} : memref<6x16xi32, #tpu.memory_space<vmem>>, vector<16xi32>,
        %mul3A_476 = arith.constant 16 : i32
        %mul3A_477 = arith.muli %add3A_401, %mul3A_476 : i32
        %add3A_478 = arith.constant 0 : i32
        %add3A_479 = arith.addi %mul3A_477, %add3A_478 : i32
        %get3A_480 = arith.index_cast %add3A_479 : i32 to index
        %get3A_481 = tpu.vector_load %arg9[%get3A_480] {strides = array<i32>} : memref<1040xi32, #tpu.memory_space<vmem>>, vector<16xi32>,
        %swap3A_482 = arith.constant 4 : i32
        %swap3A_483 = arith.index_cast %swap3A_482 : i32 to index
        %swap3A_484 = arith.constant 0 : index
        %swap3A_485 = tpu.vector_load %arg13[%swap3A_483, %swap3A_484] {strides = array<i32>} : memref<6x16xi32, #tpu.memory_space<vmem>>, vector<16xi32>,
        tpu.vector_store %arg13[%swap3A_483, %swap3A_484], %get3A_481 {strides = array<i32>} : memref<6x16xi32, #tpu.memory_space<vmem>>, vector<16xi32>,
        %dma_start3A = arith.constant 4 : i32
        %dma_start3A_486 = arith.constant 4 : i32
        %dma_start3A_487 = arith.constant 0 : i32
        %dma_start3A_488 = arith.constant 0 : i32
        %dma_start3A_489 = arith.constant 0 : i32
        %dma_start3A_490 = tpu.memref_slice %arg14[%dma_start3A_486, %dma_start3A_487, %dma_start3A_488, %dma_start3A_489] : memref<6x16x8x128xf32, #tpu.memory_space<vmem>> -> memref<1x16x8x128xf32, #tpu.memory_space<vmem>>
        %dma_start3A_491 = tpu.memref_squeeze %dma_start3A_490 : memref<1x16x8x128xf32, #tpu.memory_space<vmem>> -> memref<16x8x128xf32, #tpu.memory_space<vmem>>
        %dma_start3A_492 = arith.constant 0 : i32
        %dma_start3A_493 = tpu.memref_slice %arg12[%dma_start3A, %dma_start3A_492] : memref<6x16xi32, #tpu.memory_space<vmem>> -> memref<1x16xi32, #tpu.memory_space<vmem>>
        %dma_start3A_494 = tpu.memref_squeeze %dma_start3A_493 : memref<1x16xi32, #tpu.memory_space<vmem>> -> memref<16xi32, #tpu.memory_space<vmem>>
        %dma_start3A_495 = arith.constant 0 : i32
        %dma_start3A_496 = arith.constant 0 : i32
        %dma_start3A_497 = arith.constant 0 : i32
        %dma_start3A_498 = tpu.memref_slice %arg2[%dma_start3A_495, %dma_start3A_496, %dma_start3A_497] : memref<16384x8x128xf32, #tpu.memory_space<hbm>> -> memref<16384x8x128xf32, #tpu.memory_space<hbm>>
        tpu.enqueue_indirect_dma source(%dma_start3A_498 : memref<16384x8x128xf32, #tpu.memory_space<hbm>>) target(%dma_start3A_491 : memref<16x8x128xf32, #tpu.memory_space<vmem>>) offsets(%dma_start3A_494 : memref<16xi32, #tpu.memory_space<vmem>>) semaphore(%arg19 : memref<!tpu.dma_semaphore, #tpu.memory_space<semaphore_mem>>)
      } else {
      }
      %mul3A_406 = arith.constant 6 : i32
      %mul3A_407 = arith.muli %mul3A_406, %add3A_366 : i32
      %add3A_408 = arith.constant 5 : i32
      %add3A_409 = arith.addi %mul3A_407, %add3A_408 : i32
      %lt3A_410 = arith.cmpi slt, %add3A_409, %select_n3A : i32
      %convert_element_type3A_411 = arith.extui %lt3A_410 : i1 to i32
      %cond3A_412 = arith.constant 0 : i32
      %cond3A_413 = arith.cmpi ne, %convert_element_type3A_411, %cond3A_412 : i32
      scf.if %cond3A_413 {
        %gt3A_462 = arith.constant 0 : i32
        %gt3A_463 = arith.cmpi sgt, %add3A_366, %gt3A_462 : i32
        %convert_element_type3A_464 = arith.extui %gt3A_463 : i1 to i32
        %cond3A_465 = arith.constant 0 : i32
        %cond3A_466 = arith.cmpi ne, %convert_element_type3A_464, %cond3A_465 : i32
        scf.if %cond3A_466 {
          %dma_wait3A = arith.constant 5 : i32
          %dma_wait3A_499 = arith.constant 5 : i32
          %dma_wait3A_500 = arith.constant 0 : i32
          %dma_wait3A_501 = arith.constant 0 : i32
          %dma_wait3A_502 = arith.constant 0 : i32
          %dma_wait3A_503 = tpu.memref_slice %arg14[%dma_wait3A, %dma_wait3A_500, %dma_wait3A_501, %dma_wait3A_502] : memref<6x16x8x128xf32, #tpu.memory_space<vmem>> -> memref<1x16x8x128xf32, #tpu.memory_space<vmem>>
          %dma_wait3A_504 = tpu.memref_squeeze %dma_wait3A_503 : memref<1x16x8x128xf32, #tpu.memory_space<vmem>> -> memref<16x8x128xf32, #tpu.memory_space<vmem>>
          %dma_wait3A_505 = arith.constant 0 : i32
          %dma_wait3A_506 = tpu.memref_slice %arg13[%dma_wait3A_499, %dma_wait3A_505] : memref<6x16xi32, #tpu.memory_space<vmem>> -> memref<1x16xi32, #tpu.memory_space<vmem>>
          %dma_wait3A_507 = tpu.memref_squeeze %dma_wait3A_506 : memref<1x16xi32, #tpu.memory_space<vmem>> -> memref<16xi32, #tpu.memory_space<vmem>>
          %dma_wait3A_508 = arith.constant 0 : i32
          %dma_wait3A_509 = arith.constant 0 : i32
          %dma_wait3A_510 = arith.constant 0 : i32
          %dma_wait3A_511 = tpu.memref_slice %arg5[%dma_wait3A_508, %dma_wait3A_509, %dma_wait3A_510] : memref<32768x8x128xf32, #tpu.memory_space<hbm>> -> memref<32768x8x128xf32, #tpu.memory_space<hbm>>
          tpu.wait_indirect_dma semaphore(%arg26 : memref<!tpu.dma_semaphore, #tpu.memory_space<semaphore_mem>>) src(%dma_wait3A_504 : memref<16x8x128xf32, #tpu.memory_space<vmem>>) dst(%dma_wait3A_511 : memref<32768x8x128xf32, #tpu.memory_space<hbm>>)
        } else {
        }
        %mul3A_467 = arith.constant 16 : i32
        %mul3A_468 = arith.muli %add3A_409, %mul3A_467 : i32
        %add3A_469 = arith.constant 0 : i32
        %add3A_470 = arith.addi %mul3A_468, %add3A_469 : i32
        %get3A = arith.index_cast %add3A_470 : i32 to index
        %get3A_471 = tpu.vector_load %arg10[%get3A] {strides = array<i32>} : memref<1040xi32, #tpu.memory_space<vmem>>, vector<16xi32>,
        %swap3A_472 = arith.constant 5 : i32
        %swap3A_473 = arith.index_cast %swap3A_472 : i32 to index
        %swap3A_474 = arith.constant 0 : index
        %swap3A_475 = tpu.vector_load %arg12[%swap3A_473, %swap3A_474] {strides = array<i32>} : memref<6x16xi32, #tpu.memory_space<vmem>>, vector<16xi32>,
        tpu.vector_store %arg12[%swap3A_473, %swap3A_474], %get3A_471 {strides = array<i32>} : memref<6x16xi32, #tpu.memory_space<vmem>>, vector<16xi32>,
        %mul3A_476 = arith.constant 16 : i32
        %mul3A_477 = arith.muli %add3A_409, %mul3A_476 : i32
        %add3A_478 = arith.constant 0 : i32
        %add3A_479 = arith.addi %mul3A_477, %add3A_478 : i32
        %get3A_480 = arith.index_cast %add3A_479 : i32 to index
        %get3A_481 = tpu.vector_load %arg9[%get3A_480] {strides = array<i32>} : memref<1040xi32, #tpu.memory_space<vmem>>, vector<16xi32>,
        %swap3A_482 = arith.constant 5 : i32
        %swap3A_483 = arith.index_cast %swap3A_482 : i32 to index
        %swap3A_484 = arith.constant 0 : index
        %swap3A_485 = tpu.vector_load %arg13[%swap3A_483, %swap3A_484] {strides = array<i32>} : memref<6x16xi32, #tpu.memory_space<vmem>>, vector<16xi32>,
        tpu.vector_store %arg13[%swap3A_483, %swap3A_484], %get3A_481 {strides = array<i32>} : memref<6x16xi32, #tpu.memory_space<vmem>>, vector<16xi32>,
        %dma_start3A = arith.constant 5 : i32
        %dma_start3A_486 = arith.constant 5 : i32
        %dma_start3A_487 = arith.constant 0 : i32
        %dma_start3A_488 = arith.constant 0 : i32
        %dma_start3A_489 = arith.constant 0 : i32
        %dma_start3A_490 = tpu.memref_slice %arg14[%dma_start3A_486, %dma_start3A_487, %dma_start3A_488, %dma_start3A_489] : memref<6x16x8x128xf32, #tpu.memory_space<vmem>> -> memref<1x16x8x128xf32, #tpu.memory_space<vmem>>
        %dma_start3A_491 = tpu.memref_squeeze %dma_start3A_490 : memref<1x16x8x128xf32, #tpu.memory_space<vmem>> -> memref<16x8x128xf32, #tpu.memory_space<vmem>>
        %dma_start3A_492 = arith.constant 0 : i32
        %dma_start3A_493 = tpu.memref_slice %arg12[%dma_start3A, %dma_start3A_492] : memref<6x16xi32, #tpu.memory_space<vmem>> -> memref<1x16xi32, #tpu.memory_space<vmem>>
        %dma_start3A_494 = tpu.memref_squeeze %dma_start3A_493 : memref<1x16xi32, #tpu.memory_space<vmem>> -> memref<16xi32, #tpu.memory_space<vmem>>
        %dma_start3A_495 = arith.constant 0 : i32
        %dma_start3A_496 = arith.constant 0 : i32
        %dma_start3A_497 = arith.constant 0 : i32
        %dma_start3A_498 = tpu.memref_slice %arg2[%dma_start3A_495, %dma_start3A_496, %dma_start3A_497] : memref<16384x8x128xf32, #tpu.memory_space<hbm>> -> memref<16384x8x128xf32, #tpu.memory_space<hbm>>
        tpu.enqueue_indirect_dma source(%dma_start3A_498 : memref<16384x8x128xf32, #tpu.memory_space<hbm>>) target(%dma_start3A_491 : memref<16x8x128xf32, #tpu.memory_space<vmem>>) offsets(%dma_start3A_494 : memref<16xi32, #tpu.memory_space<vmem>>) semaphore(%arg20 : memref<!tpu.dma_semaphore, #tpu.memory_space<semaphore_mem>>)
      } else {
      }
      %mul3A_414 = arith.constant 6 : i32
      %mul3A_415 = arith.muli %mul3A_414, %add3A_366 : i32
      %add3A_416 = arith.constant 0 : i32
      %add3A_417 = arith.addi %mul3A_415, %add3A_416 : i32
      %lt3A_418 = arith.cmpi slt, %add3A_417, %select_n3A : i32
      %convert_element_type3A_419 = arith.extui %lt3A_418 : i1 to i32
      %cond3A_420 = arith.constant 0 : i32
      %cond3A_421 = arith.cmpi ne, %convert_element_type3A_419, %cond3A_420 : i32
      scf.if %cond3A_421 {
        %dma_wait3A = arith.constant 0 : i32
        %dma_wait3A_462 = arith.constant 0 : i32
        %dma_wait3A_463 = arith.constant 0 : i32
        %dma_wait3A_464 = arith.constant 0 : i32
        %dma_wait3A_465 = arith.constant 0 : i32
        %dma_wait3A_466 = tpu.memref_slice %arg14[%dma_wait3A_462, %dma_wait3A_463, %dma_wait3A_464, %dma_wait3A_465] : memref<6x16x8x128xf32, #tpu.memory_space<vmem>> -> memref<1x16x8x128xf32, #tpu.memory_space<vmem>>
        %dma_wait3A_467 = tpu.memref_squeeze %dma_wait3A_466 : memref<1x16x8x128xf32, #tpu.memory_space<vmem>> -> memref<16x8x128xf32, #tpu.memory_space<vmem>>
        %dma_wait3A_468 = arith.constant 0 : i32
        %dma_wait3A_469 = tpu.memref_slice %arg12[%dma_wait3A, %dma_wait3A_468] : memref<6x16xi32, #tpu.memory_space<vmem>> -> memref<1x16xi32, #tpu.memory_space<vmem>>
        %dma_wait3A_470 = tpu.memref_squeeze %dma_wait3A_469 : memref<1x16xi32, #tpu.memory_space<vmem>> -> memref<16xi32, #tpu.memory_space<vmem>>
        %dma_wait3A_471 = arith.constant 0 : i32
        %dma_wait3A_472 = arith.constant 0 : i32
        %dma_wait3A_473 = arith.constant 0 : i32
        %dma_wait3A_474 = tpu.memref_slice %arg2[%dma_wait3A_471, %dma_wait3A_472, %dma_wait3A_473] : memref<16384x8x128xf32, #tpu.memory_space<hbm>> -> memref<16384x8x128xf32, #tpu.memory_space<hbm>>
        tpu.wait_indirect_dma semaphore(%arg15 : memref<!tpu.dma_semaphore, #tpu.memory_space<semaphore_mem>>) src(%dma_wait3A_474 : memref<16384x8x128xf32, #tpu.memory_space<hbm>>) dst(%dma_wait3A_467 : memref<16x8x128xf32, #tpu.memory_space<vmem>>)
        %dma_start3A = arith.constant 0 : i32
        %dma_start3A_475 = arith.constant 0 : i32
        %dma_start3A_476 = arith.constant 0 : i32
        %dma_start3A_477 = arith.constant 0 : i32
        %dma_start3A_478 = arith.constant 0 : i32
        %dma_start3A_479 = tpu.memref_slice %arg14[%dma_start3A, %dma_start3A_476, %dma_start3A_477, %dma_start3A_478] : memref<6x16x8x128xf32, #tpu.memory_space<vmem>> -> memref<1x16x8x128xf32, #tpu.memory_space<vmem>>
        %dma_start3A_480 = tpu.memref_squeeze %dma_start3A_479 : memref<1x16x8x128xf32, #tpu.memory_space<vmem>> -> memref<16x8x128xf32, #tpu.memory_space<vmem>>
        %dma_start3A_481 = arith.constant 0 : i32
        %dma_start3A_482 = tpu.memref_slice %arg13[%dma_start3A_475, %dma_start3A_481] : memref<6x16xi32, #tpu.memory_space<vmem>> -> memref<1x16xi32, #tpu.memory_space<vmem>>
        %dma_start3A_483 = tpu.memref_squeeze %dma_start3A_482 : memref<1x16xi32, #tpu.memory_space<vmem>> -> memref<16xi32, #tpu.memory_space<vmem>>
        %dma_start3A_484 = arith.constant 0 : i32
        %dma_start3A_485 = arith.constant 0 : i32
        %dma_start3A_486 = arith.constant 0 : i32
        %dma_start3A_487 = tpu.memref_slice %arg5[%dma_start3A_484, %dma_start3A_485, %dma_start3A_486] : memref<32768x8x128xf32, #tpu.memory_space<hbm>> -> memref<32768x8x128xf32, #tpu.memory_space<hbm>>
        tpu.enqueue_indirect_dma source(%dma_start3A_480 : memref<16x8x128xf32, #tpu.memory_space<vmem>>) target(%dma_start3A_487 : memref<32768x8x128xf32, #tpu.memory_space<hbm>>) offsets(%dma_start3A_483 : memref<16xi32, #tpu.memory_space<vmem>>) semaphore(%arg21 : memref<!tpu.dma_semaphore, #tpu.memory_space<semaphore_mem>>)
      } else {
      }
      %mul3A_422 = arith.constant 6 : i32
      %mul3A_423 = arith.muli %mul3A_422, %add3A_366 : i32
      %add3A_424 = arith.constant 1 : i32
      %add3A_425 = arith.addi %mul3A_423, %add3A_424 : i32
      %lt3A_426 = arith.cmpi slt, %add3A_425, %select_n3A : i32
      %convert_element_type3A_427 = arith.extui %lt3A_426 : i1 to i32
      %cond3A_428 = arith.constant 0 : i32
      %cond3A_429 = arith.cmpi ne, %convert_element_type3A_427, %cond3A_428 : i32
      scf.if %cond3A_429 {
        %dma_wait3A = arith.constant 1 : i32
        %dma_wait3A_462 = arith.constant 1 : i32
        %dma_wait3A_463 = arith.constant 0 : i32
        %dma_wait3A_464 = arith.constant 0 : i32
        %dma_wait3A_465 = arith.constant 0 : i32
        %dma_wait3A_466 = tpu.memref_slice %arg14[%dma_wait3A_462, %dma_wait3A_463, %dma_wait3A_464, %dma_wait3A_465] : memref<6x16x8x128xf32, #tpu.memory_space<vmem>> -> memref<1x16x8x128xf32, #tpu.memory_space<vmem>>
        %dma_wait3A_467 = tpu.memref_squeeze %dma_wait3A_466 : memref<1x16x8x128xf32, #tpu.memory_space<vmem>> -> memref<16x8x128xf32, #tpu.memory_space<vmem>>
        %dma_wait3A_468 = arith.constant 0 : i32
        %dma_wait3A_469 = tpu.memref_slice %arg12[%dma_wait3A, %dma_wait3A_468] : memref<6x16xi32, #tpu.memory_space<vmem>> -> memref<1x16xi32, #tpu.memory_space<vmem>>
        %dma_wait3A_470 = tpu.memref_squeeze %dma_wait3A_469 : memref<1x16xi32, #tpu.memory_space<vmem>> -> memref<16xi32, #tpu.memory_space<vmem>>
        %dma_wait3A_471 = arith.constant 0 : i32
        %dma_wait3A_472 = arith.constant 0 : i32
        %dma_wait3A_473 = arith.constant 0 : i32
        %dma_wait3A_474 = tpu.memref_slice %arg2[%dma_wait3A_471, %dma_wait3A_472, %dma_wait3A_473] : memref<16384x8x128xf32, #tpu.memory_space<hbm>> -> memref<16384x8x128xf32, #tpu.memory_space<hbm>>
        tpu.wait_indirect_dma semaphore(%arg16 : memref<!tpu.dma_semaphore, #tpu.memory_space<semaphore_mem>>) src(%dma_wait3A_474 : memref<16384x8x128xf32, #tpu.memory_space<hbm>>) dst(%dma_wait3A_467 : memref<16x8x128xf32, #tpu.memory_space<vmem>>)
        %dma_start3A = arith.constant 1 : i32
        %dma_start3A_475 = arith.constant 1 : i32
        %dma_start3A_476 = arith.constant 0 : i32
        %dma_start3A_477 = arith.constant 0 : i32
        %dma_start3A_478 = arith.constant 0 : i32
        %dma_start3A_479 = tpu.memref_slice %arg14[%dma_start3A, %dma_start3A_476, %dma_start3A_477, %dma_start3A_478] : memref<6x16x8x128xf32, #tpu.memory_space<vmem>> -> memref<1x16x8x128xf32, #tpu.memory_space<vmem>>
        %dma_start3A_480 = tpu.memref_squeeze %dma_start3A_479 : memref<1x16x8x128xf32, #tpu.memory_space<vmem>> -> memref<16x8x128xf32, #tpu.memory_space<vmem>>
        %dma_start3A_481 = arith.constant 0 : i32
        %dma_start3A_482 = tpu.memref_slice %arg13[%dma_start3A_475, %dma_start3A_481] : memref<6x16xi32, #tpu.memory_space<vmem>> -> memref<1x16xi32, #tpu.memory_space<vmem>>
        %dma_start3A_483 = tpu.memref_squeeze %dma_start3A_482 : memref<1x16xi32, #tpu.memory_space<vmem>> -> memref<16xi32, #tpu.memory_space<vmem>>
        %dma_start3A_484 = arith.constant 0 : i32
        %dma_start3A_485 = arith.constant 0 : i32
        %dma_start3A_486 = arith.constant 0 : i32
        %dma_start3A_487 = tpu.memref_slice %arg5[%dma_start3A_484, %dma_start3A_485, %dma_start3A_486] : memref<32768x8x128xf32, #tpu.memory_space<hbm>> -> memref<32768x8x128xf32, #tpu.memory_space<hbm>>
        tpu.enqueue_indirect_dma source(%dma_start3A_480 : memref<16x8x128xf32, #tpu.memory_space<vmem>>) target(%dma_start3A_487 : memref<32768x8x128xf32, #tpu.memory_space<hbm>>) offsets(%dma_start3A_483 : memref<16xi32, #tpu.memory_space<vmem>>) semaphore(%arg22 : memref<!tpu.dma_semaphore, #tpu.memory_space<semaphore_mem>>)
      } else {
      }
      %mul3A_430 = arith.constant 6 : i32
      %mul3A_431 = arith.muli %mul3A_430, %add3A_366 : i32
      %add3A_432 = arith.constant 2 : i32
      %add3A_433 = arith.addi %mul3A_431, %add3A_432 : i32
      %lt3A_434 = arith.cmpi slt, %add3A_433, %select_n3A : i32
      %convert_element_type3A_435 = arith.extui %lt3A_434 : i1 to i32
      %cond3A_436 = arith.constant 0 : i32
      %cond3A_437 = arith.cmpi ne, %convert_element_type3A_435, %cond3A_436 : i32
      scf.if %cond3A_437 {
        %dma_wait3A = arith.constant 2 : i32
        %dma_wait3A_462 = arith.constant 2 : i32
        %dma_wait3A_463 = arith.constant 0 : i32
        %dma_wait3A_464 = arith.constant 0 : i32
        %dma_wait3A_465 = arith.constant 0 : i32
        %dma_wait3A_466 = tpu.memref_slice %arg14[%dma_wait3A_462, %dma_wait3A_463, %dma_wait3A_464, %dma_wait3A_465] : memref<6x16x8x128xf32, #tpu.memory_space<vmem>> -> memref<1x16x8x128xf32, #tpu.memory_space<vmem>>
        %dma_wait3A_467 = tpu.memref_squeeze %dma_wait3A_466 : memref<1x16x8x128xf32, #tpu.memory_space<vmem>> -> memref<16x8x128xf32, #tpu.memory_space<vmem>>
        %dma_wait3A_468 = arith.constant 0 : i32
        %dma_wait3A_469 = tpu.memref_slice %arg12[%dma_wait3A, %dma_wait3A_468] : memref<6x16xi32, #tpu.memory_space<vmem>> -> memref<1x16xi32, #tpu.memory_space<vmem>>
        %dma_wait3A_470 = tpu.memref_squeeze %dma_wait3A_469 : memref<1x16xi32, #tpu.memory_space<vmem>> -> memref<16xi32, #tpu.memory_space<vmem>>
        %dma_wait3A_471 = arith.constant 0 : i32
        %dma_wait3A_472 = arith.constant 0 : i32
        %dma_wait3A_473 = arith.constant 0 : i32
        %dma_wait3A_474 = tpu.memref_slice %arg2[%dma_wait3A_471, %dma_wait3A_472, %dma_wait3A_473] : memref<16384x8x128xf32, #tpu.memory_space<hbm>> -> memref<16384x8x128xf32, #tpu.memory_space<hbm>>
        tpu.wait_indirect_dma semaphore(%arg17 : memref<!tpu.dma_semaphore, #tpu.memory_space<semaphore_mem>>) src(%dma_wait3A_474 : memref<16384x8x128xf32, #tpu.memory_space<hbm>>) dst(%dma_wait3A_467 : memref<16x8x128xf32, #tpu.memory_space<vmem>>)
        %dma_start3A = arith.constant 2 : i32
        %dma_start3A_475 = arith.constant 2 : i32
        %dma_start3A_476 = arith.constant 0 : i32
        %dma_start3A_477 = arith.constant 0 : i32
        %dma_start3A_478 = arith.constant 0 : i32
        %dma_start3A_479 = tpu.memref_slice %arg14[%dma_start3A, %dma_start3A_476, %dma_start3A_477, %dma_start3A_478] : memref<6x16x8x128xf32, #tpu.memory_space<vmem>> -> memref<1x16x8x128xf32, #tpu.memory_space<vmem>>
        %dma_start3A_480 = tpu.memref_squeeze %dma_start3A_479 : memref<1x16x8x128xf32, #tpu.memory_space<vmem>> -> memref<16x8x128xf32, #tpu.memory_space<vmem>>
        %dma_start3A_481 = arith.constant 0 : i32
        %dma_start3A_482 = tpu.memref_slice %arg13[%dma_start3A_475, %dma_start3A_481] : memref<6x16xi32, #tpu.memory_space<vmem>> -> memref<1x16xi32, #tpu.memory_space<vmem>>
        %dma_start3A_483 = tpu.memref_squeeze %dma_start3A_482 : memref<1x16xi32, #tpu.memory_space<vmem>> -> memref<16xi32, #tpu.memory_space<vmem>>
        %dma_start3A_484 = arith.constant 0 : i32
        %dma_start3A_485 = arith.constant 0 : i32
        %dma_start3A_486 = arith.constant 0 : i32
        %dma_start3A_487 = tpu.memref_slice %arg5[%dma_start3A_484, %dma_start3A_485, %dma_start3A_486] : memref<32768x8x128xf32, #tpu.memory_space<hbm>> -> memref<32768x8x128xf32, #tpu.memory_space<hbm>>
        tpu.enqueue_indirect_dma source(%dma_start3A_480 : memref<16x8x128xf32, #tpu.memory_space<vmem>>) target(%dma_start3A_487 : memref<32768x8x128xf32, #tpu.memory_space<hbm>>) offsets(%dma_start3A_483 : memref<16xi32, #tpu.memory_space<vmem>>) semaphore(%arg23 : memref<!tpu.dma_semaphore, #tpu.memory_space<semaphore_mem>>)
      } else {
      }
      %mul3A_438 = arith.constant 6 : i32
      %mul3A_439 = arith.muli %mul3A_438, %add3A_366 : i32
      %add3A_440 = arith.constant 3 : i32
      %add3A_441 = arith.addi %mul3A_439, %add3A_440 : i32
      %lt3A_442 = arith.cmpi slt, %add3A_441, %select_n3A : i32
      %convert_element_type3A_443 = arith.extui %lt3A_442 : i1 to i32
      %cond3A_444 = arith.constant 0 : i32
      %cond3A_445 = arith.cmpi ne, %convert_element_type3A_443, %cond3A_444 : i32
      scf.if %cond3A_445 {
        %dma_wait3A = arith.constant 3 : i32
        %dma_wait3A_462 = arith.constant 3 : i32
        %dma_wait3A_463 = arith.constant 0 : i32
        %dma_wait3A_464 = arith.constant 0 : i32
        %dma_wait3A_465 = arith.constant 0 : i32
        %dma_wait3A_466 = tpu.memref_slice %arg14[%dma_wait3A_462, %dma_wait3A_463, %dma_wait3A_464, %dma_wait3A_465] : memref<6x16x8x128xf32, #tpu.memory_space<vmem>> -> memref<1x16x8x128xf32, #tpu.memory_space<vmem>>
        %dma_wait3A_467 = tpu.memref_squeeze %dma_wait3A_466 : memref<1x16x8x128xf32, #tpu.memory_space<vmem>> -> memref<16x8x128xf32, #tpu.memory_space<vmem>>
        %dma_wait3A_468 = arith.constant 0 : i32
        %dma_wait3A_469 = tpu.memref_slice %arg12[%dma_wait3A, %dma_wait3A_468] : memref<6x16xi32, #tpu.memory_space<vmem>> -> memref<1x16xi32, #tpu.memory_space<vmem>>
        %dma_wait3A_470 = tpu.memref_squeeze %dma_wait3A_469 : memref<1x16xi32, #tpu.memory_space<vmem>> -> memref<16xi32, #tpu.memory_space<vmem>>
        %dma_wait3A_471 = arith.constant 0 : i32
        %dma_wait3A_472 = arith.constant 0 : i32
        %dma_wait3A_473 = arith.constant 0 : i32
        %dma_wait3A_474 = tpu.memref_slice %arg2[%dma_wait3A_471, %dma_wait3A_472, %dma_wait3A_473] : memref<16384x8x128xf32, #tpu.memory_space<hbm>> -> memref<16384x8x128xf32, #tpu.memory_space<hbm>>
        tpu.wait_indirect_dma semaphore(%arg18 : memref<!tpu.dma_semaphore, #tpu.memory_space<semaphore_mem>>) src(%dma_wait3A_474 : memref<16384x8x128xf32, #tpu.memory_space<hbm>>) dst(%dma_wait3A_467 : memref<16x8x128xf32, #tpu.memory_space<vmem>>)
        %dma_start3A = arith.constant 3 : i32
        %dma_start3A_475 = arith.constant 3 : i32
        %dma_start3A_476 = arith.constant 0 : i32
        %dma_start3A_477 = arith.constant 0 : i32
        %dma_start3A_478 = arith.constant 0 : i32
        %dma_start3A_479 = tpu.memref_slice %arg14[%dma_start3A, %dma_start3A_476, %dma_start3A_477, %dma_start3A_478] : memref<6x16x8x128xf32, #tpu.memory_space<vmem>> -> memref<1x16x8x128xf32, #tpu.memory_space<vmem>>
        %dma_start3A_480 = tpu.memref_squeeze %dma_start3A_479 : memref<1x16x8x128xf32, #tpu.memory_space<vmem>> -> memref<16x8x128xf32, #tpu.memory_space<vmem>>
        %dma_start3A_481 = arith.constant 0 : i32
        %dma_start3A_482 = tpu.memref_slice %arg13[%dma_start3A_475, %dma_start3A_481] : memref<6x16xi32, #tpu.memory_space<vmem>> -> memref<1x16xi32, #tpu.memory_space<vmem>>
        %dma_start3A_483 = tpu.memref_squeeze %dma_start3A_482 : memref<1x16xi32, #tpu.memory_space<vmem>> -> memref<16xi32, #tpu.memory_space<vmem>>
        %dma_start3A_484 = arith.constant 0 : i32
        %dma_start3A_485 = arith.constant 0 : i32
        %dma_start3A_486 = arith.constant 0 : i32
        %dma_start3A_487 = tpu.memref_slice %arg5[%dma_start3A_484, %dma_start3A_485, %dma_start3A_486] : memref<32768x8x128xf32, #tpu.memory_space<hbm>> -> memref<32768x8x128xf32, #tpu.memory_space<hbm>>
        tpu.enqueue_indirect_dma source(%dma_start3A_480 : memref<16x8x128xf32, #tpu.memory_space<vmem>>) target(%dma_start3A_487 : memref<32768x8x128xf32, #tpu.memory_space<hbm>>) offsets(%dma_start3A_483 : memref<16xi32, #tpu.memory_space<vmem>>) semaphore(%arg24 : memref<!tpu.dma_semaphore, #tpu.memory_space<semaphore_mem>>)
      } else {
      }
      %mul3A_446 = arith.constant 6 : i32
      %mul3A_447 = arith.muli %mul3A_446, %add3A_366 : i32
      %add3A_448 = arith.constant 4 : i32
      %add3A_449 = arith.addi %mul3A_447, %add3A_448 : i32
      %lt3A_450 = arith.cmpi slt, %add3A_449, %select_n3A : i32
      %convert_element_type3A_451 = arith.extui %lt3A_450 : i1 to i32
      %cond3A_452 = arith.constant 0 : i32
      %cond3A_453 = arith.cmpi ne, %convert_element_type3A_451, %cond3A_452 : i32
      scf.if %cond3A_453 {
        %dma_wait3A = arith.constant 4 : i32
        %dma_wait3A_462 = arith.constant 4 : i32
        %dma_wait3A_463 = arith.constant 0 : i32
        %dma_wait3A_464 = arith.constant 0 : i32
        %dma_wait3A_465 = arith.constant 0 : i32
        %dma_wait3A_466 = tpu.memref_slice %arg14[%dma_wait3A_462, %dma_wait3A_463, %dma_wait3A_464, %dma_wait3A_465] : memref<6x16x8x128xf32, #tpu.memory_space<vmem>> -> memref<1x16x8x128xf32, #tpu.memory_space<vmem>>
        %dma_wait3A_467 = tpu.memref_squeeze %dma_wait3A_466 : memref<1x16x8x128xf32, #tpu.memory_space<vmem>> -> memref<16x8x128xf32, #tpu.memory_space<vmem>>
        %dma_wait3A_468 = arith.constant 0 : i32
        %dma_wait3A_469 = tpu.memref_slice %arg12[%dma_wait3A, %dma_wait3A_468] : memref<6x16xi32, #tpu.memory_space<vmem>> -> memref<1x16xi32, #tpu.memory_space<vmem>>
        %dma_wait3A_470 = tpu.memref_squeeze %dma_wait3A_469 : memref<1x16xi32, #tpu.memory_space<vmem>> -> memref<16xi32, #tpu.memory_space<vmem>>
        %dma_wait3A_471 = arith.constant 0 : i32
        %dma_wait3A_472 = arith.constant 0 : i32
        %dma_wait3A_473 = arith.constant 0 : i32
        %dma_wait3A_474 = tpu.memref_slice %arg2[%dma_wait3A_471, %dma_wait3A_472, %dma_wait3A_473] : memref<16384x8x128xf32, #tpu.memory_space<hbm>> -> memref<16384x8x128xf32, #tpu.memory_space<hbm>>
        tpu.wait_indirect_dma semaphore(%arg19 : memref<!tpu.dma_semaphore, #tpu.memory_space<semaphore_mem>>) src(%dma_wait3A_474 : memref<16384x8x128xf32, #tpu.memory_space<hbm>>) dst(%dma_wait3A_467 : memref<16x8x128xf32, #tpu.memory_space<vmem>>)
        %dma_start3A = arith.constant 4 : i32
        %dma_start3A_475 = arith.constant 4 : i32
        %dma_start3A_476 = arith.constant 0 : i32
        %dma_start3A_477 = arith.constant 0 : i32
        %dma_start3A_478 = arith.constant 0 : i32
        %dma_start3A_479 = tpu.memref_slice %arg14[%dma_start3A, %dma_start3A_476, %dma_start3A_477, %dma_start3A_478] : memref<6x16x8x128xf32, #tpu.memory_space<vmem>> -> memref<1x16x8x128xf32, #tpu.memory_space<vmem>>
        %dma_start3A_480 = tpu.memref_squeeze %dma_start3A_479 : memref<1x16x8x128xf32, #tpu.memory_space<vmem>> -> memref<16x8x128xf32, #tpu.memory_space<vmem>>
        %dma_start3A_481 = arith.constant 0 : i32
        %dma_start3A_482 = tpu.memref_slice %arg13[%dma_start3A_475, %dma_start3A_481] : memref<6x16xi32, #tpu.memory_space<vmem>> -> memref<1x16xi32, #tpu.memory_space<vmem>>
        %dma_start3A_483 = tpu.memref_squeeze %dma_start3A_482 : memref<1x16xi32, #tpu.memory_space<vmem>> -> memref<16xi32, #tpu.memory_space<vmem>>
        %dma_start3A_484 = arith.constant 0 : i32
        %dma_start3A_485 = arith.constant 0 : i32
        %dma_start3A_486 = arith.constant 0 : i32
        %dma_start3A_487 = tpu.memref_slice %arg5[%dma_start3A_484, %dma_start3A_485, %dma_start3A_486] : memref<32768x8x128xf32, #tpu.memory_space<hbm>> -> memref<32768x8x128xf32, #tpu.memory_space<hbm>>
        tpu.enqueue_indirect_dma source(%dma_start3A_480 : memref<16x8x128xf32, #tpu.memory_space<vmem>>) target(%dma_start3A_487 : memref<32768x8x128xf32, #tpu.memory_space<hbm>>) offsets(%dma_start3A_483 : memref<16xi32, #tpu.memory_space<vmem>>) semaphore(%arg25 : memref<!tpu.dma_semaphore, #tpu.memory_space<semaphore_mem>>)
      } else {
      }
      %mul3A_454 = arith.constant 6 : i32
      %mul3A_455 = arith.muli %mul3A_454, %add3A_366 : i32
      %add3A_456 = arith.constant 5 : i32
      %add3A_457 = arith.addi %mul3A_455, %add3A_456 : i32
      %lt3A_458 = arith.cmpi slt, %add3A_457, %select_n3A : i32
      %convert_element_type3A_459 = arith.extui %lt3A_458 : i1 to i32
      %cond3A_460 = arith.constant 0 : i32
      %cond3A_461 = arith.cmpi ne, %convert_element_type3A_459, %cond3A_460 : i32
      scf.if %cond3A_461 {
        %dma_wait3A = arith.constant 5 : i32
        %dma_wait3A_462 = arith.constant 5 : i32
        %dma_wait3A_463 = arith.constant 0 : i32
        %dma_wait3A_464 = arith.constant 0 : i32
        %dma_wait3A_465 = arith.constant 0 : i32
        %dma_wait3A_466 = tpu.memref_slice %arg14[%dma_wait3A_462, %dma_wait3A_463, %dma_wait3A_464, %dma_wait3A_465] : memref<6x16x8x128xf32, #tpu.memory_space<vmem>> -> memref<1x16x8x128xf32, #tpu.memory_space<vmem>>
        %dma_wait3A_467 = tpu.memref_squeeze %dma_wait3A_466 : memref<1x16x8x128xf32, #tpu.memory_space<vmem>> -> memref<16x8x128xf32, #tpu.memory_space<vmem>>
        %dma_wait3A_468 = arith.constant 0 : i32
        %dma_wait3A_469 = tpu.memref_slice %arg12[%dma_wait3A, %dma_wait3A_468] : memref<6x16xi32, #tpu.memory_space<vmem>> -> memref<1x16xi32, #tpu.memory_space<vmem>>
        %dma_wait3A_470 = tpu.memref_squeeze %dma_wait3A_469 : memref<1x16xi32, #tpu.memory_space<vmem>> -> memref<16xi32, #tpu.memory_space<vmem>>
        %dma_wait3A_471 = arith.constant 0 : i32
        %dma_wait3A_472 = arith.constant 0 : i32
        %dma_wait3A_473 = arith.constant 0 : i32
        %dma_wait3A_474 = tpu.memref_slice %arg2[%dma_wait3A_471, %dma_wait3A_472, %dma_wait3A_473] : memref<16384x8x128xf32, #tpu.memory_space<hbm>> -> memref<16384x8x128xf32, #tpu.memory_space<hbm>>
        tpu.wait_indirect_dma semaphore(%arg20 : memref<!tpu.dma_semaphore, #tpu.memory_space<semaphore_mem>>) src(%dma_wait3A_474 : memref<16384x8x128xf32, #tpu.memory_space<hbm>>) dst(%dma_wait3A_467 : memref<16x8x128xf32, #tpu.memory_space<vmem>>)
        %dma_start3A = arith.constant 5 : i32
        %dma_start3A_475 = arith.constant 5 : i32
        %dma_start3A_476 = arith.constant 0 : i32
        %dma_start3A_477 = arith.constant 0 : i32
        %dma_start3A_478 = arith.constant 0 : i32
        %dma_start3A_479 = tpu.memref_slice %arg14[%dma_start3A, %dma_start3A_476, %dma_start3A_477, %dma_start3A_478] : memref<6x16x8x128xf32, #tpu.memory_space<vmem>> -> memref<1x16x8x128xf32, #tpu.memory_space<vmem>>
        %dma_start3A_480 = tpu.memref_squeeze %dma_start3A_479 : memref<1x16x8x128xf32, #tpu.memory_space<vmem>> -> memref<16x8x128xf32, #tpu.memory_space<vmem>>
        %dma_start3A_481 = arith.constant 0 : i32
        %dma_start3A_482 = tpu.memref_slice %arg13[%dma_start3A_475, %dma_start3A_481] : memref<6x16xi32, #tpu.memory_space<vmem>> -> memref<1x16xi32, #tpu.memory_space<vmem>>
        %dma_start3A_483 = tpu.memref_squeeze %dma_start3A_482 : memref<1x16xi32, #tpu.memory_space<vmem>> -> memref<16xi32, #tpu.memory_space<vmem>>
        %dma_start3A_484 = arith.constant 0 : i32
        %dma_start3A_485 = arith.constant 0 : i32
        %dma_start3A_486 = arith.constant 0 : i32
        %dma_start3A_487 = tpu.memref_slice %arg5[%dma_start3A_484, %dma_start3A_485, %dma_start3A_486] : memref<32768x8x128xf32, #tpu.memory_space<hbm>> -> memref<32768x8x128xf32, #tpu.memory_space<hbm>>
        tpu.enqueue_indirect_dma source(%dma_start3A_480 : memref<16x8x128xf32, #tpu.memory_space<vmem>>) target(%dma_start3A_487 : memref<32768x8x128xf32, #tpu.memory_space<hbm>>) offsets(%dma_start3A_483 : memref<16xi32, #tpu.memory_space<vmem>>) semaphore(%arg26 : memref<!tpu.dma_semaphore, #tpu.memory_space<semaphore_mem>>)
      } else {
      }
    }
    %gt3A = arith.constant 0 : i32
    %gt3A_232 = arith.cmpi sgt, %select_n3A, %gt3A : i32
    %convert_element_type3A = arith.extui %gt3A_232 : i1 to i32
    %cond3A = arith.constant 0 : i32
    %cond3A_233 = arith.cmpi ne, %convert_element_type3A, %cond3A : i32
    scf.if %cond3A_233 {
      %dma_wait3A = arith.constant 0 : i32
      %dma_wait3A_364 = arith.constant 0 : i32
      %dma_wait3A_365 = arith.constant 0 : i32
      %dma_wait3A_366 = arith.constant 0 : i32
      %dma_wait3A_367 = arith.constant 0 : i32
      %dma_wait3A_368 = tpu.memref_slice %arg14[%dma_wait3A, %dma_wait3A_365, %dma_wait3A_366, %dma_wait3A_367] : memref<6x16x8x128xf32, #tpu.memory_space<vmem>> -> memref<1x16x8x128xf32, #tpu.memory_space<vmem>>
      %dma_wait3A_369 = tpu.memref_squeeze %dma_wait3A_368 : memref<1x16x8x128xf32, #tpu.memory_space<vmem>> -> memref<16x8x128xf32, #tpu.memory_space<vmem>>
      %dma_wait3A_370 = arith.constant 0 : i32
      %dma_wait3A_371 = tpu.memref_slice %arg13[%dma_wait3A_364, %dma_wait3A_370] : memref<6x16xi32, #tpu.memory_space<vmem>> -> memref<1x16xi32, #tpu.memory_space<vmem>>
      %dma_wait3A_372 = tpu.memref_squeeze %dma_wait3A_371 : memref<1x16xi32, #tpu.memory_space<vmem>> -> memref<16xi32, #tpu.memory_space<vmem>>
      %dma_wait3A_373 = arith.constant 0 : i32
      %dma_wait3A_374 = arith.constant 0 : i32
      %dma_wait3A_375 = arith.constant 0 : i32
      %dma_wait3A_376 = tpu.memref_slice %arg5[%dma_wait3A_373, %dma_wait3A_374, %dma_wait3A_375] : memref<32768x8x128xf32, #tpu.memory_space<hbm>> -> memref<32768x8x128xf32, #tpu.memory_space<hbm>>
      tpu.wait_indirect_dma semaphore(%arg21 : memref<!tpu.dma_semaphore, #tpu.memory_space<semaphore_mem>>) src(%dma_wait3A_369 : memref<16x8x128xf32, #tpu.memory_space<vmem>>) dst(%dma_wait3A_376 : memref<32768x8x128xf32, #tpu.memory_space<hbm>>)
    } else {
    }
    %gt3A_234 = arith.constant 1 : i32
    %gt3A_235 = arith.cmpi sgt, %select_n3A, %gt3A_234 : i32
    %convert_element_type3A_236 = arith.extui %gt3A_235 : i1 to i32
    %cond3A_237 = arith.constant 0 : i32
    %cond3A_238 = arith.cmpi ne, %convert_element_type3A_236, %cond3A_237 : i32
    scf.if %cond3A_238 {
      %dma_wait3A = arith.constant 1 : i32
      %dma_wait3A_364 = arith.constant 1 : i32
      %dma_wait3A_365 = arith.constant 0 : i32
      %dma_wait3A_366 = arith.constant 0 : i32
      %dma_wait3A_367 = arith.constant 0 : i32
      %dma_wait3A_368 = tpu.memref_slice %arg14[%dma_wait3A, %dma_wait3A_365, %dma_wait3A_366, %dma_wait3A_367] : memref<6x16x8x128xf32, #tpu.memory_space<vmem>> -> memref<1x16x8x128xf32, #tpu.memory_space<vmem>>
      %dma_wait3A_369 = tpu.memref_squeeze %dma_wait3A_368 : memref<1x16x8x128xf32, #tpu.memory_space<vmem>> -> memref<16x8x128xf32, #tpu.memory_space<vmem>>
      %dma_wait3A_370 = arith.constant 0 : i32
      %dma_wait3A_371 = tpu.memref_slice %arg13[%dma_wait3A_364, %dma_wait3A_370] : memref<6x16xi32, #tpu.memory_space<vmem>> -> memref<1x16xi32, #tpu.memory_space<vmem>>
      %dma_wait3A_372 = tpu.memref_squeeze %dma_wait3A_371 : memref<1x16xi32, #tpu.memory_space<vmem>> -> memref<16xi32, #tpu.memory_space<vmem>>
      %dma_wait3A_373 = arith.constant 0 : i32
      %dma_wait3A_374 = arith.constant 0 : i32
      %dma_wait3A_375 = arith.constant 0 : i32
      %dma_wait3A_376 = tpu.memref_slice %arg5[%dma_wait3A_373, %dma_wait3A_374, %dma_wait3A_375] : memref<32768x8x128xf32, #tpu.memory_space<hbm>> -> memref<32768x8x128xf32, #tpu.memory_space<hbm>>
      tpu.wait_indirect_dma semaphore(%arg22 : memref<!tpu.dma_semaphore, #tpu.memory_space<semaphore_mem>>) src(%dma_wait3A_369 : memref<16x8x128xf32, #tpu.memory_space<vmem>>) dst(%dma_wait3A_376 : memref<32768x8x128xf32, #tpu.memory_space<hbm>>)
    } else {
    }
    %gt3A_239 = arith.constant 2 : i32
    %gt3A_240 = arith.cmpi sgt, %select_n3A, %gt3A_239 : i32
    %convert_element_type3A_241 = arith.extui %gt3A_240 : i1 to i32
    %cond3A_242 = arith.constant 0 : i32
    %cond3A_243 = arith.cmpi ne, %convert_element_type3A_241, %cond3A_242 : i32
    scf.if %cond3A_243 {
      %dma_wait3A = arith.constant 2 : i32
      %dma_wait3A_364 = arith.constant 2 : i32
      %dma_wait3A_365 = arith.constant 0 : i32
      %dma_wait3A_366 = arith.constant 0 : i32
      %dma_wait3A_367 = arith.constant 0 : i32
      %dma_wait3A_368 = tpu.memref_slice %arg14[%dma_wait3A, %dma_wait3A_365, %dma_wait3A_366, %dma_wait3A_367] : memref<6x16x8x128xf32, #tpu.memory_space<vmem>> -> memref<1x16x8x128xf32, #tpu.memory_space<vmem>>
      %dma_wait3A_369 = tpu.memref_squeeze %dma_wait3A_368 : memref<1x16x8x128xf32, #tpu.memory_space<vmem>> -> memref<16x8x128xf32, #tpu.memory_space<vmem>>
      %dma_wait3A_370 = arith.constant 0 : i32
      %dma_wait3A_371 = tpu.memref_slice %arg13[%dma_wait3A_364, %dma_wait3A_370] : memref<6x16xi32, #tpu.memory_space<vmem>> -> memref<1x16xi32, #tpu.memory_space<vmem>>
      %dma_wait3A_372 = tpu.memref_squeeze %dma_wait3A_371 : memref<1x16xi32, #tpu.memory_space<vmem>> -> memref<16xi32, #tpu.memory_space<vmem>>
      %dma_wait3A_373 = arith.constant 0 : i32
      %dma_wait3A_374 = arith.constant 0 : i32
      %dma_wait3A_375 = arith.constant 0 : i32
      %dma_wait3A_376 = tpu.memref_slice %arg5[%dma_wait3A_373, %dma_wait3A_374, %dma_wait3A_375] : memref<32768x8x128xf32, #tpu.memory_space<hbm>> -> memref<32768x8x128xf32, #tpu.memory_space<hbm>>
      tpu.wait_indirect_dma semaphore(%arg23 : memref<!tpu.dma_semaphore, #tpu.memory_space<semaphore_mem>>) src(%dma_wait3A_369 : memref<16x8x128xf32, #tpu.memory_space<vmem>>) dst(%dma_wait3A_376 : memref<32768x8x128xf32, #tpu.memory_space<hbm>>)
    } else {
    }
    %gt3A_244 = arith.constant 3 : i32
    %gt3A_245 = arith.cmpi sgt, %select_n3A, %gt3A_244 : i32
    %convert_element_type3A_246 = arith.extui %gt3A_245 : i1 to i32
    %cond3A_247 = arith.constant 0 : i32
    %cond3A_248 = arith.cmpi ne, %convert_element_type3A_246, %cond3A_247 : i32
    scf.if %cond3A_248 {
      %dma_wait3A = arith.constant 3 : i32
      %dma_wait3A_364 = arith.constant 3 : i32
      %dma_wait3A_365 = arith.constant 0 : i32
      %dma_wait3A_366 = arith.constant 0 : i32
      %dma_wait3A_367 = arith.constant 0 : i32
      %dma_wait3A_368 = tpu.memref_slice %arg14[%dma_wait3A, %dma_wait3A_365, %dma_wait3A_366, %dma_wait3A_367] : memref<6x16x8x128xf32, #tpu.memory_space<vmem>> -> memref<1x16x8x128xf32, #tpu.memory_space<vmem>>
      %dma_wait3A_369 = tpu.memref_squeeze %dma_wait3A_368 : memref<1x16x8x128xf32, #tpu.memory_space<vmem>> -> memref<16x8x128xf32, #tpu.memory_space<vmem>>
      %dma_wait3A_370 = arith.constant 0 : i32
      %dma_wait3A_371 = tpu.memref_slice %arg13[%dma_wait3A_364, %dma_wait3A_370] : memref<6x16xi32, #tpu.memory_space<vmem>> -> memref<1x16xi32, #tpu.memory_space<vmem>>
      %dma_wait3A_372 = tpu.memref_squeeze %dma_wait3A_371 : memref<1x16xi32, #tpu.memory_space<vmem>> -> memref<16xi32, #tpu.memory_space<vmem>>
      %dma_wait3A_373 = arith.constant 0 : i32
      %dma_wait3A_374 = arith.constant 0 : i32
      %dma_wait3A_375 = arith.constant 0 : i32
      %dma_wait3A_376 = tpu.memref_slice %arg5[%dma_wait3A_373, %dma_wait3A_374, %dma_wait3A_375] : memref<32768x8x128xf32, #tpu.memory_space<hbm>> -> memref<32768x8x128xf32, #tpu.memory_space<hbm>>
      tpu.wait_indirect_dma semaphore(%arg24 : memref<!tpu.dma_semaphore, #tpu.memory_space<semaphore_mem>>) src(%dma_wait3A_369 : memref<16x8x128xf32, #tpu.memory_space<vmem>>) dst(%dma_wait3A_376 : memref<32768x8x128xf32, #tpu.memory_space<hbm>>)
    } else {
    }
    %gt3A_249 = arith.constant 4 : i32
    %gt3A_250 = arith.cmpi sgt, %select_n3A, %gt3A_249 : i32
    %convert_element_type3A_251 = arith.extui %gt3A_250 : i1 to i32
    %cond3A_252 = arith.constant 0 : i32
    %cond3A_253 = arith.cmpi ne, %convert_element_type3A_251, %cond3A_252 : i32
    scf.if %cond3A_253 {
      %dma_wait3A = arith.constant 4 : i32
      %dma_wait3A_364 = arith.constant 4 : i32
      %dma_wait3A_365 = arith.constant 0 : i32
      %dma_wait3A_366 = arith.constant 0 : i32
      %dma_wait3A_367 = arith.constant 0 : i32
      %dma_wait3A_368 = tpu.memref_slice %arg14[%dma_wait3A, %dma_wait3A_365, %dma_wait3A_366, %dma_wait3A_367] : memref<6x16x8x128xf32, #tpu.memory_space<vmem>> -> memref<1x16x8x128xf32, #tpu.memory_space<vmem>>
      %dma_wait3A_369 = tpu.memref_squeeze %dma_wait3A_368 : memref<1x16x8x128xf32, #tpu.memory_space<vmem>> -> memref<16x8x128xf32, #tpu.memory_space<vmem>>
      %dma_wait3A_370 = arith.constant 0 : i32
      %dma_wait3A_371 = tpu.memref_slice %arg13[%dma_wait3A_364, %dma_wait3A_370] : memref<6x16xi32, #tpu.memory_space<vmem>> -> memref<1x16xi32, #tpu.memory_space<vmem>>
      %dma_wait3A_372 = tpu.memref_squeeze %dma_wait3A_371 : memref<1x16xi32, #tpu.memory_space<vmem>> -> memref<16xi32, #tpu.memory_space<vmem>>
      %dma_wait3A_373 = arith.constant 0 : i32
      %dma_wait3A_374 = arith.constant 0 : i32
      %dma_wait3A_375 = arith.constant 0 : i32
      %dma_wait3A_376 = tpu.memref_slice %arg5[%dma_wait3A_373, %dma_wait3A_374, %dma_wait3A_375] : memref<32768x8x128xf32, #tpu.memory_space<hbm>> -> memref<32768x8x128xf32, #tpu.memory_space<hbm>>
      tpu.wait_indirect_dma semaphore(%arg25 : memref<!tpu.dma_semaphore, #tpu.memory_space<semaphore_mem>>) src(%dma_wait3A_369 : memref<16x8x128xf32, #tpu.memory_space<vmem>>) dst(%dma_wait3A_376 : memref<32768x8x128xf32, #tpu.memory_space<hbm>>)
    } else {
    }
    %gt3A_254 = arith.constant 5 : i32
    %gt3A_255 = arith.cmpi sgt, %select_n3A, %gt3A_254 : i32
    %convert_element_type3A_256 = arith.extui %gt3A_255 : i1 to i32
    %cond3A_257 = arith.constant 0 : i32
    %cond3A_258 = arith.cmpi ne, %convert_element_type3A_256, %cond3A_257 : i32
    scf.if %cond3A_258 {
      %dma_wait3A = arith.constant 5 : i32
      %dma_wait3A_364 = arith.constant 5 : i32
      %dma_wait3A_365 = arith.constant 0 : i32
      %dma_wait3A_366 = arith.constant 0 : i32
      %dma_wait3A_367 = arith.constant 0 : i32
      %dma_wait3A_368 = tpu.memref_slice %arg14[%dma_wait3A, %dma_wait3A_365, %dma_wait3A_366, %dma_wait3A_367] : memref<6x16x8x128xf32, #tpu.memory_space<vmem>> -> memref<1x16x8x128xf32, #tpu.memory_space<vmem>>
      %dma_wait3A_369 = tpu.memref_squeeze %dma_wait3A_368 : memref<1x16x8x128xf32, #tpu.memory_space<vmem>> -> memref<16x8x128xf32, #tpu.memory_space<vmem>>
      %dma_wait3A_370 = arith.constant 0 : i32
      %dma_wait3A_371 = tpu.memref_slice %arg13[%dma_wait3A_364, %dma_wait3A_370] : memref<6x16xi32, #tpu.memory_space<vmem>> -> memref<1x16xi32, #tpu.memory_space<vmem>>
      %dma_wait3A_372 = tpu.memref_squeeze %dma_wait3A_371 : memref<1x16xi32, #tpu.memory_space<vmem>> -> memref<16xi32, #tpu.memory_space<vmem>>
      %dma_wait3A_373 = arith.constant 0 : i32
      %dma_wait3A_374 = arith.constant 0 : i32
      %dma_wait3A_375 = arith.constant 0 : i32
      %dma_wait3A_376 = tpu.memref_slice %arg5[%dma_wait3A_373, %dma_wait3A_374, %dma_wait3A_375] : memref<32768x8x128xf32, #tpu.memory_space<hbm>> -> memref<32768x8x128xf32, #tpu.memory_space<hbm>>
      tpu.wait_indirect_dma semaphore(%arg26 : memref<!tpu.dma_semaphore, #tpu.memory_space<semaphore_mem>>) src(%dma_wait3A_369 : memref<16x8x128xf32, #tpu.memory_space<vmem>>) dst(%dma_wait3A_376 : memref<32768x8x128xf32, #tpu.memory_space<hbm>>)
    } else {
    }
    %add3A_259 = arith.constant 16 : i32
    %add3A_260 = arith.addi %scan3A_141#1, %add3A_259 : i32
    %sub3A_261 = arith.constant 1 : i32
    %sub3A_262 = arith.subi %add3A_260, %sub3A_261 : i32
    %jit3A_263 = arith.constant 16 : i32
    %div3A_264 = arith.divsi %sub3A_262, %jit3A_263 : i32
    %sign3A_265 = arith.constant 0 : i32
    %sign3A_266 = arith.cmpi sgt, %sub3A_262, %sign3A_265 : i32
    %sign3A_267 = arith.extui %sign3A_266 : i1 to i32
    %sign3A_268 = arith.constant 0 : i32
    %sign3A_269 = arith.cmpi slt, %sub3A_262, %sign3A_268 : i32
    %sign3A_270 = arith.extui %sign3A_269 : i1 to i32
    %sign3A_271 = arith.subi %sign3A_267, %sign3A_270 : i32
    %sign3A_272 = arith.constant 0 : i32
    %sign3A_273 = arith.cmpi sgt, %jit3A_263, %sign3A_272 : i32
    %sign3A_274 = arith.extui %sign3A_273 : i1 to i32
    %sign3A_275 = arith.constant 0 : i32
    %sign3A_276 = arith.cmpi slt, %jit3A_263, %sign3A_275 : i32
    %sign3A_277 = arith.extui %sign3A_276 : i1 to i32
    %sign3A_278 = arith.subi %sign3A_274, %sign3A_277 : i32
    %ne3A_279 = arith.cmpi ne, %sign3A_271, %sign3A_278 : i32
    %rem3A_280 = arith.remsi %sub3A_262, %jit3A_263 : i32
    %ne3A_281 = arith.constant 0 : i32
    %ne3A_282 = arith.cmpi ne, %rem3A_280, %ne3A_281 : i32
    %and3A_283 = arith.andi %ne3A_279, %ne3A_282 : i1
    %sub3A_284 = arith.constant 1 : i32
    %sub3A_285 = arith.subi %div3A_264, %sub3A_284 : i32
    %select_n3A_286 = arith.select %and3A_283, %sub3A_285, %div3A_264 : i32
    %add3A_287 = arith.constant 6 : i32
    %add3A_288 = arith.addi %select_n3A_286, %add3A_287 : i32
    %sub3A_289 = arith.constant 1 : i32
    %sub3A_290 = arith.subi %add3A_288, %sub3A_289 : i32
    %jit3A_291 = arith.constant 6 : i32
    %div3A_292 = arith.divsi %sub3A_290, %jit3A_291 : i32
    %sign3A_293 = arith.constant 0 : i32
    %sign3A_294 = arith.cmpi sgt, %sub3A_290, %sign3A_293 : i32
    %sign3A_295 = arith.extui %sign3A_294 : i1 to i32
    %sign3A_296 = arith.constant 0 : i32
    %sign3A_297 = arith.cmpi slt, %sub3A_290, %sign3A_296 : i32
    %sign3A_298 = arith.extui %sign3A_297 : i1 to i32
    %sign3A_299 = arith.subi %sign3A_295, %sign3A_298 : i32
    %sign3A_300 = arith.constant 0 : i32
    %sign3A_301 = arith.cmpi sgt, %jit3A_291, %sign3A_300 : i32
    %sign3A_302 = arith.extui %sign3A_301 : i1 to i32
    %sign3A_303 = arith.constant 0 : i32
    %sign3A_304 = arith.cmpi slt, %jit3A_291, %sign3A_303 : i32
    %sign3A_305 = arith.extui %sign3A_304 : i1 to i32
    %sign3A_306 = arith.subi %sign3A_302, %sign3A_305 : i32
    %ne3A_307 = arith.cmpi ne, %sign3A_299, %sign3A_306 : i32
    %rem3A_308 = arith.remsi %sub3A_290, %jit3A_291 : i32
    %ne3A_309 = arith.constant 0 : i32
    %ne3A_310 = arith.cmpi ne, %rem3A_308, %ne3A_309 : i32
    %and3A_311 = arith.andi %ne3A_307, %ne3A_310 : i1
    %sub3A_312 = arith.constant 1 : i32
    %sub3A_313 = arith.subi %div3A_292, %sub3A_312 : i32
    %select_n3A_314 = arith.select %and3A_311, %sub3A_313, %div3A_292 : i32
    %sub3A_315 = arith.constant 0 : i32
    %sub3A_316 = arith.subi %select_n3A_314, %sub3A_315 : i32
    %sub3A_317 = arith.constant 1 : i32
    %sub3A_318 = arith.constant 1 : i32
    %sub3A_319 = arith.subi %sub3A_317, %sub3A_318 : i32
    %add3A_320 = arith.addi %sub3A_316, %sub3A_319 : i32
    %div3A_321 = arith.constant 1 : i32
    %div3A_322 = arith.divsi %add3A_320, %div3A_321 : i32
    %while3A_323 = arith.constant 1 : i32
    %while3A_324 = arith.constant 0 : i32
    %while3A_325 = arith.constant 0 : i32
    %while3A_326 = arith.subi %div3A_322, %while3A_325 : i32
    %while3A_327 = arith.addi %while3A_325, %while3A_326 : i32
    %while3A_328 = arith.constant 1 : i32
    %while3A_329 = arith.divsi %while3A_326, %while3A_328 : i32
    %while3A_330 = arith.muli %while3A_329, %while3A_328 : i32
    %while3A_331 = arith.addi %while3A_325, %while3A_330 : i32
    %while3A_332 = arith.constant 1 : i32
    scf.for %while3A_364 = %while3A_325 to %while3A_331 step %while3A_332  : i32 {
      %mul3A_365 = arith.muli %while3A_364, %while3A_323 : i32
      %add3A_366 = arith.addi %while3A_324, %mul3A_365 : i32
      %mul3A_367 = arith.constant 6 : i32
      %mul3A_368 = arith.muli %mul3A_367, %add3A_366 : i32
      %add3A_369 = arith.constant 0 : i32
      %add3A_370 = arith.addi %mul3A_368, %add3A_369 : i32
      %lt3A = arith.cmpi slt, %add3A_370, %select_n3A_286 : i32
      %convert_element_type3A_371 = arith.extui %lt3A : i1 to i32
      %cond3A_372 = arith.constant 0 : i32
      %cond3A_373 = arith.cmpi ne, %convert_element_type3A_371, %cond3A_372 : i32
      scf.if %cond3A_373 {
        %gt3A_462 = arith.constant 0 : i32
        %gt3A_463 = arith.cmpi sgt, %add3A_366, %gt3A_462 : i32
        %convert_element_type3A_464 = arith.extui %gt3A_463 : i1 to i32
        %cond3A_465 = arith.constant 0 : i32
        %cond3A_466 = arith.cmpi ne, %convert_element_type3A_464, %cond3A_465 : i32
        scf.if %cond3A_466 {
          %dma_wait3A = arith.constant 0 : i32
          %dma_wait3A_499 = arith.constant 0 : i32
          %dma_wait3A_500 = arith.constant 0 : i32
          %dma_wait3A_501 = arith.constant 0 : i32
          %dma_wait3A_502 = arith.constant 0 : i32
          %dma_wait3A_503 = tpu.memref_slice %arg14[%dma_wait3A, %dma_wait3A_500, %dma_wait3A_501, %dma_wait3A_502] : memref<6x16x8x128xf32, #tpu.memory_space<vmem>> -> memref<1x16x8x128xf32, #tpu.memory_space<vmem>>
          %dma_wait3A_504 = tpu.memref_squeeze %dma_wait3A_503 : memref<1x16x8x128xf32, #tpu.memory_space<vmem>> -> memref<16x8x128xf32, #tpu.memory_space<vmem>>
          %dma_wait3A_505 = arith.constant 0 : i32
          %dma_wait3A_506 = tpu.memref_slice %arg13[%dma_wait3A_499, %dma_wait3A_505] : memref<6x16xi32, #tpu.memory_space<vmem>> -> memref<1x16xi32, #tpu.memory_space<vmem>>
          %dma_wait3A_507 = tpu.memref_squeeze %dma_wait3A_506 : memref<1x16xi32, #tpu.memory_space<vmem>> -> memref<16xi32, #tpu.memory_space<vmem>>
          %dma_wait3A_508 = arith.constant 0 : i32
          %dma_wait3A_509 = arith.constant 0 : i32
          %dma_wait3A_510 = arith.constant 0 : i32
          %dma_wait3A_511 = tpu.memref_slice %arg5[%dma_wait3A_508, %dma_wait3A_509, %dma_wait3A_510] : memref<32768x8x128xf32, #tpu.memory_space<hbm>> -> memref<32768x8x128xf32, #tpu.memory_space<hbm>>
          tpu.wait_indirect_dma semaphore(%arg21 : memref<!tpu.dma_semaphore, #tpu.memory_space<semaphore_mem>>) src(%dma_wait3A_504 : memref<16x8x128xf32, #tpu.memory_space<vmem>>) dst(%dma_wait3A_511 : memref<32768x8x128xf32, #tpu.memory_space<hbm>>)
        } else {
        }
        %mul3A_467 = arith.constant 16 : i32
        %mul3A_468 = arith.muli %add3A_370, %mul3A_467 : i32
        %add3A_469 = arith.constant 0 : i32
        %add3A_470 = arith.addi %mul3A_468, %add3A_469 : i32
        %get3A = arith.index_cast %add3A_470 : i32 to index
        %get3A_471 = tpu.vector_load %arg11[%get3A] {strides = array<i32>} : memref<1040xi32, #tpu.memory_space<vmem>>, vector<16xi32>,
        %swap3A_472 = arith.constant 0 : i32
        %swap3A_473 = arith.index_cast %swap3A_472 : i32 to index
        %swap3A_474 = arith.constant 0 : index
        %swap3A_475 = tpu.vector_load %arg12[%swap3A_473, %swap3A_474] {strides = array<i32>} : memref<6x16xi32, #tpu.memory_space<vmem>>, vector<16xi32>,
        tpu.vector_store %arg12[%swap3A_473, %swap3A_474], %get3A_471 {strides = array<i32>} : memref<6x16xi32, #tpu.memory_space<vmem>>, vector<16xi32>,
        %mul3A_476 = arith.constant 16 : i32
        %mul3A_477 = arith.muli %add3A_370, %mul3A_476 : i32
        %add3A_478 = arith.constant 0 : i32
        %add3A_479 = arith.addi %mul3A_477, %add3A_478 : i32
        %get3A_480 = arith.index_cast %add3A_479 : i32 to index
        %get3A_481 = tpu.vector_load %arg11[%get3A_480] {strides = array<i32>} : memref<1040xi32, #tpu.memory_space<vmem>>, vector<16xi32>,
        %swap3A_482 = arith.constant 0 : i32
        %swap3A_483 = arith.index_cast %swap3A_482 : i32 to index
        %swap3A_484 = arith.constant 0 : index
        %swap3A_485 = tpu.vector_load %arg13[%swap3A_483, %swap3A_484] {strides = array<i32>} : memref<6x16xi32, #tpu.memory_space<vmem>>, vector<16xi32>,
        tpu.vector_store %arg13[%swap3A_483, %swap3A_484], %get3A_481 {strides = array<i32>} : memref<6x16xi32, #tpu.memory_space<vmem>>, vector<16xi32>,
        %dma_start3A = arith.constant 0 : i32
        %dma_start3A_486 = arith.constant 0 : i32
        %dma_start3A_487 = arith.constant 0 : i32
        %dma_start3A_488 = arith.constant 0 : i32
        %dma_start3A_489 = arith.constant 0 : i32
        %dma_start3A_490 = tpu.memref_slice %arg14[%dma_start3A_486, %dma_start3A_487, %dma_start3A_488, %dma_start3A_489] : memref<6x16x8x128xf32, #tpu.memory_space<vmem>> -> memref<1x16x8x128xf32, #tpu.memory_space<vmem>>
        %dma_start3A_491 = tpu.memref_squeeze %dma_start3A_490 : memref<1x16x8x128xf32, #tpu.memory_space<vmem>> -> memref<16x8x128xf32, #tpu.memory_space<vmem>>
        %dma_start3A_492 = arith.constant 0 : i32
        %dma_start3A_493 = tpu.memref_slice %arg12[%dma_start3A, %dma_start3A_492] : memref<6x16xi32, #tpu.memory_space<vmem>> -> memref<1x16xi32, #tpu.memory_space<vmem>>
        %dma_start3A_494 = tpu.memref_squeeze %dma_start3A_493 : memref<1x16xi32, #tpu.memory_space<vmem>> -> memref<16xi32, #tpu.memory_space<vmem>>
        %dma_start3A_495 = arith.constant 0 : i32
        %dma_start3A_496 = arith.constant 0 : i32
        %dma_start3A_497 = arith.constant 0 : i32
        %dma_start3A_498 = tpu.memref_slice %arg4[%dma_start3A_495, %dma_start3A_496, %dma_start3A_497] : memref<32768x8x128xf32, #tpu.memory_space<hbm>> -> memref<32768x8x128xf32, #tpu.memory_space<hbm>>
        tpu.enqueue_indirect_dma source(%dma_start3A_498 : memref<32768x8x128xf32, #tpu.memory_space<hbm>>) target(%dma_start3A_491 : memref<16x8x128xf32, #tpu.memory_space<vmem>>) offsets(%dma_start3A_494 : memref<16xi32, #tpu.memory_space<vmem>>) semaphore(%arg15 : memref<!tpu.dma_semaphore, #tpu.memory_space<semaphore_mem>>)
      } else {
      }
      %mul3A_374 = arith.constant 6 : i32
      %mul3A_375 = arith.muli %mul3A_374, %add3A_366 : i32
      %add3A_376 = arith.constant 1 : i32
      %add3A_377 = arith.addi %mul3A_375, %add3A_376 : i32
      %lt3A_378 = arith.cmpi slt, %add3A_377, %select_n3A_286 : i32
      %convert_element_type3A_379 = arith.extui %lt3A_378 : i1 to i32
      %cond3A_380 = arith.constant 0 : i32
      %cond3A_381 = arith.cmpi ne, %convert_element_type3A_379, %cond3A_380 : i32
      scf.if %cond3A_381 {
        %gt3A_462 = arith.constant 0 : i32
        %gt3A_463 = arith.cmpi sgt, %add3A_366, %gt3A_462 : i32
        %convert_element_type3A_464 = arith.extui %gt3A_463 : i1 to i32
        %cond3A_465 = arith.constant 0 : i32
        %cond3A_466 = arith.cmpi ne, %convert_element_type3A_464, %cond3A_465 : i32
        scf.if %cond3A_466 {
          %dma_wait3A = arith.constant 1 : i32
          %dma_wait3A_499 = arith.constant 1 : i32
          %dma_wait3A_500 = arith.constant 0 : i32
          %dma_wait3A_501 = arith.constant 0 : i32
          %dma_wait3A_502 = arith.constant 0 : i32
          %dma_wait3A_503 = tpu.memref_slice %arg14[%dma_wait3A, %dma_wait3A_500, %dma_wait3A_501, %dma_wait3A_502] : memref<6x16x8x128xf32, #tpu.memory_space<vmem>> -> memref<1x16x8x128xf32, #tpu.memory_space<vmem>>
          %dma_wait3A_504 = tpu.memref_squeeze %dma_wait3A_503 : memref<1x16x8x128xf32, #tpu.memory_space<vmem>> -> memref<16x8x128xf32, #tpu.memory_space<vmem>>
          %dma_wait3A_505 = arith.constant 0 : i32
          %dma_wait3A_506 = tpu.memref_slice %arg13[%dma_wait3A_499, %dma_wait3A_505] : memref<6x16xi32, #tpu.memory_space<vmem>> -> memref<1x16xi32, #tpu.memory_space<vmem>>
          %dma_wait3A_507 = tpu.memref_squeeze %dma_wait3A_506 : memref<1x16xi32, #tpu.memory_space<vmem>> -> memref<16xi32, #tpu.memory_space<vmem>>
          %dma_wait3A_508 = arith.constant 0 : i32
          %dma_wait3A_509 = arith.constant 0 : i32
          %dma_wait3A_510 = arith.constant 0 : i32
          %dma_wait3A_511 = tpu.memref_slice %arg5[%dma_wait3A_508, %dma_wait3A_509, %dma_wait3A_510] : memref<32768x8x128xf32, #tpu.memory_space<hbm>> -> memref<32768x8x128xf32, #tpu.memory_space<hbm>>
          tpu.wait_indirect_dma semaphore(%arg22 : memref<!tpu.dma_semaphore, #tpu.memory_space<semaphore_mem>>) src(%dma_wait3A_504 : memref<16x8x128xf32, #tpu.memory_space<vmem>>) dst(%dma_wait3A_511 : memref<32768x8x128xf32, #tpu.memory_space<hbm>>)
        } else {
        }
        %mul3A_467 = arith.constant 16 : i32
        %mul3A_468 = arith.muli %add3A_377, %mul3A_467 : i32
        %add3A_469 = arith.constant 0 : i32
        %add3A_470 = arith.addi %mul3A_468, %add3A_469 : i32
        %get3A = arith.index_cast %add3A_470 : i32 to index
        %get3A_471 = tpu.vector_load %arg11[%get3A] {strides = array<i32>} : memref<1040xi32, #tpu.memory_space<vmem>>, vector<16xi32>,
        %swap3A_472 = arith.constant 1 : i32
        %swap3A_473 = arith.index_cast %swap3A_472 : i32 to index
        %swap3A_474 = arith.constant 0 : index
        %swap3A_475 = tpu.vector_load %arg12[%swap3A_473, %swap3A_474] {strides = array<i32>} : memref<6x16xi32, #tpu.memory_space<vmem>>, vector<16xi32>,
        tpu.vector_store %arg12[%swap3A_473, %swap3A_474], %get3A_471 {strides = array<i32>} : memref<6x16xi32, #tpu.memory_space<vmem>>, vector<16xi32>,
        %mul3A_476 = arith.constant 16 : i32
        %mul3A_477 = arith.muli %add3A_377, %mul3A_476 : i32
        %add3A_478 = arith.constant 0 : i32
        %add3A_479 = arith.addi %mul3A_477, %add3A_478 : i32
        %get3A_480 = arith.index_cast %add3A_479 : i32 to index
        %get3A_481 = tpu.vector_load %arg11[%get3A_480] {strides = array<i32>} : memref<1040xi32, #tpu.memory_space<vmem>>, vector<16xi32>,
        %swap3A_482 = arith.constant 1 : i32
        %swap3A_483 = arith.index_cast %swap3A_482 : i32 to index
        %swap3A_484 = arith.constant 0 : index
        %swap3A_485 = tpu.vector_load %arg13[%swap3A_483, %swap3A_484] {strides = array<i32>} : memref<6x16xi32, #tpu.memory_space<vmem>>, vector<16xi32>,
        tpu.vector_store %arg13[%swap3A_483, %swap3A_484], %get3A_481 {strides = array<i32>} : memref<6x16xi32, #tpu.memory_space<vmem>>, vector<16xi32>,
        %dma_start3A = arith.constant 1 : i32
        %dma_start3A_486 = arith.constant 1 : i32
        %dma_start3A_487 = arith.constant 0 : i32
        %dma_start3A_488 = arith.constant 0 : i32
        %dma_start3A_489 = arith.constant 0 : i32
        %dma_start3A_490 = tpu.memref_slice %arg14[%dma_start3A_486, %dma_start3A_487, %dma_start3A_488, %dma_start3A_489] : memref<6x16x8x128xf32, #tpu.memory_space<vmem>> -> memref<1x16x8x128xf32, #tpu.memory_space<vmem>>
        %dma_start3A_491 = tpu.memref_squeeze %dma_start3A_490 : memref<1x16x8x128xf32, #tpu.memory_space<vmem>> -> memref<16x8x128xf32, #tpu.memory_space<vmem>>
        %dma_start3A_492 = arith.constant 0 : i32
        %dma_start3A_493 = tpu.memref_slice %arg12[%dma_start3A, %dma_start3A_492] : memref<6x16xi32, #tpu.memory_space<vmem>> -> memref<1x16xi32, #tpu.memory_space<vmem>>
        %dma_start3A_494 = tpu.memref_squeeze %dma_start3A_493 : memref<1x16xi32, #tpu.memory_space<vmem>> -> memref<16xi32, #tpu.memory_space<vmem>>
        %dma_start3A_495 = arith.constant 0 : i32
        %dma_start3A_496 = arith.constant 0 : i32
        %dma_start3A_497 = arith.constant 0 : i32
        %dma_start3A_498 = tpu.memref_slice %arg4[%dma_start3A_495, %dma_start3A_496, %dma_start3A_497] : memref<32768x8x128xf32, #tpu.memory_space<hbm>> -> memref<32768x8x128xf32, #tpu.memory_space<hbm>>
        tpu.enqueue_indirect_dma source(%dma_start3A_498 : memref<32768x8x128xf32, #tpu.memory_space<hbm>>) target(%dma_start3A_491 : memref<16x8x128xf32, #tpu.memory_space<vmem>>) offsets(%dma_start3A_494 : memref<16xi32, #tpu.memory_space<vmem>>) semaphore(%arg16 : memref<!tpu.dma_semaphore, #tpu.memory_space<semaphore_mem>>)
      } else {
      }
      %mul3A_382 = arith.constant 6 : i32
      %mul3A_383 = arith.muli %mul3A_382, %add3A_366 : i32
      %add3A_384 = arith.constant 2 : i32
      %add3A_385 = arith.addi %mul3A_383, %add3A_384 : i32
      %lt3A_386 = arith.cmpi slt, %add3A_385, %select_n3A_286 : i32
      %convert_element_type3A_387 = arith.extui %lt3A_386 : i1 to i32
      %cond3A_388 = arith.constant 0 : i32
      %cond3A_389 = arith.cmpi ne, %convert_element_type3A_387, %cond3A_388 : i32
      scf.if %cond3A_389 {
        %gt3A_462 = arith.constant 0 : i32
        %gt3A_463 = arith.cmpi sgt, %add3A_366, %gt3A_462 : i32
        %convert_element_type3A_464 = arith.extui %gt3A_463 : i1 to i32
        %cond3A_465 = arith.constant 0 : i32
        %cond3A_466 = arith.cmpi ne, %convert_element_type3A_464, %cond3A_465 : i32
        scf.if %cond3A_466 {
          %dma_wait3A = arith.constant 2 : i32
          %dma_wait3A_499 = arith.constant 2 : i32
          %dma_wait3A_500 = arith.constant 0 : i32
          %dma_wait3A_501 = arith.constant 0 : i32
          %dma_wait3A_502 = arith.constant 0 : i32
          %dma_wait3A_503 = tpu.memref_slice %arg14[%dma_wait3A, %dma_wait3A_500, %dma_wait3A_501, %dma_wait3A_502] : memref<6x16x8x128xf32, #tpu.memory_space<vmem>> -> memref<1x16x8x128xf32, #tpu.memory_space<vmem>>
          %dma_wait3A_504 = tpu.memref_squeeze %dma_wait3A_503 : memref<1x16x8x128xf32, #tpu.memory_space<vmem>> -> memref<16x8x128xf32, #tpu.memory_space<vmem>>
          %dma_wait3A_505 = arith.constant 0 : i32
          %dma_wait3A_506 = tpu.memref_slice %arg13[%dma_wait3A_499, %dma_wait3A_505] : memref<6x16xi32, #tpu.memory_space<vmem>> -> memref<1x16xi32, #tpu.memory_space<vmem>>
          %dma_wait3A_507 = tpu.memref_squeeze %dma_wait3A_506 : memref<1x16xi32, #tpu.memory_space<vmem>> -> memref<16xi32, #tpu.memory_space<vmem>>
          %dma_wait3A_508 = arith.constant 0 : i32
          %dma_wait3A_509 = arith.constant 0 : i32
          %dma_wait3A_510 = arith.constant 0 : i32
          %dma_wait3A_511 = tpu.memref_slice %arg5[%dma_wait3A_508, %dma_wait3A_509, %dma_wait3A_510] : memref<32768x8x128xf32, #tpu.memory_space<hbm>> -> memref<32768x8x128xf32, #tpu.memory_space<hbm>>
          tpu.wait_indirect_dma semaphore(%arg23 : memref<!tpu.dma_semaphore, #tpu.memory_space<semaphore_mem>>) src(%dma_wait3A_504 : memref<16x8x128xf32, #tpu.memory_space<vmem>>) dst(%dma_wait3A_511 : memref<32768x8x128xf32, #tpu.memory_space<hbm>>)
        } else {
        }
        %mul3A_467 = arith.constant 16 : i32
        %mul3A_468 = arith.muli %add3A_385, %mul3A_467 : i32
        %add3A_469 = arith.constant 0 : i32
        %add3A_470 = arith.addi %mul3A_468, %add3A_469 : i32
        %get3A = arith.index_cast %add3A_470 : i32 to index
        %get3A_471 = tpu.vector_load %arg11[%get3A] {strides = array<i32>} : memref<1040xi32, #tpu.memory_space<vmem>>, vector<16xi32>,
        %swap3A_472 = arith.constant 2 : i32
        %swap3A_473 = arith.index_cast %swap3A_472 : i32 to index
        %swap3A_474 = arith.constant 0 : index
        %swap3A_475 = tpu.vector_load %arg12[%swap3A_473, %swap3A_474] {strides = array<i32>} : memref<6x16xi32, #tpu.memory_space<vmem>>, vector<16xi32>,
        tpu.vector_store %arg12[%swap3A_473, %swap3A_474], %get3A_471 {strides = array<i32>} : memref<6x16xi32, #tpu.memory_space<vmem>>, vector<16xi32>,
        %mul3A_476 = arith.constant 16 : i32
        %mul3A_477 = arith.muli %add3A_385, %mul3A_476 : i32
        %add3A_478 = arith.constant 0 : i32
        %add3A_479 = arith.addi %mul3A_477, %add3A_478 : i32
        %get3A_480 = arith.index_cast %add3A_479 : i32 to index
        %get3A_481 = tpu.vector_load %arg11[%get3A_480] {strides = array<i32>} : memref<1040xi32, #tpu.memory_space<vmem>>, vector<16xi32>,
        %swap3A_482 = arith.constant 2 : i32
        %swap3A_483 = arith.index_cast %swap3A_482 : i32 to index
        %swap3A_484 = arith.constant 0 : index
        %swap3A_485 = tpu.vector_load %arg13[%swap3A_483, %swap3A_484] {strides = array<i32>} : memref<6x16xi32, #tpu.memory_space<vmem>>, vector<16xi32>,
        tpu.vector_store %arg13[%swap3A_483, %swap3A_484], %get3A_481 {strides = array<i32>} : memref<6x16xi32, #tpu.memory_space<vmem>>, vector<16xi32>,
        %dma_start3A = arith.constant 2 : i32
        %dma_start3A_486 = arith.constant 2 : i32
        %dma_start3A_487 = arith.constant 0 : i32
        %dma_start3A_488 = arith.constant 0 : i32
        %dma_start3A_489 = arith.constant 0 : i32
        %dma_start3A_490 = tpu.memref_slice %arg14[%dma_start3A_486, %dma_start3A_487, %dma_start3A_488, %dma_start3A_489] : memref<6x16x8x128xf32, #tpu.memory_space<vmem>> -> memref<1x16x8x128xf32, #tpu.memory_space<vmem>>
        %dma_start3A_491 = tpu.memref_squeeze %dma_start3A_490 : memref<1x16x8x128xf32, #tpu.memory_space<vmem>> -> memref<16x8x128xf32, #tpu.memory_space<vmem>>
        %dma_start3A_492 = arith.constant 0 : i32
        %dma_start3A_493 = tpu.memref_slice %arg12[%dma_start3A, %dma_start3A_492] : memref<6x16xi32, #tpu.memory_space<vmem>> -> memref<1x16xi32, #tpu.memory_space<vmem>>
        %dma_start3A_494 = tpu.memref_squeeze %dma_start3A_493 : memref<1x16xi32, #tpu.memory_space<vmem>> -> memref<16xi32, #tpu.memory_space<vmem>>
        %dma_start3A_495 = arith.constant 0 : i32
        %dma_start3A_496 = arith.constant 0 : i32
        %dma_start3A_497 = arith.constant 0 : i32
        %dma_start3A_498 = tpu.memref_slice %arg4[%dma_start3A_495, %dma_start3A_496, %dma_start3A_497] : memref<32768x8x128xf32, #tpu.memory_space<hbm>> -> memref<32768x8x128xf32, #tpu.memory_space<hbm>>
        tpu.enqueue_indirect_dma source(%dma_start3A_498 : memref<32768x8x128xf32, #tpu.memory_space<hbm>>) target(%dma_start3A_491 : memref<16x8x128xf32, #tpu.memory_space<vmem>>) offsets(%dma_start3A_494 : memref<16xi32, #tpu.memory_space<vmem>>) semaphore(%arg17 : memref<!tpu.dma_semaphore, #tpu.memory_space<semaphore_mem>>)
      } else {
      }
      %mul3A_390 = arith.constant 6 : i32
      %mul3A_391 = arith.muli %mul3A_390, %add3A_366 : i32
      %add3A_392 = arith.constant 3 : i32
      %add3A_393 = arith.addi %mul3A_391, %add3A_392 : i32
      %lt3A_394 = arith.cmpi slt, %add3A_393, %select_n3A_286 : i32
      %convert_element_type3A_395 = arith.extui %lt3A_394 : i1 to i32
      %cond3A_396 = arith.constant 0 : i32
      %cond3A_397 = arith.cmpi ne, %convert_element_type3A_395, %cond3A_396 : i32
      scf.if %cond3A_397 {
        %gt3A_462 = arith.constant 0 : i32
        %gt3A_463 = arith.cmpi sgt, %add3A_366, %gt3A_462 : i32
        %convert_element_type3A_464 = arith.extui %gt3A_463 : i1 to i32
        %cond3A_465 = arith.constant 0 : i32
        %cond3A_466 = arith.cmpi ne, %convert_element_type3A_464, %cond3A_465 : i32
        scf.if %cond3A_466 {
          %dma_wait3A = arith.constant 3 : i32
          %dma_wait3A_499 = arith.constant 3 : i32
          %dma_wait3A_500 = arith.constant 0 : i32
          %dma_wait3A_501 = arith.constant 0 : i32
          %dma_wait3A_502 = arith.constant 0 : i32
          %dma_wait3A_503 = tpu.memref_slice %arg14[%dma_wait3A, %dma_wait3A_500, %dma_wait3A_501, %dma_wait3A_502] : memref<6x16x8x128xf32, #tpu.memory_space<vmem>> -> memref<1x16x8x128xf32, #tpu.memory_space<vmem>>
          %dma_wait3A_504 = tpu.memref_squeeze %dma_wait3A_503 : memref<1x16x8x128xf32, #tpu.memory_space<vmem>> -> memref<16x8x128xf32, #tpu.memory_space<vmem>>
          %dma_wait3A_505 = arith.constant 0 : i32
          %dma_wait3A_506 = tpu.memref_slice %arg13[%dma_wait3A_499, %dma_wait3A_505] : memref<6x16xi32, #tpu.memory_space<vmem>> -> memref<1x16xi32, #tpu.memory_space<vmem>>
          %dma_wait3A_507 = tpu.memref_squeeze %dma_wait3A_506 : memref<1x16xi32, #tpu.memory_space<vmem>> -> memref<16xi32, #tpu.memory_space<vmem>>
          %dma_wait3A_508 = arith.constant 0 : i32
          %dma_wait3A_509 = arith.constant 0 : i32
          %dma_wait3A_510 = arith.constant 0 : i32
          %dma_wait3A_511 = tpu.memref_slice %arg5[%dma_wait3A_508, %dma_wait3A_509, %dma_wait3A_510] : memref<32768x8x128xf32, #tpu.memory_space<hbm>> -> memref<32768x8x128xf32, #tpu.memory_space<hbm>>
          tpu.wait_indirect_dma semaphore(%arg24 : memref<!tpu.dma_semaphore, #tpu.memory_space<semaphore_mem>>) src(%dma_wait3A_504 : memref<16x8x128xf32, #tpu.memory_space<vmem>>) dst(%dma_wait3A_511 : memref<32768x8x128xf32, #tpu.memory_space<hbm>>)
        } else {
        }
        %mul3A_467 = arith.constant 16 : i32
        %mul3A_468 = arith.muli %add3A_393, %mul3A_467 : i32
        %add3A_469 = arith.constant 0 : i32
        %add3A_470 = arith.addi %mul3A_468, %add3A_469 : i32
        %get3A = arith.index_cast %add3A_470 : i32 to index
        %get3A_471 = tpu.vector_load %arg11[%get3A] {strides = array<i32>} : memref<1040xi32, #tpu.memory_space<vmem>>, vector<16xi32>,
        %swap3A_472 = arith.constant 3 : i32
        %swap3A_473 = arith.index_cast %swap3A_472 : i32 to index
        %swap3A_474 = arith.constant 0 : index
        %swap3A_475 = tpu.vector_load %arg12[%swap3A_473, %swap3A_474] {strides = array<i32>} : memref<6x16xi32, #tpu.memory_space<vmem>>, vector<16xi32>,
        tpu.vector_store %arg12[%swap3A_473, %swap3A_474], %get3A_471 {strides = array<i32>} : memref<6x16xi32, #tpu.memory_space<vmem>>, vector<16xi32>,
        %mul3A_476 = arith.constant 16 : i32
        %mul3A_477 = arith.muli %add3A_393, %mul3A_476 : i32
        %add3A_478 = arith.constant 0 : i32
        %add3A_479 = arith.addi %mul3A_477, %add3A_478 : i32
        %get3A_480 = arith.index_cast %add3A_479 : i32 to index
        %get3A_481 = tpu.vector_load %arg11[%get3A_480] {strides = array<i32>} : memref<1040xi32, #tpu.memory_space<vmem>>, vector<16xi32>,
        %swap3A_482 = arith.constant 3 : i32
        %swap3A_483 = arith.index_cast %swap3A_482 : i32 to index
        %swap3A_484 = arith.constant 0 : index
        %swap3A_485 = tpu.vector_load %arg13[%swap3A_483, %swap3A_484] {strides = array<i32>} : memref<6x16xi32, #tpu.memory_space<vmem>>, vector<16xi32>,
        tpu.vector_store %arg13[%swap3A_483, %swap3A_484], %get3A_481 {strides = array<i32>} : memref<6x16xi32, #tpu.memory_space<vmem>>, vector<16xi32>,
        %dma_start3A = arith.constant 3 : i32
        %dma_start3A_486 = arith.constant 3 : i32
        %dma_start3A_487 = arith.constant 0 : i32
        %dma_start3A_488 = arith.constant 0 : i32
        %dma_start3A_489 = arith.constant 0 : i32
        %dma_start3A_490 = tpu.memref_slice %arg14[%dma_start3A_486, %dma_start3A_487, %dma_start3A_488, %dma_start3A_489] : memref<6x16x8x128xf32, #tpu.memory_space<vmem>> -> memref<1x16x8x128xf32, #tpu.memory_space<vmem>>
        %dma_start3A_491 = tpu.memref_squeeze %dma_start3A_490 : memref<1x16x8x128xf32, #tpu.memory_space<vmem>> -> memref<16x8x128xf32, #tpu.memory_space<vmem>>
        %dma_start3A_492 = arith.constant 0 : i32
        %dma_start3A_493 = tpu.memref_slice %arg12[%dma_start3A, %dma_start3A_492] : memref<6x16xi32, #tpu.memory_space<vmem>> -> memref<1x16xi32, #tpu.memory_space<vmem>>
        %dma_start3A_494 = tpu.memref_squeeze %dma_start3A_493 : memref<1x16xi32, #tpu.memory_space<vmem>> -> memref<16xi32, #tpu.memory_space<vmem>>
        %dma_start3A_495 = arith.constant 0 : i32
        %dma_start3A_496 = arith.constant 0 : i32
        %dma_start3A_497 = arith.constant 0 : i32
        %dma_start3A_498 = tpu.memref_slice %arg4[%dma_start3A_495, %dma_start3A_496, %dma_start3A_497] : memref<32768x8x128xf32, #tpu.memory_space<hbm>> -> memref<32768x8x128xf32, #tpu.memory_space<hbm>>
        tpu.enqueue_indirect_dma source(%dma_start3A_498 : memref<32768x8x128xf32, #tpu.memory_space<hbm>>) target(%dma_start3A_491 : memref<16x8x128xf32, #tpu.memory_space<vmem>>) offsets(%dma_start3A_494 : memref<16xi32, #tpu.memory_space<vmem>>) semaphore(%arg18 : memref<!tpu.dma_semaphore, #tpu.memory_space<semaphore_mem>>)
      } else {
      }
      %mul3A_398 = arith.constant 6 : i32
      %mul3A_399 = arith.muli %mul3A_398, %add3A_366 : i32
      %add3A_400 = arith.constant 4 : i32
      %add3A_401 = arith.addi %mul3A_399, %add3A_400 : i32
      %lt3A_402 = arith.cmpi slt, %add3A_401, %select_n3A_286 : i32
      %convert_element_type3A_403 = arith.extui %lt3A_402 : i1 to i32
      %cond3A_404 = arith.constant 0 : i32
      %cond3A_405 = arith.cmpi ne, %convert_element_type3A_403, %cond3A_404 : i32
      scf.if %cond3A_405 {
        %gt3A_462 = arith.constant 0 : i32
        %gt3A_463 = arith.cmpi sgt, %add3A_366, %gt3A_462 : i32
        %convert_element_type3A_464 = arith.extui %gt3A_463 : i1 to i32
        %cond3A_465 = arith.constant 0 : i32
        %cond3A_466 = arith.cmpi ne, %convert_element_type3A_464, %cond3A_465 : i32
        scf.if %cond3A_466 {
          %dma_wait3A = arith.constant 4 : i32
          %dma_wait3A_499 = arith.constant 4 : i32
          %dma_wait3A_500 = arith.constant 0 : i32
          %dma_wait3A_501 = arith.constant 0 : i32
          %dma_wait3A_502 = arith.constant 0 : i32
          %dma_wait3A_503 = tpu.memref_slice %arg14[%dma_wait3A, %dma_wait3A_500, %dma_wait3A_501, %dma_wait3A_502] : memref<6x16x8x128xf32, #tpu.memory_space<vmem>> -> memref<1x16x8x128xf32, #tpu.memory_space<vmem>>
          %dma_wait3A_504 = tpu.memref_squeeze %dma_wait3A_503 : memref<1x16x8x128xf32, #tpu.memory_space<vmem>> -> memref<16x8x128xf32, #tpu.memory_space<vmem>>
          %dma_wait3A_505 = arith.constant 0 : i32
          %dma_wait3A_506 = tpu.memref_slice %arg13[%dma_wait3A_499, %dma_wait3A_505] : memref<6x16xi32, #tpu.memory_space<vmem>> -> memref<1x16xi32, #tpu.memory_space<vmem>>
          %dma_wait3A_507 = tpu.memref_squeeze %dma_wait3A_506 : memref<1x16xi32, #tpu.memory_space<vmem>> -> memref<16xi32, #tpu.memory_space<vmem>>
          %dma_wait3A_508 = arith.constant 0 : i32
          %dma_wait3A_509 = arith.constant 0 : i32
          %dma_wait3A_510 = arith.constant 0 : i32
          %dma_wait3A_511 = tpu.memref_slice %arg5[%dma_wait3A_508, %dma_wait3A_509, %dma_wait3A_510] : memref<32768x8x128xf32, #tpu.memory_space<hbm>> -> memref<32768x8x128xf32, #tpu.memory_space<hbm>>
          tpu.wait_indirect_dma semaphore(%arg25 : memref<!tpu.dma_semaphore, #tpu.memory_space<semaphore_mem>>) src(%dma_wait3A_504 : memref<16x8x128xf32, #tpu.memory_space<vmem>>) dst(%dma_wait3A_511 : memref<32768x8x128xf32, #tpu.memory_space<hbm>>)
        } else {
        }
        %mul3A_467 = arith.constant 16 : i32
        %mul3A_468 = arith.muli %add3A_401, %mul3A_467 : i32
        %add3A_469 = arith.constant 0 : i32
        %add3A_470 = arith.addi %mul3A_468, %add3A_469 : i32
        %get3A = arith.index_cast %add3A_470 : i32 to index
        %get3A_471 = tpu.vector_load %arg11[%get3A] {strides = array<i32>} : memref<1040xi32, #tpu.memory_space<vmem>>, vector<16xi32>,
        %swap3A_472 = arith.constant 4 : i32
        %swap3A_473 = arith.index_cast %swap3A_472 : i32 to index
        %swap3A_474 = arith.constant 0 : index
        %swap3A_475 = tpu.vector_load %arg12[%swap3A_473, %swap3A_474] {strides = array<i32>} : memref<6x16xi32, #tpu.memory_space<vmem>>, vector<16xi32>,
        tpu.vector_store %arg12[%swap3A_473, %swap3A_474], %get3A_471 {strides = array<i32>} : memref<6x16xi32, #tpu.memory_space<vmem>>, vector<16xi32>,
        %mul3A_476 = arith.constant 16 : i32
        %mul3A_477 = arith.muli %add3A_401, %mul3A_476 : i32
        %add3A_478 = arith.constant 0 : i32
        %add3A_479 = arith.addi %mul3A_477, %add3A_478 : i32
        %get3A_480 = arith.index_cast %add3A_479 : i32 to index
        %get3A_481 = tpu.vector_load %arg11[%get3A_480] {strides = array<i32>} : memref<1040xi32, #tpu.memory_space<vmem>>, vector<16xi32>,
        %swap3A_482 = arith.constant 4 : i32
        %swap3A_483 = arith.index_cast %swap3A_482 : i32 to index
        %swap3A_484 = arith.constant 0 : index
        %swap3A_485 = tpu.vector_load %arg13[%swap3A_483, %swap3A_484] {strides = array<i32>} : memref<6x16xi32, #tpu.memory_space<vmem>>, vector<16xi32>,
        tpu.vector_store %arg13[%swap3A_483, %swap3A_484], %get3A_481 {strides = array<i32>} : memref<6x16xi32, #tpu.memory_space<vmem>>, vector<16xi32>,
        %dma_start3A = arith.constant 4 : i32
        %dma_start3A_486 = arith.constant 4 : i32
        %dma_start3A_487 = arith.constant 0 : i32
        %dma_start3A_488 = arith.constant 0 : i32
        %dma_start3A_489 = arith.constant 0 : i32
        %dma_start3A_490 = tpu.memref_slice %arg14[%dma_start3A_486, %dma_start3A_487, %dma_start3A_488, %dma_start3A_489] : memref<6x16x8x128xf32, #tpu.memory_space<vmem>> -> memref<1x16x8x128xf32, #tpu.memory_space<vmem>>
        %dma_start3A_491 = tpu.memref_squeeze %dma_start3A_490 : memref<1x16x8x128xf32, #tpu.memory_space<vmem>> -> memref<16x8x128xf32, #tpu.memory_space<vmem>>
        %dma_start3A_492 = arith.constant 0 : i32
        %dma_start3A_493 = tpu.memref_slice %arg12[%dma_start3A, %dma_start3A_492] : memref<6x16xi32, #tpu.memory_space<vmem>> -> memref<1x16xi32, #tpu.memory_space<vmem>>
        %dma_start3A_494 = tpu.memref_squeeze %dma_start3A_493 : memref<1x16xi32, #tpu.memory_space<vmem>> -> memref<16xi32, #tpu.memory_space<vmem>>
        %dma_start3A_495 = arith.constant 0 : i32
        %dma_start3A_496 = arith.constant 0 : i32
        %dma_start3A_497 = arith.constant 0 : i32
        %dma_start3A_498 = tpu.memref_slice %arg4[%dma_start3A_495, %dma_start3A_496, %dma_start3A_497] : memref<32768x8x128xf32, #tpu.memory_space<hbm>> -> memref<32768x8x128xf32, #tpu.memory_space<hbm>>
        tpu.enqueue_indirect_dma source(%dma_start3A_498 : memref<32768x8x128xf32, #tpu.memory_space<hbm>>) target(%dma_start3A_491 : memref<16x8x128xf32, #tpu.memory_space<vmem>>) offsets(%dma_start3A_494 : memref<16xi32, #tpu.memory_space<vmem>>) semaphore(%arg19 : memref<!tpu.dma_semaphore, #tpu.memory_space<semaphore_mem>>)
      } else {
      }
      %mul3A_406 = arith.constant 6 : i32
      %mul3A_407 = arith.muli %mul3A_406, %add3A_366 : i32
      %add3A_408 = arith.constant 5 : i32
      %add3A_409 = arith.addi %mul3A_407, %add3A_408 : i32
      %lt3A_410 = arith.cmpi slt, %add3A_409, %select_n3A_286 : i32
      %convert_element_type3A_411 = arith.extui %lt3A_410 : i1 to i32
      %cond3A_412 = arith.constant 0 : i32
      %cond3A_413 = arith.cmpi ne, %convert_element_type3A_411, %cond3A_412 : i32
      scf.if %cond3A_413 {
        %gt3A_462 = arith.constant 0 : i32
        %gt3A_463 = arith.cmpi sgt, %add3A_366, %gt3A_462 : i32
        %convert_element_type3A_464 = arith.extui %gt3A_463 : i1 to i32
        %cond3A_465 = arith.constant 0 : i32
        %cond3A_466 = arith.cmpi ne, %convert_element_type3A_464, %cond3A_465 : i32
        scf.if %cond3A_466 {
          %dma_wait3A = arith.constant 5 : i32
          %dma_wait3A_499 = arith.constant 5 : i32
          %dma_wait3A_500 = arith.constant 0 : i32
          %dma_wait3A_501 = arith.constant 0 : i32
          %dma_wait3A_502 = arith.constant 0 : i32
          %dma_wait3A_503 = tpu.memref_slice %arg14[%dma_wait3A, %dma_wait3A_500, %dma_wait3A_501, %dma_wait3A_502] : memref<6x16x8x128xf32, #tpu.memory_space<vmem>> -> memref<1x16x8x128xf32, #tpu.memory_space<vmem>>
          %dma_wait3A_504 = tpu.memref_squeeze %dma_wait3A_503 : memref<1x16x8x128xf32, #tpu.memory_space<vmem>> -> memref<16x8x128xf32, #tpu.memory_space<vmem>>
          %dma_wait3A_505 = arith.constant 0 : i32
          %dma_wait3A_506 = tpu.memref_slice %arg13[%dma_wait3A_499, %dma_wait3A_505] : memref<6x16xi32, #tpu.memory_space<vmem>> -> memref<1x16xi32, #tpu.memory_space<vmem>>
          %dma_wait3A_507 = tpu.memref_squeeze %dma_wait3A_506 : memref<1x16xi32, #tpu.memory_space<vmem>> -> memref<16xi32, #tpu.memory_space<vmem>>
          %dma_wait3A_508 = arith.constant 0 : i32
          %dma_wait3A_509 = arith.constant 0 : i32
          %dma_wait3A_510 = arith.constant 0 : i32
          %dma_wait3A_511 = tpu.memref_slice %arg5[%dma_wait3A_508, %dma_wait3A_509, %dma_wait3A_510] : memref<32768x8x128xf32, #tpu.memory_space<hbm>> -> memref<32768x8x128xf32, #tpu.memory_space<hbm>>
          tpu.wait_indirect_dma semaphore(%arg26 : memref<!tpu.dma_semaphore, #tpu.memory_space<semaphore_mem>>) src(%dma_wait3A_504 : memref<16x8x128xf32, #tpu.memory_space<vmem>>) dst(%dma_wait3A_511 : memref<32768x8x128xf32, #tpu.memory_space<hbm>>)
        } else {
        }
        %mul3A_467 = arith.constant 16 : i32
        %mul3A_468 = arith.muli %add3A_409, %mul3A_467 : i32
        %add3A_469 = arith.constant 0 : i32
        %add3A_470 = arith.addi %mul3A_468, %add3A_469 : i32
        %get3A = arith.index_cast %add3A_470 : i32 to index
        %get3A_471 = tpu.vector_load %arg11[%get3A] {strides = array<i32>} : memref<1040xi32, #tpu.memory_space<vmem>>, vector<16xi32>,
        %swap3A_472 = arith.constant 5 : i32
        %swap3A_473 = arith.index_cast %swap3A_472 : i32 to index
        %swap3A_474 = arith.constant 0 : index
        %swap3A_475 = tpu.vector_load %arg12[%swap3A_473, %swap3A_474] {strides = array<i32>} : memref<6x16xi32, #tpu.memory_space<vmem>>, vector<16xi32>,
        tpu.vector_store %arg12[%swap3A_473, %swap3A_474], %get3A_471 {strides = array<i32>} : memref<6x16xi32, #tpu.memory_space<vmem>>, vector<16xi32>,
        %mul3A_476 = arith.constant 16 : i32
        %mul3A_477 = arith.muli %add3A_409, %mul3A_476 : i32
        %add3A_478 = arith.constant 0 : i32
        %add3A_479 = arith.addi %mul3A_477, %add3A_478 : i32
        %get3A_480 = arith.index_cast %add3A_479 : i32 to index
        %get3A_481 = tpu.vector_load %arg11[%get3A_480] {strides = array<i32>} : memref<1040xi32, #tpu.memory_space<vmem>>, vector<16xi32>,
        %swap3A_482 = arith.constant 5 : i32
        %swap3A_483 = arith.index_cast %swap3A_482 : i32 to index
        %swap3A_484 = arith.constant 0 : index
        %swap3A_485 = tpu.vector_load %arg13[%swap3A_483, %swap3A_484] {strides = array<i32>} : memref<6x16xi32, #tpu.memory_space<vmem>>, vector<16xi32>,
        tpu.vector_store %arg13[%swap3A_483, %swap3A_484], %get3A_481 {strides = array<i32>} : memref<6x16xi32, #tpu.memory_space<vmem>>, vector<16xi32>,
        %dma_start3A = arith.constant 5 : i32
        %dma_start3A_486 = arith.constant 5 : i32
        %dma_start3A_487 = arith.constant 0 : i32
        %dma_start3A_488 = arith.constant 0 : i32
        %dma_start3A_489 = arith.constant 0 : i32
        %dma_start3A_490 = tpu.memref_slice %arg14[%dma_start3A_486, %dma_start3A_487, %dma_start3A_488, %dma_start3A_489] : memref<6x16x8x128xf32, #tpu.memory_space<vmem>> -> memref<1x16x8x128xf32, #tpu.memory_space<vmem>>
        %dma_start3A_491 = tpu.memref_squeeze %dma_start3A_490 : memref<1x16x8x128xf32, #tpu.memory_space<vmem>> -> memref<16x8x128xf32, #tpu.memory_space<vmem>>
        %dma_start3A_492 = arith.constant 0 : i32
        %dma_start3A_493 = tpu.memref_slice %arg12[%dma_start3A, %dma_start3A_492] : memref<6x16xi32, #tpu.memory_space<vmem>> -> memref<1x16xi32, #tpu.memory_space<vmem>>
        %dma_start3A_494 = tpu.memref_squeeze %dma_start3A_493 : memref<1x16xi32, #tpu.memory_space<vmem>> -> memref<16xi32, #tpu.memory_space<vmem>>
        %dma_start3A_495 = arith.constant 0 : i32
        %dma_start3A_496 = arith.constant 0 : i32
        %dma_start3A_497 = arith.constant 0 : i32
        %dma_start3A_498 = tpu.memref_slice %arg4[%dma_start3A_495, %dma_start3A_496, %dma_start3A_497] : memref<32768x8x128xf32, #tpu.memory_space<hbm>> -> memref<32768x8x128xf32, #tpu.memory_space<hbm>>
        tpu.enqueue_indirect_dma source(%dma_start3A_498 : memref<32768x8x128xf32, #tpu.memory_space<hbm>>) target(%dma_start3A_491 : memref<16x8x128xf32, #tpu.memory_space<vmem>>) offsets(%dma_start3A_494 : memref<16xi32, #tpu.memory_space<vmem>>) semaphore(%arg20 : memref<!tpu.dma_semaphore, #tpu.memory_space<semaphore_mem>>)
      } else {
      }
      %mul3A_414 = arith.constant 6 : i32
      %mul3A_415 = arith.muli %mul3A_414, %add3A_366 : i32
      %add3A_416 = arith.constant 0 : i32
      %add3A_417 = arith.addi %mul3A_415, %add3A_416 : i32
      %lt3A_418 = arith.cmpi slt, %add3A_417, %select_n3A_286 : i32
      %convert_element_type3A_419 = arith.extui %lt3A_418 : i1 to i32
      %cond3A_420 = arith.constant 0 : i32
      %cond3A_421 = arith.cmpi ne, %convert_element_type3A_419, %cond3A_420 : i32
      scf.if %cond3A_421 {
        %dma_wait3A = arith.constant 0 : i32
        %dma_wait3A_462 = arith.constant 0 : i32
        %dma_wait3A_463 = arith.constant 0 : i32
        %dma_wait3A_464 = arith.constant 0 : i32
        %dma_wait3A_465 = arith.constant 0 : i32
        %dma_wait3A_466 = tpu.memref_slice %arg14[%dma_wait3A_462, %dma_wait3A_463, %dma_wait3A_464, %dma_wait3A_465] : memref<6x16x8x128xf32, #tpu.memory_space<vmem>> -> memref<1x16x8x128xf32, #tpu.memory_space<vmem>>
        %dma_wait3A_467 = tpu.memref_squeeze %dma_wait3A_466 : memref<1x16x8x128xf32, #tpu.memory_space<vmem>> -> memref<16x8x128xf32, #tpu.memory_space<vmem>>
        %dma_wait3A_468 = arith.constant 0 : i32
        %dma_wait3A_469 = tpu.memref_slice %arg12[%dma_wait3A, %dma_wait3A_468] : memref<6x16xi32, #tpu.memory_space<vmem>> -> memref<1x16xi32, #tpu.memory_space<vmem>>
        %dma_wait3A_470 = tpu.memref_squeeze %dma_wait3A_469 : memref<1x16xi32, #tpu.memory_space<vmem>> -> memref<16xi32, #tpu.memory_space<vmem>>
        %dma_wait3A_471 = arith.constant 0 : i32
        %dma_wait3A_472 = arith.constant 0 : i32
        %dma_wait3A_473 = arith.constant 0 : i32
        %dma_wait3A_474 = tpu.memref_slice %arg4[%dma_wait3A_471, %dma_wait3A_472, %dma_wait3A_473] : memref<32768x8x128xf32, #tpu.memory_space<hbm>> -> memref<32768x8x128xf32, #tpu.memory_space<hbm>>
        tpu.wait_indirect_dma semaphore(%arg15 : memref<!tpu.dma_semaphore, #tpu.memory_space<semaphore_mem>>) src(%dma_wait3A_474 : memref<32768x8x128xf32, #tpu.memory_space<hbm>>) dst(%dma_wait3A_467 : memref<16x8x128xf32, #tpu.memory_space<vmem>>)
        %dma_start3A = arith.constant 0 : i32
        %dma_start3A_475 = arith.constant 0 : i32
        %dma_start3A_476 = arith.constant 0 : i32
        %dma_start3A_477 = arith.constant 0 : i32
        %dma_start3A_478 = arith.constant 0 : i32
        %dma_start3A_479 = tpu.memref_slice %arg14[%dma_start3A, %dma_start3A_476, %dma_start3A_477, %dma_start3A_478] : memref<6x16x8x128xf32, #tpu.memory_space<vmem>> -> memref<1x16x8x128xf32, #tpu.memory_space<vmem>>
        %dma_start3A_480 = tpu.memref_squeeze %dma_start3A_479 : memref<1x16x8x128xf32, #tpu.memory_space<vmem>> -> memref<16x8x128xf32, #tpu.memory_space<vmem>>
        %dma_start3A_481 = arith.constant 0 : i32
        %dma_start3A_482 = tpu.memref_slice %arg13[%dma_start3A_475, %dma_start3A_481] : memref<6x16xi32, #tpu.memory_space<vmem>> -> memref<1x16xi32, #tpu.memory_space<vmem>>
        %dma_start3A_483 = tpu.memref_squeeze %dma_start3A_482 : memref<1x16xi32, #tpu.memory_space<vmem>> -> memref<16xi32, #tpu.memory_space<vmem>>
        %dma_start3A_484 = arith.constant 0 : i32
        %dma_start3A_485 = arith.constant 0 : i32
        %dma_start3A_486 = arith.constant 0 : i32
        %dma_start3A_487 = tpu.memref_slice %arg5[%dma_start3A_484, %dma_start3A_485, %dma_start3A_486] : memref<32768x8x128xf32, #tpu.memory_space<hbm>> -> memref<32768x8x128xf32, #tpu.memory_space<hbm>>
        tpu.enqueue_indirect_dma source(%dma_start3A_480 : memref<16x8x128xf32, #tpu.memory_space<vmem>>) target(%dma_start3A_487 : memref<32768x8x128xf32, #tpu.memory_space<hbm>>) offsets(%dma_start3A_483 : memref<16xi32, #tpu.memory_space<vmem>>) semaphore(%arg21 : memref<!tpu.dma_semaphore, #tpu.memory_space<semaphore_mem>>)
      } else {
      }
      %mul3A_422 = arith.constant 6 : i32
      %mul3A_423 = arith.muli %mul3A_422, %add3A_366 : i32
      %add3A_424 = arith.constant 1 : i32
      %add3A_425 = arith.addi %mul3A_423, %add3A_424 : i32
      %lt3A_426 = arith.cmpi slt, %add3A_425, %select_n3A_286 : i32
      %convert_element_type3A_427 = arith.extui %lt3A_426 : i1 to i32
      %cond3A_428 = arith.constant 0 : i32
      %cond3A_429 = arith.cmpi ne, %convert_element_type3A_427, %cond3A_428 : i32
      scf.if %cond3A_429 {
        %dma_wait3A = arith.constant 1 : i32
        %dma_wait3A_462 = arith.constant 1 : i32
        %dma_wait3A_463 = arith.constant 0 : i32
        %dma_wait3A_464 = arith.constant 0 : i32
        %dma_wait3A_465 = arith.constant 0 : i32
        %dma_wait3A_466 = tpu.memref_slice %arg14[%dma_wait3A_462, %dma_wait3A_463, %dma_wait3A_464, %dma_wait3A_465] : memref<6x16x8x128xf32, #tpu.memory_space<vmem>> -> memref<1x16x8x128xf32, #tpu.memory_space<vmem>>
        %dma_wait3A_467 = tpu.memref_squeeze %dma_wait3A_466 : memref<1x16x8x128xf32, #tpu.memory_space<vmem>> -> memref<16x8x128xf32, #tpu.memory_space<vmem>>
        %dma_wait3A_468 = arith.constant 0 : i32
        %dma_wait3A_469 = tpu.memref_slice %arg12[%dma_wait3A, %dma_wait3A_468] : memref<6x16xi32, #tpu.memory_space<vmem>> -> memref<1x16xi32, #tpu.memory_space<vmem>>
        %dma_wait3A_470 = tpu.memref_squeeze %dma_wait3A_469 : memref<1x16xi32, #tpu.memory_space<vmem>> -> memref<16xi32, #tpu.memory_space<vmem>>
        %dma_wait3A_471 = arith.constant 0 : i32
        %dma_wait3A_472 = arith.constant 0 : i32
        %dma_wait3A_473 = arith.constant 0 : i32
        %dma_wait3A_474 = tpu.memref_slice %arg4[%dma_wait3A_471, %dma_wait3A_472, %dma_wait3A_473] : memref<32768x8x128xf32, #tpu.memory_space<hbm>> -> memref<32768x8x128xf32, #tpu.memory_space<hbm>>
        tpu.wait_indirect_dma semaphore(%arg16 : memref<!tpu.dma_semaphore, #tpu.memory_space<semaphore_mem>>) src(%dma_wait3A_474 : memref<32768x8x128xf32, #tpu.memory_space<hbm>>) dst(%dma_wait3A_467 : memref<16x8x128xf32, #tpu.memory_space<vmem>>)
        %dma_start3A = arith.constant 1 : i32
        %dma_start3A_475 = arith.constant 1 : i32
        %dma_start3A_476 = arith.constant 0 : i32
        %dma_start3A_477 = arith.constant 0 : i32
        %dma_start3A_478 = arith.constant 0 : i32
        %dma_start3A_479 = tpu.memref_slice %arg14[%dma_start3A, %dma_start3A_476, %dma_start3A_477, %dma_start3A_478] : memref<6x16x8x128xf32, #tpu.memory_space<vmem>> -> memref<1x16x8x128xf32, #tpu.memory_space<vmem>>
        %dma_start3A_480 = tpu.memref_squeeze %dma_start3A_479 : memref<1x16x8x128xf32, #tpu.memory_space<vmem>> -> memref<16x8x128xf32, #tpu.memory_space<vmem>>
        %dma_start3A_481 = arith.constant 0 : i32
        %dma_start3A_482 = tpu.memref_slice %arg13[%dma_start3A_475, %dma_start3A_481] : memref<6x16xi32, #tpu.memory_space<vmem>> -> memref<1x16xi32, #tpu.memory_space<vmem>>
        %dma_start3A_483 = tpu.memref_squeeze %dma_start3A_482 : memref<1x16xi32, #tpu.memory_space<vmem>> -> memref<16xi32, #tpu.memory_space<vmem>>
        %dma_start3A_484 = arith.constant 0 : i32
        %dma_start3A_485 = arith.constant 0 : i32
        %dma_start3A_486 = arith.constant 0 : i32
        %dma_start3A_487 = tpu.memref_slice %arg5[%dma_start3A_484, %dma_start3A_485, %dma_start3A_486] : memref<32768x8x128xf32, #tpu.memory_space<hbm>> -> memref<32768x8x128xf32, #tpu.memory_space<hbm>>
        tpu.enqueue_indirect_dma source(%dma_start3A_480 : memref<16x8x128xf32, #tpu.memory_space<vmem>>) target(%dma_start3A_487 : memref<32768x8x128xf32, #tpu.memory_space<hbm>>) offsets(%dma_start3A_483 : memref<16xi32, #tpu.memory_space<vmem>>) semaphore(%arg22 : memref<!tpu.dma_semaphore, #tpu.memory_space<semaphore_mem>>)
      } else {
      }
      %mul3A_430 = arith.constant 6 : i32
      %mul3A_431 = arith.muli %mul3A_430, %add3A_366 : i32
      %add3A_432 = arith.constant 2 : i32
      %add3A_433 = arith.addi %mul3A_431, %add3A_432 : i32
      %lt3A_434 = arith.cmpi slt, %add3A_433, %select_n3A_286 : i32
      %convert_element_type3A_435 = arith.extui %lt3A_434 : i1 to i32
      %cond3A_436 = arith.constant 0 : i32
      %cond3A_437 = arith.cmpi ne, %convert_element_type3A_435, %cond3A_436 : i32
      scf.if %cond3A_437 {
        %dma_wait3A = arith.constant 2 : i32
        %dma_wait3A_462 = arith.constant 2 : i32
        %dma_wait3A_463 = arith.constant 0 : i32
        %dma_wait3A_464 = arith.constant 0 : i32
        %dma_wait3A_465 = arith.constant 0 : i32
        %dma_wait3A_466 = tpu.memref_slice %arg14[%dma_wait3A_462, %dma_wait3A_463, %dma_wait3A_464, %dma_wait3A_465] : memref<6x16x8x128xf32, #tpu.memory_space<vmem>> -> memref<1x16x8x128xf32, #tpu.memory_space<vmem>>
        %dma_wait3A_467 = tpu.memref_squeeze %dma_wait3A_466 : memref<1x16x8x128xf32, #tpu.memory_space<vmem>> -> memref<16x8x128xf32, #tpu.memory_space<vmem>>
        %dma_wait3A_468 = arith.constant 0 : i32
        %dma_wait3A_469 = tpu.memref_slice %arg12[%dma_wait3A, %dma_wait3A_468] : memref<6x16xi32, #tpu.memory_space<vmem>> -> memref<1x16xi32, #tpu.memory_space<vmem>>
        %dma_wait3A_470 = tpu.memref_squeeze %dma_wait3A_469 : memref<1x16xi32, #tpu.memory_space<vmem>> -> memref<16xi32, #tpu.memory_space<vmem>>
        %dma_wait3A_471 = arith.constant 0 : i32
        %dma_wait3A_472 = arith.constant 0 : i32
        %dma_wait3A_473 = arith.constant 0 : i32
        %dma_wait3A_474 = tpu.memref_slice %arg4[%dma_wait3A_471, %dma_wait3A_472, %dma_wait3A_473] : memref<32768x8x128xf32, #tpu.memory_space<hbm>> -> memref<32768x8x128xf32, #tpu.memory_space<hbm>>
        tpu.wait_indirect_dma semaphore(%arg17 : memref<!tpu.dma_semaphore, #tpu.memory_space<semaphore_mem>>) src(%dma_wait3A_474 : memref<32768x8x128xf32, #tpu.memory_space<hbm>>) dst(%dma_wait3A_467 : memref<16x8x128xf32, #tpu.memory_space<vmem>>)
        %dma_start3A = arith.constant 2 : i32
        %dma_start3A_475 = arith.constant 2 : i32
        %dma_start3A_476 = arith.constant 0 : i32
        %dma_start3A_477 = arith.constant 0 : i32
        %dma_start3A_478 = arith.constant 0 : i32
        %dma_start3A_479 = tpu.memref_slice %arg14[%dma_start3A, %dma_start3A_476, %dma_start3A_477, %dma_start3A_478] : memref<6x16x8x128xf32, #tpu.memory_space<vmem>> -> memref<1x16x8x128xf32, #tpu.memory_space<vmem>>
        %dma_start3A_480 = tpu.memref_squeeze %dma_start3A_479 : memref<1x16x8x128xf32, #tpu.memory_space<vmem>> -> memref<16x8x128xf32, #tpu.memory_space<vmem>>
        %dma_start3A_481 = arith.constant 0 : i32
        %dma_start3A_482 = tpu.memref_slice %arg13[%dma_start3A_475, %dma_start3A_481] : memref<6x16xi32, #tpu.memory_space<vmem>> -> memref<1x16xi32, #tpu.memory_space<vmem>>
        %dma_start3A_483 = tpu.memref_squeeze %dma_start3A_482 : memref<1x16xi32, #tpu.memory_space<vmem>> -> memref<16xi32, #tpu.memory_space<vmem>>
        %dma_start3A_484 = arith.constant 0 : i32
        %dma_start3A_485 = arith.constant 0 : i32
        %dma_start3A_486 = arith.constant 0 : i32
        %dma_start3A_487 = tpu.memref_slice %arg5[%dma_start3A_484, %dma_start3A_485, %dma_start3A_486] : memref<32768x8x128xf32, #tpu.memory_space<hbm>> -> memref<32768x8x128xf32, #tpu.memory_space<hbm>>
        tpu.enqueue_indirect_dma source(%dma_start3A_480 : memref<16x8x128xf32, #tpu.memory_space<vmem>>) target(%dma_start3A_487 : memref<32768x8x128xf32, #tpu.memory_space<hbm>>) offsets(%dma_start3A_483 : memref<16xi32, #tpu.memory_space<vmem>>) semaphore(%arg23 : memref<!tpu.dma_semaphore, #tpu.memory_space<semaphore_mem>>)
      } else {
      }
      %mul3A_438 = arith.constant 6 : i32
      %mul3A_439 = arith.muli %mul3A_438, %add3A_366 : i32
      %add3A_440 = arith.constant 3 : i32
      %add3A_441 = arith.addi %mul3A_439, %add3A_440 : i32
      %lt3A_442 = arith.cmpi slt, %add3A_441, %select_n3A_286 : i32
      %convert_element_type3A_443 = arith.extui %lt3A_442 : i1 to i32
      %cond3A_444 = arith.constant 0 : i32
      %cond3A_445 = arith.cmpi ne, %convert_element_type3A_443, %cond3A_444 : i32
      scf.if %cond3A_445 {
        %dma_wait3A = arith.constant 3 : i32
        %dma_wait3A_462 = arith.constant 3 : i32
        %dma_wait3A_463 = arith.constant 0 : i32
        %dma_wait3A_464 = arith.constant 0 : i32
        %dma_wait3A_465 = arith.constant 0 : i32
        %dma_wait3A_466 = tpu.memref_slice %arg14[%dma_wait3A_462, %dma_wait3A_463, %dma_wait3A_464, %dma_wait3A_465] : memref<6x16x8x128xf32, #tpu.memory_space<vmem>> -> memref<1x16x8x128xf32, #tpu.memory_space<vmem>>
        %dma_wait3A_467 = tpu.memref_squeeze %dma_wait3A_466 : memref<1x16x8x128xf32, #tpu.memory_space<vmem>> -> memref<16x8x128xf32, #tpu.memory_space<vmem>>
        %dma_wait3A_468 = arith.constant 0 : i32
        %dma_wait3A_469 = tpu.memref_slice %arg12[%dma_wait3A, %dma_wait3A_468] : memref<6x16xi32, #tpu.memory_space<vmem>> -> memref<1x16xi32, #tpu.memory_space<vmem>>
        %dma_wait3A_470 = tpu.memref_squeeze %dma_wait3A_469 : memref<1x16xi32, #tpu.memory_space<vmem>> -> memref<16xi32, #tpu.memory_space<vmem>>
        %dma_wait3A_471 = arith.constant 0 : i32
        %dma_wait3A_472 = arith.constant 0 : i32
        %dma_wait3A_473 = arith.constant 0 : i32
        %dma_wait3A_474 = tpu.memref_slice %arg4[%dma_wait3A_471, %dma_wait3A_472, %dma_wait3A_473] : memref<32768x8x128xf32, #tpu.memory_space<hbm>> -> memref<32768x8x128xf32, #tpu.memory_space<hbm>>
        tpu.wait_indirect_dma semaphore(%arg18 : memref<!tpu.dma_semaphore, #tpu.memory_space<semaphore_mem>>) src(%dma_wait3A_474 : memref<32768x8x128xf32, #tpu.memory_space<hbm>>) dst(%dma_wait3A_467 : memref<16x8x128xf32, #tpu.memory_space<vmem>>)
        %dma_start3A = arith.constant 3 : i32
        %dma_start3A_475 = arith.constant 3 : i32
        %dma_start3A_476 = arith.constant 0 : i32
        %dma_start3A_477 = arith.constant 0 : i32
        %dma_start3A_478 = arith.constant 0 : i32
        %dma_start3A_479 = tpu.memref_slice %arg14[%dma_start3A, %dma_start3A_476, %dma_start3A_477, %dma_start3A_478] : memref<6x16x8x128xf32, #tpu.memory_space<vmem>> -> memref<1x16x8x128xf32, #tpu.memory_space<vmem>>
        %dma_start3A_480 = tpu.memref_squeeze %dma_start3A_479 : memref<1x16x8x128xf32, #tpu.memory_space<vmem>> -> memref<16x8x128xf32, #tpu.memory_space<vmem>>
        %dma_start3A_481 = arith.constant 0 : i32
        %dma_start3A_482 = tpu.memref_slice %arg13[%dma_start3A_475, %dma_start3A_481] : memref<6x16xi32, #tpu.memory_space<vmem>> -> memref<1x16xi32, #tpu.memory_space<vmem>>
        %dma_start3A_483 = tpu.memref_squeeze %dma_start3A_482 : memref<1x16xi32, #tpu.memory_space<vmem>> -> memref<16xi32, #tpu.memory_space<vmem>>
        %dma_start3A_484 = arith.constant 0 : i32
        %dma_start3A_485 = arith.constant 0 : i32
        %dma_start3A_486 = arith.constant 0 : i32
        %dma_start3A_487 = tpu.memref_slice %arg5[%dma_start3A_484, %dma_start3A_485, %dma_start3A_486] : memref<32768x8x128xf32, #tpu.memory_space<hbm>> -> memref<32768x8x128xf32, #tpu.memory_space<hbm>>
        tpu.enqueue_indirect_dma source(%dma_start3A_480 : memref<16x8x128xf32, #tpu.memory_space<vmem>>) target(%dma_start3A_487 : memref<32768x8x128xf32, #tpu.memory_space<hbm>>) offsets(%dma_start3A_483 : memref<16xi32, #tpu.memory_space<vmem>>) semaphore(%arg24 : memref<!tpu.dma_semaphore, #tpu.memory_space<semaphore_mem>>)
      } else {
      }
      %mul3A_446 = arith.constant 6 : i32
      %mul3A_447 = arith.muli %mul3A_446, %add3A_366 : i32
      %add3A_448 = arith.constant 4 : i32
      %add3A_449 = arith.addi %mul3A_447, %add3A_448 : i32
      %lt3A_450 = arith.cmpi slt, %add3A_449, %select_n3A_286 : i32
      %convert_element_type3A_451 = arith.extui %lt3A_450 : i1 to i32
      %cond3A_452 = arith.constant 0 : i32
      %cond3A_453 = arith.cmpi ne, %convert_element_type3A_451, %cond3A_452 : i32
      scf.if %cond3A_453 {
        %dma_wait3A = arith.constant 4 : i32
        %dma_wait3A_462 = arith.constant 4 : i32
        %dma_wait3A_463 = arith.constant 0 : i32
        %dma_wait3A_464 = arith.constant 0 : i32
        %dma_wait3A_465 = arith.constant 0 : i32
        %dma_wait3A_466 = tpu.memref_slice %arg14[%dma_wait3A_462, %dma_wait3A_463, %dma_wait3A_464, %dma_wait3A_465] : memref<6x16x8x128xf32, #tpu.memory_space<vmem>> -> memref<1x16x8x128xf32, #tpu.memory_space<vmem>>
        %dma_wait3A_467 = tpu.memref_squeeze %dma_wait3A_466 : memref<1x16x8x128xf32, #tpu.memory_space<vmem>> -> memref<16x8x128xf32, #tpu.memory_space<vmem>>
        %dma_wait3A_468 = arith.constant 0 : i32
        %dma_wait3A_469 = tpu.memref_slice %arg12[%dma_wait3A, %dma_wait3A_468] : memref<6x16xi32, #tpu.memory_space<vmem>> -> memref<1x16xi32, #tpu.memory_space<vmem>>
        %dma_wait3A_470 = tpu.memref_squeeze %dma_wait3A_469 : memref<1x16xi32, #tpu.memory_space<vmem>> -> memref<16xi32, #tpu.memory_space<vmem>>
        %dma_wait3A_471 = arith.constant 0 : i32
        %dma_wait3A_472 = arith.constant 0 : i32
        %dma_wait3A_473 = arith.constant 0 : i32
        %dma_wait3A_474 = tpu.memref_slice %arg4[%dma_wait3A_471, %dma_wait3A_472, %dma_wait3A_473] : memref<32768x8x128xf32, #tpu.memory_space<hbm>> -> memref<32768x8x128xf32, #tpu.memory_space<hbm>>
        tpu.wait_indirect_dma semaphore(%arg19 : memref<!tpu.dma_semaphore, #tpu.memory_space<semaphore_mem>>) src(%dma_wait3A_474 : memref<32768x8x128xf32, #tpu.memory_space<hbm>>) dst(%dma_wait3A_467 : memref<16x8x128xf32, #tpu.memory_space<vmem>>)
        %dma_start3A = arith.constant 4 : i32
        %dma_start3A_475 = arith.constant 4 : i32
        %dma_start3A_476 = arith.constant 0 : i32
        %dma_start3A_477 = arith.constant 0 : i32
        %dma_start3A_478 = arith.constant 0 : i32
        %dma_start3A_479 = tpu.memref_slice %arg14[%dma_start3A, %dma_start3A_476, %dma_start3A_477, %dma_start3A_478] : memref<6x16x8x128xf32, #tpu.memory_space<vmem>> -> memref<1x16x8x128xf32, #tpu.memory_space<vmem>>
        %dma_start3A_480 = tpu.memref_squeeze %dma_start3A_479 : memref<1x16x8x128xf32, #tpu.memory_space<vmem>> -> memref<16x8x128xf32, #tpu.memory_space<vmem>>
        %dma_start3A_481 = arith.constant 0 : i32
        %dma_start3A_482 = tpu.memref_slice %arg13[%dma_start3A_475, %dma_start3A_481] : memref<6x16xi32, #tpu.memory_space<vmem>> -> memref<1x16xi32, #tpu.memory_space<vmem>>
        %dma_start3A_483 = tpu.memref_squeeze %dma_start3A_482 : memref<1x16xi32, #tpu.memory_space<vmem>> -> memref<16xi32, #tpu.memory_space<vmem>>
        %dma_start3A_484 = arith.constant 0 : i32
        %dma_start3A_485 = arith.constant 0 : i32
        %dma_start3A_486 = arith.constant 0 : i32
        %dma_start3A_487 = tpu.memref_slice %arg5[%dma_start3A_484, %dma_start3A_485, %dma_start3A_486] : memref<32768x8x128xf32, #tpu.memory_space<hbm>> -> memref<32768x8x128xf32, #tpu.memory_space<hbm>>
        tpu.enqueue_indirect_dma source(%dma_start3A_480 : memref<16x8x128xf32, #tpu.memory_space<vmem>>) target(%dma_start3A_487 : memref<32768x8x128xf32, #tpu.memory_space<hbm>>) offsets(%dma_start3A_483 : memref<16xi32, #tpu.memory_space<vmem>>) semaphore(%arg25 : memref<!tpu.dma_semaphore, #tpu.memory_space<semaphore_mem>>)
      } else {
      }
      %mul3A_454 = arith.constant 6 : i32
      %mul3A_455 = arith.muli %mul3A_454, %add3A_366 : i32
      %add3A_456 = arith.constant 5 : i32
      %add3A_457 = arith.addi %mul3A_455, %add3A_456 : i32
      %lt3A_458 = arith.cmpi slt, %add3A_457, %select_n3A_286 : i32
      %convert_element_type3A_459 = arith.extui %lt3A_458 : i1 to i32
      %cond3A_460 = arith.constant 0 : i32
      %cond3A_461 = arith.cmpi ne, %convert_element_type3A_459, %cond3A_460 : i32
      scf.if %cond3A_461 {
        %dma_wait3A = arith.constant 5 : i32
        %dma_wait3A_462 = arith.constant 5 : i32
        %dma_wait3A_463 = arith.constant 0 : i32
        %dma_wait3A_464 = arith.constant 0 : i32
        %dma_wait3A_465 = arith.constant 0 : i32
        %dma_wait3A_466 = tpu.memref_slice %arg14[%dma_wait3A_462, %dma_wait3A_463, %dma_wait3A_464, %dma_wait3A_465] : memref<6x16x8x128xf32, #tpu.memory_space<vmem>> -> memref<1x16x8x128xf32, #tpu.memory_space<vmem>>
        %dma_wait3A_467 = tpu.memref_squeeze %dma_wait3A_466 : memref<1x16x8x128xf32, #tpu.memory_space<vmem>> -> memref<16x8x128xf32, #tpu.memory_space<vmem>>
        %dma_wait3A_468 = arith.constant 0 : i32
        %dma_wait3A_469 = tpu.memref_slice %arg12[%dma_wait3A, %dma_wait3A_468] : memref<6x16xi32, #tpu.memory_space<vmem>> -> memref<1x16xi32, #tpu.memory_space<vmem>>
        %dma_wait3A_470 = tpu.memref_squeeze %dma_wait3A_469 : memref<1x16xi32, #tpu.memory_space<vmem>> -> memref<16xi32, #tpu.memory_space<vmem>>
        %dma_wait3A_471 = arith.constant 0 : i32
        %dma_wait3A_472 = arith.constant 0 : i32
        %dma_wait3A_473 = arith.constant 0 : i32
        %dma_wait3A_474 = tpu.memref_slice %arg4[%dma_wait3A_471, %dma_wait3A_472, %dma_wait3A_473] : memref<32768x8x128xf32, #tpu.memory_space<hbm>> -> memref<32768x8x128xf32, #tpu.memory_space<hbm>>
        tpu.wait_indirect_dma semaphore(%arg20 : memref<!tpu.dma_semaphore, #tpu.memory_space<semaphore_mem>>) src(%dma_wait3A_474 : memref<32768x8x128xf32, #tpu.memory_space<hbm>>) dst(%dma_wait3A_467 : memref<16x8x128xf32, #tpu.memory_space<vmem>>)
        %dma_start3A = arith.constant 5 : i32
        %dma_start3A_475 = arith.constant 5 : i32
        %dma_start3A_476 = arith.constant 0 : i32
        %dma_start3A_477 = arith.constant 0 : i32
        %dma_start3A_478 = arith.constant 0 : i32
        %dma_start3A_479 = tpu.memref_slice %arg14[%dma_start3A, %dma_start3A_476, %dma_start3A_477, %dma_start3A_478] : memref<6x16x8x128xf32, #tpu.memory_space<vmem>> -> memref<1x16x8x128xf32, #tpu.memory_space<vmem>>
        %dma_start3A_480 = tpu.memref_squeeze %dma_start3A_479 : memref<1x16x8x128xf32, #tpu.memory_space<vmem>> -> memref<16x8x128xf32, #tpu.memory_space<vmem>>
        %dma_start3A_481 = arith.constant 0 : i32
        %dma_start3A_482 = tpu.memref_slice %arg13[%dma_start3A_475, %dma_start3A_481] : memref<6x16xi32, #tpu.memory_space<vmem>> -> memref<1x16xi32, #tpu.memory_space<vmem>>
        %dma_start3A_483 = tpu.memref_squeeze %dma_start3A_482 : memref<1x16xi32, #tpu.memory_space<vmem>> -> memref<16xi32, #tpu.memory_space<vmem>>
        %dma_start3A_484 = arith.constant 0 : i32
        %dma_start3A_485 = arith.constant 0 : i32
        %dma_start3A_486 = arith.constant 0 : i32
        %dma_start3A_487 = tpu.memref_slice %arg5[%dma_start3A_484, %dma_start3A_485, %dma_start3A_486] : memref<32768x8x128xf32, #tpu.memory_space<hbm>> -> memref<32768x8x128xf32, #tpu.memory_space<hbm>>
        tpu.enqueue_indirect_dma source(%dma_start3A_480 : memref<16x8x128xf32, #tpu.memory_space<vmem>>) target(%dma_start3A_487 : memref<32768x8x128xf32, #tpu.memory_space<hbm>>) offsets(%dma_start3A_483 : memref<16xi32, #tpu.memory_space<vmem>>) semaphore(%arg26 : memref<!tpu.dma_semaphore, #tpu.memory_space<semaphore_mem>>)
      } else {
      }
    }
    %while3A_333 = arith.constant 1 : i32
    scf.for %while3A_364 = %while3A_331 to %while3A_327 step %while3A_333  : i32 {
      %mul3A_365 = arith.muli %while3A_364, %while3A_323 : i32
      %add3A_366 = arith.addi %while3A_324, %mul3A_365 : i32
      %mul3A_367 = arith.constant 6 : i32
      %mul3A_368 = arith.muli %mul3A_367, %add3A_366 : i32
      %add3A_369 = arith.constant 0 : i32
      %add3A_370 = arith.addi %mul3A_368, %add3A_369 : i32
      %lt3A = arith.cmpi slt, %add3A_370, %select_n3A_286 : i32
      %convert_element_type3A_371 = arith.extui %lt3A : i1 to i32
      %cond3A_372 = arith.constant 0 : i32
      %cond3A_373 = arith.cmpi ne, %convert_element_type3A_371, %cond3A_372 : i32
      scf.if %cond3A_373 {
        %gt3A_462 = arith.constant 0 : i32
        %gt3A_463 = arith.cmpi sgt, %add3A_366, %gt3A_462 : i32
        %convert_element_type3A_464 = arith.extui %gt3A_463 : i1 to i32
        %cond3A_465 = arith.constant 0 : i32
        %cond3A_466 = arith.cmpi ne, %convert_element_type3A_464, %cond3A_465 : i32
        scf.if %cond3A_466 {
          %dma_wait3A = arith.constant 0 : i32
          %dma_wait3A_499 = arith.constant 0 : i32
          %dma_wait3A_500 = arith.constant 0 : i32
          %dma_wait3A_501 = arith.constant 0 : i32
          %dma_wait3A_502 = arith.constant 0 : i32
          %dma_wait3A_503 = tpu.memref_slice %arg14[%dma_wait3A, %dma_wait3A_500, %dma_wait3A_501, %dma_wait3A_502] : memref<6x16x8x128xf32, #tpu.memory_space<vmem>> -> memref<1x16x8x128xf32, #tpu.memory_space<vmem>>
          %dma_wait3A_504 = tpu.memref_squeeze %dma_wait3A_503 : memref<1x16x8x128xf32, #tpu.memory_space<vmem>> -> memref<16x8x128xf32, #tpu.memory_space<vmem>>
          %dma_wait3A_505 = arith.constant 0 : i32
          %dma_wait3A_506 = tpu.memref_slice %arg13[%dma_wait3A_499, %dma_wait3A_505] : memref<6x16xi32, #tpu.memory_space<vmem>> -> memref<1x16xi32, #tpu.memory_space<vmem>>
          %dma_wait3A_507 = tpu.memref_squeeze %dma_wait3A_506 : memref<1x16xi32, #tpu.memory_space<vmem>> -> memref<16xi32, #tpu.memory_space<vmem>>
          %dma_wait3A_508 = arith.constant 0 : i32
          %dma_wait3A_509 = arith.constant 0 : i32
          %dma_wait3A_510 = arith.constant 0 : i32
          %dma_wait3A_511 = tpu.memref_slice %arg5[%dma_wait3A_508, %dma_wait3A_509, %dma_wait3A_510] : memref<32768x8x128xf32, #tpu.memory_space<hbm>> -> memref<32768x8x128xf32, #tpu.memory_space<hbm>>
          tpu.wait_indirect_dma semaphore(%arg21 : memref<!tpu.dma_semaphore, #tpu.memory_space<semaphore_mem>>) src(%dma_wait3A_504 : memref<16x8x128xf32, #tpu.memory_space<vmem>>) dst(%dma_wait3A_511 : memref<32768x8x128xf32, #tpu.memory_space<hbm>>)
        } else {
        }
        %mul3A_467 = arith.constant 16 : i32
        %mul3A_468 = arith.muli %add3A_370, %mul3A_467 : i32
        %add3A_469 = arith.constant 0 : i32
        %add3A_470 = arith.addi %mul3A_468, %add3A_469 : i32
        %get3A = arith.index_cast %add3A_470 : i32 to index
        %get3A_471 = tpu.vector_load %arg11[%get3A] {strides = array<i32>} : memref<1040xi32, #tpu.memory_space<vmem>>, vector<16xi32>,
        %swap3A_472 = arith.constant 0 : i32
        %swap3A_473 = arith.index_cast %swap3A_472 : i32 to index
        %swap3A_474 = arith.constant 0 : index
        %swap3A_475 = tpu.vector_load %arg12[%swap3A_473, %swap3A_474] {strides = array<i32>} : memref<6x16xi32, #tpu.memory_space<vmem>>, vector<16xi32>,
        tpu.vector_store %arg12[%swap3A_473, %swap3A_474], %get3A_471 {strides = array<i32>} : memref<6x16xi32, #tpu.memory_space<vmem>>, vector<16xi32>,
        %mul3A_476 = arith.constant 16 : i32
        %mul3A_477 = arith.muli %add3A_370, %mul3A_476 : i32
        %add3A_478 = arith.constant 0 : i32
        %add3A_479 = arith.addi %mul3A_477, %add3A_478 : i32
        %get3A_480 = arith.index_cast %add3A_479 : i32 to index
        %get3A_481 = tpu.vector_load %arg11[%get3A_480] {strides = array<i32>} : memref<1040xi32, #tpu.memory_space<vmem>>, vector<16xi32>,
        %swap3A_482 = arith.constant 0 : i32
        %swap3A_483 = arith.index_cast %swap3A_482 : i32 to index
        %swap3A_484 = arith.constant 0 : index
        %swap3A_485 = tpu.vector_load %arg13[%swap3A_483, %swap3A_484] {strides = array<i32>} : memref<6x16xi32, #tpu.memory_space<vmem>>, vector<16xi32>,
        tpu.vector_store %arg13[%swap3A_483, %swap3A_484], %get3A_481 {strides = array<i32>} : memref<6x16xi32, #tpu.memory_space<vmem>>, vector<16xi32>,
        %dma_start3A = arith.constant 0 : i32
        %dma_start3A_486 = arith.constant 0 : i32
        %dma_start3A_487 = arith.constant 0 : i32
        %dma_start3A_488 = arith.constant 0 : i32
        %dma_start3A_489 = arith.constant 0 : i32
        %dma_start3A_490 = tpu.memref_slice %arg14[%dma_start3A_486, %dma_start3A_487, %dma_start3A_488, %dma_start3A_489] : memref<6x16x8x128xf32, #tpu.memory_space<vmem>> -> memref<1x16x8x128xf32, #tpu.memory_space<vmem>>
        %dma_start3A_491 = tpu.memref_squeeze %dma_start3A_490 : memref<1x16x8x128xf32, #tpu.memory_space<vmem>> -> memref<16x8x128xf32, #tpu.memory_space<vmem>>
        %dma_start3A_492 = arith.constant 0 : i32
        %dma_start3A_493 = tpu.memref_slice %arg12[%dma_start3A, %dma_start3A_492] : memref<6x16xi32, #tpu.memory_space<vmem>> -> memref<1x16xi32, #tpu.memory_space<vmem>>
        %dma_start3A_494 = tpu.memref_squeeze %dma_start3A_493 : memref<1x16xi32, #tpu.memory_space<vmem>> -> memref<16xi32, #tpu.memory_space<vmem>>
        %dma_start3A_495 = arith.constant 0 : i32
        %dma_start3A_496 = arith.constant 0 : i32
        %dma_start3A_497 = arith.constant 0 : i32
        %dma_start3A_498 = tpu.memref_slice %arg4[%dma_start3A_495, %dma_start3A_496, %dma_start3A_497] : memref<32768x8x128xf32, #tpu.memory_space<hbm>> -> memref<32768x8x128xf32, #tpu.memory_space<hbm>>
        tpu.enqueue_indirect_dma source(%dma_start3A_498 : memref<32768x8x128xf32, #tpu.memory_space<hbm>>) target(%dma_start3A_491 : memref<16x8x128xf32, #tpu.memory_space<vmem>>) offsets(%dma_start3A_494 : memref<16xi32, #tpu.memory_space<vmem>>) semaphore(%arg15 : memref<!tpu.dma_semaphore, #tpu.memory_space<semaphore_mem>>)
      } else {
      }
      %mul3A_374 = arith.constant 6 : i32
      %mul3A_375 = arith.muli %mul3A_374, %add3A_366 : i32
      %add3A_376 = arith.constant 1 : i32
      %add3A_377 = arith.addi %mul3A_375, %add3A_376 : i32
      %lt3A_378 = arith.cmpi slt, %add3A_377, %select_n3A_286 : i32
      %convert_element_type3A_379 = arith.extui %lt3A_378 : i1 to i32
      %cond3A_380 = arith.constant 0 : i32
      %cond3A_381 = arith.cmpi ne, %convert_element_type3A_379, %cond3A_380 : i32
      scf.if %cond3A_381 {
        %gt3A_462 = arith.constant 0 : i32
        %gt3A_463 = arith.cmpi sgt, %add3A_366, %gt3A_462 : i32
        %convert_element_type3A_464 = arith.extui %gt3A_463 : i1 to i32
        %cond3A_465 = arith.constant 0 : i32
        %cond3A_466 = arith.cmpi ne, %convert_element_type3A_464, %cond3A_465 : i32
        scf.if %cond3A_466 {
          %dma_wait3A = arith.constant 1 : i32
          %dma_wait3A_499 = arith.constant 1 : i32
          %dma_wait3A_500 = arith.constant 0 : i32
          %dma_wait3A_501 = arith.constant 0 : i32
          %dma_wait3A_502 = arith.constant 0 : i32
          %dma_wait3A_503 = tpu.memref_slice %arg14[%dma_wait3A, %dma_wait3A_500, %dma_wait3A_501, %dma_wait3A_502] : memref<6x16x8x128xf32, #tpu.memory_space<vmem>> -> memref<1x16x8x128xf32, #tpu.memory_space<vmem>>
          %dma_wait3A_504 = tpu.memref_squeeze %dma_wait3A_503 : memref<1x16x8x128xf32, #tpu.memory_space<vmem>> -> memref<16x8x128xf32, #tpu.memory_space<vmem>>
          %dma_wait3A_505 = arith.constant 0 : i32
          %dma_wait3A_506 = tpu.memref_slice %arg13[%dma_wait3A_499, %dma_wait3A_505] : memref<6x16xi32, #tpu.memory_space<vmem>> -> memref<1x16xi32, #tpu.memory_space<vmem>>
          %dma_wait3A_507 = tpu.memref_squeeze %dma_wait3A_506 : memref<1x16xi32, #tpu.memory_space<vmem>> -> memref<16xi32, #tpu.memory_space<vmem>>
          %dma_wait3A_508 = arith.constant 0 : i32
          %dma_wait3A_509 = arith.constant 0 : i32
          %dma_wait3A_510 = arith.constant 0 : i32
          %dma_wait3A_511 = tpu.memref_slice %arg5[%dma_wait3A_508, %dma_wait3A_509, %dma_wait3A_510] : memref<32768x8x128xf32, #tpu.memory_space<hbm>> -> memref<32768x8x128xf32, #tpu.memory_space<hbm>>
          tpu.wait_indirect_dma semaphore(%arg22 : memref<!tpu.dma_semaphore, #tpu.memory_space<semaphore_mem>>) src(%dma_wait3A_504 : memref<16x8x128xf32, #tpu.memory_space<vmem>>) dst(%dma_wait3A_511 : memref<32768x8x128xf32, #tpu.memory_space<hbm>>)
        } else {
        }
        %mul3A_467 = arith.constant 16 : i32
        %mul3A_468 = arith.muli %add3A_377, %mul3A_467 : i32
        %add3A_469 = arith.constant 0 : i32
        %add3A_470 = arith.addi %mul3A_468, %add3A_469 : i32
        %get3A = arith.index_cast %add3A_470 : i32 to index
        %get3A_471 = tpu.vector_load %arg11[%get3A] {strides = array<i32>} : memref<1040xi32, #tpu.memory_space<vmem>>, vector<16xi32>,
        %swap3A_472 = arith.constant 1 : i32
        %swap3A_473 = arith.index_cast %swap3A_472 : i32 to index
        %swap3A_474 = arith.constant 0 : index
        %swap3A_475 = tpu.vector_load %arg12[%swap3A_473, %swap3A_474] {strides = array<i32>} : memref<6x16xi32, #tpu.memory_space<vmem>>, vector<16xi32>,
        tpu.vector_store %arg12[%swap3A_473, %swap3A_474], %get3A_471 {strides = array<i32>} : memref<6x16xi32, #tpu.memory_space<vmem>>, vector<16xi32>,
        %mul3A_476 = arith.constant 16 : i32
        %mul3A_477 = arith.muli %add3A_377, %mul3A_476 : i32
        %add3A_478 = arith.constant 0 : i32
        %add3A_479 = arith.addi %mul3A_477, %add3A_478 : i32
        %get3A_480 = arith.index_cast %add3A_479 : i32 to index
        %get3A_481 = tpu.vector_load %arg11[%get3A_480] {strides = array<i32>} : memref<1040xi32, #tpu.memory_space<vmem>>, vector<16xi32>,
        %swap3A_482 = arith.constant 1 : i32
        %swap3A_483 = arith.index_cast %swap3A_482 : i32 to index
        %swap3A_484 = arith.constant 0 : index
        %swap3A_485 = tpu.vector_load %arg13[%swap3A_483, %swap3A_484] {strides = array<i32>} : memref<6x16xi32, #tpu.memory_space<vmem>>, vector<16xi32>,
        tpu.vector_store %arg13[%swap3A_483, %swap3A_484], %get3A_481 {strides = array<i32>} : memref<6x16xi32, #tpu.memory_space<vmem>>, vector<16xi32>,
        %dma_start3A = arith.constant 1 : i32
        %dma_start3A_486 = arith.constant 1 : i32
        %dma_start3A_487 = arith.constant 0 : i32
        %dma_start3A_488 = arith.constant 0 : i32
        %dma_start3A_489 = arith.constant 0 : i32
        %dma_start3A_490 = tpu.memref_slice %arg14[%dma_start3A_486, %dma_start3A_487, %dma_start3A_488, %dma_start3A_489] : memref<6x16x8x128xf32, #tpu.memory_space<vmem>> -> memref<1x16x8x128xf32, #tpu.memory_space<vmem>>
        %dma_start3A_491 = tpu.memref_squeeze %dma_start3A_490 : memref<1x16x8x128xf32, #tpu.memory_space<vmem>> -> memref<16x8x128xf32, #tpu.memory_space<vmem>>
        %dma_start3A_492 = arith.constant 0 : i32
        %dma_start3A_493 = tpu.memref_slice %arg12[%dma_start3A, %dma_start3A_492] : memref<6x16xi32, #tpu.memory_space<vmem>> -> memref<1x16xi32, #tpu.memory_space<vmem>>
        %dma_start3A_494 = tpu.memref_squeeze %dma_start3A_493 : memref<1x16xi32, #tpu.memory_space<vmem>> -> memref<16xi32, #tpu.memory_space<vmem>>
        %dma_start3A_495 = arith.constant 0 : i32
        %dma_start3A_496 = arith.constant 0 : i32
        %dma_start3A_497 = arith.constant 0 : i32
        %dma_start3A_498 = tpu.memref_slice %arg4[%dma_start3A_495, %dma_start3A_496, %dma_start3A_497] : memref<32768x8x128xf32, #tpu.memory_space<hbm>> -> memref<32768x8x128xf32, #tpu.memory_space<hbm>>
        tpu.enqueue_indirect_dma source(%dma_start3A_498 : memref<32768x8x128xf32, #tpu.memory_space<hbm>>) target(%dma_start3A_491 : memref<16x8x128xf32, #tpu.memory_space<vmem>>) offsets(%dma_start3A_494 : memref<16xi32, #tpu.memory_space<vmem>>) semaphore(%arg16 : memref<!tpu.dma_semaphore, #tpu.memory_space<semaphore_mem>>)
      } else {
      }
      %mul3A_382 = arith.constant 6 : i32
      %mul3A_383 = arith.muli %mul3A_382, %add3A_366 : i32
      %add3A_384 = arith.constant 2 : i32
      %add3A_385 = arith.addi %mul3A_383, %add3A_384 : i32
      %lt3A_386 = arith.cmpi slt, %add3A_385, %select_n3A_286 : i32
      %convert_element_type3A_387 = arith.extui %lt3A_386 : i1 to i32
      %cond3A_388 = arith.constant 0 : i32
      %cond3A_389 = arith.cmpi ne, %convert_element_type3A_387, %cond3A_388 : i32
      scf.if %cond3A_389 {
        %gt3A_462 = arith.constant 0 : i32
        %gt3A_463 = arith.cmpi sgt, %add3A_366, %gt3A_462 : i32
        %convert_element_type3A_464 = arith.extui %gt3A_463 : i1 to i32
        %cond3A_465 = arith.constant 0 : i32
        %cond3A_466 = arith.cmpi ne, %convert_element_type3A_464, %cond3A_465 : i32
        scf.if %cond3A_466 {
          %dma_wait3A = arith.constant 2 : i32
          %dma_wait3A_499 = arith.constant 2 : i32
          %dma_wait3A_500 = arith.constant 0 : i32
          %dma_wait3A_501 = arith.constant 0 : i32
          %dma_wait3A_502 = arith.constant 0 : i32
          %dma_wait3A_503 = tpu.memref_slice %arg14[%dma_wait3A, %dma_wait3A_500, %dma_wait3A_501, %dma_wait3A_502] : memref<6x16x8x128xf32, #tpu.memory_space<vmem>> -> memref<1x16x8x128xf32, #tpu.memory_space<vmem>>
          %dma_wait3A_504 = tpu.memref_squeeze %dma_wait3A_503 : memref<1x16x8x128xf32, #tpu.memory_space<vmem>> -> memref<16x8x128xf32, #tpu.memory_space<vmem>>
          %dma_wait3A_505 = arith.constant 0 : i32
          %dma_wait3A_506 = tpu.memref_slice %arg13[%dma_wait3A_499, %dma_wait3A_505] : memref<6x16xi32, #tpu.memory_space<vmem>> -> memref<1x16xi32, #tpu.memory_space<vmem>>
          %dma_wait3A_507 = tpu.memref_squeeze %dma_wait3A_506 : memref<1x16xi32, #tpu.memory_space<vmem>> -> memref<16xi32, #tpu.memory_space<vmem>>
          %dma_wait3A_508 = arith.constant 0 : i32
          %dma_wait3A_509 = arith.constant 0 : i32
          %dma_wait3A_510 = arith.constant 0 : i32
          %dma_wait3A_511 = tpu.memref_slice %arg5[%dma_wait3A_508, %dma_wait3A_509, %dma_wait3A_510] : memref<32768x8x128xf32, #tpu.memory_space<hbm>> -> memref<32768x8x128xf32, #tpu.memory_space<hbm>>
          tpu.wait_indirect_dma semaphore(%arg23 : memref<!tpu.dma_semaphore, #tpu.memory_space<semaphore_mem>>) src(%dma_wait3A_504 : memref<16x8x128xf32, #tpu.memory_space<vmem>>) dst(%dma_wait3A_511 : memref<32768x8x128xf32, #tpu.memory_space<hbm>>)
        } else {
        }
        %mul3A_467 = arith.constant 16 : i32
        %mul3A_468 = arith.muli %add3A_385, %mul3A_467 : i32
        %add3A_469 = arith.constant 0 : i32
        %add3A_470 = arith.addi %mul3A_468, %add3A_469 : i32
        %get3A = arith.index_cast %add3A_470 : i32 to index
        %get3A_471 = tpu.vector_load %arg11[%get3A] {strides = array<i32>} : memref<1040xi32, #tpu.memory_space<vmem>>, vector<16xi32>,
        %swap3A_472 = arith.constant 2 : i32
        %swap3A_473 = arith.index_cast %swap3A_472 : i32 to index
        %swap3A_474 = arith.constant 0 : index
        %swap3A_475 = tpu.vector_load %arg12[%swap3A_473, %swap3A_474] {strides = array<i32>} : memref<6x16xi32, #tpu.memory_space<vmem>>, vector<16xi32>,
        tpu.vector_store %arg12[%swap3A_473, %swap3A_474], %get3A_471 {strides = array<i32>} : memref<6x16xi32, #tpu.memory_space<vmem>>, vector<16xi32>,
        %mul3A_476 = arith.constant 16 : i32
        %mul3A_477 = arith.muli %add3A_385, %mul3A_476 : i32
        %add3A_478 = arith.constant 0 : i32
        %add3A_479 = arith.addi %mul3A_477, %add3A_478 : i32
        %get3A_480 = arith.index_cast %add3A_479 : i32 to index
        %get3A_481 = tpu.vector_load %arg11[%get3A_480] {strides = array<i32>} : memref<1040xi32, #tpu.memory_space<vmem>>, vector<16xi32>,
        %swap3A_482 = arith.constant 2 : i32
        %swap3A_483 = arith.index_cast %swap3A_482 : i32 to index
        %swap3A_484 = arith.constant 0 : index
        %swap3A_485 = tpu.vector_load %arg13[%swap3A_483, %swap3A_484] {strides = array<i32>} : memref<6x16xi32, #tpu.memory_space<vmem>>, vector<16xi32>,
        tpu.vector_store %arg13[%swap3A_483, %swap3A_484], %get3A_481 {strides = array<i32>} : memref<6x16xi32, #tpu.memory_space<vmem>>, vector<16xi32>,
        %dma_start3A = arith.constant 2 : i32
        %dma_start3A_486 = arith.constant 2 : i32
        %dma_start3A_487 = arith.constant 0 : i32
        %dma_start3A_488 = arith.constant 0 : i32
        %dma_start3A_489 = arith.constant 0 : i32
        %dma_start3A_490 = tpu.memref_slice %arg14[%dma_start3A_486, %dma_start3A_487, %dma_start3A_488, %dma_start3A_489] : memref<6x16x8x128xf32, #tpu.memory_space<vmem>> -> memref<1x16x8x128xf32, #tpu.memory_space<vmem>>
        %dma_start3A_491 = tpu.memref_squeeze %dma_start3A_490 : memref<1x16x8x128xf32, #tpu.memory_space<vmem>> -> memref<16x8x128xf32, #tpu.memory_space<vmem>>
        %dma_start3A_492 = arith.constant 0 : i32
        %dma_start3A_493 = tpu.memref_slice %arg12[%dma_start3A, %dma_start3A_492] : memref<6x16xi32, #tpu.memory_space<vmem>> -> memref<1x16xi32, #tpu.memory_space<vmem>>
        %dma_start3A_494 = tpu.memref_squeeze %dma_start3A_493 : memref<1x16xi32, #tpu.memory_space<vmem>> -> memref<16xi32, #tpu.memory_space<vmem>>
        %dma_start3A_495 = arith.constant 0 : i32
        %dma_start3A_496 = arith.constant 0 : i32
        %dma_start3A_497 = arith.constant 0 : i32
        %dma_start3A_498 = tpu.memref_slice %arg4[%dma_start3A_495, %dma_start3A_496, %dma_start3A_497] : memref<32768x8x128xf32, #tpu.memory_space<hbm>> -> memref<32768x8x128xf32, #tpu.memory_space<hbm>>
        tpu.enqueue_indirect_dma source(%dma_start3A_498 : memref<32768x8x128xf32, #tpu.memory_space<hbm>>) target(%dma_start3A_491 : memref<16x8x128xf32, #tpu.memory_space<vmem>>) offsets(%dma_start3A_494 : memref<16xi32, #tpu.memory_space<vmem>>) semaphore(%arg17 : memref<!tpu.dma_semaphore, #tpu.memory_space<semaphore_mem>>)
      } else {
      }
      %mul3A_390 = arith.constant 6 : i32
      %mul3A_391 = arith.muli %mul3A_390, %add3A_366 : i32
      %add3A_392 = arith.constant 3 : i32
      %add3A_393 = arith.addi %mul3A_391, %add3A_392 : i32
      %lt3A_394 = arith.cmpi slt, %add3A_393, %select_n3A_286 : i32
      %convert_element_type3A_395 = arith.extui %lt3A_394 : i1 to i32
      %cond3A_396 = arith.constant 0 : i32
      %cond3A_397 = arith.cmpi ne, %convert_element_type3A_395, %cond3A_396 : i32
      scf.if %cond3A_397 {
        %gt3A_462 = arith.constant 0 : i32
        %gt3A_463 = arith.cmpi sgt, %add3A_366, %gt3A_462 : i32
        %convert_element_type3A_464 = arith.extui %gt3A_463 : i1 to i32
        %cond3A_465 = arith.constant 0 : i32
        %cond3A_466 = arith.cmpi ne, %convert_element_type3A_464, %cond3A_465 : i32
        scf.if %cond3A_466 {
          %dma_wait3A = arith.constant 3 : i32
          %dma_wait3A_499 = arith.constant 3 : i32
          %dma_wait3A_500 = arith.constant 0 : i32
          %dma_wait3A_501 = arith.constant 0 : i32
          %dma_wait3A_502 = arith.constant 0 : i32
          %dma_wait3A_503 = tpu.memref_slice %arg14[%dma_wait3A, %dma_wait3A_500, %dma_wait3A_501, %dma_wait3A_502] : memref<6x16x8x128xf32, #tpu.memory_space<vmem>> -> memref<1x16x8x128xf32, #tpu.memory_space<vmem>>
          %dma_wait3A_504 = tpu.memref_squeeze %dma_wait3A_503 : memref<1x16x8x128xf32, #tpu.memory_space<vmem>> -> memref<16x8x128xf32, #tpu.memory_space<vmem>>
          %dma_wait3A_505 = arith.constant 0 : i32
          %dma_wait3A_506 = tpu.memref_slice %arg13[%dma_wait3A_499, %dma_wait3A_505] : memref<6x16xi32, #tpu.memory_space<vmem>> -> memref<1x16xi32, #tpu.memory_space<vmem>>
          %dma_wait3A_507 = tpu.memref_squeeze %dma_wait3A_506 : memref<1x16xi32, #tpu.memory_space<vmem>> -> memref<16xi32, #tpu.memory_space<vmem>>
          %dma_wait3A_508 = arith.constant 0 : i32
          %dma_wait3A_509 = arith.constant 0 : i32
          %dma_wait3A_510 = arith.constant 0 : i32
          %dma_wait3A_511 = tpu.memref_slice %arg5[%dma_wait3A_508, %dma_wait3A_509, %dma_wait3A_510] : memref<32768x8x128xf32, #tpu.memory_space<hbm>> -> memref<32768x8x128xf32, #tpu.memory_space<hbm>>
          tpu.wait_indirect_dma semaphore(%arg24 : memref<!tpu.dma_semaphore, #tpu.memory_space<semaphore_mem>>) src(%dma_wait3A_504 : memref<16x8x128xf32, #tpu.memory_space<vmem>>) dst(%dma_wait3A_511 : memref<32768x8x128xf32, #tpu.memory_space<hbm>>)
        } else {
        }
        %mul3A_467 = arith.constant 16 : i32
        %mul3A_468 = arith.muli %add3A_393, %mul3A_467 : i32
        %add3A_469 = arith.constant 0 : i32
        %add3A_470 = arith.addi %mul3A_468, %add3A_469 : i32
        %get3A = arith.index_cast %add3A_470 : i32 to index
        %get3A_471 = tpu.vector_load %arg11[%get3A] {strides = array<i32>} : memref<1040xi32, #tpu.memory_space<vmem>>, vector<16xi32>,
        %swap3A_472 = arith.constant 3 : i32
        %swap3A_473 = arith.index_cast %swap3A_472 : i32 to index
        %swap3A_474 = arith.constant 0 : index
        %swap3A_475 = tpu.vector_load %arg12[%swap3A_473, %swap3A_474] {strides = array<i32>} : memref<6x16xi32, #tpu.memory_space<vmem>>, vector<16xi32>,
        tpu.vector_store %arg12[%swap3A_473, %swap3A_474], %get3A_471 {strides = array<i32>} : memref<6x16xi32, #tpu.memory_space<vmem>>, vector<16xi32>,
        %mul3A_476 = arith.constant 16 : i32
        %mul3A_477 = arith.muli %add3A_393, %mul3A_476 : i32
        %add3A_478 = arith.constant 0 : i32
        %add3A_479 = arith.addi %mul3A_477, %add3A_478 : i32
        %get3A_480 = arith.index_cast %add3A_479 : i32 to index
        %get3A_481 = tpu.vector_load %arg11[%get3A_480] {strides = array<i32>} : memref<1040xi32, #tpu.memory_space<vmem>>, vector<16xi32>,
        %swap3A_482 = arith.constant 3 : i32
        %swap3A_483 = arith.index_cast %swap3A_482 : i32 to index
        %swap3A_484 = arith.constant 0 : index
        %swap3A_485 = tpu.vector_load %arg13[%swap3A_483, %swap3A_484] {strides = array<i32>} : memref<6x16xi32, #tpu.memory_space<vmem>>, vector<16xi32>,
        tpu.vector_store %arg13[%swap3A_483, %swap3A_484], %get3A_481 {strides = array<i32>} : memref<6x16xi32, #tpu.memory_space<vmem>>, vector<16xi32>,
        %dma_start3A = arith.constant 3 : i32
        %dma_start3A_486 = arith.constant 3 : i32
        %dma_start3A_487 = arith.constant 0 : i32
        %dma_start3A_488 = arith.constant 0 : i32
        %dma_start3A_489 = arith.constant 0 : i32
        %dma_start3A_490 = tpu.memref_slice %arg14[%dma_start3A_486, %dma_start3A_487, %dma_start3A_488, %dma_start3A_489] : memref<6x16x8x128xf32, #tpu.memory_space<vmem>> -> memref<1x16x8x128xf32, #tpu.memory_space<vmem>>
        %dma_start3A_491 = tpu.memref_squeeze %dma_start3A_490 : memref<1x16x8x128xf32, #tpu.memory_space<vmem>> -> memref<16x8x128xf32, #tpu.memory_space<vmem>>
        %dma_start3A_492 = arith.constant 0 : i32
        %dma_start3A_493 = tpu.memref_slice %arg12[%dma_start3A, %dma_start3A_492] : memref<6x16xi32, #tpu.memory_space<vmem>> -> memref<1x16xi32, #tpu.memory_space<vmem>>
        %dma_start3A_494 = tpu.memref_squeeze %dma_start3A_493 : memref<1x16xi32, #tpu.memory_space<vmem>> -> memref<16xi32, #tpu.memory_space<vmem>>
        %dma_start3A_495 = arith.constant 0 : i32
        %dma_start3A_496 = arith.constant 0 : i32
        %dma_start3A_497 = arith.constant 0 : i32
        %dma_start3A_498 = tpu.memref_slice %arg4[%dma_start3A_495, %dma_start3A_496, %dma_start3A_497] : memref<32768x8x128xf32, #tpu.memory_space<hbm>> -> memref<32768x8x128xf32, #tpu.memory_space<hbm>>
        tpu.enqueue_indirect_dma source(%dma_start3A_498 : memref<32768x8x128xf32, #tpu.memory_space<hbm>>) target(%dma_start3A_491 : memref<16x8x128xf32, #tpu.memory_space<vmem>>) offsets(%dma_start3A_494 : memref<16xi32, #tpu.memory_space<vmem>>) semaphore(%arg18 : memref<!tpu.dma_semaphore, #tpu.memory_space<semaphore_mem>>)
      } else {
      }
      %mul3A_398 = arith.constant 6 : i32
      %mul3A_399 = arith.muli %mul3A_398, %add3A_366 : i32
      %add3A_400 = arith.constant 4 : i32
      %add3A_401 = arith.addi %mul3A_399, %add3A_400 : i32
      %lt3A_402 = arith.cmpi slt, %add3A_401, %select_n3A_286 : i32
      %convert_element_type3A_403 = arith.extui %lt3A_402 : i1 to i32
      %cond3A_404 = arith.constant 0 : i32
      %cond3A_405 = arith.cmpi ne, %convert_element_type3A_403, %cond3A_404 : i32
      scf.if %cond3A_405 {
        %gt3A_462 = arith.constant 0 : i32
        %gt3A_463 = arith.cmpi sgt, %add3A_366, %gt3A_462 : i32
        %convert_element_type3A_464 = arith.extui %gt3A_463 : i1 to i32
        %cond3A_465 = arith.constant 0 : i32
        %cond3A_466 = arith.cmpi ne, %convert_element_type3A_464, %cond3A_465 : i32
        scf.if %cond3A_466 {
          %dma_wait3A = arith.constant 4 : i32
          %dma_wait3A_499 = arith.constant 4 : i32
          %dma_wait3A_500 = arith.constant 0 : i32
          %dma_wait3A_501 = arith.constant 0 : i32
          %dma_wait3A_502 = arith.constant 0 : i32
          %dma_wait3A_503 = tpu.memref_slice %arg14[%dma_wait3A, %dma_wait3A_500, %dma_wait3A_501, %dma_wait3A_502] : memref<6x16x8x128xf32, #tpu.memory_space<vmem>> -> memref<1x16x8x128xf32, #tpu.memory_space<vmem>>
          %dma_wait3A_504 = tpu.memref_squeeze %dma_wait3A_503 : memref<1x16x8x128xf32, #tpu.memory_space<vmem>> -> memref<16x8x128xf32, #tpu.memory_space<vmem>>
          %dma_wait3A_505 = arith.constant 0 : i32
          %dma_wait3A_506 = tpu.memref_slice %arg13[%dma_wait3A_499, %dma_wait3A_505] : memref<6x16xi32, #tpu.memory_space<vmem>> -> memref<1x16xi32, #tpu.memory_space<vmem>>
          %dma_wait3A_507 = tpu.memref_squeeze %dma_wait3A_506 : memref<1x16xi32, #tpu.memory_space<vmem>> -> memref<16xi32, #tpu.memory_space<vmem>>
          %dma_wait3A_508 = arith.constant 0 : i32
          %dma_wait3A_509 = arith.constant 0 : i32
          %dma_wait3A_510 = arith.constant 0 : i32
          %dma_wait3A_511 = tpu.memref_slice %arg5[%dma_wait3A_508, %dma_wait3A_509, %dma_wait3A_510] : memref<32768x8x128xf32, #tpu.memory_space<hbm>> -> memref<32768x8x128xf32, #tpu.memory_space<hbm>>
          tpu.wait_indirect_dma semaphore(%arg25 : memref<!tpu.dma_semaphore, #tpu.memory_space<semaphore_mem>>) src(%dma_wait3A_504 : memref<16x8x128xf32, #tpu.memory_space<vmem>>) dst(%dma_wait3A_511 : memref<32768x8x128xf32, #tpu.memory_space<hbm>>)
        } else {
        }
        %mul3A_467 = arith.constant 16 : i32
        %mul3A_468 = arith.muli %add3A_401, %mul3A_467 : i32
        %add3A_469 = arith.constant 0 : i32
        %add3A_470 = arith.addi %mul3A_468, %add3A_469 : i32
        %get3A = arith.index_cast %add3A_470 : i32 to index
        %get3A_471 = tpu.vector_load %arg11[%get3A] {strides = array<i32>} : memref<1040xi32, #tpu.memory_space<vmem>>, vector<16xi32>,
        %swap3A_472 = arith.constant 4 : i32
        %swap3A_473 = arith.index_cast %swap3A_472 : i32 to index
        %swap3A_474 = arith.constant 0 : index
        %swap3A_475 = tpu.vector_load %arg12[%swap3A_473, %swap3A_474] {strides = array<i32>} : memref<6x16xi32, #tpu.memory_space<vmem>>, vector<16xi32>,
        tpu.vector_store %arg12[%swap3A_473, %swap3A_474], %get3A_471 {strides = array<i32>} : memref<6x16xi32, #tpu.memory_space<vmem>>, vector<16xi32>,
        %mul3A_476 = arith.constant 16 : i32
        %mul3A_477 = arith.muli %add3A_401, %mul3A_476 : i32
        %add3A_478 = arith.constant 0 : i32
        %add3A_479 = arith.addi %mul3A_477, %add3A_478 : i32
        %get3A_480 = arith.index_cast %add3A_479 : i32 to index
        %get3A_481 = tpu.vector_load %arg11[%get3A_480] {strides = array<i32>} : memref<1040xi32, #tpu.memory_space<vmem>>, vector<16xi32>,
        %swap3A_482 = arith.constant 4 : i32
        %swap3A_483 = arith.index_cast %swap3A_482 : i32 to index
        %swap3A_484 = arith.constant 0 : index
        %swap3A_485 = tpu.vector_load %arg13[%swap3A_483, %swap3A_484] {strides = array<i32>} : memref<6x16xi32, #tpu.memory_space<vmem>>, vector<16xi32>,
        tpu.vector_store %arg13[%swap3A_483, %swap3A_484], %get3A_481 {strides = array<i32>} : memref<6x16xi32, #tpu.memory_space<vmem>>, vector<16xi32>,
        %dma_start3A = arith.constant 4 : i32
        %dma_start3A_486 = arith.constant 4 : i32
        %dma_start3A_487 = arith.constant 0 : i32
        %dma_start3A_488 = arith.constant 0 : i32
        %dma_start3A_489 = arith.constant 0 : i32
        %dma_start3A_490 = tpu.memref_slice %arg14[%dma_start3A_486, %dma_start3A_487, %dma_start3A_488, %dma_start3A_489] : memref<6x16x8x128xf32, #tpu.memory_space<vmem>> -> memref<1x16x8x128xf32, #tpu.memory_space<vmem>>
        %dma_start3A_491 = tpu.memref_squeeze %dma_start3A_490 : memref<1x16x8x128xf32, #tpu.memory_space<vmem>> -> memref<16x8x128xf32, #tpu.memory_space<vmem>>
        %dma_start3A_492 = arith.constant 0 : i32
        %dma_start3A_493 = tpu.memref_slice %arg12[%dma_start3A, %dma_start3A_492] : memref<6x16xi32, #tpu.memory_space<vmem>> -> memref<1x16xi32, #tpu.memory_space<vmem>>
        %dma_start3A_494 = tpu.memref_squeeze %dma_start3A_493 : memref<1x16xi32, #tpu.memory_space<vmem>> -> memref<16xi32, #tpu.memory_space<vmem>>
        %dma_start3A_495 = arith.constant 0 : i32
        %dma_start3A_496 = arith.constant 0 : i32
        %dma_start3A_497 = arith.constant 0 : i32
        %dma_start3A_498 = tpu.memref_slice %arg4[%dma_start3A_495, %dma_start3A_496, %dma_start3A_497] : memref<32768x8x128xf32, #tpu.memory_space<hbm>> -> memref<32768x8x128xf32, #tpu.memory_space<hbm>>
        tpu.enqueue_indirect_dma source(%dma_start3A_498 : memref<32768x8x128xf32, #tpu.memory_space<hbm>>) target(%dma_start3A_491 : memref<16x8x128xf32, #tpu.memory_space<vmem>>) offsets(%dma_start3A_494 : memref<16xi32, #tpu.memory_space<vmem>>) semaphore(%arg19 : memref<!tpu.dma_semaphore, #tpu.memory_space<semaphore_mem>>)
      } else {
      }
      %mul3A_406 = arith.constant 6 : i32
      %mul3A_407 = arith.muli %mul3A_406, %add3A_366 : i32
      %add3A_408 = arith.constant 5 : i32
      %add3A_409 = arith.addi %mul3A_407, %add3A_408 : i32
      %lt3A_410 = arith.cmpi slt, %add3A_409, %select_n3A_286 : i32
      %convert_element_type3A_411 = arith.extui %lt3A_410 : i1 to i32
      %cond3A_412 = arith.constant 0 : i32
      %cond3A_413 = arith.cmpi ne, %convert_element_type3A_411, %cond3A_412 : i32
      scf.if %cond3A_413 {
        %gt3A_462 = arith.constant 0 : i32
        %gt3A_463 = arith.cmpi sgt, %add3A_366, %gt3A_462 : i32
        %convert_element_type3A_464 = arith.extui %gt3A_463 : i1 to i32
        %cond3A_465 = arith.constant 0 : i32
        %cond3A_466 = arith.cmpi ne, %convert_element_type3A_464, %cond3A_465 : i32
        scf.if %cond3A_466 {
          %dma_wait3A = arith.constant 5 : i32
          %dma_wait3A_499 = arith.constant 5 : i32
          %dma_wait3A_500 = arith.constant 0 : i32
          %dma_wait3A_501 = arith.constant 0 : i32
          %dma_wait3A_502 = arith.constant 0 : i32
          %dma_wait3A_503 = tpu.memref_slice %arg14[%dma_wait3A, %dma_wait3A_500, %dma_wait3A_501, %dma_wait3A_502] : memref<6x16x8x128xf32, #tpu.memory_space<vmem>> -> memref<1x16x8x128xf32, #tpu.memory_space<vmem>>
          %dma_wait3A_504 = tpu.memref_squeeze %dma_wait3A_503 : memref<1x16x8x128xf32, #tpu.memory_space<vmem>> -> memref<16x8x128xf32, #tpu.memory_space<vmem>>
          %dma_wait3A_505 = arith.constant 0 : i32
          %dma_wait3A_506 = tpu.memref_slice %arg13[%dma_wait3A_499, %dma_wait3A_505] : memref<6x16xi32, #tpu.memory_space<vmem>> -> memref<1x16xi32, #tpu.memory_space<vmem>>
          %dma_wait3A_507 = tpu.memref_squeeze %dma_wait3A_506 : memref<1x16xi32, #tpu.memory_space<vmem>> -> memref<16xi32, #tpu.memory_space<vmem>>
          %dma_wait3A_508 = arith.constant 0 : i32
          %dma_wait3A_509 = arith.constant 0 : i32
          %dma_wait3A_510 = arith.constant 0 : i32
          %dma_wait3A_511 = tpu.memref_slice %arg5[%dma_wait3A_508, %dma_wait3A_509, %dma_wait3A_510] : memref<32768x8x128xf32, #tpu.memory_space<hbm>> -> memref<32768x8x128xf32, #tpu.memory_space<hbm>>
          tpu.wait_indirect_dma semaphore(%arg26 : memref<!tpu.dma_semaphore, #tpu.memory_space<semaphore_mem>>) src(%dma_wait3A_504 : memref<16x8x128xf32, #tpu.memory_space<vmem>>) dst(%dma_wait3A_511 : memref<32768x8x128xf32, #tpu.memory_space<hbm>>)
        } else {
        }
        %mul3A_467 = arith.constant 16 : i32
        %mul3A_468 = arith.muli %add3A_409, %mul3A_467 : i32
        %add3A_469 = arith.constant 0 : i32
        %add3A_470 = arith.addi %mul3A_468, %add3A_469 : i32
        %get3A = arith.index_cast %add3A_470 : i32 to index
        %get3A_471 = tpu.vector_load %arg11[%get3A] {strides = array<i32>} : memref<1040xi32, #tpu.memory_space<vmem>>, vector<16xi32>,
        %swap3A_472 = arith.constant 5 : i32
        %swap3A_473 = arith.index_cast %swap3A_472 : i32 to index
        %swap3A_474 = arith.constant 0 : index
        %swap3A_475 = tpu.vector_load %arg12[%swap3A_473, %swap3A_474] {strides = array<i32>} : memref<6x16xi32, #tpu.memory_space<vmem>>, vector<16xi32>,
        tpu.vector_store %arg12[%swap3A_473, %swap3A_474], %get3A_471 {strides = array<i32>} : memref<6x16xi32, #tpu.memory_space<vmem>>, vector<16xi32>,
        %mul3A_476 = arith.constant 16 : i32
        %mul3A_477 = arith.muli %add3A_409, %mul3A_476 : i32
        %add3A_478 = arith.constant 0 : i32
        %add3A_479 = arith.addi %mul3A_477, %add3A_478 : i32
        %get3A_480 = arith.index_cast %add3A_479 : i32 to index
        %get3A_481 = tpu.vector_load %arg11[%get3A_480] {strides = array<i32>} : memref<1040xi32, #tpu.memory_space<vmem>>, vector<16xi32>,
        %swap3A_482 = arith.constant 5 : i32
        %swap3A_483 = arith.index_cast %swap3A_482 : i32 to index
        %swap3A_484 = arith.constant 0 : index
        %swap3A_485 = tpu.vector_load %arg13[%swap3A_483, %swap3A_484] {strides = array<i32>} : memref<6x16xi32, #tpu.memory_space<vmem>>, vector<16xi32>,
        tpu.vector_store %arg13[%swap3A_483, %swap3A_484], %get3A_481 {strides = array<i32>} : memref<6x16xi32, #tpu.memory_space<vmem>>, vector<16xi32>,
        %dma_start3A = arith.constant 5 : i32
        %dma_start3A_486 = arith.constant 5 : i32
        %dma_start3A_487 = arith.constant 0 : i32
        %dma_start3A_488 = arith.constant 0 : i32
        %dma_start3A_489 = arith.constant 0 : i32
        %dma_start3A_490 = tpu.memref_slice %arg14[%dma_start3A_486, %dma_start3A_487, %dma_start3A_488, %dma_start3A_489] : memref<6x16x8x128xf32, #tpu.memory_space<vmem>> -> memref<1x16x8x128xf32, #tpu.memory_space<vmem>>
        %dma_start3A_491 = tpu.memref_squeeze %dma_start3A_490 : memref<1x16x8x128xf32, #tpu.memory_space<vmem>> -> memref<16x8x128xf32, #tpu.memory_space<vmem>>
        %dma_start3A_492 = arith.constant 0 : i32
        %dma_start3A_493 = tpu.memref_slice %arg12[%dma_start3A, %dma_start3A_492] : memref<6x16xi32, #tpu.memory_space<vmem>> -> memref<1x16xi32, #tpu.memory_space<vmem>>
        %dma_start3A_494 = tpu.memref_squeeze %dma_start3A_493 : memref<1x16xi32, #tpu.memory_space<vmem>> -> memref<16xi32, #tpu.memory_space<vmem>>
        %dma_start3A_495 = arith.constant 0 : i32
        %dma_start3A_496 = arith.constant 0 : i32
        %dma_start3A_497 = arith.constant 0 : i32
        %dma_start3A_498 = tpu.memref_slice %arg4[%dma_start3A_495, %dma_start3A_496, %dma_start3A_497] : memref<32768x8x128xf32, #tpu.memory_space<hbm>> -> memref<32768x8x128xf32, #tpu.memory_space<hbm>>
        tpu.enqueue_indirect_dma source(%dma_start3A_498 : memref<32768x8x128xf32, #tpu.memory_space<hbm>>) target(%dma_start3A_491 : memref<16x8x128xf32, #tpu.memory_space<vmem>>) offsets(%dma_start3A_494 : memref<16xi32, #tpu.memory_space<vmem>>) semaphore(%arg20 : memref<!tpu.dma_semaphore, #tpu.memory_space<semaphore_mem>>)
      } else {
      }
      %mul3A_414 = arith.constant 6 : i32
      %mul3A_415 = arith.muli %mul3A_414, %add3A_366 : i32
      %add3A_416 = arith.constant 0 : i32
      %add3A_417 = arith.addi %mul3A_415, %add3A_416 : i32
      %lt3A_418 = arith.cmpi slt, %add3A_417, %select_n3A_286 : i32
      %convert_element_type3A_419 = arith.extui %lt3A_418 : i1 to i32
      %cond3A_420 = arith.constant 0 : i32
      %cond3A_421 = arith.cmpi ne, %convert_element_type3A_419, %cond3A_420 : i32
      scf.if %cond3A_421 {
        %dma_wait3A = arith.constant 0 : i32
        %dma_wait3A_462 = arith.constant 0 : i32
        %dma_wait3A_463 = arith.constant 0 : i32
        %dma_wait3A_464 = arith.constant 0 : i32
        %dma_wait3A_465 = arith.constant 0 : i32
        %dma_wait3A_466 = tpu.memref_slice %arg14[%dma_wait3A_462, %dma_wait3A_463, %dma_wait3A_464, %dma_wait3A_465] : memref<6x16x8x128xf32, #tpu.memory_space<vmem>> -> memref<1x16x8x128xf32, #tpu.memory_space<vmem>>
        %dma_wait3A_467 = tpu.memref_squeeze %dma_wait3A_466 : memref<1x16x8x128xf32, #tpu.memory_space<vmem>> -> memref<16x8x128xf32, #tpu.memory_space<vmem>>
        %dma_wait3A_468 = arith.constant 0 : i32
        %dma_wait3A_469 = tpu.memref_slice %arg12[%dma_wait3A, %dma_wait3A_468] : memref<6x16xi32, #tpu.memory_space<vmem>> -> memref<1x16xi32, #tpu.memory_space<vmem>>
        %dma_wait3A_470 = tpu.memref_squeeze %dma_wait3A_469 : memref<1x16xi32, #tpu.memory_space<vmem>> -> memref<16xi32, #tpu.memory_space<vmem>>
        %dma_wait3A_471 = arith.constant 0 : i32
        %dma_wait3A_472 = arith.constant 0 : i32
        %dma_wait3A_473 = arith.constant 0 : i32
        %dma_wait3A_474 = tpu.memref_slice %arg4[%dma_wait3A_471, %dma_wait3A_472, %dma_wait3A_473] : memref<32768x8x128xf32, #tpu.memory_space<hbm>> -> memref<32768x8x128xf32, #tpu.memory_space<hbm>>
        tpu.wait_indirect_dma semaphore(%arg15 : memref<!tpu.dma_semaphore, #tpu.memory_space<semaphore_mem>>) src(%dma_wait3A_474 : memref<32768x8x128xf32, #tpu.memory_space<hbm>>) dst(%dma_wait3A_467 : memref<16x8x128xf32, #tpu.memory_space<vmem>>)
        %dma_start3A = arith.constant 0 : i32
        %dma_start3A_475 = arith.constant 0 : i32
        %dma_start3A_476 = arith.constant 0 : i32
        %dma_start3A_477 = arith.constant 0 : i32
        %dma_start3A_478 = arith.constant 0 : i32
        %dma_start3A_479 = tpu.memref_slice %arg14[%dma_start3A, %dma_start3A_476, %dma_start3A_477, %dma_start3A_478] : memref<6x16x8x128xf32, #tpu.memory_space<vmem>> -> memref<1x16x8x128xf32, #tpu.memory_space<vmem>>
        %dma_start3A_480 = tpu.memref_squeeze %dma_start3A_479 : memref<1x16x8x128xf32, #tpu.memory_space<vmem>> -> memref<16x8x128xf32, #tpu.memory_space<vmem>>
        %dma_start3A_481 = arith.constant 0 : i32
        %dma_start3A_482 = tpu.memref_slice %arg13[%dma_start3A_475, %dma_start3A_481] : memref<6x16xi32, #tpu.memory_space<vmem>> -> memref<1x16xi32, #tpu.memory_space<vmem>>
        %dma_start3A_483 = tpu.memref_squeeze %dma_start3A_482 : memref<1x16xi32, #tpu.memory_space<vmem>> -> memref<16xi32, #tpu.memory_space<vmem>>
        %dma_start3A_484 = arith.constant 0 : i32
        %dma_start3A_485 = arith.constant 0 : i32
        %dma_start3A_486 = arith.constant 0 : i32
        %dma_start3A_487 = tpu.memref_slice %arg5[%dma_start3A_484, %dma_start3A_485, %dma_start3A_486] : memref<32768x8x128xf32, #tpu.memory_space<hbm>> -> memref<32768x8x128xf32, #tpu.memory_space<hbm>>
        tpu.enqueue_indirect_dma source(%dma_start3A_480 : memref<16x8x128xf32, #tpu.memory_space<vmem>>) target(%dma_start3A_487 : memref<32768x8x128xf32, #tpu.memory_space<hbm>>) offsets(%dma_start3A_483 : memref<16xi32, #tpu.memory_space<vmem>>) semaphore(%arg21 : memref<!tpu.dma_semaphore, #tpu.memory_space<semaphore_mem>>)
      } else {
      }
      %mul3A_422 = arith.constant 6 : i32
      %mul3A_423 = arith.muli %mul3A_422, %add3A_366 : i32
      %add3A_424 = arith.constant 1 : i32
      %add3A_425 = arith.addi %mul3A_423, %add3A_424 : i32
      %lt3A_426 = arith.cmpi slt, %add3A_425, %select_n3A_286 : i32
      %convert_element_type3A_427 = arith.extui %lt3A_426 : i1 to i32
      %cond3A_428 = arith.constant 0 : i32
      %cond3A_429 = arith.cmpi ne, %convert_element_type3A_427, %cond3A_428 : i32
      scf.if %cond3A_429 {
        %dma_wait3A = arith.constant 1 : i32
        %dma_wait3A_462 = arith.constant 1 : i32
        %dma_wait3A_463 = arith.constant 0 : i32
        %dma_wait3A_464 = arith.constant 0 : i32
        %dma_wait3A_465 = arith.constant 0 : i32
        %dma_wait3A_466 = tpu.memref_slice %arg14[%dma_wait3A_462, %dma_wait3A_463, %dma_wait3A_464, %dma_wait3A_465] : memref<6x16x8x128xf32, #tpu.memory_space<vmem>> -> memref<1x16x8x128xf32, #tpu.memory_space<vmem>>
        %dma_wait3A_467 = tpu.memref_squeeze %dma_wait3A_466 : memref<1x16x8x128xf32, #tpu.memory_space<vmem>> -> memref<16x8x128xf32, #tpu.memory_space<vmem>>
        %dma_wait3A_468 = arith.constant 0 : i32
        %dma_wait3A_469 = tpu.memref_slice %arg12[%dma_wait3A, %dma_wait3A_468] : memref<6x16xi32, #tpu.memory_space<vmem>> -> memref<1x16xi32, #tpu.memory_space<vmem>>
        %dma_wait3A_470 = tpu.memref_squeeze %dma_wait3A_469 : memref<1x16xi32, #tpu.memory_space<vmem>> -> memref<16xi32, #tpu.memory_space<vmem>>
        %dma_wait3A_471 = arith.constant 0 : i32
        %dma_wait3A_472 = arith.constant 0 : i32
        %dma_wait3A_473 = arith.constant 0 : i32
        %dma_wait3A_474 = tpu.memref_slice %arg4[%dma_wait3A_471, %dma_wait3A_472, %dma_wait3A_473] : memref<32768x8x128xf32, #tpu.memory_space<hbm>> -> memref<32768x8x128xf32, #tpu.memory_space<hbm>>
        tpu.wait_indirect_dma semaphore(%arg16 : memref<!tpu.dma_semaphore, #tpu.memory_space<semaphore_mem>>) src(%dma_wait3A_474 : memref<32768x8x128xf32, #tpu.memory_space<hbm>>) dst(%dma_wait3A_467 : memref<16x8x128xf32, #tpu.memory_space<vmem>>)
        %dma_start3A = arith.constant 1 : i32
        %dma_start3A_475 = arith.constant 1 : i32
        %dma_start3A_476 = arith.constant 0 : i32
        %dma_start3A_477 = arith.constant 0 : i32
        %dma_start3A_478 = arith.constant 0 : i32
        %dma_start3A_479 = tpu.memref_slice %arg14[%dma_start3A, %dma_start3A_476, %dma_start3A_477, %dma_start3A_478] : memref<6x16x8x128xf32, #tpu.memory_space<vmem>> -> memref<1x16x8x128xf32, #tpu.memory_space<vmem>>
        %dma_start3A_480 = tpu.memref_squeeze %dma_start3A_479 : memref<1x16x8x128xf32, #tpu.memory_space<vmem>> -> memref<16x8x128xf32, #tpu.memory_space<vmem>>
        %dma_start3A_481 = arith.constant 0 : i32
        %dma_start3A_482 = tpu.memref_slice %arg13[%dma_start3A_475, %dma_start3A_481] : memref<6x16xi32, #tpu.memory_space<vmem>> -> memref<1x16xi32, #tpu.memory_space<vmem>>
        %dma_start3A_483 = tpu.memref_squeeze %dma_start3A_482 : memref<1x16xi32, #tpu.memory_space<vmem>> -> memref<16xi32, #tpu.memory_space<vmem>>
        %dma_start3A_484 = arith.constant 0 : i32
        %dma_start3A_485 = arith.constant 0 : i32
        %dma_start3A_486 = arith.constant 0 : i32
        %dma_start3A_487 = tpu.memref_slice %arg5[%dma_start3A_484, %dma_start3A_485, %dma_start3A_486] : memref<32768x8x128xf32, #tpu.memory_space<hbm>> -> memref<32768x8x128xf32, #tpu.memory_space<hbm>>
        tpu.enqueue_indirect_dma source(%dma_start3A_480 : memref<16x8x128xf32, #tpu.memory_space<vmem>>) target(%dma_start3A_487 : memref<32768x8x128xf32, #tpu.memory_space<hbm>>) offsets(%dma_start3A_483 : memref<16xi32, #tpu.memory_space<vmem>>) semaphore(%arg22 : memref<!tpu.dma_semaphore, #tpu.memory_space<semaphore_mem>>)
      } else {
      }
      %mul3A_430 = arith.constant 6 : i32
      %mul3A_431 = arith.muli %mul3A_430, %add3A_366 : i32
      %add3A_432 = arith.constant 2 : i32
      %add3A_433 = arith.addi %mul3A_431, %add3A_432 : i32
      %lt3A_434 = arith.cmpi slt, %add3A_433, %select_n3A_286 : i32
      %convert_element_type3A_435 = arith.extui %lt3A_434 : i1 to i32
      %cond3A_436 = arith.constant 0 : i32
      %cond3A_437 = arith.cmpi ne, %convert_element_type3A_435, %cond3A_436 : i32
      scf.if %cond3A_437 {
        %dma_wait3A = arith.constant 2 : i32
        %dma_wait3A_462 = arith.constant 2 : i32
        %dma_wait3A_463 = arith.constant 0 : i32
        %dma_wait3A_464 = arith.constant 0 : i32
        %dma_wait3A_465 = arith.constant 0 : i32
        %dma_wait3A_466 = tpu.memref_slice %arg14[%dma_wait3A_462, %dma_wait3A_463, %dma_wait3A_464, %dma_wait3A_465] : memref<6x16x8x128xf32, #tpu.memory_space<vmem>> -> memref<1x16x8x128xf32, #tpu.memory_space<vmem>>
        %dma_wait3A_467 = tpu.memref_squeeze %dma_wait3A_466 : memref<1x16x8x128xf32, #tpu.memory_space<vmem>> -> memref<16x8x128xf32, #tpu.memory_space<vmem>>
        %dma_wait3A_468 = arith.constant 0 : i32
        %dma_wait3A_469 = tpu.memref_slice %arg12[%dma_wait3A, %dma_wait3A_468] : memref<6x16xi32, #tpu.memory_space<vmem>> -> memref<1x16xi32, #tpu.memory_space<vmem>>
        %dma_wait3A_470 = tpu.memref_squeeze %dma_wait3A_469 : memref<1x16xi32, #tpu.memory_space<vmem>> -> memref<16xi32, #tpu.memory_space<vmem>>
        %dma_wait3A_471 = arith.constant 0 : i32
        %dma_wait3A_472 = arith.constant 0 : i32
        %dma_wait3A_473 = arith.constant 0 : i32
        %dma_wait3A_474 = tpu.memref_slice %arg4[%dma_wait3A_471, %dma_wait3A_472, %dma_wait3A_473] : memref<32768x8x128xf32, #tpu.memory_space<hbm>> -> memref<32768x8x128xf32, #tpu.memory_space<hbm>>
        tpu.wait_indirect_dma semaphore(%arg17 : memref<!tpu.dma_semaphore, #tpu.memory_space<semaphore_mem>>) src(%dma_wait3A_474 : memref<32768x8x128xf32, #tpu.memory_space<hbm>>) dst(%dma_wait3A_467 : memref<16x8x128xf32, #tpu.memory_space<vmem>>)
        %dma_start3A = arith.constant 2 : i32
        %dma_start3A_475 = arith.constant 2 : i32
        %dma_start3A_476 = arith.constant 0 : i32
        %dma_start3A_477 = arith.constant 0 : i32
        %dma_start3A_478 = arith.constant 0 : i32
        %dma_start3A_479 = tpu.memref_slice %arg14[%dma_start3A, %dma_start3A_476, %dma_start3A_477, %dma_start3A_478] : memref<6x16x8x128xf32, #tpu.memory_space<vmem>> -> memref<1x16x8x128xf32, #tpu.memory_space<vmem>>
        %dma_start3A_480 = tpu.memref_squeeze %dma_start3A_479 : memref<1x16x8x128xf32, #tpu.memory_space<vmem>> -> memref<16x8x128xf32, #tpu.memory_space<vmem>>
        %dma_start3A_481 = arith.constant 0 : i32
        %dma_start3A_482 = tpu.memref_slice %arg13[%dma_start3A_475, %dma_start3A_481] : memref<6x16xi32, #tpu.memory_space<vmem>> -> memref<1x16xi32, #tpu.memory_space<vmem>>
        %dma_start3A_483 = tpu.memref_squeeze %dma_start3A_482 : memref<1x16xi32, #tpu.memory_space<vmem>> -> memref<16xi32, #tpu.memory_space<vmem>>
        %dma_start3A_484 = arith.constant 0 : i32
        %dma_start3A_485 = arith.constant 0 : i32
        %dma_start3A_486 = arith.constant 0 : i32
        %dma_start3A_487 = tpu.memref_slice %arg5[%dma_start3A_484, %dma_start3A_485, %dma_start3A_486] : memref<32768x8x128xf32, #tpu.memory_space<hbm>> -> memref<32768x8x128xf32, #tpu.memory_space<hbm>>
        tpu.enqueue_indirect_dma source(%dma_start3A_480 : memref<16x8x128xf32, #tpu.memory_space<vmem>>) target(%dma_start3A_487 : memref<32768x8x128xf32, #tpu.memory_space<hbm>>) offsets(%dma_start3A_483 : memref<16xi32, #tpu.memory_space<vmem>>) semaphore(%arg23 : memref<!tpu.dma_semaphore, #tpu.memory_space<semaphore_mem>>)
      } else {
      }
      %mul3A_438 = arith.constant 6 : i32
      %mul3A_439 = arith.muli %mul3A_438, %add3A_366 : i32
      %add3A_440 = arith.constant 3 : i32
      %add3A_441 = arith.addi %mul3A_439, %add3A_440 : i32
      %lt3A_442 = arith.cmpi slt, %add3A_441, %select_n3A_286 : i32
      %convert_element_type3A_443 = arith.extui %lt3A_442 : i1 to i32
      %cond3A_444 = arith.constant 0 : i32
      %cond3A_445 = arith.cmpi ne, %convert_element_type3A_443, %cond3A_444 : i32
      scf.if %cond3A_445 {
        %dma_wait3A = arith.constant 3 : i32
        %dma_wait3A_462 = arith.constant 3 : i32
        %dma_wait3A_463 = arith.constant 0 : i32
        %dma_wait3A_464 = arith.constant 0 : i32
        %dma_wait3A_465 = arith.constant 0 : i32
        %dma_wait3A_466 = tpu.memref_slice %arg14[%dma_wait3A_462, %dma_wait3A_463, %dma_wait3A_464, %dma_wait3A_465] : memref<6x16x8x128xf32, #tpu.memory_space<vmem>> -> memref<1x16x8x128xf32, #tpu.memory_space<vmem>>
        %dma_wait3A_467 = tpu.memref_squeeze %dma_wait3A_466 : memref<1x16x8x128xf32, #tpu.memory_space<vmem>> -> memref<16x8x128xf32, #tpu.memory_space<vmem>>
        %dma_wait3A_468 = arith.constant 0 : i32
        %dma_wait3A_469 = tpu.memref_slice %arg12[%dma_wait3A, %dma_wait3A_468] : memref<6x16xi32, #tpu.memory_space<vmem>> -> memref<1x16xi32, #tpu.memory_space<vmem>>
        %dma_wait3A_470 = tpu.memref_squeeze %dma_wait3A_469 : memref<1x16xi32, #tpu.memory_space<vmem>> -> memref<16xi32, #tpu.memory_space<vmem>>
        %dma_wait3A_471 = arith.constant 0 : i32
        %dma_wait3A_472 = arith.constant 0 : i32
        %dma_wait3A_473 = arith.constant 0 : i32
        %dma_wait3A_474 = tpu.memref_slice %arg4[%dma_wait3A_471, %dma_wait3A_472, %dma_wait3A_473] : memref<32768x8x128xf32, #tpu.memory_space<hbm>> -> memref<32768x8x128xf32, #tpu.memory_space<hbm>>
        tpu.wait_indirect_dma semaphore(%arg18 : memref<!tpu.dma_semaphore, #tpu.memory_space<semaphore_mem>>) src(%dma_wait3A_474 : memref<32768x8x128xf32, #tpu.memory_space<hbm>>) dst(%dma_wait3A_467 : memref<16x8x128xf32, #tpu.memory_space<vmem>>)
        %dma_start3A = arith.constant 3 : i32
        %dma_start3A_475 = arith.constant 3 : i32
        %dma_start3A_476 = arith.constant 0 : i32
        %dma_start3A_477 = arith.constant 0 : i32
        %dma_start3A_478 = arith.constant 0 : i32
        %dma_start3A_479 = tpu.memref_slice %arg14[%dma_start3A, %dma_start3A_476, %dma_start3A_477, %dma_start3A_478] : memref<6x16x8x128xf32, #tpu.memory_space<vmem>> -> memref<1x16x8x128xf32, #tpu.memory_space<vmem>>
        %dma_start3A_480 = tpu.memref_squeeze %dma_start3A_479 : memref<1x16x8x128xf32, #tpu.memory_space<vmem>> -> memref<16x8x128xf32, #tpu.memory_space<vmem>>
        %dma_start3A_481 = arith.constant 0 : i32
        %dma_start3A_482 = tpu.memref_slice %arg13[%dma_start3A_475, %dma_start3A_481] : memref<6x16xi32, #tpu.memory_space<vmem>> -> memref<1x16xi32, #tpu.memory_space<vmem>>
        %dma_start3A_483 = tpu.memref_squeeze %dma_start3A_482 : memref<1x16xi32, #tpu.memory_space<vmem>> -> memref<16xi32, #tpu.memory_space<vmem>>
        %dma_start3A_484 = arith.constant 0 : i32
        %dma_start3A_485 = arith.constant 0 : i32
        %dma_start3A_486 = arith.constant 0 : i32
        %dma_start3A_487 = tpu.memref_slice %arg5[%dma_start3A_484, %dma_start3A_485, %dma_start3A_486] : memref<32768x8x128xf32, #tpu.memory_space<hbm>> -> memref<32768x8x128xf32, #tpu.memory_space<hbm>>
        tpu.enqueue_indirect_dma source(%dma_start3A_480 : memref<16x8x128xf32, #tpu.memory_space<vmem>>) target(%dma_start3A_487 : memref<32768x8x128xf32, #tpu.memory_space<hbm>>) offsets(%dma_start3A_483 : memref<16xi32, #tpu.memory_space<vmem>>) semaphore(%arg24 : memref<!tpu.dma_semaphore, #tpu.memory_space<semaphore_mem>>)
      } else {
      }
      %mul3A_446 = arith.constant 6 : i32
      %mul3A_447 = arith.muli %mul3A_446, %add3A_366 : i32
      %add3A_448 = arith.constant 4 : i32
      %add3A_449 = arith.addi %mul3A_447, %add3A_448 : i32
      %lt3A_450 = arith.cmpi slt, %add3A_449, %select_n3A_286 : i32
      %convert_element_type3A_451 = arith.extui %lt3A_450 : i1 to i32
      %cond3A_452 = arith.constant 0 : i32
      %cond3A_453 = arith.cmpi ne, %convert_element_type3A_451, %cond3A_452 : i32
      scf.if %cond3A_453 {
        %dma_wait3A = arith.constant 4 : i32
        %dma_wait3A_462 = arith.constant 4 : i32
        %dma_wait3A_463 = arith.constant 0 : i32
        %dma_wait3A_464 = arith.constant 0 : i32
        %dma_wait3A_465 = arith.constant 0 : i32
        %dma_wait3A_466 = tpu.memref_slice %arg14[%dma_wait3A_462, %dma_wait3A_463, %dma_wait3A_464, %dma_wait3A_465] : memref<6x16x8x128xf32, #tpu.memory_space<vmem>> -> memref<1x16x8x128xf32, #tpu.memory_space<vmem>>
        %dma_wait3A_467 = tpu.memref_squeeze %dma_wait3A_466 : memref<1x16x8x128xf32, #tpu.memory_space<vmem>> -> memref<16x8x128xf32, #tpu.memory_space<vmem>>
        %dma_wait3A_468 = arith.constant 0 : i32
        %dma_wait3A_469 = tpu.memref_slice %arg12[%dma_wait3A, %dma_wait3A_468] : memref<6x16xi32, #tpu.memory_space<vmem>> -> memref<1x16xi32, #tpu.memory_space<vmem>>
        %dma_wait3A_470 = tpu.memref_squeeze %dma_wait3A_469 : memref<1x16xi32, #tpu.memory_space<vmem>> -> memref<16xi32, #tpu.memory_space<vmem>>
        %dma_wait3A_471 = arith.constant 0 : i32
        %dma_wait3A_472 = arith.constant 0 : i32
        %dma_wait3A_473 = arith.constant 0 : i32
        %dma_wait3A_474 = tpu.memref_slice %arg4[%dma_wait3A_471, %dma_wait3A_472, %dma_wait3A_473] : memref<32768x8x128xf32, #tpu.memory_space<hbm>> -> memref<32768x8x128xf32, #tpu.memory_space<hbm>>
        tpu.wait_indirect_dma semaphore(%arg19 : memref<!tpu.dma_semaphore, #tpu.memory_space<semaphore_mem>>) src(%dma_wait3A_474 : memref<32768x8x128xf32, #tpu.memory_space<hbm>>) dst(%dma_wait3A_467 : memref<16x8x128xf32, #tpu.memory_space<vmem>>)
        %dma_start3A = arith.constant 4 : i32
        %dma_start3A_475 = arith.constant 4 : i32
        %dma_start3A_476 = arith.constant 0 : i32
        %dma_start3A_477 = arith.constant 0 : i32
        %dma_start3A_478 = arith.constant 0 : i32
        %dma_start3A_479 = tpu.memref_slice %arg14[%dma_start3A, %dma_start3A_476, %dma_start3A_477, %dma_start3A_478] : memref<6x16x8x128xf32, #tpu.memory_space<vmem>> -> memref<1x16x8x128xf32, #tpu.memory_space<vmem>>
        %dma_start3A_480 = tpu.memref_squeeze %dma_start3A_479 : memref<1x16x8x128xf32, #tpu.memory_space<vmem>> -> memref<16x8x128xf32, #tpu.memory_space<vmem>>
        %dma_start3A_481 = arith.constant 0 : i32
        %dma_start3A_482 = tpu.memref_slice %arg13[%dma_start3A_475, %dma_start3A_481] : memref<6x16xi32, #tpu.memory_space<vmem>> -> memref<1x16xi32, #tpu.memory_space<vmem>>
        %dma_start3A_483 = tpu.memref_squeeze %dma_start3A_482 : memref<1x16xi32, #tpu.memory_space<vmem>> -> memref<16xi32, #tpu.memory_space<vmem>>
        %dma_start3A_484 = arith.constant 0 : i32
        %dma_start3A_485 = arith.constant 0 : i32
        %dma_start3A_486 = arith.constant 0 : i32
        %dma_start3A_487 = tpu.memref_slice %arg5[%dma_start3A_484, %dma_start3A_485, %dma_start3A_486] : memref<32768x8x128xf32, #tpu.memory_space<hbm>> -> memref<32768x8x128xf32, #tpu.memory_space<hbm>>
        tpu.enqueue_indirect_dma source(%dma_start3A_480 : memref<16x8x128xf32, #tpu.memory_space<vmem>>) target(%dma_start3A_487 : memref<32768x8x128xf32, #tpu.memory_space<hbm>>) offsets(%dma_start3A_483 : memref<16xi32, #tpu.memory_space<vmem>>) semaphore(%arg25 : memref<!tpu.dma_semaphore, #tpu.memory_space<semaphore_mem>>)
      } else {
      }
      %mul3A_454 = arith.constant 6 : i32
      %mul3A_455 = arith.muli %mul3A_454, %add3A_366 : i32
      %add3A_456 = arith.constant 5 : i32
      %add3A_457 = arith.addi %mul3A_455, %add3A_456 : i32
      %lt3A_458 = arith.cmpi slt, %add3A_457, %select_n3A_286 : i32
      %convert_element_type3A_459 = arith.extui %lt3A_458 : i1 to i32
      %cond3A_460 = arith.constant 0 : i32
      %cond3A_461 = arith.cmpi ne, %convert_element_type3A_459, %cond3A_460 : i32
      scf.if %cond3A_461 {
        %dma_wait3A = arith.constant 5 : i32
        %dma_wait3A_462 = arith.constant 5 : i32
        %dma_wait3A_463 = arith.constant 0 : i32
        %dma_wait3A_464 = arith.constant 0 : i32
        %dma_wait3A_465 = arith.constant 0 : i32
        %dma_wait3A_466 = tpu.memref_slice %arg14[%dma_wait3A_462, %dma_wait3A_463, %dma_wait3A_464, %dma_wait3A_465] : memref<6x16x8x128xf32, #tpu.memory_space<vmem>> -> memref<1x16x8x128xf32, #tpu.memory_space<vmem>>
        %dma_wait3A_467 = tpu.memref_squeeze %dma_wait3A_466 : memref<1x16x8x128xf32, #tpu.memory_space<vmem>> -> memref<16x8x128xf32, #tpu.memory_space<vmem>>
        %dma_wait3A_468 = arith.constant 0 : i32
        %dma_wait3A_469 = tpu.memref_slice %arg12[%dma_wait3A, %dma_wait3A_468] : memref<6x16xi32, #tpu.memory_space<vmem>> -> memref<1x16xi32, #tpu.memory_space<vmem>>
        %dma_wait3A_470 = tpu.memref_squeeze %dma_wait3A_469 : memref<1x16xi32, #tpu.memory_space<vmem>> -> memref<16xi32, #tpu.memory_space<vmem>>
        %dma_wait3A_471 = arith.constant 0 : i32
        %dma_wait3A_472 = arith.constant 0 : i32
        %dma_wait3A_473 = arith.constant 0 : i32
        %dma_wait3A_474 = tpu.memref_slice %arg4[%dma_wait3A_471, %dma_wait3A_472, %dma_wait3A_473] : memref<32768x8x128xf32, #tpu.memory_space<hbm>> -> memref<32768x8x128xf32, #tpu.memory_space<hbm>>
        tpu.wait_indirect_dma semaphore(%arg20 : memref<!tpu.dma_semaphore, #tpu.memory_space<semaphore_mem>>) src(%dma_wait3A_474 : memref<32768x8x128xf32, #tpu.memory_space<hbm>>) dst(%dma_wait3A_467 : memref<16x8x128xf32, #tpu.memory_space<vmem>>)
        %dma_start3A = arith.constant 5 : i32
        %dma_start3A_475 = arith.constant 5 : i32
        %dma_start3A_476 = arith.constant 0 : i32
        %dma_start3A_477 = arith.constant 0 : i32
        %dma_start3A_478 = arith.constant 0 : i32
        %dma_start3A_479 = tpu.memref_slice %arg14[%dma_start3A, %dma_start3A_476, %dma_start3A_477, %dma_start3A_478] : memref<6x16x8x128xf32, #tpu.memory_space<vmem>> -> memref<1x16x8x128xf32, #tpu.memory_space<vmem>>
        %dma_start3A_480 = tpu.memref_squeeze %dma_start3A_479 : memref<1x16x8x128xf32, #tpu.memory_space<vmem>> -> memref<16x8x128xf32, #tpu.memory_space<vmem>>
        %dma_start3A_481 = arith.constant 0 : i32
        %dma_start3A_482 = tpu.memref_slice %arg13[%dma_start3A_475, %dma_start3A_481] : memref<6x16xi32, #tpu.memory_space<vmem>> -> memref<1x16xi32, #tpu.memory_space<vmem>>
        %dma_start3A_483 = tpu.memref_squeeze %dma_start3A_482 : memref<1x16xi32, #tpu.memory_space<vmem>> -> memref<16xi32, #tpu.memory_space<vmem>>
        %dma_start3A_484 = arith.constant 0 : i32
        %dma_start3A_485 = arith.constant 0 : i32
        %dma_start3A_486 = arith.constant 0 : i32
        %dma_start3A_487 = tpu.memref_slice %arg5[%dma_start3A_484, %dma_start3A_485, %dma_start3A_486] : memref<32768x8x128xf32, #tpu.memory_space<hbm>> -> memref<32768x8x128xf32, #tpu.memory_space<hbm>>
        tpu.enqueue_indirect_dma source(%dma_start3A_480 : memref<16x8x128xf32, #tpu.memory_space<vmem>>) target(%dma_start3A_487 : memref<32768x8x128xf32, #tpu.memory_space<hbm>>) offsets(%dma_start3A_483 : memref<16xi32, #tpu.memory_space<vmem>>) semaphore(%arg26 : memref<!tpu.dma_semaphore, #tpu.memory_space<semaphore_mem>>)
      } else {
      }
    }
    %gt3A_334 = arith.constant 0 : i32
    %gt3A_335 = arith.cmpi sgt, %select_n3A_286, %gt3A_334 : i32
    %convert_element_type3A_336 = arith.extui %gt3A_335 : i1 to i32
    %cond3A_337 = arith.constant 0 : i32
    %cond3A_338 = arith.cmpi ne, %convert_element_type3A_336, %cond3A_337 : i32
    scf.if %cond3A_338 {
      %dma_wait3A = arith.constant 0 : i32
      %dma_wait3A_364 = arith.constant 0 : i32
      %dma_wait3A_365 = arith.constant 0 : i32
      %dma_wait3A_366 = arith.constant 0 : i32
      %dma_wait3A_367 = arith.constant 0 : i32
      %dma_wait3A_368 = tpu.memref_slice %arg14[%dma_wait3A, %dma_wait3A_365, %dma_wait3A_366, %dma_wait3A_367] : memref<6x16x8x128xf32, #tpu.memory_space<vmem>> -> memref<1x16x8x128xf32, #tpu.memory_space<vmem>>
      %dma_wait3A_369 = tpu.memref_squeeze %dma_wait3A_368 : memref<1x16x8x128xf32, #tpu.memory_space<vmem>> -> memref<16x8x128xf32, #tpu.memory_space<vmem>>
      %dma_wait3A_370 = arith.constant 0 : i32
      %dma_wait3A_371 = tpu.memref_slice %arg13[%dma_wait3A_364, %dma_wait3A_370] : memref<6x16xi32, #tpu.memory_space<vmem>> -> memref<1x16xi32, #tpu.memory_space<vmem>>
      %dma_wait3A_372 = tpu.memref_squeeze %dma_wait3A_371 : memref<1x16xi32, #tpu.memory_space<vmem>> -> memref<16xi32, #tpu.memory_space<vmem>>
      %dma_wait3A_373 = arith.constant 0 : i32
      %dma_wait3A_374 = arith.constant 0 : i32
      %dma_wait3A_375 = arith.constant 0 : i32
      %dma_wait3A_376 = tpu.memref_slice %arg5[%dma_wait3A_373, %dma_wait3A_374, %dma_wait3A_375] : memref<32768x8x128xf32, #tpu.memory_space<hbm>> -> memref<32768x8x128xf32, #tpu.memory_space<hbm>>
      tpu.wait_indirect_dma semaphore(%arg21 : memref<!tpu.dma_semaphore, #tpu.memory_space<semaphore_mem>>) src(%dma_wait3A_369 : memref<16x8x128xf32, #tpu.memory_space<vmem>>) dst(%dma_wait3A_376 : memref<32768x8x128xf32, #tpu.memory_space<hbm>>)
    } else {
    }
    %gt3A_339 = arith.constant 1 : i32
    %gt3A_340 = arith.cmpi sgt, %select_n3A_286, %gt3A_339 : i32
    %convert_element_type3A_341 = arith.extui %gt3A_340 : i1 to i32
    %cond3A_342 = arith.constant 0 : i32
    %cond3A_343 = arith.cmpi ne, %convert_element_type3A_341, %cond3A_342 : i32
    scf.if %cond3A_343 {
      %dma_wait3A = arith.constant 1 : i32
      %dma_wait3A_364 = arith.constant 1 : i32
      %dma_wait3A_365 = arith.constant 0 : i32
      %dma_wait3A_366 = arith.constant 0 : i32
      %dma_wait3A_367 = arith.constant 0 : i32
      %dma_wait3A_368 = tpu.memref_slice %arg14[%dma_wait3A, %dma_wait3A_365, %dma_wait3A_366, %dma_wait3A_367] : memref<6x16x8x128xf32, #tpu.memory_space<vmem>> -> memref<1x16x8x128xf32, #tpu.memory_space<vmem>>
      %dma_wait3A_369 = tpu.memref_squeeze %dma_wait3A_368 : memref<1x16x8x128xf32, #tpu.memory_space<vmem>> -> memref<16x8x128xf32, #tpu.memory_space<vmem>>
      %dma_wait3A_370 = arith.constant 0 : i32
      %dma_wait3A_371 = tpu.memref_slice %arg13[%dma_wait3A_364, %dma_wait3A_370] : memref<6x16xi32, #tpu.memory_space<vmem>> -> memref<1x16xi32, #tpu.memory_space<vmem>>
      %dma_wait3A_372 = tpu.memref_squeeze %dma_wait3A_371 : memref<1x16xi32, #tpu.memory_space<vmem>> -> memref<16xi32, #tpu.memory_space<vmem>>
      %dma_wait3A_373 = arith.constant 0 : i32
      %dma_wait3A_374 = arith.constant 0 : i32
      %dma_wait3A_375 = arith.constant 0 : i32
      %dma_wait3A_376 = tpu.memref_slice %arg5[%dma_wait3A_373, %dma_wait3A_374, %dma_wait3A_375] : memref<32768x8x128xf32, #tpu.memory_space<hbm>> -> memref<32768x8x128xf32, #tpu.memory_space<hbm>>
      tpu.wait_indirect_dma semaphore(%arg22 : memref<!tpu.dma_semaphore, #tpu.memory_space<semaphore_mem>>) src(%dma_wait3A_369 : memref<16x8x128xf32, #tpu.memory_space<vmem>>) dst(%dma_wait3A_376 : memref<32768x8x128xf32, #tpu.memory_space<hbm>>)
    } else {
    }
    %gt3A_344 = arith.constant 2 : i32
    %gt3A_345 = arith.cmpi sgt, %select_n3A_286, %gt3A_344 : i32
    %convert_element_type3A_346 = arith.extui %gt3A_345 : i1 to i32
    %cond3A_347 = arith.constant 0 : i32
    %cond3A_348 = arith.cmpi ne, %convert_element_type3A_346, %cond3A_347 : i32
    scf.if %cond3A_348 {
      %dma_wait3A = arith.constant 2 : i32
      %dma_wait3A_364 = arith.constant 2 : i32
      %dma_wait3A_365 = arith.constant 0 : i32
      %dma_wait3A_366 = arith.constant 0 : i32
      %dma_wait3A_367 = arith.constant 0 : i32
      %dma_wait3A_368 = tpu.memref_slice %arg14[%dma_wait3A, %dma_wait3A_365, %dma_wait3A_366, %dma_wait3A_367] : memref<6x16x8x128xf32, #tpu.memory_space<vmem>> -> memref<1x16x8x128xf32, #tpu.memory_space<vmem>>
      %dma_wait3A_369 = tpu.memref_squeeze %dma_wait3A_368 : memref<1x16x8x128xf32, #tpu.memory_space<vmem>> -> memref<16x8x128xf32, #tpu.memory_space<vmem>>
      %dma_wait3A_370 = arith.constant 0 : i32
      %dma_wait3A_371 = tpu.memref_slice %arg13[%dma_wait3A_364, %dma_wait3A_370] : memref<6x16xi32, #tpu.memory_space<vmem>> -> memref<1x16xi32, #tpu.memory_space<vmem>>
      %dma_wait3A_372 = tpu.memref_squeeze %dma_wait3A_371 : memref<1x16xi32, #tpu.memory_space<vmem>> -> memref<16xi32, #tpu.memory_space<vmem>>
      %dma_wait3A_373 = arith.constant 0 : i32
      %dma_wait3A_374 = arith.constant 0 : i32
      %dma_wait3A_375 = arith.constant 0 : i32
      %dma_wait3A_376 = tpu.memref_slice %arg5[%dma_wait3A_373, %dma_wait3A_374, %dma_wait3A_375] : memref<32768x8x128xf32, #tpu.memory_space<hbm>> -> memref<32768x8x128xf32, #tpu.memory_space<hbm>>
      tpu.wait_indirect_dma semaphore(%arg23 : memref<!tpu.dma_semaphore, #tpu.memory_space<semaphore_mem>>) src(%dma_wait3A_369 : memref<16x8x128xf32, #tpu.memory_space<vmem>>) dst(%dma_wait3A_376 : memref<32768x8x128xf32, #tpu.memory_space<hbm>>)
    } else {
    }
    %gt3A_349 = arith.constant 3 : i32
    %gt3A_350 = arith.cmpi sgt, %select_n3A_286, %gt3A_349 : i32
    %convert_element_type3A_351 = arith.extui %gt3A_350 : i1 to i32
    %cond3A_352 = arith.constant 0 : i32
    %cond3A_353 = arith.cmpi ne, %convert_element_type3A_351, %cond3A_352 : i32
    scf.if %cond3A_353 {
      %dma_wait3A = arith.constant 3 : i32
      %dma_wait3A_364 = arith.constant 3 : i32
      %dma_wait3A_365 = arith.constant 0 : i32
      %dma_wait3A_366 = arith.constant 0 : i32
      %dma_wait3A_367 = arith.constant 0 : i32
      %dma_wait3A_368 = tpu.memref_slice %arg14[%dma_wait3A, %dma_wait3A_365, %dma_wait3A_366, %dma_wait3A_367] : memref<6x16x8x128xf32, #tpu.memory_space<vmem>> -> memref<1x16x8x128xf32, #tpu.memory_space<vmem>>
      %dma_wait3A_369 = tpu.memref_squeeze %dma_wait3A_368 : memref<1x16x8x128xf32, #tpu.memory_space<vmem>> -> memref<16x8x128xf32, #tpu.memory_space<vmem>>
      %dma_wait3A_370 = arith.constant 0 : i32
      %dma_wait3A_371 = tpu.memref_slice %arg13[%dma_wait3A_364, %dma_wait3A_370] : memref<6x16xi32, #tpu.memory_space<vmem>> -> memref<1x16xi32, #tpu.memory_space<vmem>>
      %dma_wait3A_372 = tpu.memref_squeeze %dma_wait3A_371 : memref<1x16xi32, #tpu.memory_space<vmem>> -> memref<16xi32, #tpu.memory_space<vmem>>
      %dma_wait3A_373 = arith.constant 0 : i32
      %dma_wait3A_374 = arith.constant 0 : i32
      %dma_wait3A_375 = arith.constant 0 : i32
      %dma_wait3A_376 = tpu.memref_slice %arg5[%dma_wait3A_373, %dma_wait3A_374, %dma_wait3A_375] : memref<32768x8x128xf32, #tpu.memory_space<hbm>> -> memref<32768x8x128xf32, #tpu.memory_space<hbm>>
      tpu.wait_indirect_dma semaphore(%arg24 : memref<!tpu.dma_semaphore, #tpu.memory_space<semaphore_mem>>) src(%dma_wait3A_369 : memref<16x8x128xf32, #tpu.memory_space<vmem>>) dst(%dma_wait3A_376 : memref<32768x8x128xf32, #tpu.memory_space<hbm>>)
    } else {
    }
    %gt3A_354 = arith.constant 4 : i32
    %gt3A_355 = arith.cmpi sgt, %select_n3A_286, %gt3A_354 : i32
    %convert_element_type3A_356 = arith.extui %gt3A_355 : i1 to i32
    %cond3A_357 = arith.constant 0 : i32
    %cond3A_358 = arith.cmpi ne, %convert_element_type3A_356, %cond3A_357 : i32
    scf.if %cond3A_358 {
      %dma_wait3A = arith.constant 4 : i32
      %dma_wait3A_364 = arith.constant 4 : i32
      %dma_wait3A_365 = arith.constant 0 : i32
      %dma_wait3A_366 = arith.constant 0 : i32
      %dma_wait3A_367 = arith.constant 0 : i32
      %dma_wait3A_368 = tpu.memref_slice %arg14[%dma_wait3A, %dma_wait3A_365, %dma_wait3A_366, %dma_wait3A_367] : memref<6x16x8x128xf32, #tpu.memory_space<vmem>> -> memref<1x16x8x128xf32, #tpu.memory_space<vmem>>
      %dma_wait3A_369 = tpu.memref_squeeze %dma_wait3A_368 : memref<1x16x8x128xf32, #tpu.memory_space<vmem>> -> memref<16x8x128xf32, #tpu.memory_space<vmem>>
      %dma_wait3A_370 = arith.constant 0 : i32
      %dma_wait3A_371 = tpu.memref_slice %arg13[%dma_wait3A_364, %dma_wait3A_370] : memref<6x16xi32, #tpu.memory_space<vmem>> -> memref<1x16xi32, #tpu.memory_space<vmem>>
      %dma_wait3A_372 = tpu.memref_squeeze %dma_wait3A_371 : memref<1x16xi32, #tpu.memory_space<vmem>> -> memref<16xi32, #tpu.memory_space<vmem>>
      %dma_wait3A_373 = arith.constant 0 : i32
      %dma_wait3A_374 = arith.constant 0 : i32
      %dma_wait3A_375 = arith.constant 0 : i32
      %dma_wait3A_376 = tpu.memref_slice %arg5[%dma_wait3A_373, %dma_wait3A_374, %dma_wait3A_375] : memref<32768x8x128xf32, #tpu.memory_space<hbm>> -> memref<32768x8x128xf32, #tpu.memory_space<hbm>>
      tpu.wait_indirect_dma semaphore(%arg25 : memref<!tpu.dma_semaphore, #tpu.memory_space<semaphore_mem>>) src(%dma_wait3A_369 : memref<16x8x128xf32, #tpu.memory_space<vmem>>) dst(%dma_wait3A_376 : memref<32768x8x128xf32, #tpu.memory_space<hbm>>)
    } else {
    }
    %gt3A_359 = arith.constant 5 : i32
    %gt3A_360 = arith.cmpi sgt, %select_n3A_286, %gt3A_359 : i32
    %convert_element_type3A_361 = arith.extui %gt3A_360 : i1 to i32
    %cond3A_362 = arith.constant 0 : i32
    %cond3A_363 = arith.cmpi ne, %convert_element_type3A_361, %cond3A_362 : i32
    scf.if %cond3A_363 {
      %dma_wait3A = arith.constant 5 : i32
      %dma_wait3A_364 = arith.constant 5 : i32
      %dma_wait3A_365 = arith.constant 0 : i32
      %dma_wait3A_366 = arith.constant 0 : i32
      %dma_wait3A_367 = arith.constant 0 : i32
      %dma_wait3A_368 = tpu.memref_slice %arg14[%dma_wait3A, %dma_wait3A_365, %dma_wait3A_366, %dma_wait3A_367] : memref<6x16x8x128xf32, #tpu.memory_space<vmem>> -> memref<1x16x8x128xf32, #tpu.memory_space<vmem>>
      %dma_wait3A_369 = tpu.memref_squeeze %dma_wait3A_368 : memref<1x16x8x128xf32, #tpu.memory_space<vmem>> -> memref<16x8x128xf32, #tpu.memory_space<vmem>>
      %dma_wait3A_370 = arith.constant 0 : i32
      %dma_wait3A_371 = tpu.memref_slice %arg13[%dma_wait3A_364, %dma_wait3A_370] : memref<6x16xi32, #tpu.memory_space<vmem>> -> memref<1x16xi32, #tpu.memory_space<vmem>>
      %dma_wait3A_372 = tpu.memref_squeeze %dma_wait3A_371 : memref<1x16xi32, #tpu.memory_space<vmem>> -> memref<16xi32, #tpu.memory_space<vmem>>
      %dma_wait3A_373 = arith.constant 0 : i32
      %dma_wait3A_374 = arith.constant 0 : i32
      %dma_wait3A_375 = arith.constant 0 : i32
      %dma_wait3A_376 = tpu.memref_slice %arg5[%dma_wait3A_373, %dma_wait3A_374, %dma_wait3A_375] : memref<32768x8x128xf32, #tpu.memory_space<hbm>> -> memref<32768x8x128xf32, #tpu.memory_space<hbm>>
      tpu.wait_indirect_dma semaphore(%arg26 : memref<!tpu.dma_semaphore, #tpu.memory_space<semaphore_mem>>) src(%dma_wait3A_369 : memref<16x8x128xf32, #tpu.memory_space<vmem>>) dst(%dma_wait3A_376 : memref<32768x8x128xf32, #tpu.memory_space<hbm>>)
    } else {
    }
    return
  }
}

</mosaic_0001>

<sc_bundles>
// kernel: kernel.3.cloned.1.call-start
scs
__scs_entry_jumppad:
0x0: {  	(pc) =	sbr.rel $0x88, $3  }
0x1: {  	(tag) =	ssettag $0x0;
	lr =	simm.s32 $0x1  }
0x2: {  	[smem:$0x3F9E] =	sst lr;
	_ =	strace $0xD0000000  }
0x3: {  	_ = 	snop  }
0x4: {  	_ = 	snop  }
0x5: {  	_ = 	snop  }
0x6: {  	_ = 	snop  }
0x7: {  	_ = 	snop  }
__scs_overlays_trampoline_lowered:
0x8: {  	[smem:$0x3FAD] =	sst s0  }
0x9: {  	[smem:$0x3FAE] =	sst s1  }
0xa: {  	[smem:$0x3FAF] =	sst s2  }
0xb: {  	[smem:$0x3FB0] =	sst s3  }
0xc: {  	[smem:$0x3FB1] =	sst s4  }
0xd: {  	[smem:$0x3FB2] =	sst s5  }
0xe: {  	[smem:$0x3FB3] =	sst s6  }
0xf: {  	[smem:$0x3FB4] =	sst s7  }
0x10: {  	[smem:$0x3FB5] =	sst s8  }
0x11: {  	[smem:$0x3FB6] =	sst s9;
	s0 =	simm.s32 @!p0 $0x0  }
0x12: {  	s1 =	sld [smem:$0x3F9C];
	s0 =	simm.s32 @p0 $0x1  }
0x13: {  	[smem:$0x3FB7] =	sst s0;
	s0 =	simm.s32 @!p1 $0x0  }
0x14: {  	s2 =	sld [smem:$0x3F9B];
	s0 =	simm.s32 @p1 $0x1  }
0x15: {  	[smem:$0x3FB8] =	sst s0;
	s0 =	simm.s32 @!p2 $0x0  }
0x16: {  	s3 =	sld [smem:$0x3FDB];
	s0 =	simm.s32 @p2 $0x1  }
0x17: {  	s4 =	simm.s32 $0x1BF5;
	[smem:$0x3FBA] =	sst s0  }
0x18: {  	s0 =	sld [smem:$0x3F9D];
	_ =	swait.ge [sflag:s4], $0x0  }
0x19: {  	s7 =	sld [smem:$0x3F9E]  }
0x1a: {  	s8 =	sadd.s32 $0xFFFFE003, lr  }
0x1b: {  	s9 =	sadd.s32 $0xFFFFFEF7, lr;
	s5 =	simm.s32 $0xFFFFFFFF;
	p2 =	slt.u32 s8, $0xFFFFF086  }
0x1c: {  	p1 =	slt.u32 s9, $0xF7A;
	s5 =	simm.s32 @!p2 $0x0  }
0x1d: {  	s5 =	simm.s32 @p1 $0x1;
	p0 =	seq.s32 s7, s2  }
0x1e: {  	s7 =	smul.u32 @!p0 $0xF7A, s2;
	p2 =	seq.s32 @!p0 s5, $0x0  }
0x1f: {  	s9 =	smul.u32 $0xF7A, s1;
	s8 =	simm.s32 @!p0 $0x1BF5;
	p2 =	por !p2, p0  }
0x20: {  	[sflag:s8] =	ssyncset.s32 @!p0 $0xFFFFF086;
	s6 =	sadd.s32 @!p0 s3, s7;
	s7 =	simm.s32 @!p0 $0x108  }
0x21: {  	s3 =	sadd.s32 s3, s9;
	s6 =	sadd.s32 @!p0 $0x88, s6;
	s7 =	simm.s32 @p2 $0x1082  }
0x22: {  	[simem:s7], [sflag:s8] =	dma.local @!p0 [hbm:s6], $0xF7A  }
0x23: {  	s9 =	sor.u32 $0xD0000000, s2;
	s6 =	simm.s32 $0x108;
	_ =	swait.ge @!p0 [sflag:s8], $0x0  }
0x24: {  	s3 =	sadd.s32 $0x88, s3;
	s6 =	simm.s32 @!p1 $0x1082;
	[sflag:s4] =	ssyncset.s32 $0xFFFFF086  }
0x25: {  	[simem:s6], [sflag:s4] =	dma.local [hbm:s3], $0xF7A  }
0x26: {  	[smem:$0x3F9E] =	sst s1;
	(tag) =	ssettag s2;
	_ =	strace s9  }
0x27: {  	s1 =	sld [smem:$0x3FAE]  }
0x28: {  	s2 =	sld [smem:$0x3FAF]  }
0x29: {  	s4 =	sld [smem:$0x3FB1]  }
0x2a: {  	p0 =	seq.s32 s5, $0x0;
	s5 =	sld [smem:$0x3FB2]  }
0x2b: {  	s6 =	sld [smem:$0x3FB3]  }
0x2c: {  	s7 =	sld [smem:$0x3FB4]  }
0x2d: {  	s3 =	simm.s32 $0x108;
	s8 =	sld [smem:$0x3FB5]  }
0x2e: {  	s3 =	simm.s32 @!p0 $0x1082;
	s9 =	sld [smem:$0x3FB6]  }
0x2f: {  	lr =	sadd.s32 s0, s3;
	s0 =	sld [smem:$0x3FAD]  }
0x30: {  	s3 =	sld [smem:$0x3FB0]  }
0x31: {  	[smem:$0x3FB9] =	sst s10  }
0x32: {  	s10 =	sld [smem:$0x3FB7];
	_ =	sdelay $0x3  }
0x33: {  	p0 =	seq.s32 s10, $0x1;
	s10 =	sld [smem:$0x3FB9];
	_ =	sdelay $0x3  }
0x34: {  	[smem:$0x3FB9] =	sst s10  }
0x35: {  	s10 =	sld [smem:$0x3FB8];
	_ =	sdelay $0x3  }
0x36: {  	p1 =	seq.s32 s10, $0x1;
	s10 =	sld [smem:$0x3FB9];
	_ =	sdelay $0x3  }
0x37: {  	[smem:$0x3FB9] =	sst s10  }
0x38: {  	s10 =	sld [smem:$0x3FBA]  }
0x39: {  	_ = 	snop;
	(pc) =	sbr.ind lr, $3  }
0x3a: {  	_ = 	snop  }
0x3b: {  	_ = 	snop  }
0x3c: {  	p2 =	seq.s32 s10, $0x1;
	s10 =	sld [smem:$0x3FB9]  }
0x3d: {  	_ =	shalt  }
0x3e: {  	_ =	shalt  }
0x3f: {  	_ =	shalt  }
0x40: {  	_ =	shalt  }
0x41: {  	_ =	shalt  }
0x42: {  	_ =	shalt  }
0x43: {  	_ =	shalt  }
0x44: {  	_ =	shalt  }
0x45: {  	_ =	shalt  }
0x46: {  	_ =	shalt  }
0x47: {  	_ =	shalt  }
0x48: {  	_ =	shalt  }
0x49: {  	_ =	shalt  }
0x4a: {  	_ =	shalt  }
0x4b: {  	_ =	shalt  }
0x4c: {  	_ =	shalt  }
0x4d: {  	_ =	shalt  }
0x4e: {  	_ =	shalt  }
0x4f: {  	_ =	shalt  }
0x50: {  	_ =	shalt  }
0x51: {  	_ =	shalt  }
0x52: {  	_ =	shalt  }
0x53: {  	_ =	shalt  }
0x54: {  	_ =	shalt  }
0x55: {  	_ =	shalt  }
0x56: {  	_ =	shalt  }
0x57: {  	_ =	shalt  }
0x58: {  	_ =	shalt  }
0x59: {  	_ =	shalt  }
0x5a: {  	_ =	shalt  }
0x5b: {  	_ =	shalt  }
0x5c: {  	_ =	shalt  }
0x5d: {  	_ =	shalt  }
0x5e: {  	_ =	shalt  }
0x5f: {  	_ =	shalt  }
0x60: {  	_ =	shalt  }
0x61: {  	_ =	shalt  }
0x62: {  	_ =	shalt  }
0x63: {  	_ =	shalt  }
0x64: {  	_ =	shalt  }
0x65: {  	_ =	shalt  }
0x66: {  	_ =	shalt  }
0x67: {  	_ =	shalt  }
0x68: {  	_ =	shalt  }
0x69: {  	_ =	shalt  }
0x6a: {  	_ =	shalt  }
0x6b: {  	_ =	shalt  }
0x6c: {  	_ =	shalt  }
0x6d: {  	_ =	shalt  }
0x6e: {  	_ =	shalt  }
0x6f: {  	_ =	shalt  }
0x70: {  	_ =	shalt  }
0x71: {  	_ =	shalt  }
0x72: {  	_ =	shalt  }
0x73: {  	_ =	shalt  }
0x74: {  	_ =	shalt  }
0x75: {  	_ =	shalt  }
0x76: {  	_ =	shalt  }
0x77: {  	_ =	shalt  }
0x78: {  	_ =	shalt  }
0x79: {  	_ =	shalt  }
0x7a: {  	_ =	shalt  }
0x7b: {  	_ =	shalt  }
0x7c: {  	_ =	shalt  }
0x7d: {  	_ =	shalt  }
0x7e: {  	_ =	shalt  }
0x7f: {  	_ =	shalt  }
0x80: {  	_ =	shalt  }
0x81: {  	_ =	shalt  }
0x82: {  	_ =	shalt  }
0x83: {  	_ =	shalt  }
0x84: {  	_ =	shalt  }
0x85: {  	_ =	shalt  }
0x86: {  	_ =	shalt  }
0x87: {  	_ =	shalt  }
.Lfunc_end0:
.L_simem_size_0:
called_computation_lowered:
.L_overlay_start_0:
0x88: {  	s2 =	sld [smem:$0x3FD9]  }
0x89: {  	s3 =	sld [smem:$0x3FFE];
	_ =	sdelay $0x1  }
0x8a: {  	s1 =	srdreg.scid  }
0x8b: {  	s0 =	sand.u32 $0x1, s1  }
0x8c: {  	s18 =	sshll.u32 s0, $0xA;
	s2 =	sadd.s32 s3, s2  }
0x8d: {  	s2 =	sadd.s32 s2, s18  }
0x8e: {  	[smem:$0x3FC5] =	sst s2  }
0x8f: {  	_ = 	snop  }
0x90: {  	s2 =	sld [smem:$0x3FC9]  }
0x91: {  	s19 =	sld [smem:$0x3FC8]  }
0x92: {  	s4 =	sld [smem:$0x3FC7]  }
0x93: {  	s5 =	sld [smem:$0x3FD0];
	(tm) =	ssettm $0x1  }
0x94: {  	s6 =	sld [smem:$0x3FFB];
	_ =	sdelay $0x3  }
0x95: {  	_ =	strace s6  }
0x96: {  	s6 =	sld [smem:$0x3FFC];
	_ =	sdelay $0x3  }
0x97: {  	_ =	strace s6  }
0x98: {  	s6 =	sld [smem:$0x3FFD];
	_ =	sdelay $0x3  }
0x99: {  	_ =	strace s6  }
0x9a: {  	_ =	strace $0x8FFFFFFF  }
0x9b: {  	s20 =	sld [smem:$0x3FDB];
	_ =	sdelay $0x1  }
0x9c: {  	s7 =	simm.s32 $_scs_section_size  }
0x9d: {  	s8 =	simm.s32 $_size__tile_overlayer_lowered;
	s9 =	simm.s32 $_tile_overlayer_lowered  }
0x9e: {  	s23 =	simm.s32 $0x1BFF;
	s22 =	sshll.u32 s9, $0x1;
	s6 =	sadd.s32 s7, s20  }
0x9f: {  	s10 =	simm.s32 $0x0;
	s21 =	sshll.u32 s8, $0x1;
	s8 =	sadd.s32 s22, s6  }
0xa0: {  	[timem:s10], [sflag:s23] =	dma.local [hbm:s8], s21  }
0xa1: {  	_ =	swait.ge [sflag:s23], s21  }
0xa2: {  	s7 =	ssub.s32 $0x0, s21;
	[sflag:s23] =	ssyncset.done $0x0  }
0xa3: {  	[sflag:s23] =	ssyncadd.s32 s7;
	_ =	sdelay $0x1  }
0xa4: {  	s24 =	simm.s32 $0x1B8B  }
0xa5: {  	_ =	swait.ge [sflag:s24], $0x1  }
0xa6: {  	[sflag:s24] =	ssyncset.done $0x0  }
0xa7: {  	s25 =	simm.s32 $0x1B8E;
	[sflag:s24] =	ssyncadd.s32 $0xFFFFFFFF  }
0xa8: {  	s26 =	simm.s32 $execute0_lowered;
	[smem:$0x3FD2] =	sst s25  }
0xa9: {  	s7 =	sshll.u32 s26, $0x1;
	_ =	strace $0x80000046;
	[dreg:$0x1] =	wrdreg $0xFFFFFFFF  }
0xaa: {  	s28 =	simm.s32 $_size_execute0_lowered;
	s6 =	sadd.s32 s6, s7;
	[dreg:$0x0] =	wrdreg $0x0  }
0xab: {  	s7 =	sshll.u32 s28, $0x1;
	[dreg:$0x2] =	wrdreg s6  }
0xac: {  	[dreg:$0x3] =	wrdreg s7  }
0xad: {  	[dreg:$0x4] =	wrdreg $0xC0  }
0xae: {  	_ =	task [dreg:s10], $0x5FFFF  }
0xaf: {  	[dreg:$0x1] =	wrdreg $0xFFFFFFFF  }
0xb0: {  	[dreg:$0x0] =	wrdreg $0x60  }
0xb1: {  	[dreg:$0x2] =	wrdreg s2  }
0xb2: {  	[dreg:$0x3] =	wrdreg s4  }
0xb3: {  	[dreg:$0x4] =	wrdreg s19  }
0xb4: {  	[dreg:$0x5] =	wrdreg s5  }
0xb5: {  	[dreg:$0x6] =	wrdreg $0x9  }
0xb6: {  	_ =	task.clear_ibuf [dreg:s10], $0x7FFFF;
	_ =	strace $0x90000046  }
0xb7: {  	s29 =	simm.s32 $0x9;
	_ =	strace $0x80000048  }
0xb8: {  	_ =	swait.ge [sflag:s29], $0x1  }
0xb9: {  	[sflag:s29] =	ssyncadd.s32 $0xFFFFFFFF  }
0xba: {  	_ =	strace $0x90000048  }
0xbb: {  	_ =	sfence  }
0xbc: {  	s30 =	sld [smem:$0x0];
	_ =	sdelay $0x2  }
0xbd: {  	s31 =	sshll.u32 s1, $0xD;
	s1 =	sshrl.u32 s1, $0x2  }
0xbe: {  	s3 =	sand.u32 $0x4000, s31;
	s1 =	sadd.s32 s1, s30  }
0xbf: {  	s0 =	sor.u32 s3, s0;
	s1 =	sshll.u32 s1, $0x11  }
0xc0: {  	s0 =	sor.u32 s1, s0  }
0xc1: {  	s0 =	sadd.s32 $0x8F2B, s0  }
0xc2: {  	[sflag:s0] =	ssyncadd.remote.s32 $0x1  }
0xc3: {  	_ =	sfence.sel $0xFFFF  }
0xc4: {  	[dreg:$0x0] =	wrdreg $0xFFFFFFFF;
	(pc) =	sbr.abs _section_cstart, $3  }
0xc5: {  	[dreg:$0x1] =	wrdreg $0xFFFFFFFF  }
0xc6: {  	_ =	task.clear_ibuf [dreg:s10], $0x2FFFF;
	_ =	strace $0x9FFFFFFF  }
0xc7: {  	(tm) =	ssettm $0x7FFFFFFF  }
tec
execute0_lowered:
.L_overlay_start_1:
0x0: {  	(tag) =	ssettag $0x1  }
0x1: {  	v0 =	vimm.s32 $0xFFEDCBA9;
	v1 =	vimm.s32 $0x87654321;
	v4 =	vimm.s32 $0x84838281  }
0x2: {  	vm0 =	vcmask $0xF00;
	v0 =	vunpack.c.l.s4.s8 v0;
	v1 =	vunpack.c.l.s4.s8 v1  }
0x3: {  	v5 =	vimm.s32 $0x8C8B8A89;
	vm2 =	vcmask $0x3330;
	vm1 =	vcmask $0x3734  }
0x4: {  	vm3 =	vcmask $0x300;
	v2 =	vunpack.c.0.s8.s32 v0;
	v3 =	vunpack.c.0.s8.s32 v1  }
0x5: {  	vm4 =	vcmask $0x704;
	vm11 =	vcmask $0xF0C;
	vm12 =	vcmask $0x1714  }
0x6: {  	v3 =	vcombine.low v3, v2;
	v2 =	vunpack.c.0.s8.s32 v4;
	v4 =	vimm.s32 $0x88878685  }
0x7: {  	vm13 =	vcmask $0x1F1C;
	vm14 =	vcmask $0x2724;
	v4 =	vunpack.c.0.s8.s32 v4  }
0x8: {  	v5 =	vunpack.c.0.s8.s32 v5;
	v6 =	vnsel vm0, $0x8F, v2;
	vm0 =	vcmask $0x1F10  }
0x9: {  	vm15 =	vcmask $0x2F2C;
	v4 =	vsel vm0, v4, v6;
	vm0 =	vcmask $0x2F20  }
0xa: {  	v6 =	vimm.s32 $0x18F;
	v4 =	vsel vm0, v5, v4;
	v5 =	vimm.s32 $0x10F  }
0xb: {  	s0 =	srdreg.scid;
	v7 =	vimm.s32 $0x0;
	v6 =	vsel vm3, $0x181, v6;
	v5 =	vsel vm3, $0x101, v5  }
0xc: {  	s2 =	stileid.u32;
	s0 =	sand.u32 $0x1, s0;
	vm3 =	vcmask $0xB08;
	v6 =	vsel vm4, $0x182, v6;
	v5 =	vsel vm4, $0x102, v5  }
0xd: {  	s2 =	sshll.u32 s2, $0xA;
	s1 =	sshll.u32 s0, $0xE;
	v1 =	vimm.s32 $0xFFFFFFFF;
	v6 =	vsel vm3, $0x183, v6;
	v5 =	vsel vm3, $0x103, v5  }
0xe: {  	s1 =	sor.u32 s2, s1;
	vm3 =	vcmask $0x1310;
	v6 =	vsel vm11, $0x184, v6;
	v5 =	vsel vm11, $0x104, v5  }
0xf: {  	v0 =	vmov s1;
	v6 =	vsel vm3, $0x185, v6;
	v5 =	vsel vm3, $0x105, v5  }
0x10: {  	vm3 =	vcmask $0x1B18;
	v6 =	vsel vm12, $0x186, v6;
	v5 =	vsel vm12, $0x106, v5  }
0x11: {  	v2 =	vlaneseq.u32;
	v6 =	vsel vm3, $0x187, v6;
	v5 =	vsel vm3, $0x107, v5  }
0x12: {  	s4 =	rddreg [dreg:$0x2];
	vm3 =	vcmask $0x2320;
	v6 =	vsel vm13, $0x188, v6;
	v5 =	vsel vm13, $0x108, v5  }
0x13: {  	s6 =	rddreg [dreg:$0x3];
	s10 =	simm.s32 $0x4400;
	v3 =	vand.u32 $0xF, v3;
	v6 =	vsel vm3, $0x189, v6;
	v5 =	vsel vm3, $0x109, v5  }
.Ltmp0:
0x14: {  	s11 =	simm.s32 $0x4000;
	s0 =	ssub.s32 $0x2, s0;
	vm3 =	vcmask $0x2B28;
	v6 =	vsel vm14, $0x18A, v6;
	v5 =	vsel vm14, $0x10A, v5;
	(pc) =	sbr.rel .LBB2_1-.Ltmp0, $4  }
0x15: {  	s12 =	simm.s32 $0x4600;
	s13 =	simm.s32 $0x4A80;
	s3 =	sshrl.u32 s0, $0x1;
	vm0 =	vcmask $0x3F3C;
	v6 =	vsel vm3, $0x18B, v6;
	v5 =	vsel vm3, $0x10B, v5  }
0x16: {  	s14 =	simm.s32 $0x4F00;
	s2 =	rddreg [dreg:$0x0];
	s0 =	ssub.s32 s0, s3;
	v4 =	vsel vm2, $0x8D, v4;
	v6 =	vsel vm15, $0x18C, v6;
	v5 =	vsel vm15, $0x10C, v5  }
0x17: {  	s16 =	simm.s32 $0x7;
	[dreg:$0x5] =	wrdreg s1;
	s0 =	smax.u32 s0, $0x1;
	v4 =	vsel vm1, $0x8E, v4;
	v6 =	vsel vm2, $0x18D, v6;
	v5 =	vsel vm2, $0x10D, v5  }
0x18: {  	s1 =	simm.s32 $0x0;
	_ =	strace $0x80000047;
	[dreg:$0x6] =	wrdreg s0;
	v4 =	vand.u32 $0xFF, v4;
	v6 =	vsel vm1, $0x18E, v6;
	v5 =	vsel vm1, $0x10E, v5  }
.LBB2_21:
0x19: {  	s1 =	sadd.s32 $0x1, s1;
	s0 =	rddreg [dreg:$0x6]  }
0x1a: {  	p0 =	sne.s32 s1, s0  }
.Ltmp1:
0x1b: {  	_ = 	snop;
	(pc) =	sbr.rel @!p0 .LBB2_22-.Ltmp1, $1  }
0x1c: {  	_ =	sdelay $0x3  }
.LBB2_1:
0x1d: {  	[dreg:$0x7] =	wrdreg s1  }
0x1e: {  	s0 =	rddreg [dreg:$0x1];
	s30 =	simm.s32 $0x0;
	s31 =	simm.s32 $0xD  }
0x1f: {  	[tilespmem:s30], [sflag:$0xD] =	stream.linear.gather [hbm4b:s0+s30], $0x4000, $0x38;
	[tilespmem:$0x1DB80] =	vst v63  }
0x20: {  	_ =	swait.ge [sflag:s31], $0x4000  }
0x21: {  	[sflag:s31] =	ssyncset.done $0x0  }
0x22: {  	[sflag:s31] =	ssyncadd.s32 $0xFFFFC000  }
0x23: {  	[tilespmem:$0x4000] =	vst v1  }
0x24: {  	[tilespmem:$0x4010] =	vst v1  }
0x25: {  	[tilespmem:$0x4020] =	vst v1  }
0x26: {  	[tilespmem:$0x4030] =	vst v1  }
0x27: {  	[tilespmem:$0x4040] =	vst v1  }
0x28: {  	[tilespmem:$0x4050] =	vst v1  }
0x29: {  	[tilespmem:$0x4060] =	vst v1  }
0x2a: {  	[tilespmem:$0x4070] =	vst v1  }
0x2b: {  	[tilespmem:$0x4080] =	vst v1  }
0x2c: {  	[tilespmem:$0x4090] =	vst v1  }
0x2d: {  	[tilespmem:$0x40A0] =	vst v1  }
0x2e: {  	[tilespmem:$0x40B0] =	vst v1  }
0x2f: {  	[tilespmem:$0x40C0] =	vst v1  }
0x30: {  	[tilespmem:$0x40D0] =	vst v1  }
0x31: {  	[tilespmem:$0x40E0] =	vst v1  }
0x32: {  	[tilespmem:$0x40F0] =	vst v1  }
0x33: {  	[tilespmem:$0x4100] =	vst v1  }
0x34: {  	[tilespmem:$0x4110] =	vst v1  }
0x35: {  	[tilespmem:$0x4120] =	vst v1  }
0x36: {  	[tilespmem:$0x4130] =	vst v1  }
0x37: {  	[tilespmem:$0x4140] =	vst v1  }
0x38: {  	[tilespmem:$0x4150] =	vst v1  }
0x39: {  	[tilespmem:$0x4160] =	vst v1  }
0x3a: {  	[tilespmem:$0x4170] =	vst v1  }
0x3b: {  	[tilespmem:$0x4180] =	vst v1  }
0x3c: {  	[tilespmem:$0x4190] =	vst v1  }
0x3d: {  	[tilespmem:$0x41A0] =	vst v1  }
0x3e: {  	[tilespmem:$0x41B0] =	vst v1  }
0x3f: {  	[tilespmem:$0x41C0] =	vst v1  }
0x40: {  	[tilespmem:$0x41D0] =	vst v1  }
0x41: {  	[tilespmem:$0x41E0] =	vst v1  }
0x42: {  	[tilespmem:$0x41F0] =	vst v1  }
0x43: {  	[tilespmem:$0x4200] =	vst v1  }
0x44: {  	[tilespmem:$0x4210] =	vst v1  }
0x45: {  	[tilespmem:$0x4220] =	vst v1  }
0x46: {  	[tilespmem:$0x4230] =	vst v1  }
0x47: {  	[tilespmem:$0x4240] =	vst v1  }
0x48: {  	[tilespmem:$0x4250] =	vst v1  }
0x49: {  	[tilespmem:$0x4260] =	vst v1  }
0x4a: {  	[tilespmem:$0x4270] =	vst v1  }
0x4b: {  	[tilespmem:$0x4280] =	vst v1  }
0x4c: {  	[tilespmem:$0x4290] =	vst v1  }
0x4d: {  	[tilespmem:$0x42A0] =	vst v1  }
0x4e: {  	[tilespmem:$0x42B0] =	vst v1  }
0x4f: {  	[tilespmem:$0x42C0] =	vst v1  }
0x50: {  	[tilespmem:$0x42D0] =	vst v1  }
0x51: {  	[tilespmem:$0x42E0] =	vst v1  }
0x52: {  	[tilespmem:$0x42F0] =	vst v1  }
0x53: {  	[tilespmem:$0x4300] =	vst v1  }
0x54: {  	[tilespmem:$0x4310] =	vst v1  }
0x55: {  	[tilespmem:$0x4320] =	vst v1  }
0x56: {  	[tilespmem:$0x4330] =	vst v1  }
0x57: {  	[tilespmem:$0x4340] =	vst v1  }
0x58: {  	[tilespmem:$0x4350] =	vst v1  }
0x59: {  	[tilespmem:$0x4360] =	vst v1  }
0x5a: {  	[tilespmem:$0x4370] =	vst v1  }
0x5b: {  	[tilespmem:$0x4380] =	vst v1  }
0x5c: {  	[tilespmem:$0x4390] =	vst v1  }
0x5d: {  	[tilespmem:$0x43A0] =	vst v1  }
0x5e: {  	[tilespmem:$0x43B0] =	vst v1  }
0x5f: {  	[tilespmem:$0x43C0] =	vst v1  }
0x60: {  	[tilespmem:$0x43D0] =	vst v1  }
0x61: {  	[tilespmem:$0x43E0] =	vst v1  }
0x62: {  	s5 =	simm.s32 $0x0;
	s0 =	simm.s32 $0x20;
	[tilespmem:$0x43F0] =	vst v1  }
.LBB2_2:
0x63: {  	v8 =	vld [tilespmem:s0+$0xFFFFFFE0];
	_ =	sdelay $0x4  }
0x64: {  	v8 =	vsub.s32 v8, v0  }
0x65: {  	v9 =	vshll.u32 v8, $0xE  }
0x66: {  	v9 =	vadd.s32 s5, v9  }
0x67: {  	vm1 =	vlt.u32 v8, $0x400;
	v8 =	vadd.s32 v2, v9  }
0x68: {  	v8 =	vnsel vm1, $0x7FFFFFFF, v8  }
0x69: {  	v49 =	vxor.u32 $0x80000000, v8  }
0x6a: {  	(xrf1) =	vsort.ascd.msk.u32 $0xffff, v49, v8;
	_ =	sdelay $0xd  }
0x6b: {  	v8, _, _ =	vpop (xrf1)  }
0x6c: {  	v50 =	vxor.u32 $0x80000000, v8  }
0x6d: {  	[tilespmem:$0x4400] =	vst v50  }
0x6e: {  	v10 =	vld [tilespmem:s0+$0xFFFFFFF0];
	_ =	sdelay $0x4  }
0x6f: {  	v10 =	vsub.s32 v10, v0  }
0x70: {  	s3 =	sadd.s32 $0x10, s5;
	v11 =	vshll.u32 v10, $0xE  }
0x71: {  	v11 =	vadd.s32 s3, v11  }
0x72: {  	vm1 =	vlt.u32 v10, $0x400;
	v51 =	vadd.s32 v2, v11  }
0x73: {  	v10 =	vnsel vm1, $0x7FFFFFFF, v51  }
0x74: {  	v52 =	vxor.u32 $0x80000000, v10  }
0x75: {  	(xrf1) =	vsort.ascd.msk.u32 $0xffff, v52, v10;
	_ =	sdelay $0xd  }
0x76: {  	v10, _, _ =	vpop (xrf1)  }
0x77: {  	v10 =	vxor.u32 $0x80000000, v10  }
0x78: {  	[tilespmem:$0x4480] =	vst v10  }
0x79: {  	v10 =	vld [tilespmem:s0+$0x0];
	_ =	sdelay $0x4  }
0x7a: {  	v10 =	vsub.s32 v10, v0  }
0x7b: {  	s30 =	sadd.s32 $0x20, s5;
	v53 =	vshll.u32 v10, $0xE  }
0x7c: {  	v11 =	vadd.s32 s30, v53  }
0x7d: {  	vm1 =	vlt.u32 v10, $0x400;
	v54 =	vadd.s32 v2, v11  }
0x7e: {  	v10 =	vnsel vm1, $0x7FFFFFFF, v54  }
0x7f: {  	v55 =	vxor.u32 $0x80000000, v10  }
0x80: {  	(xrf1) =	vsort.ascd.msk.u32 $0xffff, v55, v10;
	_ =	sdelay $0xd  }
0x81: {  	v10, _, _ =	vpop (xrf1)  }
0x82: {  	v10 =	vxor.u32 $0x80000000, v10  }
0x83: {  	[tilespmem:$0x4500] =	vst v10  }
0x84: {  	v10 =	vld [tilespmem:s0+$0x10];
	_ =	sdelay $0x4  }
0x85: {  	v10 =	vsub.s32 v10, v0  }
0x86: {  	s31 =	sadd.s32 $0x30, s5;
	v56 =	vshll.u32 v10, $0xE  }
0x87: {  	v11 =	vadd.s32 s31, v56  }
0x88: {  	vm1 =	vlt.u32 v10, $0x400;
	v57 =	vadd.s32 v2, v11  }
0x89: {  	v10 =	vnsel vm1, $0x7FFFFFFF, v57  }
0x8a: {  	v58 =	vxor.u32 $0x80000000, v10  }
0x8b: {  	(xrf1) =	vsort.ascd.msk.u32 $0xffff, v58, v10;
	_ =	sdelay $0xd  }
0x8c: {  	v10, _, _ =	vpop (xrf1)  }
0x8d: {  	v10 =	vxor.u32 $0x80000000, v10  }
0x8e: {  	[tilespmem:$0x4580] =	vst v10  }
0x8f: {  	v10 =	vld.idx.msk [tilespmem:v3+s10+$0x0], $0xffff;
	_ =	sdelay $0x4  }
0x90: {  	v9 =	vshra.s32 v50, $0xE;
	v10 =	vshra.s32 v10, $0xE  }
0x91: {  	vm1 =	vne.s32 v9, v10  }
0x92: {  	vm2 =	vne.s32 v8, $0xFFFFFFFF;
	vm1 =	vmor vm1, vm0  }
0x93: {  	vm1 =	vmand vm2, vm1;
	_ =	sdelay $0x4  }
0x94: {  	v8 =	vand.u32 $0x3FFF, v8  }
0x95: {  	[tilespmem:v9+s11+$0x0] =	vst.idx.msk vm1, v8  }
0x96: {  	v8 =	vld [tilespmem:$0x4480]  }
0x97: {  	v9 =	vld.idx.msk [tilespmem:v4+s10+$0x0], $0xffff;
	_ =	sdelay $0x4  }
0x98: {  	v59 =	vshra.s32 v8, $0xE;
	v9 =	vshra.s32 v9, $0xE  }
0x99: {  	vm1 =	vne.s32 v59, v9  }
0x9a: {  	vm2 =	vne.s32 v8, $0x7FFFFFFF;
	vm1 =	vmor vm1, vm0  }
0x9b: {  	vm1 =	vmand vm2, vm1;
	_ =	sdelay $0x4  }
0x9c: {  	v8 =	vand.u32 $0x3FFF, v8  }
0x9d: {  	[tilespmem:v59+s11+$0x0] =	vst.idx.msk vm1, v8  }
0x9e: {  	v8 =	vld [tilespmem:$0x4500]  }
0x9f: {  	v60 =	vld.idx.msk [tilespmem:v5+s10+$0x0], $0xffff;
	_ =	sdelay $0x4  }
0xa0: {  	v61 =	vshra.s32 v8, $0xE;
	v9 =	vshra.s32 v60, $0xE  }
0xa1: {  	vm1 =	vne.s32 v61, v9  }
0xa2: {  	vm2 =	vne.s32 v8, $0x7FFFFFFF;
	vm1 =	vmor vm1, vm0  }
0xa3: {  	vm1 =	vmand vm2, vm1;
	_ =	sdelay $0x4  }
0xa4: {  	v8 =	vand.u32 $0x3FFF, v8  }
0xa5: {  	[tilespmem:v61+s11+$0x0] =	vst.idx.msk vm1, v8  }
0xa6: {  	v8 =	vld [tilespmem:$0x4580]  }
0xa7: {  	v62 =	vld.idx.msk [tilespmem:v6+s10+$0x0], $0xffff;
	_ =	sdelay $0x4  }
0xa8: {  	v63 =	vshra.s32 v8, $0xE;
	v9 =	vshra.s32 v62, $0xE  }
0xa9: {  	vm1 =	vne.s32 v63, v9  }
0xaa: {  	vm2 =	vne.s32 v8, $0x7FFFFFFF;
	vm1 =	vmor vm1, vm0  }
0xab: {  	vm1 =	vmand vm2, vm1  }
0xac: {  	p0 =	sne.s32 s5, $0x3FC0  }
.Ltmp2:
0xad: {  	_ = 	snop;
	(pc) =	sbr.rel @p0 .LBB2_2-.Ltmp2, $3  }
0xae: {  	_ =	sdelay $0x1  }
0xaf: {  	v8 =	vand.u32 $0x3FFF, v8  }
0xb0: {  	s5 =	sadd.s32 $0x40, s5;
	s0 =	sadd.s32 $0x40, s0;
	[tilespmem:v63+s11+$0x0] =	vst.idx.msk vm1, v8  }
0xb1: {  	s0 =	simm.s32 $0x0  }
0xb2: {  	v8 =	vld [tilespmem:s0+$0x4000];
	_ =	sdelay $0x4  }
0xb3: {  	vm1 =	vgt.s32 v8, $0xFFFFFFFF  }
0xb4: {  	v9 =	vsel vm1, $0x1, v7  }
0xb5: {  	vm2 =	vle.s32 v8, $0xFFFFFFFF;
	(xrf0) =	vadd.scan.msk.s32 $0xffff, v9  }
0xb6: {  	v62 =	vsel vm2, $0x1, v7  }
0xb7: {  	s0 =	simm.s32 $0x0;
	(xrf0) =	vadd.scan.msk.s32 $0xffff, v62  }
0xb8: {  	v63 =	vmov s0  }
0xb9: {  	v9 =	vadd.s32 $0xFFFFFFFF, v63  }
0xba: {  	v9 =	vbroadcast v9, $0x0  }
0xbb: {  	v10, _, _ =	vpop (xrf0)  }
0xbc: {  	v11 =	vadd.s32 v10, v9;
	(v2sf) =	vpush v10, $0xF  }
0xbd: {  	v12, _, _ =	vpop (xrf0)  }
0xbe: {  	v9 =	vadd.s32 v12, v9;
	(v2sf) =	vpush v12, $0xF  }
0xbf: {  	s19 =	rddreg [dreg:$0x5]  }
0xc0: {  	v13 =	vor.u32 s19, v2  }
0xc1: {  	[tilespmem:v11+s12+$0x0] =	vst.idx.msk vm1, v13  }
0xc2: {  	[tilespmem:v11+s13+$0x0] =	vst.idx.msk vm1, v8  }
0xc3: {  	s8 =	simm.s32 $0x10;
	s5 =	simm.s32 $0x80;
	s3 =	simm.s32 $0x0;
	[tilespmem:v9+s14+$0x0] =	vst.idx.msk vm2, v13  }
.LBB2_4:
0xc4: {  	p0 =	sne.s32 s5, $0xFC0;
	v8 =	vld [tilespmem:s8+$0x4000];
	_ =	sdelay $0x4  }
0xc5: {  	vm1 =	vle.s32 v8, $0xFFFFFFFF;
	vm2 =	vgt.s32 v8, $0xFFFFFFFF  }
0xc6: {  	v9 =	vsel vm2, $0x1, v7  }
0xc7: {  	(xrf0) =	vadd.scan.msk.s32 $0xffff, v9;
	s8 =	spop (v2sf)  }
0xc8: {  	v9 =	vsel vm1, $0x1, v7;
	s0 =	sadd.s32 s0, s8  }
0xc9: {  	v10 =	vmov s0;
	(xrf0) =	vadd.scan.msk.s32 $0xffff, v9;
	s8 =	spop (v2sf)  }
0xca: {  	v9 =	vadd.s32 $0xFFFFFFFF, v10;
	s3 =	sadd.s32 s3, s8  }
0xcb: {  	v9 =	vbroadcast v9, $0x0  }
0xcc: {  	v10 =	vmov s3  }
0xcd: {  	v10 =	vadd.s32 $0xFFFFFFFF, v10;
	v11, _, _ =	vpop (xrf0)  }
0xce: {  	v10 =	vbroadcast v10, $0x0;
	v9 =	vadd.s32 v11, v9;
	(v2sf) =	vpush v11, $0xF  }
0xcf: {  	v11, _, _ =	vpop (xrf0)  }
0xd0: {  	v10 =	vadd.s32 v11, v10;
	(v2sf) =	vpush v11, $0xF  }
.Ltmp3:
0xd1: {  	s19 =	sadd.s32 $0x10, s19;
	(pc) =	sbr.rel @p0 .LBB2_4-.Ltmp3, $4  }
0xd2: {  	v11 =	vor.u32 s19, v2  }
0xd3: {  	[tilespmem:v9+s12+$0x0] =	vst.idx.msk vm2, v11  }
0xd4: {  	[tilespmem:v9+s13+$0x0] =	vst.idx.msk vm2, v8  }
0xd5: {  	s8 =	sshra.s32 s5, $0x2;
	s5 =	sadd.s32 $0x40, s5;
	[tilespmem:v10+s14+$0x0] =	vst.idx.msk vm1, v11  }
0xd6: {  	v8 =	vld [tilespmem:s8+$0x4000];
	_ =	sdelay $0x4  }
0xd7: {  	vm1 =	vgt.s32 v8, $0xFFFFFFFF  }
0xd8: {  	v9 =	vsel vm1, $0x1, v7  }
0xd9: {  	(xrf0) =	vadd.scan.msk.s32 $0xffff, v9;
	_ =	sdelay $0x5  }
0xda: {  	v56, _, _ =	vpop (xrf0)  }
0xdb: {  	vm2 =	vle.s32 v8, $0xFFFFFFFF;
	(v2sf) =	vpush v56, $0xF  }
0xdc: {  	v55 =	vsel vm2, $0x1, v7  }
0xdd: {  	(xrf0) =	vadd.scan.msk.s32 $0xffff, v55;
	_ =	sdelay $0x5  }
0xde: {  	v10, _, _ =	vpop (xrf0)  }
0xdf: {  	(v2sf) =	vpush v10, $0xF;
	_ =	sdelay $0x3  }
0xe0: {  	s5 =	spop (v2sf)  }
0xe1: {  	s21 =	spop (v2sf)  }
0xe2: {  	s0 =	sadd.s32 s0, s5;
	s22 =	spop (v2sf)  }
0xe3: {  	s5 =	sadd.s32 s0, s22  }
0xe4: {  	s17 =	sadd.s32 $0xF, s5  }
0xe5: {  	s23 =	sand.u32 $0xF, s17  }
0xe6: {  	s18 =	sshra.s32 s17, $0x1F;
	p0 =	slt.s32 s17, $0x1;
	p1 =	sne.s32 s23, $0x0  }
0xe7: {  	s25 =	sshrl.u32 s18, $0x1C;
	p0 =	por !p0, !p1  }
0xe8: {  	s18 =	simm.s32 $0x1;
	s8 =	sadd.s32 s25, s17;
	p0 =	por !p0, !p0  }
0xe9: {  	s8 =	sshra.s32 s8, $0x4;
	s18 =	simm.s32 @!p0 $0x0  }
0xea: {  	s18 =	ssub.s32 s8, s18  }
0xeb: {  	v11 =	vmov s0;
	s3 =	sadd.s32 s3, s21;
	s24 =	spop (v2sf);
	s26 =	sadd.s32 $0x5, s18  }
0xec: {  	v11 =	vadd.s32 $0xFFFFFFFF, v11;
	v12 =	vmov s3;
	s17 =	sadd.s32 s3, s24;
	s28 =	smulhi.u32 $0x2AAAAAAB, s26;
	s3 =	sshra.s32 s26, $0x1F  }
0xed: {  	v11 =	vbroadcast v11, $0x0;
	s20 =	sadd.s32 $0xFFFFFFFF, s5;
	s3 =	smul.u32 $0x2AAAAAAB, s3  }
0xee: {  	v12 =	vadd.s32 $0xFFFFFFFF, v12;
	s0 =	sadd.s32 $0xFFFFFFFF, s17;
	p0 =	sgt.s32 s20, $0x0  }
0xef: {  	v57 =	vbroadcast v12, $0x0;
	v9 =	vadd.s32 v56, v11;
	s20 =	simm.s32 @!p0 $0x0;
	p0 =	sgt.s32 s0, $0x0;
	s30 =	sadd.s32 s3, s28  }
0xf0: {  	v58 =	vmov s20;
	s0 =	simm.s32 @!p0 $0x0;
	s3 =	sshrl.u32 s30, $0x1F  }
0xf1: {  	v10 =	vadd.s32 v10, v57;
	v59 =	vbroadcast v58, $0x0;
	v60 =	vmov s0;
	s0 =	sadd.s32 s3, s30  }
0xf2: {  	s29 =	sadd.s32 $0x10, s19;
	s3 =	smul.u32 $0xFFFFFFFA, s0  }
0xf3: {  	v13 =	vor.u32 s29, v2;
	s31 =	ssub.s32 $0xFFFFFFFB, s18;
	v12 =	vbroadcast v60, $0x0  }
0xf4: {  	[tilespmem:v9+s12+$0x0] =	vst.idx.msk vm1, v13;
	p5 =	slt.s32 s18, $0xFFFFFFFC;
	p6 =	sne.s32 s3, s31  }
0xf5: {  	[tilespmem:v9+s13+$0x0] =	vst.idx.msk vm1, v8;
	p0 =	por !p5, !p6  }
0xf6: {  	[tilespmem:v10+s14+$0x0] =	vst.idx.msk vm2, v13;
	s3 =	simm.s32 $0x1;
	p0 =	por !p0, !p0  }
0xf7: {  	v61 =	vadd.s32 s5, v2;
	v8 =	vld.idx.msk [tilespmem:v59+s12+$0x0], $0xffff;
	s3 =	simm.s32 @!p0 $0x0  }
0xf8: {  	v10 =	vld.idx.msk [tilespmem:v59+s13+$0x0], $0xffff;
	s0 =	ssub.s32 s0, s3  }
0xf9: {  	v63 =	vadd.s32 s17, v2;
	v62 =	vld.idx.msk [tilespmem:v12+s14+$0x0], $0xffff;
	p0 =	slt.s32 s0, $0x1  }
.Ltmp4:
0xfa: {  	_ = 	snop;
	(pc) =	sbr.rel @p0 .LBB2_13-.Ltmp4, $4  }
0xfb: {  	_ = 	snop  }
0xfc: {  	[tilespmem:v61+s12+$0x0] =	vst.idx.msk $0xffff, v8  }
0xfd: {  	[tilespmem:v61+s13+$0x0] =	vst.idx.msk $0xffff, v10  }
0xfe: {  	[tilespmem:v63+s14+$0x0] =	vst.idx.msk $0xffff, v62  }
0xff: {  	s22 =	sadd.s32 $0xFFFFFFFF, s0  }
0x100: {  	p1 =	sne.s32 s22, $0x0  }
.Ltmp5:
0x101: {  	_ = 	snop;
	(pc) =	sbr.rel @!p1 .LBB2_7-.Ltmp5, $3  }
0x102: {  	_ =	sdelay $0x1  }
0x103: {  	s21 =	simm.s32 $0x5;
	s20 =	simm.s32 $0x4AB0;
	p2 =	sle.s32 s18, $0x0  }
0x104: {  	s19 =	simm.s32 $0x4630;
	p0 =	por $0x0, $0x0;
	p3 =	por @!p2 $0x1, $0x1  }
0x105: {  	p1 =	por p3, p2  }
0x106: {  	s0 =	simm.s32 @!p1 $0x7  }
0x107: {  	_ =	swait.ge @!p1 [sflag:s0], $0x4000  }
0x108: {  	[sflag:s0] =	ssyncset.done @!p1 $0x0  }
0x109: {  	[sflag:s0] =	ssyncadd.s32 @!p1 $0xFFFFC000  }
0x10a: {  	v8 =	vld @!p2 [tilespmem:s20+$0xFFFFFFD0];
	_ =	sdelay $0x4  }
0x10b: {  	[tilespmem:$0x5380] =	vst @!p2 v8  }
0x10c: {  	v8 =	vld @!p2 [tilespmem:s19+$0xFFFFFFD0];
	_ =	sdelay $0x1  }
0x10d: {  	p1 =	sle.s32 s18, $0x1  }
0x10e: {  	p0 =	por @!p1 $0x1, $0x1  }
0x10f: {  	s3 =	simm.s32 @!p2 $0x10;
	p0 =	por p0, p1  }
0x110: {  	s5 =	simm.s32 @!p2 $0x5380;
	s0 =	simm.s32 @!p2 $0x5B80;
	s8 =	simm.s32 @!p0 $0x8;
	[tilespmem:$0x5780] =	vst @!p2 v8  }
0x111: {  	[tilespmem:s0], [sflag:$0x1] =	stream.indirect.gather @!p2 [hbm4b:s2+s3], $0x400, s5, s3, $0xb8;
	[tilespmem:$0x1DB80] =	vst v63  }
0x112: {  	_ =	swait.ge @!p0 [sflag:s8], $0x4000  }
0x113: {  	[sflag:s8] =	ssyncset.done @!p0 $0x0  }
0x114: {  	[sflag:s8] =	ssyncadd.s32 @!p0 $0xFFFFC000  }
0x115: {  	v8 =	vld @!p1 [tilespmem:s20+$0xFFFFFFE0];
	_ =	sdelay $0x4  }
0x116: {  	[tilespmem:$0x5400] =	vst @!p1 v8  }
0x117: {  	v8 =	vld @!p1 [tilespmem:s19+$0xFFFFFFE0];
	_ =	sdelay $0x2  }
0x118: {  	p0 =	sle.s32 s18, $0x2  }
0x119: {  	s21 =	simm.s32 @!p1 $0x5400;
	p3 =	por @!p0 $0x1, $0x1  }
0x11a: {  	s5 =	simm.s32 @!p1 $0x9B80;
	s8 =	simm.s32 @!p1 $0x10;
	p3 =	por p3, p0;
	[tilespmem:$0x5800] =	vst @!p1 v8  }
0x11b: {  	[tilespmem:s5], [sflag:$0x2] =	stream.indirect.gather @!p1 [hbm4b:s2+s8], $0x400, s21, s8, $0xb8;
	[tilespmem:$0x1DB80] =	vst v63  }
0x11c: {  	s21 =	simm.s32 @!p3 $0x9  }
0x11d: {  	_ =	swait.ge @!p3 [sflag:s21], $0x4000  }
0x11e: {  	[sflag:s21] =	ssyncset.done @!p3 $0x0  }
0x11f: {  	[sflag:s21] =	ssyncadd.s32 @!p3 $0xFFFFC000  }
0x120: {  	v8 =	vld @!p0 [tilespmem:s20+$0xFFFFFFF0];
	_ =	sdelay $0x4  }
0x121: {  	[tilespmem:$0x5480] =	vst @!p0 v8  }
0x122: {  	v8 =	vld @!p0 [tilespmem:s19+$0xFFFFFFF0];
	_ =	sdelay $0x1  }
0x123: {  	p3 =	sle.s32 s18, $0x3  }
0x124: {  	p4 =	por @!p3 $0x1, $0x1  }
0x125: {  	s23 =	simm.s32 @!p0 $0x5480;
	p4 =	por p4, p3  }
0x126: {  	s24 =	simm.s32 @!p0 $0xDB80;
	s21 =	simm.s32 @!p0 $0x10;
	s25 =	simm.s32 @!p4 $0xA;
	[tilespmem:$0x5880] =	vst @!p0 v8  }
0x127: {  	[tilespmem:s24], [sflag:$0x3] =	stream.indirect.gather @!p0 [hbm4b:s2+s21], $0x400, s23, s21, $0xb8;
	[tilespmem:$0x1DB80] =	vst v63  }
0x128: {  	_ =	swait.ge @!p4 [sflag:s25], $0x4000  }
0x129: {  	[sflag:s25] =	ssyncset.done @!p4 $0x0  }
0x12a: {  	[sflag:s25] =	ssyncadd.s32 @!p4 $0xFFFFC000  }
0x12b: {  	v8 =	vld @!p3 [tilespmem:s20+$0x0];
	_ =	sdelay $0x4  }
0x12c: {  	[tilespmem:$0x5500] =	vst @!p3 v8  }
0x12d: {  	v8 =	vld @!p3 [tilespmem:s19+$0x0];
	_ =	sdelay $0x1  }
0x12e: {  	p5 =	sle.s32 s18, $0x4  }
0x12f: {  	p4 =	por @!p5 $0x1, $0x1  }
0x130: {  	s26 =	simm.s32 @!p3 $0x11B80;
	p4 =	por p4, p5  }
0x131: {  	s23 =	simm.s32 @!p3 $0x10;
	s25 =	simm.s32 @!p3 $0x5500;
	s28 =	simm.s32 @!p4 $0xB;
	[tilespmem:$0x5900] =	vst @!p3 v8  }
0x132: {  	[tilespmem:s26], [sflag:$0x4] =	stream.indirect.gather @!p3 [hbm4b:s2+s23], $0x400, s25, s23, $0xb8;
	[tilespmem:$0x1DB80] =	vst v63  }
0x133: {  	_ =	swait.ge @!p4 [sflag:s28], $0x4000  }
0x134: {  	[sflag:s28] =	ssyncset.done @!p4 $0x0  }
0x135: {  	[sflag:s28] =	ssyncadd.s32 @!p4 $0xFFFFC000  }
0x136: {  	v8 =	vld @!p5 [tilespmem:s20+$0x10];
	_ =	sdelay $0x4  }
0x137: {  	[tilespmem:$0x5580] =	vst @!p5 v8  }
0x138: {  	v8 =	vld @!p5 [tilespmem:s19+$0x10];
	_ =	sdelay $0x1  }
0x139: {  	p4 =	sle.s32 s18, $0x5  }
0x13a: {  	p6 =	por @!p4 $0x1, $0x1  }
0x13b: {  	s30 =	simm.s32 @!p5 $0x15B80;
	p6 =	por p6, p4  }
0x13c: {  	s25 =	simm.s32 @!p5 $0x10;
	s28 =	simm.s32 @!p5 $0x5580;
	s29 =	simm.s32 @!p6 $0xC;
	[tilespmem:$0x5980] =	vst @!p5 v8  }
0x13d: {  	[tilespmem:s30], [sflag:$0x5] =	stream.indirect.gather @!p5 [hbm4b:s2+s25], $0x400, s28, s25, $0xb8;
	[tilespmem:$0x1DB80] =	vst v63  }
0x13e: {  	_ =	swait.ge @!p6 [sflag:s29], $0x4000  }
0x13f: {  	[sflag:s29] =	ssyncset.done @!p6 $0x0  }
0x140: {  	[sflag:s29] =	ssyncadd.s32 @!p6 $0xFFFFC000  }
0x141: {  	v8 =	vld @!p4 [tilespmem:s20+$0x20];
	_ =	sdelay $0x4  }
0x142: {  	[tilespmem:$0x5600] =	vst @!p4 v8  }
0x143: {  	v8 =	vld @!p4 [tilespmem:s19+$0x20];
	_ =	sdelay $0x3  }
0x144: {  	s28 =	simm.s32 @!p4 $0x10  }
0x145: {  	s29 =	simm.s32 @!p4 $0x19B80;
	s20 =	simm.s32 @!p4 $0x5600;
	s19 =	simm.s32 @!p2 $0x1;
	[tilespmem:$0x5A00] =	vst @!p4 v8  }
0x146: {  	[tilespmem:s29], [sflag:$0x6] =	stream.indirect.gather @!p4 [hbm4b:s2+s28], $0x400, s20, s28, $0xb8;
	[tilespmem:$0x1DB80] =	vst v63  }
0x147: {  	_ =	swait.ge @!p2 [sflag:s19], $0x4000  }
0x148: {  	[sflag:s19] =	ssyncset.done @!p2 $0x0  }
0x149: {  	s20 =	simm.s32 @!p2 $0x5780;
	[sflag:s19] =	ssyncadd.s32 @!p2 $0xFFFFC000  }
0x14a: {  	[hbm4b:s6+s3] =	stream.indirect.scatter @!p2 [tilespmem:s0], [sflag:$0x7], $0x400, s20, s3, $0xb8;
	[tilespmem:$0x1DB80] =	vst v63  }
0x14b: {  	s0 =	simm.s32 @!p1 $0x2  }
0x14c: {  	_ =	swait.ge @!p1 [sflag:s0], $0x4000  }
0x14d: {  	[sflag:s0] =	ssyncset.done @!p1 $0x0  }
0x14e: {  	s3 =	simm.s32 @!p1 $0x5800;
	[sflag:s0] =	ssyncadd.s32 @!p1 $0xFFFFC000;
	s0 =	simm.s32 @!p0 $0x3  }
0x14f: {  	[hbm4b:s6+s8] =	stream.indirect.scatter @!p1 [tilespmem:s5], [sflag:$0x8], $0x400, s3, s8, $0xb8;
	[tilespmem:$0x1DB80] =	vst v63  }
0x150: {  	_ =	swait.ge @!p0 [sflag:s0], $0x4000  }
0x151: {  	[sflag:s0] =	ssyncset.done @!p0 $0x0  }
0x152: {  	s3 =	simm.s32 @!p0 $0x5880;
	[sflag:s0] =	ssyncadd.s32 @!p0 $0xFFFFC000;
	s0 =	simm.s32 @!p3 $0x4  }
0x153: {  	[hbm4b:s6+s21] =	stream.indirect.scatter @!p0 [tilespmem:s24], [sflag:$0x9], $0x400, s3, s21, $0xb8;
	[tilespmem:$0x1DB80] =	vst v63  }
0x154: {  	_ =	swait.ge @!p3 [sflag:s0], $0x4000  }
0x155: {  	s22 =	sadd.s32 $0xFFFFFFFF, s22;
	[sflag:s0] =	ssyncset.done @!p3 $0x0  }
0x156: {  	p1 =	sne.s32 s22, $0x0;
	s3 =	simm.s32 @!p3 $0x5900;
	[sflag:s0] =	ssyncadd.s32 @!p3 $0xFFFFC000  }
0x157: {  	[hbm4b:s6+s23] =	stream.indirect.scatter @!p3 [tilespmem:s26], [sflag:$0xA], $0x400, s3, s23, $0xb8;
	[tilespmem:$0x1DB80] =	vst v63  }
.Ltmp6:
0x158: {  	s19 =	simm.s32 $0x4690;
	s0 =	simm.s32 @!p5 $0x5;
	(pc) =	sbr.rel @!p1 .LBB2_9-.Ltmp6, $4  }
0x159: {  	s20 =	simm.s32 $0x4B10;
	p2 =	sle.s32 s18, $0x6;
	_ =	swait.ge @!p5 [sflag:s0], $0x4000  }
0x15a: {  	s21 =	simm.s32 $0xB;
	s3 =	simm.s32 @!p5 $0x5980;
	[sflag:s0] =	ssyncset.done @!p5 $0x0  }
0x15b: {  	p3 =	por @!p2 $0x0, $0x0;
	[sflag:s0] =	ssyncadd.s32 @!p5 $0xFFFFC000;
	s0 =	simm.s32 @!p4 $0x6  }
0x15c: {  	[hbm4b:s6+s25] =	stream.indirect.scatter @!p5 [tilespmem:s30], [sflag:$0xB], $0x400, s3, s25, $0xb8;
	[tilespmem:$0x1DB80] =	vst v63  }
.LBB2_10:
0x15d: {  	s22 =	sadd.s32 $0xFFFFFFFF, s22  }
0x15e: {  	_ =	swait.ge @!p4 [sflag:s0], $0x4000;
	p0 =	sne.s32 s22, $0x0  }
0x15f: {  	p1 =	por p3, p2;
	[sflag:s0] =	ssyncset.done @!p4 $0x0;
	s1 =	simm.s32 @!p0 $0x0  }
0x160: {  	s5 =	simm.s32 @!p4 $0x5A00;
	[sflag:s0] =	ssyncadd.s32 @!p4 $0xFFFFC000;
	s1 =	simm.s32 @p0 $0x1  }
0x161: {  	[hbm4b:s6+s28] =	stream.indirect.scatter @!p4 [tilespmem:s29], [sflag:$0xC], $0x400, s5, s28, $0xb8;
	[tilespmem:$0x1DB80] =	vst v63  }
0x162: {  	s3 =	simm.s32 @!p1 $0x7;
	[smem:$0x7FD] =	sst s1  }
0x163: {  	_ =	swait.ge @!p1 [sflag:s3], $0x4000  }
0x164: {  	[sflag:s3] =	ssyncset.done @!p1 $0x0  }
0x165: {  	[sflag:s3] =	ssyncadd.s32 @!p1 $0xFFFFC000  }
0x166: {  	v8 =	vld @!p2 [tilespmem:s20+$0xFFFFFFD0];
	_ =	sdelay $0x4  }
0x167: {  	[tilespmem:$0x5380] =	vst @!p2 v8  }
0x168: {  	v8 =	vld @!p2 [tilespmem:s19+$0xFFFFFFD0]  }
0x169: {  	s7 =	sadd.s32 $0xFFFFFFFC, s21  }
0x16a: {  	p3 =	sge.s32 s7, s18  }
0x16b: {  	p1 =	seq.s32 @!p3 s21, $0x5  }
0x16c: {  	s23 =	simm.s32 @!p2 $0x5B80;
	p1 =	por p1, p3  }
0x16d: {  	s24 =	simm.s32 @!p2 $0x10;
	s0 =	simm.s32 @!p2 $0x5380;
	s3 =	simm.s32 @!p1 $0x8;
	[tilespmem:$0x5780] =	vst @!p2 v8  }
0x16e: {  	[tilespmem:s23], [sflag:$0x1] =	stream.indirect.gather @!p2 [hbm4b:s2+s24], $0x400, s0, s24, $0xb8;
	[tilespmem:$0x1DB80] =	vst v63  }
0x16f: {  	_ =	swait.ge @!p1 [sflag:s3], $0x4000  }
0x170: {  	[sflag:s3] =	ssyncset.done @!p1 $0x0  }
0x171: {  	[sflag:s3] =	ssyncadd.s32 @!p1 $0xFFFFC000  }
0x172: {  	v8 =	vld @!p3 [tilespmem:s20+$0xFFFFFFE0];
	_ =	sdelay $0x4  }
0x173: {  	[tilespmem:$0x5400] =	vst @!p3 v8  }
0x174: {  	v8 =	vld @!p3 [tilespmem:s19+$0xFFFFFFE0];
	_ =	sdelay $0x1  }
0x175: {  	s8 =	sadd.s32 $0xFFFFFFFD, s21  }
0x176: {  	p5 =	sge.s32 s8, s18  }
0x177: {  	s25 =	simm.s32 @!p3 $0x9B80;
	p1 =	seq.s32 @!p5 s21, $0x5  }
0x178: {  	s26 =	simm.s32 @!p3 $0x10;
	s0 =	simm.s32 @!p3 $0x5400;
	p1 =	por p1, p5;
	[tilespmem:$0x5800] =	vst @!p3 v8  }
0x179: {  	[tilespmem:s25], [sflag:$0x2] =	stream.indirect.gather @!p3 [hbm4b:s2+s26], $0x400, s0, s26, $0xb8;
	[tilespmem:$0x1DB80] =	vst v63  }
0x17a: {  	s0 =	simm.s32 @!p1 $0x9  }
0x17b: {  	_ =	swait.ge @!p1 [sflag:s0], $0x4000  }
0x17c: {  	[sflag:s0] =	ssyncset.done @!p1 $0x0  }
0x17d: {  	[sflag:s0] =	ssyncadd.s32 @!p1 $0xFFFFC000  }
0x17e: {  	v8 =	vld @!p5 [tilespmem:s20+$0xFFFFFFF0];
	_ =	sdelay $0x4  }
0x17f: {  	[tilespmem:$0x5480] =	vst @!p5 v8  }
0x180: {  	v8 =	vld @!p5 [tilespmem:s19+$0xFFFFFFF0]  }
0x181: {  	s9 =	sadd.s32 $0xFFFFFFFE, s21  }
0x182: {  	p6 =	sge.s32 s9, s18  }
0x183: {  	p1 =	seq.s32 @!p6 s21, $0x5  }
0x184: {  	s30 =	simm.s32 @!p5 $0x10;
	p1 =	por p1, p6  }
0x185: {  	s31 =	simm.s32 @!p5 $0xDB80;
	s0 =	simm.s32 @!p5 $0x5480;
	s3 =	simm.s32 @!p1 $0xA;
	[tilespmem:$0x5880] =	vst @!p5 v8  }
0x186: {  	[tilespmem:s31], [sflag:$0x3] =	stream.indirect.gather @!p5 [hbm4b:s2+s30], $0x400, s0, s30, $0xb8;
	[tilespmem:$0x1DB80] =	vst v63  }
0x187: {  	_ =	swait.ge @!p1 [sflag:s3], $0x4000  }
0x188: {  	[sflag:s3] =	ssyncset.done @!p1 $0x0  }
0x189: {  	[sflag:s3] =	ssyncadd.s32 @!p1 $0xFFFFC000  }
0x18a: {  	v8 =	vld @!p6 [tilespmem:s20+$0x0];
	_ =	sdelay $0x4  }
0x18b: {  	[tilespmem:$0x5500] =	vst @!p6 v8  }
0x18c: {  	v8 =	vld @!p6 [tilespmem:s19+$0x0]  }
0x18d: {  	s15 =	sadd.s32 $0xFFFFFFFF, s21  }
0x18e: {  	p1 =	sge.s32 s15, s18  }
0x18f: {  	p4 =	seq.s32 @!p1 s21, $0x5  }
0x190: {  	s5 =	simm.s32 @!p6 $0x10;
	p4 =	por p4, p1  }
0x191: {  	s0 =	simm.s32 @!p6 $0x11B80;
	s3 =	simm.s32 @!p6 $0x5500;
	s8 =	simm.s32 @!p4 $0xB;
	[tilespmem:$0x5900] =	vst @!p6 v8  }
0x192: {  	[tilespmem:s0], [sflag:$0x4] =	stream.indirect.gather @!p6 [hbm4b:s2+s5], $0x400, s3, s5, $0xb8;
	[tilespmem:$0x1DB80] =	vst v63  }
0x193: {  	_ =	swait.ge @!p4 [sflag:s8], $0x4000  }
0x194: {  	[sflag:s8] =	ssyncset.done @!p4 $0x0  }
0x195: {  	[sflag:s8] =	ssyncadd.s32 @!p4 $0xFFFFC000  }
0x196: {  	v8 =	vld @!p1 [tilespmem:s20+$0x10];
	_ =	sdelay $0x4  }
0x197: {  	[tilespmem:$0x5580] =	vst @!p1 v8  }
0x198: {  	v8 =	vld @!p1 [tilespmem:s19+$0x10];
	_ =	sdelay $0x1  }
0x199: {  	p4 =	sge.s32 s21, s18  }
0x19a: {  	p0 =	seq.s32 @!p4 s21, $0x5  }
0x19b: {  	s28 =	simm.s32 @!p1 $0x5580;
	p0 =	por p0, p4  }
0x19c: {  	s3 =	simm.s32 @!p1 $0x10;
	s8 =	simm.s32 @!p1 $0x15B80;
	s29 =	simm.s32 @!p0 $0xC;
	[tilespmem:$0x5980] =	vst @!p1 v8  }
0x19d: {  	[tilespmem:s8], [sflag:$0x5] =	stream.indirect.gather @!p1 [hbm4b:s2+s3], $0x400, s28, s3, $0xb8;
	[tilespmem:$0x1DB80] =	vst v63  }
0x19e: {  	_ =	swait.ge @!p0 [sflag:s29], $0x4000  }
0x19f: {  	[sflag:s29] =	ssyncset.done @!p0 $0x0  }
0x1a0: {  	[sflag:s29] =	ssyncadd.s32 @!p0 $0xFFFFC000  }
0x1a1: {  	v8 =	vld @!p4 [tilespmem:s20+$0x20];
	_ =	sdelay $0x4  }
0x1a2: {  	[tilespmem:$0x5600] =	vst @!p4 v8  }
0x1a3: {  	v8 =	vld @!p4 [tilespmem:s19+$0x20];
	_ =	sdelay $0x3  }
0x1a4: {  	s7 =	simm.s32 @!p2 $0x1  }
0x1a5: {  	s9 =	simm.s32 @!p4 $0x5600;
	s28 =	simm.s32 @!p4 $0x10;
	s29 =	simm.s32 @!p4 $0x19B80;
	[tilespmem:$0x5A00] =	vst @!p4 v8  }
0x1a6: {  	[tilespmem:s29], [sflag:$0x6] =	stream.indirect.gather @!p4 [hbm4b:s2+s28], $0x400, s9, s28, $0xb8;
	[tilespmem:$0x1DB80] =	vst v63  }
0x1a7: {  	_ =	swait.ge @!p2 [sflag:s7], $0x4000  }
0x1a8: {  	[sflag:s7] =	ssyncset.done @!p2 $0x0  }
0x1a9: {  	s15 =	simm.s32 @!p3 $0x2;
	s9 =	simm.s32 @!p2 $0x5780;
	[sflag:s7] =	ssyncadd.s32 @!p2 $0xFFFFC000  }
0x1aa: {  	[hbm4b:s6+s24] =	stream.indirect.scatter @!p2 [tilespmem:s23], [sflag:$0x7], $0x400, s9, s24, $0xb8;
	[tilespmem:$0x1DB80] =	vst v63  }
0x1ab: {  	_ =	swait.ge @!p3 [sflag:s15], $0x4000  }
0x1ac: {  	[sflag:s15] =	ssyncset.done @!p3 $0x0  }
0x1ad: {  	s7 =	simm.s32 @!p3 $0x5800;
	s9 =	simm.s32 @!p5 $0x3;
	[sflag:s15] =	ssyncadd.s32 @!p3 $0xFFFFC000  }
0x1ae: {  	[hbm4b:s6+s26] =	stream.indirect.scatter @!p3 [tilespmem:s25], [sflag:$0x8], $0x400, s7, s26, $0xb8;
	[tilespmem:$0x1DB80] =	vst v63  }
0x1af: {  	_ =	swait.ge @!p5 [sflag:s9], $0x4000  }
0x1b0: {  	[sflag:s9] =	ssyncset.done @!p5 $0x0  }
0x1b1: {  	s7 =	simm.s32 @!p5 $0x5880;
	[sflag:s9] =	ssyncadd.s32 @!p5 $0xFFFFC000;
	s9 =	simm.s32 @!p6 $0x4  }
0x1b2: {  	[hbm4b:s6+s30] =	stream.indirect.scatter @!p5 [tilespmem:s31], [sflag:$0x9], $0x400, s7, s30, $0xb8;
	[tilespmem:$0x1DB80] =	vst v63  }
0x1b3: {  	_ =	swait.ge @!p6 [sflag:s9], $0x4000  }
0x1b4: {  	[sflag:s9] =	ssyncset.done @!p6 $0x0  }
0x1b5: {  	s7 =	simm.s32 @!p6 $0x5900;
	[sflag:s9] =	ssyncadd.s32 @!p6 $0xFFFFC000;
	s9 =	simm.s32 @!p1 $0x5  }
0x1b6: {  	[hbm4b:s6+s5] =	stream.indirect.scatter @!p6 [tilespmem:s0], [sflag:$0xA], $0x400, s7, s5, $0xb8;
	[tilespmem:$0x1DB80] =	vst v63  }
0x1b7: {  	_ =	swait.ge @!p1 [sflag:s9], $0x4000  }
0x1b8: {  	s31 =	sld [smem:$0x7FD];
	_ =	sdelay $0x2  }
0x1b9: {  	s21 =	sadd.s32 $0x6, s21;
	p0 =	seq.s32 s31, $0x1  }
.Ltmp7:
0x1ba: {  	s30 =	sadd.s32 $0xFFFFFFFB, s21;
	(pc) =	sbr.rel @p0 .LBB2_10-.Ltmp7, $4  }
0x1bb: {  	s20 =	sadd.s32 $0x60, s20;
	p2 =	sge.s32 s30, s18  }
0x1bc: {  	s19 =	sadd.s32 $0x60, s19;
	p3 =	seq.s32 @!p2 s21, $0x5;
	[sflag:s9] =	ssyncset.done @!p1 $0x0  }
0x1bd: {  	s5 =	simm.s32 @!p1 $0x5980;
	s0 =	simm.s32 @!p4 $0x6;
	[sflag:s9] =	ssyncadd.s32 @!p1 $0xFFFFC000  }
0x1be: {  	[hbm4b:s6+s3] =	stream.indirect.scatter @!p1 [tilespmem:s8], [sflag:$0xB], $0x400, s5, s3, $0xb8;
	[tilespmem:$0x1DB80] =	vst v63  }
0x1bf: {  	p0 =	por $0x1, $0x1  }
.LBB2_12:
0x1c0: {  	p0 =	por p4, !p0  }
0x1c1: {  	_ =	swait.ge @!p0 [sflag:s0], $0x4000  }
0x1c2: {  	p1 =	por p3, p2;
	[sflag:s0] =	ssyncset.done @!p0 $0x0  }
0x1c3: {  	s3 =	simm.s32 @!p1 $0x7;
	s5 =	simm.s32 @!p0 $0x5A00;
	[sflag:s0] =	ssyncadd.s32 @!p0 $0xFFFFC000  }
0x1c4: {  	[hbm4b:s6+s28] =	stream.indirect.scatter @!p0 [tilespmem:s29], [sflag:$0xC], $0x400, s5, s28, $0xb8;
	[tilespmem:$0x1DB80] =	vst v63  }
0x1c5: {  	_ =	swait.ge @!p1 [sflag:s3], $0x4000  }
0x1c6: {  	[sflag:s3] =	ssyncset.done @!p1 $0x0  }
0x1c7: {  	[sflag:s3] =	ssyncadd.s32 @!p1 $0xFFFFC000  }
0x1c8: {  	v8 =	vld @!p2 [tilespmem:s20+$0xFFFFFFD0];
	_ =	sdelay $0x4  }
0x1c9: {  	[tilespmem:$0x5380] =	vst @!p2 v8  }
0x1ca: {  	v8 =	vld @!p2 [tilespmem:s19+$0xFFFFFFD0]  }
0x1cb: {  	s28 =	sadd.s32 $0xFFFFFFFC, s21  }
0x1cc: {  	p1 =	sge.s32 s28, s18  }
0x1cd: {  	p0 =	seq.s32 @!p1 s21, $0x5  }
0x1ce: {  	s0 =	simm.s32 @!p2 $0x5B80;
	p0 =	por p0, p1  }
0x1cf: {  	s5 =	simm.s32 @!p2 $0x5380;
	s3 =	simm.s32 @!p2 $0x10;
	s7 =	simm.s32 @!p0 $0x8;
	[tilespmem:$0x5780] =	vst @!p2 v8  }
0x1d0: {  	[tilespmem:s0], [sflag:$0x1] =	stream.indirect.gather @!p2 [hbm4b:s2+s3], $0x400, s5, s3, $0xb8;
	[tilespmem:$0x1DB80] =	vst v63  }
0x1d1: {  	_ =	swait.ge @!p0 [sflag:s7], $0x4000  }
0x1d2: {  	[sflag:s7] =	ssyncset.done @!p0 $0x0  }
0x1d3: {  	[sflag:s7] =	ssyncadd.s32 @!p0 $0xFFFFC000  }
0x1d4: {  	v8 =	vld @!p1 [tilespmem:s20+$0xFFFFFFE0];
	_ =	sdelay $0x4  }
0x1d5: {  	[tilespmem:$0x5400] =	vst @!p1 v8  }
0x1d6: {  	v8 =	vld @!p1 [tilespmem:s19+$0xFFFFFFE0];
	_ =	sdelay $0x1  }
0x1d7: {  	s29 =	sadd.s32 $0xFFFFFFFD, s21  }
0x1d8: {  	p0 =	sge.s32 s29, s18  }
0x1d9: {  	s8 =	simm.s32 @!p1 $0x10;
	p3 =	seq.s32 @!p0 s21, $0x5  }
0x1da: {  	s5 =	simm.s32 @!p1 $0x9B80;
	s7 =	simm.s32 @!p1 $0x5400;
	p3 =	por p3, p0;
	[tilespmem:$0x5800] =	vst @!p1 v8  }
0x1db: {  	[tilespmem:s5], [sflag:$0x2] =	stream.indirect.gather @!p1 [hbm4b:s2+s8], $0x400, s7, s8, $0xb8;
	[tilespmem:$0x1DB80] =	vst v63  }
0x1dc: {  	s7 =	simm.s32 @!p3 $0x9  }
0x1dd: {  	_ =	swait.ge @!p3 [sflag:s7], $0x4000  }
0x1de: {  	[sflag:s7] =	ssyncset.done @!p3 $0x0  }
0x1df: {  	[sflag:s7] =	ssyncadd.s32 @!p3 $0xFFFFC000  }
0x1e0: {  	v8 =	vld @!p0 [tilespmem:s20+$0xFFFFFFF0];
	_ =	sdelay $0x4  }
0x1e1: {  	[tilespmem:$0x5480] =	vst @!p0 v8  }
0x1e2: {  	v8 =	vld @!p0 [tilespmem:s19+$0xFFFFFFF0]  }
0x1e3: {  	s30 =	sadd.s32 $0xFFFFFFFE, s21  }
0x1e4: {  	p3 =	sge.s32 s30, s18  }
0x1e5: {  	p4 =	seq.s32 @!p3 s21, $0x5  }
0x1e6: {  	s22 =	simm.s32 @!p0 $0x10;
	p4 =	por p4, p3  }
0x1e7: {  	s23 =	simm.s32 @!p0 $0xDB80;
	s7 =	simm.s32 @!p0 $0x5480;
	s9 =	simm.s32 @!p4 $0xA;
	[tilespmem:$0x5880] =	vst @!p0 v8  }
0x1e8: {  	[tilespmem:s23], [sflag:$0x3] =	stream.indirect.gather @!p0 [hbm4b:s2+s22], $0x400, s7, s22, $0xb8;
	[tilespmem:$0x1DB80] =	vst v63  }
0x1e9: {  	_ =	swait.ge @!p4 [sflag:s9], $0x4000  }
0x1ea: {  	[sflag:s9] =	ssyncset.done @!p4 $0x0  }
0x1eb: {  	[sflag:s9] =	ssyncadd.s32 @!p4 $0xFFFFC000  }
0x1ec: {  	v8 =	vld @!p3 [tilespmem:s20+$0x0];
	_ =	sdelay $0x4  }
0x1ed: {  	[tilespmem:$0x5500] =	vst @!p3 v8  }
0x1ee: {  	v8 =	vld @!p3 [tilespmem:s19+$0x0]  }
0x1ef: {  	s31 =	sadd.s32 $0xFFFFFFFF, s21  }
0x1f0: {  	p4 =	sge.s32 s31, s18  }
0x1f1: {  	p5 =	seq.s32 @!p4 s21, $0x5  }
0x1f2: {  	s15 =	simm.s32 @!p3 $0x11B80;
	p5 =	por p5, p4  }
0x1f3: {  	s7 =	simm.s32 @!p3 $0x10;
	s9 =	simm.s32 @!p3 $0x5500;
	s24 =	simm.s32 @!p5 $0xB;
	[tilespmem:$0x5900] =	vst @!p3 v8  }
0x1f4: {  	[tilespmem:s15], [sflag:$0x4] =	stream.indirect.gather @!p3 [hbm4b:s2+s7], $0x400, s9, s7, $0xb8;
	[tilespmem:$0x1DB80] =	vst v63  }
0x1f5: {  	_ =	swait.ge @!p5 [sflag:s24], $0x4000  }
0x1f6: {  	[sflag:s24] =	ssyncset.done @!p5 $0x0  }
0x1f7: {  	[sflag:s24] =	ssyncadd.s32 @!p5 $0xFFFFC000  }
0x1f8: {  	v8 =	vld @!p4 [tilespmem:s20+$0x10];
	_ =	sdelay $0x4  }
0x1f9: {  	[tilespmem:$0x5580] =	vst @!p4 v8  }
0x1fa: {  	v8 =	vld @!p4 [tilespmem:s19+$0x10];
	_ =	sdelay $0x1  }
0x1fb: {  	p5 =	sge.s32 s21, s18  }
0x1fc: {  	p6 =	seq.s32 @!p5 s21, $0x5  }
0x1fd: {  	s9 =	simm.s32 @!p4 $0x10;
	p6 =	por p6, p5  }
0x1fe: {  	s24 =	simm.s32 @!p4 $0x15B80;
	s21 =	simm.s32 @!p4 $0x5580;
	s25 =	simm.s32 @!p6 $0xC;
	[tilespmem:$0x5980] =	vst @!p4 v8  }
0x1ff: {  	[tilespmem:s24], [sflag:$0x5] =	stream.indirect.gather @!p4 [hbm4b:s2+s9], $0x400, s21, s9, $0xb8;
	[tilespmem:$0x1DB80] =	vst v63  }
0x200: {  	_ =	swait.ge @!p6 [sflag:s25], $0x4000  }
0x201: {  	[sflag:s25] =	ssyncset.done @!p6 $0x0  }
0x202: {  	[sflag:s25] =	ssyncadd.s32 @!p6 $0xFFFFC000  }
0x203: {  	v8 =	vld @!p5 [tilespmem:s20+$0x20];
	_ =	sdelay $0x4  }
0x204: {  	[tilespmem:$0x5600] =	vst @!p5 v8  }
0x205: {  	v8 =	vld @!p5 [tilespmem:s19+$0x20];
	_ =	sdelay $0x3  }
0x206: {  	s21 =	simm.s32 @!p5 $0x5600  }
0x207: {  	s25 =	simm.s32 @!p5 $0x19B80;
	s20 =	simm.s32 @!p5 $0x10;
	s19 =	simm.s32 @!p2 $0x1;
	[tilespmem:$0x5A00] =	vst @!p5 v8  }
0x208: {  	[tilespmem:s25], [sflag:$0x6] =	stream.indirect.gather @!p5 [hbm4b:s2+s20], $0x400, s21, s20, $0xb8;
	[tilespmem:$0x1DB80] =	vst v63  }
0x209: {  	_ =	swait.ge @!p2 [sflag:s19], $0x4000  }
0x20a: {  	[sflag:s19] =	ssyncset.done @!p2 $0x0  }
0x20b: {  	s26 =	simm.s32 @!p1 $0x2;
	s21 =	simm.s32 @!p2 $0x5780;
	[sflag:s19] =	ssyncadd.s32 @!p2 $0xFFFFC000  }
0x20c: {  	[hbm4b:s6+s3] =	stream.indirect.scatter @!p2 [tilespmem:s0], [sflag:$0x7], $0x400, s21, s3, $0xb8;
	[tilespmem:$0x1DB80] =	vst v63  }
0x20d: {  	_ =	swait.ge @!p1 [sflag:s26], $0x4000  }
0x20e: {  	[sflag:s26] =	ssyncset.done @!p1 $0x0  }
0x20f: {  	s0 =	simm.s32 @!p1 $0x5800;
	s3 =	simm.s32 @!p0 $0x3;
	[sflag:s26] =	ssyncadd.s32 @!p1 $0xFFFFC000  }
0x210: {  	[hbm4b:s6+s8] =	stream.indirect.scatter @!p1 [tilespmem:s5], [sflag:$0x8], $0x400, s0, s8, $0xb8;
	[tilespmem:$0x1DB80] =	vst v63  }
0x211: {  	_ =	swait.ge @!p0 [sflag:s3], $0x4000  }
0x212: {  	[sflag:s3] =	ssyncset.done @!p0 $0x0  }
0x213: {  	s0 =	simm.s32 @!p0 $0x5880;
	[sflag:s3] =	ssyncadd.s32 @!p0 $0xFFFFC000;
	s3 =	simm.s32 @!p3 $0x4  }
0x214: {  	[hbm4b:s6+s22] =	stream.indirect.scatter @!p0 [tilespmem:s23], [sflag:$0x9], $0x400, s0, s22, $0xb8;
	[tilespmem:$0x1DB80] =	vst v63  }
0x215: {  	_ =	swait.ge @!p3 [sflag:s3], $0x4000  }
0x216: {  	[sflag:s3] =	ssyncset.done @!p3 $0x0  }
0x217: {  	s0 =	simm.s32 @!p3 $0x5900;
	[sflag:s3] =	ssyncadd.s32 @!p3 $0xFFFFC000;
	s3 =	simm.s32 @!p4 $0x5  }
0x218: {  	[hbm4b:s6+s7] =	stream.indirect.scatter @!p3 [tilespmem:s15], [sflag:$0xA], $0x400, s0, s7, $0xb8;
	[tilespmem:$0x1DB80] =	vst v63  }
0x219: {  	_ =	swait.ge @!p4 [sflag:s3], $0x4000  }
0x21a: {  	[sflag:s3] =	ssyncset.done @!p4 $0x0  }
0x21b: {  	s0 =	simm.s32 @!p4 $0x5980;
	[sflag:s3] =	ssyncadd.s32 @!p4 $0xFFFFC000;
	s3 =	simm.s32 @!p5 $0x6  }
0x21c: {  	[hbm4b:s6+s9] =	stream.indirect.scatter @!p4 [tilespmem:s24], [sflag:$0xB], $0x400, s0, s9, $0xb8;
	[tilespmem:$0x1DB80] =	vst v63  }
0x21d: {  	_ =	swait.ge @!p5 [sflag:s3], $0x4000  }
0x21e: {  	[sflag:s3] =	ssyncset.done @!p5 $0x0  }
0x21f: {  	s0 =	simm.s32 @!p5 $0x5A00;
	[sflag:s3] =	ssyncadd.s32 @!p5 $0xFFFFC000  }
0x220: {  	[hbm4b:s6+s20] =	stream.indirect.scatter @!p5 [tilespmem:s25], [sflag:$0xC], $0x400, s0, s20, $0xb8;
	[tilespmem:$0x1DB80] =	vst v63  }
.LBB2_13:
0x221: {  	p0 =	slt.s32 s18, $0x1  }
.Ltmp8:
0x222: {  	_ = 	snop;
	(pc) =	sbr.rel @p0 .LBB2_15-.Ltmp8, $1  }
0x223: {  	_ =	sdelay $0x3  }
0x224: {  	p0 =	seq.s32 s18, $0x1  }
0x225: {  	p1 =	slt.u32 @!p0 s18, $0x3  }
0x226: {  	p2 =	por p1, p0  }
0x227: {  	_ =	swait.ge [sflag:s16], $0x4000;
	p3 =	seq.s32 @!p2 s18, $0x3  }
0x228: {  	[sflag:s16] =	ssyncset.done $0x0;
	s1 =	simm.s32 @!p3 $0x0;
	p4 =	por @!p0 p3, p1  }
0x229: {  	s0 =	simm.s32 @!p0 $0x8;
	s1 =	simm.s32 @p3 $0x1;
	p4 =	por p4, p0  }
0x22a: {  	[sflag:s16] =	ssyncadd.s32 $0xFFFFC000;
	[smem:$0x7FC] =	sst s1;
	p5 =	slt.u32 @!p4 s18, $0x5  }
0x22b: {  	_ =	swait.ge @!p0 [sflag:s0], $0x4000;
	s1 =	simm.s32 @!p5 $0x0  }
0x22c: {  	[sflag:s0] =	ssyncset.done @!p0 $0x0;
	s1 =	simm.s32 @p5 $0x1  }
0x22d: {  	[sflag:s0] =	ssyncadd.s32 @!p0 $0xFFFFC000;
	s0 =	simm.s32 @!p2 $0x9;
	[smem:$0x7FB] =	sst s1  }
0x22e: {  	_ =	swait.ge @!p2 [sflag:s0], $0x4000  }
0x22f: {  	[sflag:s0] =	ssyncset.done @!p2 $0x0  }
0x230: {  	[sflag:s0] =	ssyncadd.s32 @!p2 $0xFFFFC000;
	s0 =	simm.s32 @!p4 $0xA  }
0x231: {  	_ =	swait.ge @!p4 [sflag:s0], $0x4000  }
0x232: {  	p6 =	por @!p2 p5, p3;
	s30 =	sld [smem:$0x7FB]  }
0x233: {  	p6 =	por @!p0 p6, p1;
	s31 =	sld [smem:$0x7FC]  }
0x234: {  	p6 =	por p6, p0  }
0x235: {  	p5 =	seq.s32 @!p6 s18, $0x5;
	p3 =	seq.s32 s30, $0x1  }
0x236: {  	[sflag:s0] =	ssyncset.done @!p4 $0x0;
	p5 =	por @!p4 p5, p3;
	p3 =	seq.s32 s31, $0x1  }
0x237: {  	[sflag:s0] =	ssyncadd.s32 @!p4 $0xFFFFC000;
	s0 =	simm.s32 @!p6 $0xB;
	p2 =	por @!p2 p5, p3  }
0x238: {  	_ =	swait.ge @!p6 [sflag:s0], $0x4000;
	p1 =	por @!p0 p2, p1  }
0x239: {  	[sflag:s0] =	ssyncset.done @!p6 $0x0;
	p0 =	por p1, p0  }
0x23a: {  	[sflag:s0] =	ssyncadd.s32 @!p6 $0xFFFFC000;
	s0 =	simm.s32 @!p0 $0xC  }
0x23b: {  	_ =	swait.ge @!p0 [sflag:s0], $0x4000  }
0x23c: {  	[sflag:s0] =	ssyncset.done @!p0 $0x0  }
0x23d: {  	[sflag:s0] =	ssyncadd.s32 @!p0 $0xFFFFC000  }
.LBB2_15:
0x23e: {  	s0 =	sadd.s32 $0xF, s17  }
0x23f: {  	s3 =	sand.u32 $0xF, s0  }
0x240: {  	s5 =	sshra.s32 s0, $0x1F;
	p0 =	slt.s32 s0, $0x1;
	p1 =	sne.s32 s3, $0x0  }
0x241: {  	s29 =	sshrl.u32 s5, $0x1C;
	p0 =	por !p0, !p1  }
0x242: {  	s3 =	simm.s32 $0x1;
	s0 =	sadd.s32 s29, s0;
	p0 =	por !p0, !p0  }
0x243: {  	s0 =	sshra.s32 s0, $0x4;
	s3 =	simm.s32 @!p0 $0x0  }
0x244: {  	s17 =	ssub.s32 s0, s3  }
0x245: {  	s0 =	sadd.s32 $0x5, s17  }
0x246: {  	s30 =	smulhi.u32 $0x2AAAAAAB, s0;
	s0 =	sshra.s32 s0, $0x1F  }
0x247: {  	s0 =	smul.u32 $0x2AAAAAAB, s0;
	_ =	sdelay $0x1  }
0x248: {  	s0 =	sadd.s32 s0, s30  }
0x249: {  	s3 =	sshrl.u32 s0, $0x1F  }
0x24a: {  	s0 =	sadd.s32 s3, s0  }
0x24b: {  	s3 =	smul.u32 $0xFFFFFFFA, s0  }
0x24c: {  	s31 =	ssub.s32 $0xFFFFFFFB, s17  }
0x24d: {  	p5 =	slt.s32 s17, $0xFFFFFFFC;
	p6 =	sne.s32 s3, s31  }
0x24e: {  	p0 =	por !p5, !p6  }
0x24f: {  	s3 =	simm.s32 $0x1;
	p0 =	por !p0, !p0  }
0x250: {  	s3 =	simm.s32 @!p0 $0x0  }
0x251: {  	s0 =	ssub.s32 s0, s3  }
0x252: {  	p0 =	slt.s32 s0, $0x1  }
.Ltmp9:
0x253: {  	_ = 	snop;
	(pc) =	sbr.rel @p0 .LBB2_19-.Ltmp9, $1  }
0x254: {  	_ =	sdelay $0x3  }
0x255: {  	p0 =	sle.s32 s17, $0x0  }
0x256: {  	p1 =	por @!p0 $0x1, $0x1;
	p3 =	por p0, p0  }
0x257: {  	p1 =	por p1, p3  }
0x258: {  	s3 =	simm.s32 @!p1 $0x7  }
0x259: {  	_ =	swait.ge @!p1 [sflag:s3], $0x4000  }
0x25a: {  	[sflag:s3] =	ssyncset.done @!p1 $0x0  }
0x25b: {  	s19 =	simm.s32 $0x4F30;
	[sflag:s3] =	ssyncadd.s32 @!p1 $0xFFFFC000  }
0x25c: {  	v8 =	vld @!p3 [tilespmem:s19+$0xFFFFFFD0];
	_ =	sdelay $0x2  }
0x25d: {  	p1 =	sle.s32 s17, $0x1  }
0x25e: {  	s18 =	simm.s32 @!p0 $0x10;
	s1 =	simm.s32 @!p3 $0x0;
	p2 =	por @!p1 $0x1, $0x1  }
0x25f: {  	s5 =	simm.s32 @!p3 $0x5380;
	s1 =	simm.s32 @p3 $0x1;
	p0 =	por p2, p1;
	[tilespmem:$0x5380] =	vst @!p3 v8  }
0x260: {  	s25 =	simm.s32 @!p3 $0x5B80;
	[smem:$0x7F7] =	sst s1;
	s3 =	simm.s32 @!p0 $0x8;
	[tilespmem:$0x5780] =	vst @!p3 v8  }
0x261: {  	[tilespmem:s25], [sflag:$0x1] =	stream.indirect.gather @!p3 [hbm4b:s4+s18], $0x400, s5, s18, $0xb8;
	[tilespmem:$0x1DB80] =	vst v63  }
0x262: {  	_ =	swait.ge @!p0 [sflag:s3], $0x4000  }
0x263: {  	[sflag:s3] =	ssyncset.done @!p0 $0x0  }
0x264: {  	p2 =	por p1, p1;
	[sflag:s3] =	ssyncadd.s32 @!p0 $0xFFFFC000  }
0x265: {  	v8 =	vld @!p2 [tilespmem:s19+$0xFFFFFFE0];
	_ =	sdelay $0x2  }
0x266: {  	p0 =	sle.s32 s17, $0x2  }
0x267: {  	s26 =	simm.s32 @!p2 $0x9B80;
	s1 =	simm.s32 @!p2 $0x0;
	p1 =	por @!p0 $0x1, $0x1  }
0x268: {  	s28 =	simm.s32 @!p2 $0x10;
	s1 =	simm.s32 @p2 $0x1;
	p1 =	por p1, p0;
	[tilespmem:$0x5400] =	vst @!p2 v8  }
0x269: {  	s5 =	simm.s32 @!p2 $0x5400;
	[smem:$0x7F8] =	sst s1;
	s3 =	simm.s32 @!p1 $0x9;
	[tilespmem:$0x5800] =	vst @!p2 v8  }
0x26a: {  	[tilespmem:s26], [sflag:$0x2] =	stream.indirect.gather @!p2 [hbm4b:s4+s28], $0x400, s5, s28, $0xb8;
	[tilespmem:$0x1DB80] =	vst v63  }
0x26b: {  	_ =	swait.ge @!p1 [sflag:s3], $0x4000  }
0x26c: {  	[sflag:s3] =	ssyncset.done @!p1 $0x0  }
0x26d: {  	p2 =	por p0, p0;
	[sflag:s3] =	ssyncadd.s32 @!p1 $0xFFFFC000  }
0x26e: {  	v8 =	vld @!p2 [tilespmem:s19+$0xFFFFFFF0];
	_ =	sdelay $0x2  }
0x26f: {  	s21 =	sadd.s32 $0xFFFFFFFF, s0;
	p0 =	sle.s32 s17, $0x3  }
0x270: {  	s20 =	simm.s32 @!p2 $0xDB80;
	s1 =	simm.s32 @!p2 $0x0;
	p1 =	por @!p0 $0x1, $0x1  }
0x271: {  	s29 =	simm.s32 @!p2 $0x10;
	s1 =	simm.s32 @p2 $0x1;
	p5 =	por p1, p0;
	[tilespmem:$0x5480] =	vst @!p2 v8  }
0x272: {  	s3 =	simm.s32 @!p2 $0x5480;
	[smem:$0x7F9] =	sst s1;
	s0 =	simm.s32 @!p5 $0xA;
	[tilespmem:$0x5880] =	vst @!p2 v8  }
0x273: {  	[tilespmem:s20], [sflag:$0x3] =	stream.indirect.gather @!p2 [hbm4b:s4+s29], $0x400, s3, s29, $0xb8;
	[tilespmem:$0x1DB80] =	vst v63  }
0x274: {  	_ =	swait.ge @!p5 [sflag:s0], $0x4000  }
0x275: {  	s23 =	simm.s32 $0x0;
	[sflag:s0] =	ssyncset.done @!p5 $0x0  }
0x276: {  	p3 =	sne.s32 s21, $0x0;
	p0 =	por p0, p0;
	[sflag:s0] =	ssyncadd.s32 @!p5 $0xFFFFC000  }
.Ltmp10:
0x277: {  	s24 =	simm.s32 $0x4F30;
	p2 =	sle.s32 s17, $0x4;
	v8 =	vld @!p0 [tilespmem:s19+$0x0];
	(pc) =	sbr.rel @!p3 .LBB2_18-.Ltmp10, $4  }
0x278: {  	s22 =	simm.s32 @!p0 $0x10;
	s30 =	simm.s32 @!p0 $0x5500;
	s0 =	simm.s32 @!p2 $0x0  }
0x279: {  	p4 =	por p0, p0;
	p1 =	por @!p2 $0x1, $0x1;
	s0 =	simm.s32 @p2 $0x1  }
0x27a: {  	p1 =	por p1, p2;
	p2 =	sle.s32 s17, $0x5;
	[smem:$0x7FA] =	sst s0  }
0x27b: {  	s0 =	simm.s32 @!p1 $0xB;
	p6 =	por p2, p2;
	p2 =	por @!p2 $0x1, $0x1  }
.LBB2_17:
0x27c: {  	s1 =	sld [smem:$0x7F8];
	[tilespmem:$0x5500] =	vst @!p4 v8  }
0x27d: {  	[tilespmem:$0x5900] =	vst @!p4 v8;
	s5 =	simm.s32 @!p4 $0x11B80  }
0x27e: {  	[tilespmem:s5], [sflag:$0x4] =	stream.indirect.gather @!p4 [hbm4b:s4+s22], $0x400, s30, s22, $0xb8;
	[tilespmem:$0x1DB80] =	vst v63  }
0x27f: {  	p0 =	seq.s32 s1, $0x1  }
0x280: {  	s21 =	sadd.s32 $0xFFFFFFFF, s21;
	s1 =	simm.s32 @!p0 $0x0  }
0x281: {  	s23 =	sadd.s32 $0x6, s23;
	s1 =	simm.s32 @p0 $0x1;
	p0 =	sne.s32 s21, $0x0  }
0x282: {  	p3 =	sge.s32 s23, s17;
	[smem:$0x7F8] =	sst s1;
	s1 =	simm.s32 @!p0 $0x0  }
0x283: {  	s1 =	simm.s32 @p0 $0x1;
	p0 =	por p2, p6;
	p2 =	seq.s32 @!p3 s23, $0x0  }
0x284: {  	[smem:$0x7F6] =	sst s1;
	s1 =	simm.s32 @!p2 $0x0  }
0x285: {  	s15 =	sld [smem:$0x7FA];
	s1 =	simm.s32 @p2 $0x1  }
0x286: {  	[smem:$0x7EF] =	sst s1  }
0x287: {  	_ =	swait.ge @!p1 [sflag:s0], $0x4000  }
0x288: {  	[sflag:s0] =	ssyncset.done @!p1 $0x0  }
0x289: {  	p5 =	seq.s32 s15, $0x1;
	[sflag:s0] =	ssyncadd.s32 @!p1 $0xFFFFC000  }
0x28a: {  	s16 =	sadd.s32 $0x1, s23;
	v8 =	vld @!p5 [tilespmem:s19+$0x10]  }
0x28b: {  	p1 =	sge.s32 s16, s17  }
0x28c: {  	s7 =	simm.s32 @!p5 $0x5580;
	s0 =	simm.s32 @!p1 $0x0  }
0x28d: {  	s1 =	simm.s32 @!p5 $0x0;
	s0 =	simm.s32 @p1 $0x1;
	p1 =	seq.s32 @!p1 s23, $0x0  }
0x28e: {  	s1 =	simm.s32 @p5 $0x1;
	[smem:$0x7F0] =	sst s0;
	s0 =	simm.s32 @!p1 $0x0  }
0x28f: {  	s30 =	simm.s32 @!p5 $0x15B80;
	[smem:$0x7FA] =	sst s1;
	s0 =	simm.s32 @p1 $0x1;
	[tilespmem:$0x5580] =	vst @!p5 v8  }
0x290: {  	s3 =	simm.s32 @!p0 $0xC;
	[smem:$0x7ED] =	sst s0;
	s0 =	simm.s32 @!p5 $0x10;
	[tilespmem:$0x5980] =	vst @!p5 v8  }
0x291: {  	[tilespmem:s30], [sflag:$0x5] =	stream.indirect.gather @!p5 [hbm4b:s4+s0], $0x400, s7, s0, $0xb8;
	[tilespmem:$0x1DB80] =	vst v63  }
0x292: {  	_ =	swait.ge @!p0 [sflag:s3], $0x4000  }
0x293: {  	[sflag:s3] =	ssyncset.done @!p0 $0x0  }
0x294: {  	[sflag:s3] =	ssyncadd.s32 @!p0 $0xFFFFC000  }
0x295: {  	v8 =	vld @!p6 [tilespmem:s19+$0x20]  }
0x296: {  	s1 =	sadd.s32 $0x2, s23  }
0x297: {  	p2 =	sge.s32 s1, s17;
	s31 =	sld [smem:$0x7F7]  }
0x298: {  	s1 =	simm.s32 @!p2 $0x0  }
0x299: {  	s8 =	simm.s32 @!p6 $0x19B80;
	s1 =	simm.s32 @p2 $0x1;
	p2 =	seq.s32 @!p2 s23, $0x0  }
0x29a: {  	s7 =	simm.s32 @!p6 $0x5600;
	s16 =	sld [smem:$0x7F8];
	p1 =	seq.s32 s31, $0x1;
	[tilespmem:$0x5600] =	vst @!p6 v8  }
0x29b: {  	s3 =	simm.s32 @!p6 $0x10;
	p0 =	por p3, p3;
	s9 =	simm.s32 @!p1 $0x1;
	[tilespmem:$0x5A00] =	vst @!p6 v8  }
0x29c: {  	[tilespmem:s8], [sflag:$0x6] =	stream.indirect.gather @!p6 [hbm4b:s4+s3], $0x400, s7, s3, $0xb8;
	[tilespmem:$0x1DB80] =	vst v63  }
0x29d: {  	s31 =	simm.s32 @!p3 $0x10;
	s7 =	simm.s32 @!p2 $0x0;
	_ =	swait.ge @!p1 [sflag:s9], $0x4000  }
0x29e: {  	p3 =	seq.s32 s16, $0x1;
	s7 =	simm.s32 @p2 $0x1;
	[smem:$0x7F1] =	sst s1  }
0x29f: {  	s15 =	simm.s32 @!p1 $0x5780;
	[sflag:s9] =	ssyncset.done @!p1 $0x0;
	[smem:$0x7EE] =	sst s7  }
0x2a0: {  	s16 =	simm.s32 @!p3 $0x2;
	[sflag:s9] =	ssyncadd.s32 @!p1 $0xFFFFC000;
	s9 =	sld [smem:$0x7F9]  }
0x2a1: {  	[hbm4b:s6+s18] =	stream.indirect.scatter @!p1 [tilespmem:s25], [sflag:$0x7], $0x400, s15, s18, $0xb8;
	[tilespmem:$0x1DB80] =	vst v63  }
0x2a2: {  	s1 =	simm.s32 @!p3 $0x5800;
	_ =	swait.ge @!p3 [sflag:s16], $0x4000  }
0x2a3: {  	s18 =	smov.u32 s31;
	p2 =	seq.s32 s9, $0x1;
	[sflag:s16] =	ssyncset.done @!p3 $0x0  }
0x2a4: {  	s31 =	sld [smem:$0x7ED];
	s7 =	simm.s32 @!p2 $0x3;
	[sflag:s16] =	ssyncadd.s32 @!p3 $0xFFFFC000  }
0x2a5: {  	[hbm4b:s6+s28] =	stream.indirect.scatter @!p3 [tilespmem:s26], [sflag:$0x8], $0x400, s1, s28, $0xb8;
	[tilespmem:$0x1DB80] =	vst v63  }
0x2a6: {  	p1 =	por p2, p2;
	p2 =	por p0, p0;
	s26 =	sld [smem:$0x7F0]  }
0x2a7: {  	s9 =	simm.s32 @!p2 $0x0  }
0x2a8: {  	s9 =	simm.s32 @p2 $0x1;
	p2 =	seq.s32 s31, $0x1;
	s31 =	sld [smem:$0x7EE]  }
0x2a9: {  	p0 =	seq.s32 s26, $0x1;
	s26 =	sld [smem:$0x7F1];
	_ =	sdelay $0x1  }
0x2aa: {  	p3 =	por p2, p0  }
0x2ab: {  	p2 =	seq.s32 s31, $0x1;
	s1 =	simm.s32 @!p3 $0x0;
	p0 =	seq.s32 s26, $0x1  }
0x2ac: {  	s1 =	simm.s32 @p3 $0x1;
	p0 =	por p2, p0  }
0x2ad: {  	[smem:$0x7F2] =	sst s1;
	s1 =	simm.s32 @!p0 $0x0  }
0x2ae: {  	[smem:$0x7F7] =	sst s9;
	s1 =	simm.s32 @p0 $0x1  }
0x2af: {  	[smem:$0x7F4] =	sst s1  }
0x2b0: {  	_ =	swait.ge @!p1 [sflag:s7], $0x4000  }
0x2b1: {  	[sflag:s7] =	ssyncset.done @!p1 $0x0;
	s1 =	sld [smem:$0x7EF]  }
0x2b2: {  	s16 =	simm.s32 @!p4 $0x4;
	s9 =	simm.s32 @!p1 $0x5880;
	[sflag:s7] =	ssyncadd.s32 @!p1 $0xFFFFC000  }
0x2b3: {  	[hbm4b:s6+s29] =	stream.indirect.scatter @!p1 [tilespmem:s20], [sflag:$0x9], $0x400, s9, s29, $0xb8;
	[tilespmem:$0x1DB80] =	vst v63  }
0x2b4: {  	s26 =	simm.s32 @!p3 $0x8;
	p3 =	seq.s32 s1, $0x1;
	s1 =	sld [smem:$0x7F7]  }
0x2b5: {  	_ =	swait.ge @!p4 [sflag:s16], $0x4000  }
0x2b6: {  	s15 =	simm.s32 @!p4 $0x5900;
	[sflag:s16] =	ssyncset.done @!p4 $0x0  }
0x2b7: {  	[sflag:s16] =	ssyncadd.s32 @!p4 $0xFFFFC000;
	p2 =	seq.s32 s1, $0x1;
	s1 =	sadd.s32 $0x3, s23  }
0x2b8: {  	[hbm4b:s6+s22] =	stream.indirect.scatter @!p4 [tilespmem:s5], [sflag:$0xA], $0x400, s15, s22, $0xb8;
	[tilespmem:$0x1DB80] =	vst v63  }
0x2b9: {  	p1 =	sge.s32 s1, s17  }
0x2ba: {  	s31 =	simm.s32 @!p0 $0x9;
	p0 =	por p3, p2;
	p3 =	seq.s32 @!p1 s23, $0x0  }
0x2bb: {  	p3 =	por p3, p1  }
0x2bc: {  	s9 =	simm.s32 @!p3 $0x0  }
0x2bd: {  	s9 =	simm.s32 @p3 $0x1  }
0x2be: {  	s25 =	simm.s32 @!p5 $0x5;
	[smem:$0x7F3] =	sst s9  }
0x2bf: {  	_ =	swait.ge @!p5 [sflag:s25], $0x4000  }
0x2c0: {  	s16 =	sld [smem:$0x7F0]  }
0x2c1: {  	s20 =	sld [smem:$0x7F1];
	_ =	sdelay $0x2  }
0x2c2: {  	s22 =	sld [smem:$0x7FA];
	p3 =	seq.s32 s16, $0x1;
	p4 =	seq.s32 s20, $0x1  }
0x2c3: {  	s1 =	simm.s32 @!p5 $0x5980;
	p5 =	por p3, p3;
	p3 =	por p4, p4  }
0x2c4: {  	s5 =	simm.s32 @!p3 $0x0  }
0x2c5: {  	s20 =	simm.s32 @!p3 $0xDB80;
	s5 =	simm.s32 @p3 $0x1;
	p3 =	seq.s32 s22, $0x1  }
0x2c6: {  	[sflag:s25] =	ssyncset.done @!p3 $0x0  }
0x2c7: {  	s9 =	simm.s32 @!p6 $0x6;
	[smem:$0x7F9] =	sst s5;
	[sflag:s25] =	ssyncadd.s32 @!p3 $0xFFFFC000  }
0x2c8: {  	[hbm4b:s6+s0] =	stream.indirect.scatter @!p3 [tilespmem:s30], [sflag:$0xB], $0x400, s1, s0, $0xb8;
	[tilespmem:$0x1DB80] =	vst v63  }
0x2c9: {  	_ =	swait.ge @!p6 [sflag:s9], $0x4000  }
0x2ca: {  	[sflag:s9] =	ssyncset.done @!p6 $0x0  }
0x2cb: {  	s7 =	simm.s32 @!p0 $0x7;
	s5 =	simm.s32 @!p6 $0x5A00;
	[sflag:s9] =	ssyncadd.s32 @!p6 $0xFFFFC000  }
0x2cc: {  	[hbm4b:s6+s3] =	stream.indirect.scatter @!p6 [tilespmem:s8], [sflag:$0xC], $0x400, s5, s3, $0xb8;
	[tilespmem:$0x1DB80] =	vst v63  }
0x2cd: {  	_ =	swait.ge @!p0 [sflag:s7], $0x4000  }
0x2ce: {  	[sflag:s7] =	ssyncset.done @!p0 $0x0  }
0x2cf: {  	s24 =	sadd.s32 $0x60, s24;
	[sflag:s7] =	ssyncadd.s32 @!p0 $0xFFFFC000  }
0x2d0: {  	v8 =	vld @!p2 [tilespmem:s24+$0xFFFFFFD0]  }
0x2d1: {  	p4 =	por p1, p1  }
0x2d2: {  	s0 =	simm.s32 @!p4 $0x0;
	s3 =	sadd.s32 $0x4, s23  }
0x2d3: {  	s0 =	simm.s32 @p4 $0x1;
	p1 =	sge.s32 s3, s17;
	s7 =	sld [smem:$0x7F2]  }
0x2d4: {  	s25 =	simm.s32 @!p2 $0x5B80;
	[smem:$0x7F5] =	sst s0;
	s0 =	simm.s32 @!p1 $0x0  }
0x2d5: {  	s1 =	simm.s32 @!p2 $0x5380;
	p0 =	seq.s32 @!p1 s23, $0x0;
	s0 =	simm.s32 @p1 $0x1;
	[tilespmem:$0x5380] =	vst @!p2 v8  }
0x2d6: {  	[smem:$0x7FA] =	sst s0;
	p1 =	por p0, p1;
	p0 =	seq.s32 s7, $0x1;
	[tilespmem:$0x5780] =	vst @!p2 v8  }
0x2d7: {  	[tilespmem:s25], [sflag:$0x1] =	stream.indirect.gather @!p2 [hbm4b:s4+s18], $0x400, s1, s18, $0xb8;
	[tilespmem:$0x1DB80] =	vst v63  }
0x2d8: {  	s5 =	sld [smem:$0x7F9];
	_ =	swait.ge @!p0 [sflag:s26], $0x4000  }
0x2d9: {  	[sflag:s26] =	ssyncset.done @!p0 $0x0  }
0x2da: {  	[sflag:s26] =	ssyncadd.s32 @!p0 $0xFFFFC000  }
0x2db: {  	v8 =	vld @!p5 [tilespmem:s24+$0xFFFFFFE0];
	_ =	sdelay $0x1  }
0x2dc: {  	s28 =	simm.s32 @!p5 $0x10  }
0x2dd: {  	p2 =	seq.s32 s5, $0x1;
	s5 =	simm.s32 @!p5 $0x0;
	s15 =	sld [smem:$0x7F4]  }
0x2de: {  	s8 =	sadd.s32 $0x5, s23;
	s1 =	simm.s32 @!p5 $0x5400;
	s5 =	simm.s32 @p5 $0x1  }
0x2df: {  	[smem:$0x7F8] =	sst s5;
	p0 =	sge.s32 s8, s17;
	s26 =	simm.s32 @!p5 $0x9B80;
	[tilespmem:$0x5400] =	vst @!p5 v8  }
0x2e0: {  	p6 =	por p0, p0;
	p3 =	seq.s32 @!p0 s23, $0x0;
	p0 =	seq.s32 s15, $0x1;
	[tilespmem:$0x5800] =	vst @!p5 v8  }
0x2e1: {  	[tilespmem:s26], [sflag:$0x2] =	stream.indirect.gather @!p5 [hbm4b:s4+s28], $0x400, s1, s28, $0xb8;
	[tilespmem:$0x1DB80] =	vst v63  }
0x2e2: {  	s9 =	sld [smem:$0x7F3];
	_ =	swait.ge @!p0 [sflag:s31], $0x4000  }
0x2e3: {  	[sflag:s31] =	ssyncset.done @!p0 $0x0  }
0x2e4: {  	[sflag:s31] =	ssyncadd.s32 @!p0 $0xFFFFC000  }
0x2e5: {  	v8 =	vld @!p2 [tilespmem:s24+$0xFFFFFFF0];
	_ =	sdelay $0x4  }
0x2e6: {  	s22 =	simm.s32 @!p4 $0x10;
	s30 =	simm.s32 @!p4 $0x5500;
	p4 =	seq.s32 s9, $0x1;
	[tilespmem:$0x5480] =	vst @!p2 v8  }
0x2e7: {  	s29 =	simm.s32 @!p2 $0x10;
	s3 =	simm.s32 @!p4 $0xA;
	s1 =	simm.s32 @!p2 $0x5480;
	[tilespmem:$0x5880] =	vst @!p2 v8  }
0x2e8: {  	[tilespmem:s20], [sflag:$0x3] =	stream.indirect.gather @!p2 [hbm4b:s4+s29], $0x400, s1, s29, $0xb8;
	[tilespmem:$0x1DB80] =	vst v63  }
0x2e9: {  	_ =	swait.ge @!p4 [sflag:s3], $0x4000  }
0x2ea: {  	s16 =	sld [smem:$0x7F5]  }
0x2eb: {  	s31 =	sld [smem:$0x7F6]  }
0x2ec: {  	[sflag:s3] =	ssyncset.done @!p4 $0x0  }
0x2ed: {  	[sflag:s3] =	ssyncadd.s32 @!p4 $0xFFFFC000;
	p0 =	seq.s32 s16, $0x1  }
0x2ee: {  	p4 =	por p0, p0;
	v8 =	vld @!p0 [tilespmem:s24+$0x0];
	p0 =	seq.s32 s31, $0x1  }
.Ltmp11:
0x2ef: {  	_ = 	snop;
	(pc) =	sbr.rel @p0 .LBB2_17-.Ltmp11, $2  }
0x2f0: {  	_ =	sdelay $0x2  }
0x2f1: {  	s19 =	smov.u32 s24;
	s0 =	simm.s32 @!p1 $0xB;
	p2 =	por p3, p3  }
.LBB2_18:
0x2f2: {  	[tilespmem:$0x5500] =	vst @!p4 v8  }
0x2f3: {  	[tilespmem:$0x5900] =	vst @!p4 v8;
	s1 =	simm.s32 @!p4 $0x11B80  }
0x2f4: {  	[tilespmem:s1], [sflag:$0x4] =	stream.indirect.gather @!p4 [hbm4b:s4+s22], $0x400, s30, s22, $0xb8;
	[tilespmem:$0x1DB80] =	vst v63  }
0x2f5: {  	_ =	swait.ge @!p1 [sflag:s0], $0x4000  }
0x2f6: {  	s24 =	sld [smem:$0x7FA];
	_ =	sdelay $0x1  }
0x2f7: {  	[sflag:s0] =	ssyncset.done @!p1 $0x0  }
0x2f8: {  	[sflag:s0] =	ssyncadd.s32 @!p1 $0xFFFFC000;
	p1 =	seq.s32 s24, $0x1  }
0x2f9: {  	v8 =	vld @!p1 [tilespmem:s19+$0x10];
	_ =	sdelay $0x3  }
0x2fa: {  	p0 =	por p2, p6  }
0x2fb: {  	s0 =	simm.s32 @!p0 $0xC;
	[tilespmem:$0x5580] =	vst @!p1 v8  }
0x2fc: {  	s3 =	simm.s32 @!p1 $0x10;
	s5 =	simm.s32 @!p1 $0x5580;
	s7 =	simm.s32 @!p1 $0x15B80;
	[tilespmem:$0x5980] =	vst @!p1 v8  }
0x2fd: {  	[tilespmem:s7], [sflag:$0x5] =	stream.indirect.gather @!p1 [hbm4b:s4+s3], $0x400, s5, s3, $0xb8;
	[tilespmem:$0x1DB80] =	vst v63  }
0x2fe: {  	_ =	swait.ge @!p0 [sflag:s0], $0x4000  }
0x2ff: {  	[sflag:s0] =	ssyncset.done @!p0 $0x0  }
0x300: {  	[sflag:s0] =	ssyncadd.s32 @!p0 $0xFFFFC000  }
0x301: {  	v8 =	vld @!p6 [tilespmem:s19+$0x20];
	_ =	sdelay $0x1  }
0x302: {  	s9 =	sld [smem:$0x7F7];
	_ =	sdelay $0x2  }
0x303: {  	s8 =	simm.s32 @!p6 $0x19B80;
	p0 =	seq.s32 s9, $0x1;
	[tilespmem:$0x5600] =	vst @!p6 v8  }
0x304: {  	s5 =	simm.s32 @!p6 $0x5600;
	s0 =	simm.s32 @!p6 $0x10;
	s9 =	simm.s32 @!p0 $0x1;
	[tilespmem:$0x5A00] =	vst @!p6 v8  }
0x305: {  	[tilespmem:s8], [sflag:$0x6] =	stream.indirect.gather @!p6 [hbm4b:s4+s0], $0x400, s5, s0, $0xb8;
	[tilespmem:$0x1DB80] =	vst v63  }
0x306: {  	_ =	swait.ge @!p0 [sflag:s9], $0x4000  }
0x307: {  	[sflag:s9] =	ssyncset.done @!p0 $0x0;
	s30 =	sld [smem:$0x7F8]  }
0x308: {  	s5 =	simm.s32 @!p0 $0x5780;
	[sflag:s9] =	ssyncadd.s32 @!p0 $0xFFFFC000  }
0x309: {  	[hbm4b:s6+s18] =	stream.indirect.scatter @!p0 [tilespmem:s25], [sflag:$0x7], $0x400, s5, s18, $0xb8;
	[tilespmem:$0x1DB80] =	vst v63  }
0x30a: {  	p3 =	seq.s32 s30, $0x1  }
0x30b: {  	s5 =	simm.s32 @!p3 $0x2  }
0x30c: {  	_ =	swait.ge @!p3 [sflag:s5], $0x4000  }
0x30d: {  	[sflag:s5] =	ssyncset.done @!p3 $0x0;
	s31 =	sld [smem:$0x7F9]  }
0x30e: {  	s9 =	simm.s32 @!p3 $0x5800;
	[sflag:s5] =	ssyncadd.s32 @!p3 $0xFFFFC000  }
0x30f: {  	[hbm4b:s6+s28] =	stream.indirect.scatter @!p3 [tilespmem:s26], [sflag:$0x8], $0x400, s9, s28, $0xb8;
	[tilespmem:$0x1DB80] =	vst v63  }
0x310: {  	p0 =	seq.s32 s31, $0x1  }
0x311: {  	s5 =	simm.s32 @!p0 $0x3  }
0x312: {  	_ =	swait.ge @!p0 [sflag:s5], $0x4000  }
0x313: {  	[sflag:s5] =	ssyncset.done @!p0 $0x0  }
0x314: {  	s9 =	simm.s32 @!p0 $0x5880;
	[sflag:s5] =	ssyncadd.s32 @!p0 $0xFFFFC000;
	s5 =	simm.s32 @!p4 $0x4  }
0x315: {  	[hbm4b:s6+s29] =	stream.indirect.scatter @!p0 [tilespmem:s20], [sflag:$0x9], $0x400, s9, s29, $0xb8;
	[tilespmem:$0x1DB80] =	vst v63  }
0x316: {  	_ =	swait.ge @!p4 [sflag:s5], $0x4000  }
0x317: {  	[sflag:s5] =	ssyncset.done @!p4 $0x0  }
0x318: {  	s9 =	simm.s32 @!p4 $0x5900;
	[sflag:s5] =	ssyncadd.s32 @!p4 $0xFFFFC000  }
0x319: {  	[hbm4b:s6+s22] =	stream.indirect.scatter @!p4 [tilespmem:s1], [sflag:$0xA], $0x400, s9, s22, $0xb8;
	[tilespmem:$0x1DB80] =	vst v63  }
0x31a: {  	s1 =	simm.s32 @!p1 $0x5  }
0x31b: {  	_ =	swait.ge @!p1 [sflag:s1], $0x4000  }
0x31c: {  	[sflag:s1] =	ssyncset.done @!p1 $0x0  }
0x31d: {  	s5 =	simm.s32 @!p1 $0x5980;
	[sflag:s1] =	ssyncadd.s32 @!p1 $0xFFFFC000;
	s1 =	simm.s32 @!p6 $0x6  }
0x31e: {  	[hbm4b:s6+s3] =	stream.indirect.scatter @!p1 [tilespmem:s7], [sflag:$0xB], $0x400, s5, s3, $0xb8;
	[tilespmem:$0x1DB80] =	vst v63  }
0x31f: {  	_ =	swait.ge @!p6 [sflag:s1], $0x4000  }
0x320: {  	[sflag:s1] =	ssyncset.done @!p6 $0x0  }
0x321: {  	s16 =	simm.s32 $0x7;
	s3 =	simm.s32 @!p6 $0x5A00;
	[sflag:s1] =	ssyncadd.s32 @!p6 $0xFFFFC000  }
0x322: {  	[hbm4b:s6+s0] =	stream.indirect.scatter @!p6 [tilespmem:s8], [sflag:$0xC], $0x400, s3, s0, $0xb8;
	[tilespmem:$0x1DB80] =	vst v63  }
.LBB2_19:
0x323: {  	p0 =	slt.s32 s17, $0x1  }
.Ltmp12:
0x324: {  	_ = 	snop;
	(pc) =	sbr.rel @p0 .LBB2_21-.Ltmp12, $2  }
0x325: {  	_ =	sdelay $0x2  }
0x326: {  	s1 =	rddreg [dreg:$0x7]  }
0x327: {  	p0 =	seq.s32 s17, $0x1  }
0x328: {  	p1 =	slt.u32 @!p0 s17, $0x3  }
0x329: {  	p2 =	por p1, p0  }
0x32a: {  	_ =	swait.ge [sflag:s16], $0x4000;
	p3 =	seq.s32 @!p2 s17, $0x3  }
0x32b: {  	[sflag:s16] =	ssyncset.done $0x0;
	s3 =	simm.s32 @!p3 $0x0;
	p4 =	por @!p0 p3, p1  }
0x32c: {  	s0 =	simm.s32 @!p0 $0x8;
	s3 =	simm.s32 @p3 $0x1;
	p4 =	por p4, p0  }
0x32d: {  	[sflag:s16] =	ssyncadd.s32 $0xFFFFC000;
	[smem:$0x7EC] =	sst s3;
	p5 =	slt.u32 @!p4 s17, $0x5  }
0x32e: {  	_ =	swait.ge @!p0 [sflag:s0], $0x4000;
	s3 =	simm.s32 @!p5 $0x0  }
0x32f: {  	[sflag:s0] =	ssyncset.done @!p0 $0x0;
	s3 =	simm.s32 @p5 $0x1  }
0x330: {  	[sflag:s0] =	ssyncadd.s32 @!p0 $0xFFFFC000;
	s0 =	simm.s32 @!p2 $0x9;
	[smem:$0x7EB] =	sst s3  }
0x331: {  	_ =	swait.ge @!p2 [sflag:s0], $0x4000  }
0x332: {  	[sflag:s0] =	ssyncset.done @!p2 $0x0  }
0x333: {  	[sflag:s0] =	ssyncadd.s32 @!p2 $0xFFFFC000;
	s0 =	simm.s32 @!p4 $0xA  }
0x334: {  	_ =	swait.ge @!p4 [sflag:s0], $0x4000  }
0x335: {  	p6 =	por @!p2 p5, p3;
	s30 =	sld [smem:$0x7EB]  }
0x336: {  	p6 =	por @!p0 p6, p1;
	s31 =	sld [smem:$0x7EC]  }
0x337: {  	p6 =	por p6, p0  }
0x338: {  	p5 =	seq.s32 @!p6 s17, $0x5;
	p3 =	seq.s32 s30, $0x1  }
0x339: {  	[sflag:s0] =	ssyncset.done @!p4 $0x0;
	p5 =	por @!p4 p5, p3;
	p3 =	seq.s32 s31, $0x1  }
0x33a: {  	[sflag:s0] =	ssyncadd.s32 @!p4 $0xFFFFC000;
	s0 =	simm.s32 @!p6 $0xB;
	p2 =	por @!p2 p5, p3  }
0x33b: {  	_ =	swait.ge @!p6 [sflag:s0], $0x4000;
	p1 =	por @!p0 p2, p1  }
.Ltmp13:
0x33c: {  	[sflag:s0] =	ssyncset.done @!p6 $0x0;
	p0 =	por p1, p0;
	(pc) =	sbr.rel .LBB2_21-.Ltmp13, $4  }
0x33d: {  	[sflag:s0] =	ssyncadd.s32 @!p6 $0xFFFFC000;
	s0 =	simm.s32 @!p0 $0xC  }
0x33e: {  	_ =	swait.ge @!p0 [sflag:s0], $0x4000  }
0x33f: {  	[sflag:s0] =	ssyncset.done @!p0 $0x0  }
0x340: {  	[sflag:s0] =	ssyncadd.s32 @!p0 $0xFFFFC000  }
.LBB2_7:
.Ltmp14:
0x341: {  	(pc) =	sbr.rel .LBB2_12-.Ltmp14, $2  }
0x342: {  	_ =	sdelay $0x2  }
0x343: {  	_ = 	snop  }
.LBB2_9:
.Ltmp15:
0x344: {  	(pc) =	sbr.rel .LBB2_12-.Ltmp15, $2  }
0x345: {  	_ =	sdelay $0x2  }
0x346: {  	p0 =	por $0x1, $0x1  }
.LBB2_22:
0x347: {  	_ =	sfence.sel $0x180000  }
0x348: {  	[bflag:$0x0] =	sbarrier.arrive $0xFFFF  }
0x349: {  	_ =	strace $0x90000047  }
0x34a: {  	s0 =	stileid.u32;
	[bflag:$0x2] =	sbarrier.arrive $0xFFFF  }
0x34b: {  	p0 =	sne.s32 s0, $0x0;
	s0 =	rddreg [dreg:$0x4]  }
0x34c: {  	s0 =	sadd.s32 @!p0 $0x100000, s0  }
0x34d: {  	[sflag:s0] =	ssyncadd.tile.s32 @!p0 $0x1;
	_ =	shalt  }
.Lfunc_end2:
_tile_overlayer_lowered:
.L_overlay_start_2:
0x34e: {  	(tag) =	ssettag $0x2  }
0x34f: {  	s0 =	rddreg [dreg:$0x0];
	s2 =	stileid.u32  }
0x350: {  	s1 =	rddreg [dreg:$0x1];
	p0 =	sne.s32 s2, $0x0  }
0x351: {  	s3 =	rddreg [dreg:$0x2];
	[bflag:$0x3] =	sbarrier.arrive $0xFFFF;
	s2 =	simm.s32 @!p0 $0x1C0D  }
0x352: {  	[timem:s3], [sflag:s2] =	dma.local @!p0 [hbm:s0], s1  }
0x353: {  	s0 =	simm.s32 @!p0 $0xD  }
0x354: {  	_ =	swait.ge @!p0 [sflag:s0], s1  }
0x355: {  	s1 =	ssub.s32 @!p0 $0x0, s1;
	[sflag:s0] =	ssyncset.done @!p0 $0x0  }
0x356: {  	[sflag:s0] =	ssyncadd.s32 @!p0 s1  }
0x357: {  	[bflag:$0x3] =	sbarrier.arrive $0xFFFF  }
0x358: {  	_ =	shalt  }

</sc_bundles>
